<compile_context>
chip_gen: v7x
topology: tpu7x:2x2x1
jax: 0.10.2.dev20260603
libtpu: 0.0.44.dev20260713+nightly
codegen_flags: <defaults>
</compile_context>

<pallas_src>
import functools

import jax
import jax.numpy as jnp
from jax import lax
from jax.experimental import pallas as pl
from jax.experimental.pallas import tpu as pltpu
from jax.experimental.pallas import tpu_sc as plsc

N = 10000
E = 320000
D_IN = 128
HID = 256
NCLS = 64

NC = 2
NS = 16
K = 125
NP = 10240
RPT = NP // NS
KZ = 128
ZC = RPT // KZ
GI = 8
DW = 128

_MESH = plsc.VectorSubcoreMesh(core_axis_name="c", subcore_axis_name="s")



def _deg_body(idx_hbm, zeros_hbm, ones_hbm, out_hbm, idxv, buf, acc, sem):
    ci = lax.axis_index("c")
    si = lax.axis_index("s")
    pltpu.sync_copy(zeros_hbm, buf)

    @pl.loop(0, ZC)
    def _zero(i):
        pltpu.sync_copy(buf, acc.at[pl.ds(si * RPT + i * KZ, KZ)])

    pltpu.sync_copy(ones_hbm, buf)
    idx_t = idx_hbm.at[ci].at[si]
    ones_k = buf.at[pl.ds(0, K)]
    plsc.subcore_barrier()

    @pl.loop(0, E // NS // K // GI)
    def _group(g):
        off = (g % 2) * GI
        pltpu.sync_copy(idx_t.at[pl.ds(g * GI, GI)], idxv.at[pl.ds(off, GI)])

        @pl.when(g > 0)
        def _drain():
            for _ in range(GI):
                pltpu.make_async_copy(ones_k, acc.at[idxv.at[0]], sem).wait()

        for b in range(GI):
            pltpu.make_async_copy(ones_k, acc.at[idxv.at[off + b]],
                                  sem).start(add=True)

    for _ in range(GI):
        pltpu.make_async_copy(ones_k, acc.at[idxv.at[0]], sem).wait()
    plsc.subcore_barrier()
    pltpu.sync_copy(acc.at[pl.ds(si * RPT, RPT)],
                    out_hbm.at[ci].at[pl.ds(si * RPT, RPT)])


_deg_call = pl.kernel(
    _deg_body,
    out_type=jax.ShapeDtypeStruct((NC, NP, DW), jnp.float32),
    mesh=_MESH,
    scratch_types=[
        pltpu.VMEM((2 * GI, K), jnp.int32),
        pltpu.VMEM((KZ, DW), jnp.float32),
        pltpu.VMEM_SHARED((NP, DW), jnp.float32),
        pltpu.SemaphoreType.DMA,
    ],
)


def _agg_body(nchunks, edge_split, h_hbm, src_hbm, dst_hbm, zeros_hbm, out_hbm,
              srcv, dstv, rows0, rows1, acc, sg0, sg1, ss0, ss1, semi):
    ci = lax.axis_index("c")
    si = lax.axis_index("s")
    pltpu.sync_copy(zeros_hbm, rows0)

    @pl.loop(0, ZC)
    def _zero(i):
        pltpu.sync_copy(rows0, acc.at[pl.ds(si * RPT + i * KZ, KZ)])

    wid = ci * NS + si if edge_split else si
    src_w = src_hbm.at[wid]
    dst_w = dst_hbm.at[wid]
    hsel = h_hbm if edge_split else h_hbm.at[ci]
    plsc.subcore_barrier()

    bufs = (rows0.at[pl.ds(0, K)], rows1.at[pl.ds(0, K)])
    sgs = (sg0, sg1)
    sss = (ss0, ss1)

    def _gwait(b):
        pltpu.make_async_copy(hsel.at[srcv.at[0]], bufs[b % 2], sgs[b % 2]).wait()

    def _swait(b):
        pltpu.make_async_copy(bufs[b % 2], acc.at[dstv.at[0]], sss[b % 2]).wait()

    ngroups = nchunks // GI
    pltpu.sync_copy(src_w.at[pl.ds(0, GI)], srcv.at[pl.ds(0, GI)])
    pltpu.sync_copy(dst_w.at[pl.ds(0, GI)], dstv.at[pl.ds(0, GI)])

    pltpu.async_copy(hsel.at[srcv.at[0]], bufs[0], sgs[0])

    @pl.loop(0, ngroups)
    def _group(g):
        soff = lax.rem(g, 2) * GI
        doff = lax.rem(g, 3) * GI
        sv = srcv.at[pl.ds(soff, GI)]

        @pl.when(g + 1 < ngroups)
        def _prefetch():
            nso = lax.rem(g + 1, 2) * GI
            ndo = lax.rem(g + 1, 3) * GI
            pltpu.async_copy(src_w.at[pl.ds((g + 1) * GI, GI)],
                             srcv.at[pl.ds(nso, GI)], semi)
            pltpu.async_copy(dst_w.at[pl.ds((g + 1) * GI, GI)],
                             dstv.at[pl.ds(ndo, GI)], semi)

        for b in range(GI):
            cur = b % 2
            nxt = 1 - cur
            if b + 1 < GI:
                if b == 0:
                    @pl.when(g > 0)
                    def _free1():
                        _swait(1)
                else:
                    _swait(b - 1)
                pltpu.async_copy(hsel.at[sv.at[b + 1]], bufs[nxt], sgs[nxt])
            _gwait(b)
            pltpu.make_async_copy(bufs[cur], acc.at[dstv.at[doff + b]],
                                  sss[cur]).start(add=True)

        @pl.when(g + 1 < ngroups)
        def _head_next():
            nso = lax.rem(g + 1, 2) * GI
            ndo = lax.rem(g + 1, 3) * GI
            pltpu.make_async_copy(src_w.at[pl.ds((g + 1) * GI, GI)],
                                  srcv.at[pl.ds(nso, GI)], semi).wait()
            pltpu.make_async_copy(dst_w.at[pl.ds((g + 1) * GI, GI)],
                                  dstv.at[pl.ds(ndo, GI)], semi).wait()
            _swait(0)
            pltpu.async_copy(hsel.at[srcv.at[nso]], bufs[0], sgs[0])

    _swait(0)
    _swait(1)
    plsc.subcore_barrier()
    pltpu.sync_copy(acc.at[pl.ds(si * RPT, RPT)],
                    out_hbm.at[ci].at[pl.ds(si * RPT, RPT)])


def _make_agg(c, edge_split):
    nchunks = E // (NC * NS if edge_split else NS) // K
    return pl.kernel(
        functools.partial(_agg_body, nchunks, edge_split),
        out_type=jax.ShapeDtypeStruct((NC, NP, c), jnp.float32),
        mesh=_MESH,
        scratch_types=[
            pltpu.VMEM((2 * GI, K), jnp.int32),
            pltpu.VMEM((3 * GI, K), jnp.int32),
            pltpu.VMEM((KZ, c), jnp.float32),
            pltpu.VMEM((KZ, c), jnp.float32),
            pltpu.VMEM_SHARED((NP, c), jnp.float32),
            pltpu.SemaphoreType.DMA,
            pltpu.SemaphoreType.DMA,
            pltpu.SemaphoreType.DMA,
            pltpu.SemaphoreType.DMA,
            pltpu.SemaphoreType.DMA,
        ],
    )


_agg_e128 = _make_agg(D_IN, True)
_agg_c128 = _make_agg(HID // 2, False)



BM = 2000
GRID = N // BM


def _nrm(deg):
    return lax.rsqrt(jnp.maximum(deg, 1.0))


def _tc_pre_body(x_ref, deg_ref, o_ref):
    o_ref[...] = x_ref[...] * _nrm(deg_ref[0, :, :1])


def _tc_mm0_body(p_ref, degs_ref, degd_ref, w_ref, b_ref, o_ref):
    agg = p_ref[0] + p_ref[1]
    h = jnp.dot(agg, w_ref[...], preferred_element_type=jnp.float32)
    h = h * _nrm(degd_ref[0, :, :1]) + b_ref[...]
    h = jnp.maximum(h, 0.0) * _nrm(degs_ref[0, :, :1])
    o_ref[0] = h[:, :HID // 2]
    o_ref[1] = h[:, HID // 2:]


def _tc_mm1_body(a_ref, degs_ref, degd_ref, w1_ref, b1_ref, w2_ref, o_ref):
    agg = jnp.concatenate([a_ref[0], a_ref[1]], axis=-1)
    h = jnp.dot(agg, w1_ref[...], preferred_element_type=jnp.float32)
    h = h * _nrm(degd_ref[0, :, :1]) + b1_ref[...]
    h = jnp.maximum(h, 0.0) * _nrm(degs_ref[0, :, :1])
    m2 = jnp.dot(h, w2_ref[...], preferred_element_type=jnp.float32)
    o_ref[...] = jnp.concatenate(
        [m2, jnp.zeros((BM, D_IN - NCLS), jnp.float32)], axis=-1)


def _tc_post_body(a_ref, degd_ref, b_ref, o_ref):
    agg = a_ref[0, :, :NCLS] + a_ref[1, :, :NCLS]
    o_ref[...] = agg * _nrm(degd_ref[0, :, :1]) + b_ref[...]


def _row_spec(w):
    return pl.BlockSpec((BM, w), lambda i: (i, 0))


def _deg_spec(plane):
    return pl.BlockSpec((1, BM, DW), lambda i, _p=plane: (_p, i, 0))


def _half_spec(w):
    return pl.BlockSpec((NC, BM, w), lambda i: (0, i, 0))


def _full_spec(shape):
    nd = len(shape)
    return pl.BlockSpec(shape, lambda i, _n=nd: (0,) * _n)


_tc_pre = pl.pallas_call(
    _tc_pre_body,
    grid=(GRID,),
    in_specs=[_row_spec(D_IN), _deg_spec(0)],
    out_specs=_row_spec(D_IN),
    out_shape=jax.ShapeDtypeStruct((N, D_IN), jnp.float32),
)

_tc_mm0 = pl.pallas_call(
    _tc_mm0_body,
    grid=(GRID,),
    in_specs=[_half_spec(D_IN), _deg_spec(0), _deg_spec(1),
              _full_spec((D_IN, HID)), _full_spec((1, HID))],
    out_specs=_half_spec(HID // 2),
    out_shape=jax.ShapeDtypeStruct((NC, N, HID // 2), jnp.float32),
)

_tc_mm1 = pl.pallas_call(
    _tc_mm1_body,
    grid=(GRID,),
    in_specs=[_half_spec(HID // 2), _deg_spec(0), _deg_spec(1),
              _full_spec((HID, HID)), _full_spec((1, HID)),
              _full_spec((HID, NCLS))],
    out_specs=_row_spec(D_IN),
    out_shape=jax.ShapeDtypeStruct((N, D_IN), jnp.float32),
)

_tc_post = pl.pallas_call(
    _tc_post_body,
    grid=(GRID,),
    in_specs=[_half_spec(D_IN), _deg_spec(1), _full_spec((1, NCLS))],
    out_specs=_row_spec(NCLS),
    out_shape=jax.ShapeDtypeStruct((N, NCLS), jnp.float32),
)



def kernel(inputs, edge_index, W0, b0, W1, b1, W2, b2):
    src = edge_index[0]
    dst = edge_index[1]
    idx_r = edge_index.reshape(2, NS, E // NS // K, K)
    src32 = src.reshape(NC * NS, E // (NC * NS) // K, K)
    dst32 = dst.reshape(NC * NS, E // (NC * NS) // K, K)
    src16 = src.reshape(NS, E // NS // K, K)
    dst16 = dst.reshape(NS, E // NS // K, K)

    zeros_128 = jnp.zeros((KZ, D_IN), jnp.float32)
    ones_128 = jnp.ones((KZ, DW), jnp.float32)

    deg = _deg_call(idx_r, zeros_128, ones_128)

    xs = _tc_pre(inputs, deg)
    p0 = _agg_e128(xs, src32, dst32, zeros_128)
    h2 = _tc_mm0(p0, deg, deg, W0, b0.reshape(1, HID))
    a1 = _agg_c128(h2, src16, dst16, zeros_128)
    m2 = _tc_mm1(a1, deg, deg, W1, b1.reshape(1, HID), W2)
    p2 = _agg_e128(m2, src32, dst32, zeros_128)
    out = _tc_post(p2, deg, b2.reshape(1, NCLS))
    return out

# --- scband reference (transcript-rebuilt; emitter-appended) ---
"""Pipeline reference for scband-gcn-84353157693854 (READ-ONLY COPY).

The authoritative reference and input builder live on the scoring server;
editing this copy changes nothing except your own understanding.
"""

import jax, jax.numpy as jnp
import numpy as np

N = 10000
E = 320000
D_IN = 128
HID = 256
NCLS = 64


def setup_inputs(seed: int = 0) -> dict:
    key = jax.random.key(seed)
    ks = jax.random.split(key, 10)
    inputs = jax.random.normal(ks[0], (N, D_IN), dtype=jnp.float32)
    edge_index = jax.random.randint(ks[1], (2, E), 0, N, dtype=jnp.int32)
    # Glorot-style init for GraphConv weights
    W0 = jax.random.normal(ks[2], (D_IN, HID), dtype=jnp.float32) * (1.0 / np.sqrt(D_IN))
    b0 = jnp.zeros((HID,), dtype=jnp.float32)
    W1 = jax.random.normal(ks[3], (HID, HID), dtype=jnp.float32) * (1.0 / np.sqrt(HID))
    b1 = jnp.zeros((HID,), dtype=jnp.float32)
    W2 = jax.random.normal(ks[4], (HID, NCLS), dtype=jnp.float32) * (1.0 / np.sqrt(HID))
    b2 = jnp.zeros((NCLS,), dtype=jnp.float32)
    return {"inputs": inputs, "edge_index": edge_index,
            "W0": W0, "b0": b0, "W1": W1, "b1": b1, "W2": W2, "b2": b2}


def _graph_conv(h, src, dst, norm_src, norm_dst, W, b, act):
    # DGL GraphConv with norm='both': D_out^{-1/2} A D_in^{-1/2} (h W) + b
    h = h * norm_src[:, None]
    h = h @ W
    m = jnp.take(h, src, axis=0)           # gather per-edge messages
    agg = jax.ops.segment_sum(m, dst, num_segments=N)  # scatter-add to dst
    agg = agg * norm_dst[:, None]
    agg = agg + b
    if act is not None:
        agg = act(agg)
    return agg


def reference(inputs, edge_index, W0, b0, W1, b1, W2, b2):
    src = edge_index[0]
    dst = edge_index[1]
    ones = jnp.ones((E,), dtype=jnp.float32)
    out_deg = jax.ops.segment_sum(ones, src, num_segments=N)
    in_deg = jax.ops.segment_sum(ones, dst, num_segments=N)
    norm_src = jax.lax.rsqrt(jnp.clip(out_deg, 1.0, None))
    norm_dst = jax.lax.rsqrt(jnp.clip(in_deg, 1.0, None))
    h = inputs
    h = _graph_conv(h, src, dst, norm_src, norm_dst, W0, b0, jax.nn.relu)
    # dropout is identity in eval / p handled deterministically
    h = _graph_conv(h, src, dst, norm_src, norm_dst, W1, b1, jax.nn.relu)
    h = _graph_conv(h, src, dst, norm_src, norm_dst, W2, b2, None)
    return h

if __name__ == "__main__":
    import jax
    _d = setup_inputs()
    print(jax.jit(kernel)(*tuple(_d.values())))

</pallas_src>

<mosaic_0001>
#map = affine_map<(d0, d1) -> (0, 0, 0, 0)>
#map1 = affine_map<(d0, d1) -> (0, 0)>
#map2 = affine_map<(d0, d1) -> (0, 0, 0)>
module attributes {stable_mosaic.version = 14 : i64} {
  func.func @_deg_body(%arg0: i32, %arg1: i32, %arg2: memref<2x16x160x125xi32, #tpu.memory_space<hbm>>, %arg3: memref<128x128xf32, #tpu.memory_space<hbm>>, %arg4: memref<128x128xf32, #tpu.memory_space<hbm>>, %arg5: memref<2x10240x128xf32, #tpu.memory_space<hbm>>, %arg6: memref<16x125xi32, #tpu.memory_space<vmem>>, %arg7: memref<128x128xf32, #tpu.memory_space<vmem>>, %arg8: memref<10240x128xf32, #tpu.memory_space<vmem_shared>>, %arg9: memref<!tpu.dma_semaphore, #tpu.memory_space<semaphore_mem>>) attributes {dimension_semantics = [#tpu.dimension_semantics<core_parallel>, #tpu.dimension_semantics<subcore_parallel>], iteration_bounds = array<i64: 2, 16>, scalar_prefetch = 0 : i64, scratch_operands = 4 : i64, tpu.core_type = #tpu.core_type<sc_vector_subcore>, window_params = [{transform_indices = #map}, {transform_indices = #map1}, {transform_indices = #map1}, {transform_indices = #map2}]} {
    "tpu.region"() ({
      %run_scoped3A = tpu.sem_alloc : memref<!tpu.dma_semaphore, #tpu.memory_space<semaphore_mem>>
      tpu.enqueue_dma source(%arg3 : memref<128x128xf32, #tpu.memory_space<hbm>>) target(%arg7 : memref<128x128xf32, #tpu.memory_space<vmem>>) target_semaphore(%run_scoped3A : memref<!tpu.dma_semaphore, #tpu.memory_space<semaphore_mem>>)
      tpu.wait_dma2 semaphore(%run_scoped3A : memref<!tpu.dma_semaphore, #tpu.memory_space<semaphore_mem>>) src(%arg3 : memref<128x128xf32, #tpu.memory_space<hbm>>) dst(%arg7 : memref<128x128xf32, #tpu.memory_space<vmem>>)
      tpu.yield
    }) : () -> ()
    %scan3A = arith.constant 0 : i32
    %scan3A_0 = arith.constant 5 : i32
    %scan3A_1 = arith.addi %scan3A, %scan3A_0 : i32
    %scan3A_2 = arith.constant 1 : i32
    scf.for %scan3A_92 = %scan3A to %scan3A_1 step %scan3A_2  : i32 {
      %mul3A_93 = arith.constant 1 : i32
      %mul3A_94 = arith.muli %scan3A_92, %mul3A_93 : i32
      %add3A = arith.constant 0 : i32
      %add3A_95 = arith.addi %add3A, %mul3A_94 : i32
      %mul3A_96 = arith.constant 640 : i32
      %mul3A_97 = arith.muli %arg1, %mul3A_96 : i32
      %mul3A_98 = arith.constant 128 : i32
      %mul3A_99 = arith.muli %add3A_95, %mul3A_98 : i32
      %add3A_100 = arith.addi %mul3A_97, %mul3A_99 : i32
      "tpu.region"() ({
        %run_scoped3A = tpu.sem_alloc : memref<!tpu.dma_semaphore, #tpu.memory_space<semaphore_mem>>
        %dma_start3A = arith.constant 0 : i32
        %dma_start3A_101 = tpu.memref_slice %arg8[%add3A_100, %dma_start3A] : memref<10240x128xf32, #tpu.memory_space<vmem_shared>> -> memref<128x128xf32, #tpu.memory_space<vmem_shared>>
        %dma_start3A_102 = arith.constant 0 : i32
        %dma_start3A_103 = tpu.memref_slice %arg8[%add3A_100, %dma_start3A_102] : memref<10240x128xf32, #tpu.memory_space<vmem_shared>> -> memref<128x128xf32, #tpu.memory_space<vmem_shared>>
        tpu.enqueue_dma source(%arg7 : memref<128x128xf32, #tpu.memory_space<vmem>>) target(%dma_start3A_103 : memref<128x128xf32, #tpu.memory_space<vmem_shared>>) target_semaphore(%run_scoped3A : memref<!tpu.dma_semaphore, #tpu.memory_space<semaphore_mem>>)
        %dma_wait3A_104 = arith.constant 0 : i32
        %dma_wait3A_105 = tpu.memref_slice %arg8[%add3A_100, %dma_wait3A_104] : memref<10240x128xf32, #tpu.memory_space<vmem_shared>> -> memref<128x128xf32, #tpu.memory_space<vmem_shared>>
        %dma_wait3A_106 = arith.constant 0 : i32
        %dma_wait3A_107 = tpu.memref_slice %arg8[%add3A_100, %dma_wait3A_106] : memref<10240x128xf32, #tpu.memory_space<vmem_shared>> -> memref<128x128xf32, #tpu.memory_space<vmem_shared>>
        tpu.wait_dma2 semaphore(%run_scoped3A : memref<!tpu.dma_semaphore, #tpu.memory_space<semaphore_mem>>) src(%arg7 : memref<128x128xf32, #tpu.memory_space<vmem>>) dst(%dma_wait3A_107 : memref<128x128xf32, #tpu.memory_space<vmem_shared>>)
        tpu.yield
      }) : () -> ()
    }
    %scan3A_3 = arith.constant 5 : i32
    "tpu.region"() ({
      %run_scoped3A = tpu.sem_alloc : memref<!tpu.dma_semaphore, #tpu.memory_space<semaphore_mem>>
      tpu.enqueue_dma source(%arg4 : memref<128x128xf32, #tpu.memory_space<hbm>>) target(%arg7 : memref<128x128xf32, #tpu.memory_space<vmem>>) target_semaphore(%run_scoped3A : memref<!tpu.dma_semaphore, #tpu.memory_space<semaphore_mem>>)
      tpu.wait_dma2 semaphore(%run_scoped3A : memref<!tpu.dma_semaphore, #tpu.memory_space<semaphore_mem>>) src(%arg4 : memref<128x128xf32, #tpu.memory_space<hbm>>) dst(%arg7 : memref<128x128xf32, #tpu.memory_space<vmem>>)
      tpu.yield
    }) : () -> ()
    %barrier3A = arith.constant 0 : index
    tpu.barrier barrier_id(%barrier3A)
    %scan3A_4 = arith.constant 0 : i32
    %scan3A_5 = arith.constant 20 : i32
    %scan3A_6 = arith.addi %scan3A_4, %scan3A_5 : i32
    %scan3A_7 = arith.constant 1 : i32
    scf.for %scan3A_92 = %scan3A_4 to %scan3A_6 step %scan3A_7  : i32 {
      %mul3A_93 = arith.constant 1 : i32
      %mul3A_94 = arith.muli %scan3A_92, %mul3A_93 : i32
      %add3A = arith.constant 0 : i32
      %add3A_95 = arith.addi %add3A, %mul3A_94 : i32
      %jit3A = arith.constant 2 : i32
      %eq3A = arith.constant 0 : i32
      %eq3A_96 = arith.cmpi eq, %jit3A, %eq3A : i32
      %jit3A_97 = arith.constant 1 : i32
      %select_n3A = arith.select %eq3A_96, %jit3A_97, %jit3A : i32
      %rem3A = arith.remsi %add3A_95, %select_n3A : i32
      %ne3A = arith.constant 0 : i32
      %ne3A_98 = arith.cmpi ne, %rem3A, %ne3A : i32
      %lt3A = arith.constant 0 : i32
      %lt3A_99 = arith.cmpi slt, %rem3A, %lt3A : i32
      %lt3A_100 = arith.constant 0 : i32
      %lt3A_101 = arith.cmpi slt, %select_n3A, %lt3A_100 : i32
      %ne3A_102 = arith.xori %lt3A_99, %lt3A_101 : i1
      %and3A = arith.andi %ne3A_102, %ne3A_98 : i1
      %add3A_103 = arith.addi %rem3A, %select_n3A : i32
      %select_n3A_104 = arith.select %and3A, %add3A_103, %rem3A : i32
      %mul3A_105 = arith.constant 8 : i32
      %mul3A_106 = arith.muli %select_n3A_104, %mul3A_105 : i32
      %mul3A_107 = arith.constant 8 : i32
      %mul3A_108 = arith.muli %add3A_95, %mul3A_107 : i32
      "tpu.region"() ({
        %run_scoped3A = tpu.sem_alloc : memref<!tpu.dma_semaphore, #tpu.memory_space<semaphore_mem>>
        %dma_start3A_198 = arith.constant 0 : i32
        %dma_start3A_199 = tpu.memref_slice %arg6[%mul3A_106, %dma_start3A_198] : memref<16x125xi32, #tpu.memory_space<vmem>> -> memref<8x125xi32, #tpu.memory_space<vmem>>
        %dma_start3A_200 = arith.constant 0 : i32
        %dma_start3A_201 = arith.constant 0 : i32
        %dma_start3A_202 = arith.constant 0 : i32
        %dma_start3A_203 = tpu.memref_slice %arg2[%arg0, %dma_start3A_200, %dma_start3A_201, %dma_start3A_202] : memref<2x16x160x125xi32, #tpu.memory_space<hbm>> -> memref<1x16x160x125xi32, #tpu.memory_space<hbm>>
        %dma_start3A_204 = tpu.memref_squeeze %dma_start3A_203 : memref<1x16x160x125xi32, #tpu.memory_space<hbm>> -> memref<16x160x125xi32, #tpu.memory_space<hbm>>
        %dma_start3A_205 = arith.constant 0 : i32
        %dma_start3A_206 = arith.constant 0 : i32
        %dma_start3A_207 = tpu.memref_slice %dma_start3A_204[%arg1, %dma_start3A_205, %dma_start3A_206] : memref<16x160x125xi32, #tpu.memory_space<hbm>> -> memref<1x160x125xi32, #tpu.memory_space<hbm>>
        %dma_start3A_208 = tpu.memref_squeeze %dma_start3A_207 : memref<1x160x125xi32, #tpu.memory_space<hbm>> -> memref<160x125xi32, #tpu.memory_space<hbm>>
        %dma_start3A_209 = arith.constant 0 : i32
        %dma_start3A_210 = tpu.memref_slice %dma_start3A_208[%mul3A_108, %dma_start3A_209] : memref<160x125xi32, #tpu.memory_space<hbm>> -> memref<8x125xi32, #tpu.memory_space<hbm>>
        %dma_start3A_211 = arith.constant 0 : i32
        %dma_start3A_212 = tpu.memref_slice %arg6[%mul3A_106, %dma_start3A_211] : memref<16x125xi32, #tpu.memory_space<vmem>> -> memref<8x125xi32, #tpu.memory_space<vmem>>
        %dma_start3A_213 = arith.constant 0 : i32
        %dma_start3A_214 = arith.constant 0 : i32
        %dma_start3A_215 = arith.constant 0 : i32
        %dma_start3A_216 = tpu.memref_slice %arg2[%arg0, %dma_start3A_213, %dma_start3A_214, %dma_start3A_215] : memref<2x16x160x125xi32, #tpu.memory_space<hbm>> -> memref<1x16x160x125xi32, #tpu.memory_space<hbm>>
        %dma_start3A_217 = tpu.memref_squeeze %dma_start3A_216 : memref<1x16x160x125xi32, #tpu.memory_space<hbm>> -> memref<16x160x125xi32, #tpu.memory_space<hbm>>
        %dma_start3A_218 = arith.constant 0 : i32
        %dma_start3A_219 = arith.constant 0 : i32
        %dma_start3A_220 = tpu.memref_slice %dma_start3A_217[%arg1, %dma_start3A_218, %dma_start3A_219] : memref<16x160x125xi32, #tpu.memory_space<hbm>> -> memref<1x160x125xi32, #tpu.memory_space<hbm>>
        %dma_start3A_221 = tpu.memref_squeeze %dma_start3A_220 : memref<1x160x125xi32, #tpu.memory_space<hbm>> -> memref<160x125xi32, #tpu.memory_space<hbm>>
        %dma_start3A_222 = arith.constant 0 : i32
        %dma_start3A_223 = tpu.memref_slice %dma_start3A_221[%mul3A_108, %dma_start3A_222] : memref<160x125xi32, #tpu.memory_space<hbm>> -> memref<8x125xi32, #tpu.memory_space<hbm>>
        tpu.enqueue_dma source(%dma_start3A_223 : memref<8x125xi32, #tpu.memory_space<hbm>>) target(%dma_start3A_212 : memref<8x125xi32, #tpu.memory_space<vmem>>) target_semaphore(%run_scoped3A : memref<!tpu.dma_semaphore, #tpu.memory_space<semaphore_mem>>)
        %dma_wait3A_224 = arith.constant 0 : i32
        %dma_wait3A_225 = tpu.memref_slice %arg6[%mul3A_106, %dma_wait3A_224] : memref<16x125xi32, #tpu.memory_space<vmem>> -> memref<8x125xi32, #tpu.memory_space<vmem>>
        %dma_wait3A_226 = arith.constant 0 : i32
        %dma_wait3A_227 = arith.constant 0 : i32
        %dma_wait3A_228 = arith.constant 0 : i32
        %dma_wait3A_229 = tpu.memref_slice %arg2[%arg0, %dma_wait3A_226, %dma_wait3A_227, %dma_wait3A_228] : memref<2x16x160x125xi32, #tpu.memory_space<hbm>> -> memref<1x16x160x125xi32, #tpu.memory_space<hbm>>
        %dma_wait3A_230 = tpu.memref_squeeze %dma_wait3A_229 : memref<1x16x160x125xi32, #tpu.memory_space<hbm>> -> memref<16x160x125xi32, #tpu.memory_space<hbm>>
        %dma_wait3A_231 = arith.constant 0 : i32
        %dma_wait3A_232 = arith.constant 0 : i32
        %dma_wait3A_233 = tpu.memref_slice %dma_wait3A_230[%arg1, %dma_wait3A_231, %dma_wait3A_232] : memref<16x160x125xi32, #tpu.memory_space<hbm>> -> memref<1x160x125xi32, #tpu.memory_space<hbm>>
        %dma_wait3A_234 = tpu.memref_squeeze %dma_wait3A_233 : memref<1x160x125xi32, #tpu.memory_space<hbm>> -> memref<160x125xi32, #tpu.memory_space<hbm>>
        %dma_wait3A_235 = arith.constant 0 : i32
        %dma_wait3A_236 = tpu.memref_slice %dma_wait3A_234[%mul3A_108, %dma_wait3A_235] : memref<160x125xi32, #tpu.memory_space<hbm>> -> memref<8x125xi32, #tpu.memory_space<hbm>>
        %dma_wait3A_237 = arith.constant 0 : i32
        %dma_wait3A_238 = tpu.memref_slice %arg6[%mul3A_106, %dma_wait3A_237] : memref<16x125xi32, #tpu.memory_space<vmem>> -> memref<8x125xi32, #tpu.memory_space<vmem>>
        %dma_wait3A_239 = arith.constant 0 : i32
        %dma_wait3A_240 = arith.constant 0 : i32
        %dma_wait3A_241 = arith.constant 0 : i32
        %dma_wait3A_242 = tpu.memref_slice %arg2[%arg0, %dma_wait3A_239, %dma_wait3A_240, %dma_wait3A_241] : memref<2x16x160x125xi32, #tpu.memory_space<hbm>> -> memref<1x16x160x125xi32, #tpu.memory_space<hbm>>
        %dma_wait3A_243 = tpu.memref_squeeze %dma_wait3A_242 : memref<1x16x160x125xi32, #tpu.memory_space<hbm>> -> memref<16x160x125xi32, #tpu.memory_space<hbm>>
        %dma_wait3A_244 = arith.constant 0 : i32
        %dma_wait3A_245 = arith.constant 0 : i32
        %dma_wait3A_246 = tpu.memref_slice %dma_wait3A_243[%arg1, %dma_wait3A_244, %dma_wait3A_245] : memref<16x160x125xi32, #tpu.memory_space<hbm>> -> memref<1x160x125xi32, #tpu.memory_space<hbm>>
        %dma_wait3A_247 = tpu.memref_squeeze %dma_wait3A_246 : memref<1x160x125xi32, #tpu.memory_space<hbm>> -> memref<160x125xi32, #tpu.memory_space<hbm>>
        %dma_wait3A_248 = arith.constant 0 : i32
        %dma_wait3A_249 = tpu.memref_slice %dma_wait3A_247[%mul3A_108, %dma_wait3A_248] : memref<160x125xi32, #tpu.memory_space<hbm>> -> memref<8x125xi32, #tpu.memory_space<hbm>>
        tpu.wait_dma2 semaphore(%run_scoped3A : memref<!tpu.dma_semaphore, #tpu.memory_space<semaphore_mem>>) src(%dma_wait3A_249 : memref<8x125xi32, #tpu.memory_space<hbm>>) dst(%dma_wait3A_238 : memref<8x125xi32, #tpu.memory_space<vmem>>)
        tpu.yield
      }) : () -> ()
      %gt3A = arith.constant 0 : i32
      %gt3A_109 = arith.cmpi sgt, %add3A_95, %gt3A : i32
      %convert_element_type3A = arith.extui %gt3A_109 : i1 to i32
      %cond3A = arith.constant 0 : i32
      %cond3A_110 = arith.cmpi ne, %convert_element_type3A, %cond3A : i32
      scf.if %cond3A_110 {
        %dma_wait3A_198 = arith.constant 0 : i32
        %dma_wait3A_199 = arith.constant 0 : i32
        %dma_wait3A_200 = arith.constant 0 : i32
        %dma_wait3A_201 = tpu.memref_slice %arg7[%dma_wait3A_199, %dma_wait3A_200] : memref<128x128xf32, #tpu.memory_space<vmem>> -> memref<125x128xf32, #tpu.memory_space<vmem>>
        %dma_wait3A_202 = arith.constant 0 : i32
        %dma_wait3A_203 = tpu.memref_slice %arg6[%dma_wait3A_198, %dma_wait3A_202] : memref<16x125xi32, #tpu.memory_space<vmem>> -> memref<1x125xi32, #tpu.memory_space<vmem>>
        %dma_wait3A_204 = tpu.memref_squeeze %dma_wait3A_203 : memref<1x125xi32, #tpu.memory_space<vmem>> -> memref<125xi32, #tpu.memory_space<vmem>>
        %dma_wait3A_205 = arith.constant 0 : i32
        %dma_wait3A_206 = arith.constant 0 : i32
        %dma_wait3A_207 = tpu.memref_slice %arg8[%dma_wait3A_205, %dma_wait3A_206] : memref<10240x128xf32, #tpu.memory_space<vmem_shared>> -> memref<10240x128xf32, #tpu.memory_space<vmem_shared>>
        tpu.wait_indirect_dma semaphore(%arg9 : memref<!tpu.dma_semaphore, #tpu.memory_space<semaphore_mem>>) src(%dma_wait3A_201 : memref<125x128xf32, #tpu.memory_space<vmem>>) dst(%dma_wait3A_207 : memref<10240x128xf32, #tpu.memory_space<vmem_shared>>)
        %dma_wait3A_208 = arith.constant 0 : i32
        %dma_wait3A_209 = arith.constant 0 : i32
        %dma_wait3A_210 = arith.constant 0 : i32
        %dma_wait3A_211 = tpu.memref_slice %arg7[%dma_wait3A_209, %dma_wait3A_210] : memref<128x128xf32, #tpu.memory_space<vmem>> -> memref<125x128xf32, #tpu.memory_space<vmem>>
        %dma_wait3A_212 = arith.constant 0 : i32
        %dma_wait3A_213 = tpu.memref_slice %arg6[%dma_wait3A_208, %dma_wait3A_212] : memref<16x125xi32, #tpu.memory_space<vmem>> -> memref<1x125xi32, #tpu.memory_space<vmem>>
        %dma_wait3A_214 = tpu.memref_squeeze %dma_wait3A_213 : memref<1x125xi32, #tpu.memory_space<vmem>> -> memref<125xi32, #tpu.memory_space<vmem>>
        %dma_wait3A_215 = arith.constant 0 : i32
        %dma_wait3A_216 = arith.constant 0 : i32
        %dma_wait3A_217 = tpu.memref_slice %arg8[%dma_wait3A_215, %dma_wait3A_216] : memref<10240x128xf32, #tpu.memory_space<vmem_shared>> -> memref<10240x128xf32, #tpu.memory_space<vmem_shared>>
        tpu.wait_indirect_dma semaphore(%arg9 : memref<!tpu.dma_semaphore, #tpu.memory_space<semaphore_mem>>) src(%dma_wait3A_211 : memref<125x128xf32, #tpu.memory_space<vmem>>) dst(%dma_wait3A_217 : memref<10240x128xf32, #tpu.memory_space<vmem_shared>>)
        %dma_wait3A_218 = arith.constant 0 : i32
        %dma_wait3A_219 = arith.constant 0 : i32
        %dma_wait3A_220 = arith.constant 0 : i32
        %dma_wait3A_221 = tpu.memref_slice %arg7[%dma_wait3A_219, %dma_wait3A_220] : memref<128x128xf32, #tpu.memory_space<vmem>> -> memref<125x128xf32, #tpu.memory_space<vmem>>
        %dma_wait3A_222 = arith.constant 0 : i32
        %dma_wait3A_223 = tpu.memref_slice %arg6[%dma_wait3A_218, %dma_wait3A_222] : memref<16x125xi32, #tpu.memory_space<vmem>> -> memref<1x125xi32, #tpu.memory_space<vmem>>
        %dma_wait3A_224 = tpu.memref_squeeze %dma_wait3A_223 : memref<1x125xi32, #tpu.memory_space<vmem>> -> memref<125xi32, #tpu.memory_space<vmem>>
        %dma_wait3A_225 = arith.constant 0 : i32
        %dma_wait3A_226 = arith.constant 0 : i32
        %dma_wait3A_227 = tpu.memref_slice %arg8[%dma_wait3A_225, %dma_wait3A_226] : memref<10240x128xf32, #tpu.memory_space<vmem_shared>> -> memref<10240x128xf32, #tpu.memory_space<vmem_shared>>
        tpu.wait_indirect_dma semaphore(%arg9 : memref<!tpu.dma_semaphore, #tpu.memory_space<semaphore_mem>>) src(%dma_wait3A_221 : memref<125x128xf32, #tpu.memory_space<vmem>>) dst(%dma_wait3A_227 : memref<10240x128xf32, #tpu.memory_space<vmem_shared>>)
        %dma_wait3A_228 = arith.constant 0 : i32
        %dma_wait3A_229 = arith.constant 0 : i32
        %dma_wait3A_230 = arith.constant 0 : i32
        %dma_wait3A_231 = tpu.memref_slice %arg7[%dma_wait3A_229, %dma_wait3A_230] : memref<128x128xf32, #tpu.memory_space<vmem>> -> memref<125x128xf32, #tpu.memory_space<vmem>>
        %dma_wait3A_232 = arith.constant 0 : i32
        %dma_wait3A_233 = tpu.memref_slice %arg6[%dma_wait3A_228, %dma_wait3A_232] : memref<16x125xi32, #tpu.memory_space<vmem>> -> memref<1x125xi32, #tpu.memory_space<vmem>>
        %dma_wait3A_234 = tpu.memref_squeeze %dma_wait3A_233 : memref<1x125xi32, #tpu.memory_space<vmem>> -> memref<125xi32, #tpu.memory_space<vmem>>
        %dma_wait3A_235 = arith.constant 0 : i32
        %dma_wait3A_236 = arith.constant 0 : i32
        %dma_wait3A_237 = tpu.memref_slice %arg8[%dma_wait3A_235, %dma_wait3A_236] : memref<10240x128xf32, #tpu.memory_space<vmem_shared>> -> memref<10240x128xf32, #tpu.memory_space<vmem_shared>>
        tpu.wait_indirect_dma semaphore(%arg9 : memref<!tpu.dma_semaphore, #tpu.memory_space<semaphore_mem>>) src(%dma_wait3A_231 : memref<125x128xf32, #tpu.memory_space<vmem>>) dst(%dma_wait3A_237 : memref<10240x128xf32, #tpu.memory_space<vmem_shared>>)
        %dma_wait3A_238 = arith.constant 0 : i32
        %dma_wait3A_239 = arith.constant 0 : i32
        %dma_wait3A_240 = arith.constant 0 : i32
        %dma_wait3A_241 = tpu.memref_slice %arg7[%dma_wait3A_239, %dma_wait3A_240] : memref<128x128xf32, #tpu.memory_space<vmem>> -> memref<125x128xf32, #tpu.memory_space<vmem>>
        %dma_wait3A_242 = arith.constant 0 : i32
        %dma_wait3A_243 = tpu.memref_slice %arg6[%dma_wait3A_238, %dma_wait3A_242] : memref<16x125xi32, #tpu.memory_space<vmem>> -> memref<1x125xi32, #tpu.memory_space<vmem>>
        %dma_wait3A_244 = tpu.memref_squeeze %dma_wait3A_243 : memref<1x125xi32, #tpu.memory_space<vmem>> -> memref<125xi32, #tpu.memory_space<vmem>>
        %dma_wait3A_245 = arith.constant 0 : i32
        %dma_wait3A_246 = arith.constant 0 : i32
        %dma_wait3A_247 = tpu.memref_slice %arg8[%dma_wait3A_245, %dma_wait3A_246] : memref<10240x128xf32, #tpu.memory_space<vmem_shared>> -> memref<10240x128xf32, #tpu.memory_space<vmem_shared>>
        tpu.wait_indirect_dma semaphore(%arg9 : memref<!tpu.dma_semaphore, #tpu.memory_space<semaphore_mem>>) src(%dma_wait3A_241 : memref<125x128xf32, #tpu.memory_space<vmem>>) dst(%dma_wait3A_247 : memref<10240x128xf32, #tpu.memory_space<vmem_shared>>)
        %dma_wait3A_248 = arith.constant 0 : i32
        %dma_wait3A_249 = arith.constant 0 : i32
        %dma_wait3A_250 = arith.constant 0 : i32
        %dma_wait3A_251 = tpu.memref_slice %arg7[%dma_wait3A_249, %dma_wait3A_250] : memref<128x128xf32, #tpu.memory_space<vmem>> -> memref<125x128xf32, #tpu.memory_space<vmem>>
        %dma_wait3A_252 = arith.constant 0 : i32
        %dma_wait3A_253 = tpu.memref_slice %arg6[%dma_wait3A_248, %dma_wait3A_252] : memref<16x125xi32, #tpu.memory_space<vmem>> -> memref<1x125xi32, #tpu.memory_space<vmem>>
        %dma_wait3A_254 = tpu.memref_squeeze %dma_wait3A_253 : memref<1x125xi32, #tpu.memory_space<vmem>> -> memref<125xi32, #tpu.memory_space<vmem>>
        %dma_wait3A_255 = arith.constant 0 : i32
        %dma_wait3A_256 = arith.constant 0 : i32
        %dma_wait3A_257 = tpu.memref_slice %arg8[%dma_wait3A_255, %dma_wait3A_256] : memref<10240x128xf32, #tpu.memory_space<vmem_shared>> -> memref<10240x128xf32, #tpu.memory_space<vmem_shared>>
        tpu.wait_indirect_dma semaphore(%arg9 : memref<!tpu.dma_semaphore, #tpu.memory_space<semaphore_mem>>) src(%dma_wait3A_251 : memref<125x128xf32, #tpu.memory_space<vmem>>) dst(%dma_wait3A_257 : memref<10240x128xf32, #tpu.memory_space<vmem_shared>>)
        %dma_wait3A_258 = arith.constant 0 : i32
        %dma_wait3A_259 = arith.constant 0 : i32
        %dma_wait3A_260 = arith.constant 0 : i32
        %dma_wait3A_261 = tpu.memref_slice %arg7[%dma_wait3A_259, %dma_wait3A_260] : memref<128x128xf32, #tpu.memory_space<vmem>> -> memref<125x128xf32, #tpu.memory_space<vmem>>
        %dma_wait3A_262 = arith.constant 0 : i32
        %dma_wait3A_263 = tpu.memref_slice %arg6[%dma_wait3A_258, %dma_wait3A_262] : memref<16x125xi32, #tpu.memory_space<vmem>> -> memref<1x125xi32, #tpu.memory_space<vmem>>
        %dma_wait3A_264 = tpu.memref_squeeze %dma_wait3A_263 : memref<1x125xi32, #tpu.memory_space<vmem>> -> memref<125xi32, #tpu.memory_space<vmem>>
        %dma_wait3A_265 = arith.constant 0 : i32
        %dma_wait3A_266 = arith.constant 0 : i32
        %dma_wait3A_267 = tpu.memref_slice %arg8[%dma_wait3A_265, %dma_wait3A_266] : memref<10240x128xf32, #tpu.memory_space<vmem_shared>> -> memref<10240x128xf32, #tpu.memory_space<vmem_shared>>
        tpu.wait_indirect_dma semaphore(%arg9 : memref<!tpu.dma_semaphore, #tpu.memory_space<semaphore_mem>>) src(%dma_wait3A_261 : memref<125x128xf32, #tpu.memory_space<vmem>>) dst(%dma_wait3A_267 : memref<10240x128xf32, #tpu.memory_space<vmem_shared>>)
        %dma_wait3A_268 = arith.constant 0 : i32
        %dma_wait3A_269 = arith.constant 0 : i32
        %dma_wait3A_270 = arith.constant 0 : i32
        %dma_wait3A_271 = tpu.memref_slice %arg7[%dma_wait3A_269, %dma_wait3A_270] : memref<128x128xf32, #tpu.memory_space<vmem>> -> memref<125x128xf32, #tpu.memory_space<vmem>>
        %dma_wait3A_272 = arith.constant 0 : i32
        %dma_wait3A_273 = tpu.memref_slice %arg6[%dma_wait3A_268, %dma_wait3A_272] : memref<16x125xi32, #tpu.memory_space<vmem>> -> memref<1x125xi32, #tpu.memory_space<vmem>>
        %dma_wait3A_274 = tpu.memref_squeeze %dma_wait3A_273 : memref<1x125xi32, #tpu.memory_space<vmem>> -> memref<125xi32, #tpu.memory_space<vmem>>
        %dma_wait3A_275 = arith.constant 0 : i32
        %dma_wait3A_276 = arith.constant 0 : i32
        %dma_wait3A_277 = tpu.memref_slice %arg8[%dma_wait3A_275, %dma_wait3A_276] : memref<10240x128xf32, #tpu.memory_space<vmem_shared>> -> memref<10240x128xf32, #tpu.memory_space<vmem_shared>>
        tpu.wait_indirect_dma semaphore(%arg9 : memref<!tpu.dma_semaphore, #tpu.memory_space<semaphore_mem>>) src(%dma_wait3A_271 : memref<125x128xf32, #tpu.memory_space<vmem>>) dst(%dma_wait3A_277 : memref<10240x128xf32, #tpu.memory_space<vmem_shared>>)
      } else {
      }
      %add3A_111 = arith.constant 0 : i32
      %add3A_112 = arith.addi %mul3A_106, %add3A_111 : i32
      %dma_start3A = arith.constant 0 : i32
      %dma_start3A_113 = arith.constant 0 : i32
      %dma_start3A_114 = tpu.memref_slice %arg7[%dma_start3A, %dma_start3A_113] : memref<128x128xf32, #tpu.memory_space<vmem>> -> memref<125x128xf32, #tpu.memory_space<vmem>>
      %dma_start3A_115 = arith.constant 0 : i32
      %dma_start3A_116 = tpu.memref_slice %arg6[%add3A_112, %dma_start3A_115] : memref<16x125xi32, #tpu.memory_space<vmem>> -> memref<1x125xi32, #tpu.memory_space<vmem>>
      %dma_start3A_117 = tpu.memref_squeeze %dma_start3A_116 : memref<1x125xi32, #tpu.memory_space<vmem>> -> memref<125xi32, #tpu.memory_space<vmem>>
      %dma_start3A_118 = arith.constant 0 : i32
      %dma_start3A_119 = arith.constant 0 : i32
      %dma_start3A_120 = tpu.memref_slice %arg8[%dma_start3A_118, %dma_start3A_119] : memref<10240x128xf32, #tpu.memory_space<vmem_shared>> -> memref<10240x128xf32, #tpu.memory_space<vmem_shared>>
      tpu.enqueue_indirect_dma source(%dma_start3A_114 : memref<125x128xf32, #tpu.memory_space<vmem>>) target(%dma_start3A_120 : memref<10240x128xf32, #tpu.memory_space<vmem_shared>>) offsets(%dma_start3A_117 : memref<125xi32, #tpu.memory_space<vmem>>) semaphore(%arg9 : memref<!tpu.dma_semaphore, #tpu.memory_space<semaphore_mem>>) {add = true}
      %add3A_121 = arith.constant 1 : i32
      %add3A_122 = arith.addi %mul3A_106, %add3A_121 : i32
      %dma_start3A_123 = arith.constant 0 : i32
      %dma_start3A_124 = arith.constant 0 : i32
      %dma_start3A_125 = tpu.memref_slice %arg7[%dma_start3A_123, %dma_start3A_124] : memref<128x128xf32, #tpu.memory_space<vmem>> -> memref<125x128xf32, #tpu.memory_space<vmem>>
      %dma_start3A_126 = arith.constant 0 : i32
      %dma_start3A_127 = tpu.memref_slice %arg6[%add3A_122, %dma_start3A_126] : memref<16x125xi32, #tpu.memory_space<vmem>> -> memref<1x125xi32, #tpu.memory_space<vmem>>
      %dma_start3A_128 = tpu.memref_squeeze %dma_start3A_127 : memref<1x125xi32, #tpu.memory_space<vmem>> -> memref<125xi32, #tpu.memory_space<vmem>>
      %dma_start3A_129 = arith.constant 0 : i32
      %dma_start3A_130 = arith.constant 0 : i32
      %dma_start3A_131 = tpu.memref_slice %arg8[%dma_start3A_129, %dma_start3A_130] : memref<10240x128xf32, #tpu.memory_space<vmem_shared>> -> memref<10240x128xf32, #tpu.memory_space<vmem_shared>>
      tpu.enqueue_indirect_dma source(%dma_start3A_125 : memref<125x128xf32, #tpu.memory_space<vmem>>) target(%dma_start3A_131 : memref<10240x128xf32, #tpu.memory_space<vmem_shared>>) offsets(%dma_start3A_128 : memref<125xi32, #tpu.memory_space<vmem>>) semaphore(%arg9 : memref<!tpu.dma_semaphore, #tpu.memory_space<semaphore_mem>>) {add = true}
      %add3A_132 = arith.constant 2 : i32
      %add3A_133 = arith.addi %mul3A_106, %add3A_132 : i32
      %dma_start3A_134 = arith.constant 0 : i32
      %dma_start3A_135 = arith.constant 0 : i32
      %dma_start3A_136 = tpu.memref_slice %arg7[%dma_start3A_134, %dma_start3A_135] : memref<128x128xf32, #tpu.memory_space<vmem>> -> memref<125x128xf32, #tpu.memory_space<vmem>>
      %dma_start3A_137 = arith.constant 0 : i32
      %dma_start3A_138 = tpu.memref_slice %arg6[%add3A_133, %dma_start3A_137] : memref<16x125xi32, #tpu.memory_space<vmem>> -> memref<1x125xi32, #tpu.memory_space<vmem>>
      %dma_start3A_139 = tpu.memref_squeeze %dma_start3A_138 : memref<1x125xi32, #tpu.memory_space<vmem>> -> memref<125xi32, #tpu.memory_space<vmem>>
      %dma_start3A_140 = arith.constant 0 : i32
      %dma_start3A_141 = arith.constant 0 : i32
      %dma_start3A_142 = tpu.memref_slice %arg8[%dma_start3A_140, %dma_start3A_141] : memref<10240x128xf32, #tpu.memory_space<vmem_shared>> -> memref<10240x128xf32, #tpu.memory_space<vmem_shared>>
      tpu.enqueue_indirect_dma source(%dma_start3A_136 : memref<125x128xf32, #tpu.memory_space<vmem>>) target(%dma_start3A_142 : memref<10240x128xf32, #tpu.memory_space<vmem_shared>>) offsets(%dma_start3A_139 : memref<125xi32, #tpu.memory_space<vmem>>) semaphore(%arg9 : memref<!tpu.dma_semaphore, #tpu.memory_space<semaphore_mem>>) {add = true}
      %add3A_143 = arith.constant 3 : i32
      %add3A_144 = arith.addi %mul3A_106, %add3A_143 : i32
      %dma_start3A_145 = arith.constant 0 : i32
      %dma_start3A_146 = arith.constant 0 : i32
      %dma_start3A_147 = tpu.memref_slice %arg7[%dma_start3A_145, %dma_start3A_146] : memref<128x128xf32, #tpu.memory_space<vmem>> -> memref<125x128xf32, #tpu.memory_space<vmem>>
      %dma_start3A_148 = arith.constant 0 : i32
      %dma_start3A_149 = tpu.memref_slice %arg6[%add3A_144, %dma_start3A_148] : memref<16x125xi32, #tpu.memory_space<vmem>> -> memref<1x125xi32, #tpu.memory_space<vmem>>
      %dma_start3A_150 = tpu.memref_squeeze %dma_start3A_149 : memref<1x125xi32, #tpu.memory_space<vmem>> -> memref<125xi32, #tpu.memory_space<vmem>>
      %dma_start3A_151 = arith.constant 0 : i32
      %dma_start3A_152 = arith.constant 0 : i32
      %dma_start3A_153 = tpu.memref_slice %arg8[%dma_start3A_151, %dma_start3A_152] : memref<10240x128xf32, #tpu.memory_space<vmem_shared>> -> memref<10240x128xf32, #tpu.memory_space<vmem_shared>>
      tpu.enqueue_indirect_dma source(%dma_start3A_147 : memref<125x128xf32, #tpu.memory_space<vmem>>) target(%dma_start3A_153 : memref<10240x128xf32, #tpu.memory_space<vmem_shared>>) offsets(%dma_start3A_150 : memref<125xi32, #tpu.memory_space<vmem>>) semaphore(%arg9 : memref<!tpu.dma_semaphore, #tpu.memory_space<semaphore_mem>>) {add = true}
      %add3A_154 = arith.constant 4 : i32
      %add3A_155 = arith.addi %mul3A_106, %add3A_154 : i32
      %dma_start3A_156 = arith.constant 0 : i32
      %dma_start3A_157 = arith.constant 0 : i32
      %dma_start3A_158 = tpu.memref_slice %arg7[%dma_start3A_156, %dma_start3A_157] : memref<128x128xf32, #tpu.memory_space<vmem>> -> memref<125x128xf32, #tpu.memory_space<vmem>>
      %dma_start3A_159 = arith.constant 0 : i32
      %dma_start3A_160 = tpu.memref_slice %arg6[%add3A_155, %dma_start3A_159] : memref<16x125xi32, #tpu.memory_space<vmem>> -> memref<1x125xi32, #tpu.memory_space<vmem>>
      %dma_start3A_161 = tpu.memref_squeeze %dma_start3A_160 : memref<1x125xi32, #tpu.memory_space<vmem>> -> memref<125xi32, #tpu.memory_space<vmem>>
      %dma_start3A_162 = arith.constant 0 : i32
      %dma_start3A_163 = arith.constant 0 : i32
      %dma_start3A_164 = tpu.memref_slice %arg8[%dma_start3A_162, %dma_start3A_163] : memref<10240x128xf32, #tpu.memory_space<vmem_shared>> -> memref<10240x128xf32, #tpu.memory_space<vmem_shared>>
      tpu.enqueue_indirect_dma source(%dma_start3A_158 : memref<125x128xf32, #tpu.memory_space<vmem>>) target(%dma_start3A_164 : memref<10240x128xf32, #tpu.memory_space<vmem_shared>>) offsets(%dma_start3A_161 : memref<125xi32, #tpu.memory_space<vmem>>) semaphore(%arg9 : memref<!tpu.dma_semaphore, #tpu.memory_space<semaphore_mem>>) {add = true}
      %add3A_165 = arith.constant 5 : i32
      %add3A_166 = arith.addi %mul3A_106, %add3A_165 : i32
      %dma_start3A_167 = arith.constant 0 : i32
      %dma_start3A_168 = arith.constant 0 : i32
      %dma_start3A_169 = tpu.memref_slice %arg7[%dma_start3A_167, %dma_start3A_168] : memref<128x128xf32, #tpu.memory_space<vmem>> -> memref<125x128xf32, #tpu.memory_space<vmem>>
      %dma_start3A_170 = arith.constant 0 : i32
      %dma_start3A_171 = tpu.memref_slice %arg6[%add3A_166, %dma_start3A_170] : memref<16x125xi32, #tpu.memory_space<vmem>> -> memref<1x125xi32, #tpu.memory_space<vmem>>
      %dma_start3A_172 = tpu.memref_squeeze %dma_start3A_171 : memref<1x125xi32, #tpu.memory_space<vmem>> -> memref<125xi32, #tpu.memory_space<vmem>>
      %dma_start3A_173 = arith.constant 0 : i32
      %dma_start3A_174 = arith.constant 0 : i32
      %dma_start3A_175 = tpu.memref_slice %arg8[%dma_start3A_173, %dma_start3A_174] : memref<10240x128xf32, #tpu.memory_space<vmem_shared>> -> memref<10240x128xf32, #tpu.memory_space<vmem_shared>>
      tpu.enqueue_indirect_dma source(%dma_start3A_169 : memref<125x128xf32, #tpu.memory_space<vmem>>) target(%dma_start3A_175 : memref<10240x128xf32, #tpu.memory_space<vmem_shared>>) offsets(%dma_start3A_172 : memref<125xi32, #tpu.memory_space<vmem>>) semaphore(%arg9 : memref<!tpu.dma_semaphore, #tpu.memory_space<semaphore_mem>>) {add = true}
      %add3A_176 = arith.constant 6 : i32
      %add3A_177 = arith.addi %mul3A_106, %add3A_176 : i32
      %dma_start3A_178 = arith.constant 0 : i32
      %dma_start3A_179 = arith.constant 0 : i32
      %dma_start3A_180 = tpu.memref_slice %arg7[%dma_start3A_178, %dma_start3A_179] : memref<128x128xf32, #tpu.memory_space<vmem>> -> memref<125x128xf32, #tpu.memory_space<vmem>>
      %dma_start3A_181 = arith.constant 0 : i32
      %dma_start3A_182 = tpu.memref_slice %arg6[%add3A_177, %dma_start3A_181] : memref<16x125xi32, #tpu.memory_space<vmem>> -> memref<1x125xi32, #tpu.memory_space<vmem>>
      %dma_start3A_183 = tpu.memref_squeeze %dma_start3A_182 : memref<1x125xi32, #tpu.memory_space<vmem>> -> memref<125xi32, #tpu.memory_space<vmem>>
      %dma_start3A_184 = arith.constant 0 : i32
      %dma_start3A_185 = arith.constant 0 : i32
      %dma_start3A_186 = tpu.memref_slice %arg8[%dma_start3A_184, %dma_start3A_185] : memref<10240x128xf32, #tpu.memory_space<vmem_shared>> -> memref<10240x128xf32, #tpu.memory_space<vmem_shared>>
      tpu.enqueue_indirect_dma source(%dma_start3A_180 : memref<125x128xf32, #tpu.memory_space<vmem>>) target(%dma_start3A_186 : memref<10240x128xf32, #tpu.memory_space<vmem_shared>>) offsets(%dma_start3A_183 : memref<125xi32, #tpu.memory_space<vmem>>) semaphore(%arg9 : memref<!tpu.dma_semaphore, #tpu.memory_space<semaphore_mem>>) {add = true}
      %add3A_187 = arith.constant 7 : i32
      %add3A_188 = arith.addi %mul3A_106, %add3A_187 : i32
      %dma_start3A_189 = arith.constant 0 : i32
      %dma_start3A_190 = arith.constant 0 : i32
      %dma_start3A_191 = tpu.memref_slice %arg7[%dma_start3A_189, %dma_start3A_190] : memref<128x128xf32, #tpu.memory_space<vmem>> -> memref<125x128xf32, #tpu.memory_space<vmem>>
      %dma_start3A_192 = arith.constant 0 : i32
      %dma_start3A_193 = tpu.memref_slice %arg6[%add3A_188, %dma_start3A_192] : memref<16x125xi32, #tpu.memory_space<vmem>> -> memref<1x125xi32, #tpu.memory_space<vmem>>
      %dma_start3A_194 = tpu.memref_squeeze %dma_start3A_193 : memref<1x125xi32, #tpu.memory_space<vmem>> -> memref<125xi32, #tpu.memory_space<vmem>>
      %dma_start3A_195 = arith.constant 0 : i32
      %dma_start3A_196 = arith.constant 0 : i32
      %dma_start3A_197 = tpu.memref_slice %arg8[%dma_start3A_195, %dma_start3A_196] : memref<10240x128xf32, #tpu.memory_space<vmem_shared>> -> memref<10240x128xf32, #tpu.memory_space<vmem_shared>>
      tpu.enqueue_indirect_dma source(%dma_start3A_191 : memref<125x128xf32, #tpu.memory_space<vmem>>) target(%dma_start3A_197 : memref<10240x128xf32, #tpu.memory_space<vmem_shared>>) offsets(%dma_start3A_194 : memref<125xi32, #tpu.memory_space<vmem>>) semaphore(%arg9 : memref<!tpu.dma_semaphore, #tpu.memory_space<semaphore_mem>>) {add = true}
    }
    %scan3A_8 = arith.constant 20 : i32
    %dma_wait3A = arith.constant 0 : i32
    %dma_wait3A_9 = arith.constant 0 : i32
    %dma_wait3A_10 = arith.constant 0 : i32
    %dma_wait3A_11 = tpu.memref_slice %arg7[%dma_wait3A_9, %dma_wait3A_10] : memref<128x128xf32, #tpu.memory_space<vmem>> -> memref<125x128xf32, #tpu.memory_space<vmem>>
    %dma_wait3A_12 = arith.constant 0 : i32
    %dma_wait3A_13 = tpu.memref_slice %arg6[%dma_wait3A, %dma_wait3A_12] : memref<16x125xi32, #tpu.memory_space<vmem>> -> memref<1x125xi32, #tpu.memory_space<vmem>>
    %dma_wait3A_14 = tpu.memref_squeeze %dma_wait3A_13 : memref<1x125xi32, #tpu.memory_space<vmem>> -> memref<125xi32, #tpu.memory_space<vmem>>
    %dma_wait3A_15 = arith.constant 0 : i32
    %dma_wait3A_16 = arith.constant 0 : i32
    %dma_wait3A_17 = tpu.memref_slice %arg8[%dma_wait3A_15, %dma_wait3A_16] : memref<10240x128xf32, #tpu.memory_space<vmem_shared>> -> memref<10240x128xf32, #tpu.memory_space<vmem_shared>>
    tpu.wait_indirect_dma semaphore(%arg9 : memref<!tpu.dma_semaphore, #tpu.memory_space<semaphore_mem>>) src(%dma_wait3A_11 : memref<125x128xf32, #tpu.memory_space<vmem>>) dst(%dma_wait3A_17 : memref<10240x128xf32, #tpu.memory_space<vmem_shared>>)
    %dma_wait3A_18 = arith.constant 0 : i32
    %dma_wait3A_19 = arith.constant 0 : i32
    %dma_wait3A_20 = arith.constant 0 : i32
    %dma_wait3A_21 = tpu.memref_slice %arg7[%dma_wait3A_19, %dma_wait3A_20] : memref<128x128xf32, #tpu.memory_space<vmem>> -> memref<125x128xf32, #tpu.memory_space<vmem>>
    %dma_wait3A_22 = arith.constant 0 : i32
    %dma_wait3A_23 = tpu.memref_slice %arg6[%dma_wait3A_18, %dma_wait3A_22] : memref<16x125xi32, #tpu.memory_space<vmem>> -> memref<1x125xi32, #tpu.memory_space<vmem>>
    %dma_wait3A_24 = tpu.memref_squeeze %dma_wait3A_23 : memref<1x125xi32, #tpu.memory_space<vmem>> -> memref<125xi32, #tpu.memory_space<vmem>>
    %dma_wait3A_25 = arith.constant 0 : i32
    %dma_wait3A_26 = arith.constant 0 : i32
    %dma_wait3A_27 = tpu.memref_slice %arg8[%dma_wait3A_25, %dma_wait3A_26] : memref<10240x128xf32, #tpu.memory_space<vmem_shared>> -> memref<10240x128xf32, #tpu.memory_space<vmem_shared>>
    tpu.wait_indirect_dma semaphore(%arg9 : memref<!tpu.dma_semaphore, #tpu.memory_space<semaphore_mem>>) src(%dma_wait3A_21 : memref<125x128xf32, #tpu.memory_space<vmem>>) dst(%dma_wait3A_27 : memref<10240x128xf32, #tpu.memory_space<vmem_shared>>)
    %dma_wait3A_28 = arith.constant 0 : i32
    %dma_wait3A_29 = arith.constant 0 : i32
    %dma_wait3A_30 = arith.constant 0 : i32
    %dma_wait3A_31 = tpu.memref_slice %arg7[%dma_wait3A_29, %dma_wait3A_30] : memref<128x128xf32, #tpu.memory_space<vmem>> -> memref<125x128xf32, #tpu.memory_space<vmem>>
    %dma_wait3A_32 = arith.constant 0 : i32
    %dma_wait3A_33 = tpu.memref_slice %arg6[%dma_wait3A_28, %dma_wait3A_32] : memref<16x125xi32, #tpu.memory_space<vmem>> -> memref<1x125xi32, #tpu.memory_space<vmem>>
    %dma_wait3A_34 = tpu.memref_squeeze %dma_wait3A_33 : memref<1x125xi32, #tpu.memory_space<vmem>> -> memref<125xi32, #tpu.memory_space<vmem>>
    %dma_wait3A_35 = arith.constant 0 : i32
    %dma_wait3A_36 = arith.constant 0 : i32
    %dma_wait3A_37 = tpu.memref_slice %arg8[%dma_wait3A_35, %dma_wait3A_36] : memref<10240x128xf32, #tpu.memory_space<vmem_shared>> -> memref<10240x128xf32, #tpu.memory_space<vmem_shared>>
    tpu.wait_indirect_dma semaphore(%arg9 : memref<!tpu.dma_semaphore, #tpu.memory_space<semaphore_mem>>) src(%dma_wait3A_31 : memref<125x128xf32, #tpu.memory_space<vmem>>) dst(%dma_wait3A_37 : memref<10240x128xf32, #tpu.memory_space<vmem_shared>>)
    %dma_wait3A_38 = arith.constant 0 : i32
    %dma_wait3A_39 = arith.constant 0 : i32
    %dma_wait3A_40 = arith.constant 0 : i32
    %dma_wait3A_41 = tpu.memref_slice %arg7[%dma_wait3A_39, %dma_wait3A_40] : memref<128x128xf32, #tpu.memory_space<vmem>> -> memref<125x128xf32, #tpu.memory_space<vmem>>
    %dma_wait3A_42 = arith.constant 0 : i32
    %dma_wait3A_43 = tpu.memref_slice %arg6[%dma_wait3A_38, %dma_wait3A_42] : memref<16x125xi32, #tpu.memory_space<vmem>> -> memref<1x125xi32, #tpu.memory_space<vmem>>
    %dma_wait3A_44 = tpu.memref_squeeze %dma_wait3A_43 : memref<1x125xi32, #tpu.memory_space<vmem>> -> memref<125xi32, #tpu.memory_space<vmem>>
    %dma_wait3A_45 = arith.constant 0 : i32
    %dma_wait3A_46 = arith.constant 0 : i32
    %dma_wait3A_47 = tpu.memref_slice %arg8[%dma_wait3A_45, %dma_wait3A_46] : memref<10240x128xf32, #tpu.memory_space<vmem_shared>> -> memref<10240x128xf32, #tpu.memory_space<vmem_shared>>
    tpu.wait_indirect_dma semaphore(%arg9 : memref<!tpu.dma_semaphore, #tpu.memory_space<semaphore_mem>>) src(%dma_wait3A_41 : memref<125x128xf32, #tpu.memory_space<vmem>>) dst(%dma_wait3A_47 : memref<10240x128xf32, #tpu.memory_space<vmem_shared>>)
    %dma_wait3A_48 = arith.constant 0 : i32
    %dma_wait3A_49 = arith.constant 0 : i32
    %dma_wait3A_50 = arith.constant 0 : i32
    %dma_wait3A_51 = tpu.memref_slice %arg7[%dma_wait3A_49, %dma_wait3A_50] : memref<128x128xf32, #tpu.memory_space<vmem>> -> memref<125x128xf32, #tpu.memory_space<vmem>>
    %dma_wait3A_52 = arith.constant 0 : i32
    %dma_wait3A_53 = tpu.memref_slice %arg6[%dma_wait3A_48, %dma_wait3A_52] : memref<16x125xi32, #tpu.memory_space<vmem>> -> memref<1x125xi32, #tpu.memory_space<vmem>>
    %dma_wait3A_54 = tpu.memref_squeeze %dma_wait3A_53 : memref<1x125xi32, #tpu.memory_space<vmem>> -> memref<125xi32, #tpu.memory_space<vmem>>
    %dma_wait3A_55 = arith.constant 0 : i32
    %dma_wait3A_56 = arith.constant 0 : i32
    %dma_wait3A_57 = tpu.memref_slice %arg8[%dma_wait3A_55, %dma_wait3A_56] : memref<10240x128xf32, #tpu.memory_space<vmem_shared>> -> memref<10240x128xf32, #tpu.memory_space<vmem_shared>>
    tpu.wait_indirect_dma semaphore(%arg9 : memref<!tpu.dma_semaphore, #tpu.memory_space<semaphore_mem>>) src(%dma_wait3A_51 : memref<125x128xf32, #tpu.memory_space<vmem>>) dst(%dma_wait3A_57 : memref<10240x128xf32, #tpu.memory_space<vmem_shared>>)
    %dma_wait3A_58 = arith.constant 0 : i32
    %dma_wait3A_59 = arith.constant 0 : i32
    %dma_wait3A_60 = arith.constant 0 : i32
    %dma_wait3A_61 = tpu.memref_slice %arg7[%dma_wait3A_59, %dma_wait3A_60] : memref<128x128xf32, #tpu.memory_space<vmem>> -> memref<125x128xf32, #tpu.memory_space<vmem>>
    %dma_wait3A_62 = arith.constant 0 : i32
    %dma_wait3A_63 = tpu.memref_slice %arg6[%dma_wait3A_58, %dma_wait3A_62] : memref<16x125xi32, #tpu.memory_space<vmem>> -> memref<1x125xi32, #tpu.memory_space<vmem>>
    %dma_wait3A_64 = tpu.memref_squeeze %dma_wait3A_63 : memref<1x125xi32, #tpu.memory_space<vmem>> -> memref<125xi32, #tpu.memory_space<vmem>>
    %dma_wait3A_65 = arith.constant 0 : i32
    %dma_wait3A_66 = arith.constant 0 : i32
    %dma_wait3A_67 = tpu.memref_slice %arg8[%dma_wait3A_65, %dma_wait3A_66] : memref<10240x128xf32, #tpu.memory_space<vmem_shared>> -> memref<10240x128xf32, #tpu.memory_space<vmem_shared>>
    tpu.wait_indirect_dma semaphore(%arg9 : memref<!tpu.dma_semaphore, #tpu.memory_space<semaphore_mem>>) src(%dma_wait3A_61 : memref<125x128xf32, #tpu.memory_space<vmem>>) dst(%dma_wait3A_67 : memref<10240x128xf32, #tpu.memory_space<vmem_shared>>)
    %dma_wait3A_68 = arith.constant 0 : i32
    %dma_wait3A_69 = arith.constant 0 : i32
    %dma_wait3A_70 = arith.constant 0 : i32
    %dma_wait3A_71 = tpu.memref_slice %arg7[%dma_wait3A_69, %dma_wait3A_70] : memref<128x128xf32, #tpu.memory_space<vmem>> -> memref<125x128xf32, #tpu.memory_space<vmem>>
    %dma_wait3A_72 = arith.constant 0 : i32
    %dma_wait3A_73 = tpu.memref_slice %arg6[%dma_wait3A_68, %dma_wait3A_72] : memref<16x125xi32, #tpu.memory_space<vmem>> -> memref<1x125xi32, #tpu.memory_space<vmem>>
    %dma_wait3A_74 = tpu.memref_squeeze %dma_wait3A_73 : memref<1x125xi32, #tpu.memory_space<vmem>> -> memref<125xi32, #tpu.memory_space<vmem>>
    %dma_wait3A_75 = arith.constant 0 : i32
    %dma_wait3A_76 = arith.constant 0 : i32
    %dma_wait3A_77 = tpu.memref_slice %arg8[%dma_wait3A_75, %dma_wait3A_76] : memref<10240x128xf32, #tpu.memory_space<vmem_shared>> -> memref<10240x128xf32, #tpu.memory_space<vmem_shared>>
    tpu.wait_indirect_dma semaphore(%arg9 : memref<!tpu.dma_semaphore, #tpu.memory_space<semaphore_mem>>) src(%dma_wait3A_71 : memref<125x128xf32, #tpu.memory_space<vmem>>) dst(%dma_wait3A_77 : memref<10240x128xf32, #tpu.memory_space<vmem_shared>>)
    %dma_wait3A_78 = arith.constant 0 : i32
    %dma_wait3A_79 = arith.constant 0 : i32
    %dma_wait3A_80 = arith.constant 0 : i32
    %dma_wait3A_81 = tpu.memref_slice %arg7[%dma_wait3A_79, %dma_wait3A_80] : memref<128x128xf32, #tpu.memory_space<vmem>> -> memref<125x128xf32, #tpu.memory_space<vmem>>
    %dma_wait3A_82 = arith.constant 0 : i32
    %dma_wait3A_83 = tpu.memref_slice %arg6[%dma_wait3A_78, %dma_wait3A_82] : memref<16x125xi32, #tpu.memory_space<vmem>> -> memref<1x125xi32, #tpu.memory_space<vmem>>
    %dma_wait3A_84 = tpu.memref_squeeze %dma_wait3A_83 : memref<1x125xi32, #tpu.memory_space<vmem>> -> memref<125xi32, #tpu.memory_space<vmem>>
    %dma_wait3A_85 = arith.constant 0 : i32
    %dma_wait3A_86 = arith.constant 0 : i32
    %dma_wait3A_87 = tpu.memref_slice %arg8[%dma_wait3A_85, %dma_wait3A_86] : memref<10240x128xf32, #tpu.memory_space<vmem_shared>> -> memref<10240x128xf32, #tpu.memory_space<vmem_shared>>
    tpu.wait_indirect_dma semaphore(%arg9 : memref<!tpu.dma_semaphore, #tpu.memory_space<semaphore_mem>>) src(%dma_wait3A_81 : memref<125x128xf32, #tpu.memory_space<vmem>>) dst(%dma_wait3A_87 : memref<10240x128xf32, #tpu.memory_space<vmem_shared>>)
    %barrier3A_88 = arith.constant 0 : index
    tpu.barrier barrier_id(%barrier3A_88)
    %mul3A = arith.constant 640 : i32
    %mul3A_89 = arith.muli %arg1, %mul3A : i32
    %mul3A_90 = arith.constant 640 : i32
    %mul3A_91 = arith.muli %arg1, %mul3A_90 : i32
    "tpu.region"() ({
      %run_scoped3A = tpu.sem_alloc : memref<!tpu.dma_semaphore, #tpu.memory_space<semaphore_mem>>
      %dma_start3A = arith.constant 0 : i32
      %dma_start3A_92 = arith.constant 0 : i32
      %dma_start3A_93 = tpu.memref_slice %arg5[%arg0, %dma_start3A, %dma_start3A_92] : memref<2x10240x128xf32, #tpu.memory_space<hbm>> -> memref<1x10240x128xf32, #tpu.memory_space<hbm>>
      %dma_start3A_94 = tpu.memref_squeeze %dma_start3A_93 : memref<1x10240x128xf32, #tpu.memory_space<hbm>> -> memref<10240x128xf32, #tpu.memory_space<hbm>>
      %dma_start3A_95 = arith.constant 0 : i32
      %dma_start3A_96 = tpu.memref_slice %dma_start3A_94[%mul3A_91, %dma_start3A_95] : memref<10240x128xf32, #tpu.memory_space<hbm>> -> memref<640x128xf32, #tpu.memory_space<hbm>>
      %dma_start3A_97 = arith.constant 0 : i32
      %dma_start3A_98 = tpu.memref_slice %arg8[%mul3A_89, %dma_start3A_97] : memref<10240x128xf32, #tpu.memory_space<vmem_shared>> -> memref<640x128xf32, #tpu.memory_space<vmem_shared>>
      tpu.enqueue_dma source(%dma_start3A_98 : memref<640x128xf32, #tpu.memory_space<vmem_shared>>) target(%dma_start3A_96 : memref<640x128xf32, #tpu.memory_space<hbm>>) target_semaphore(%run_scoped3A : memref<!tpu.dma_semaphore, #tpu.memory_space<semaphore_mem>>)
      %dma_wait3A_99 = arith.constant 0 : i32
      %dma_wait3A_100 = arith.constant 0 : i32
      %dma_wait3A_101 = tpu.memref_slice %arg5[%arg0, %dma_wait3A_99, %dma_wait3A_100] : memref<2x10240x128xf32, #tpu.memory_space<hbm>> -> memref<1x10240x128xf32, #tpu.memory_space<hbm>>
      %dma_wait3A_102 = tpu.memref_squeeze %dma_wait3A_101 : memref<1x10240x128xf32, #tpu.memory_space<hbm>> -> memref<10240x128xf32, #tpu.memory_space<hbm>>
      %dma_wait3A_103 = arith.constant 0 : i32
      %dma_wait3A_104 = tpu.memref_slice %dma_wait3A_102[%mul3A_91, %dma_wait3A_103] : memref<10240x128xf32, #tpu.memory_space<hbm>> -> memref<640x128xf32, #tpu.memory_space<hbm>>
      %dma_wait3A_105 = arith.constant 0 : i32
      %dma_wait3A_106 = tpu.memref_slice %arg8[%mul3A_89, %dma_wait3A_105] : memref<10240x128xf32, #tpu.memory_space<vmem_shared>> -> memref<640x128xf32, #tpu.memory_space<vmem_shared>>
      tpu.wait_dma2 semaphore(%run_scoped3A : memref<!tpu.dma_semaphore, #tpu.memory_space<semaphore_mem>>) src(%dma_wait3A_106 : memref<640x128xf32, #tpu.memory_space<vmem_shared>>) dst(%dma_wait3A_104 : memref<640x128xf32, #tpu.memory_space<hbm>>)
      tpu.yield
    }) : () -> ()
    return
  }
}

#map = affine_map<(d0, d1) -> (0, 0, 0)>
#map1 = affine_map<(d0, d1) -> (0, 0)>
module attributes {stable_mosaic.version = 14 : i64} {
  func.func @_agg_body(%arg0: i32, %arg1: i32, %arg2: memref<2x10000x128xf32, #tpu.memory_space<hbm>>, %arg3: memref<16x160x125xi32, #tpu.memory_space<hbm>>, %arg4: memref<16x160x125xi32, #tpu.memory_space<hbm>>, %arg5: memref<128x128xf32, #tpu.memory_space<hbm>>, %arg6: memref<2x10240x128xf32, #tpu.memory_space<hbm>>, %arg7: memref<16x125xi32, #tpu.memory_space<vmem>>, %arg8: memref<24x125xi32, #tpu.memory_space<vmem>>, %arg9: memref<128x128xf32, #tpu.memory_space<vmem>>, %arg10: memref<128x128xf32, #tpu.memory_space<vmem>>, %arg11: memref<10240x128xf32, #tpu.memory_space<vmem_shared>>, %arg12: memref<!tpu.dma_semaphore, #tpu.memory_space<semaphore_mem>>, %arg13: memref<!tpu.dma_semaphore, #tpu.memory_space<semaphore_mem>>, %arg14: memref<!tpu.dma_semaphore, #tpu.memory_space<semaphore_mem>>, %arg15: memref<!tpu.dma_semaphore, #tpu.memory_space<semaphore_mem>>, %arg16: memref<!tpu.dma_semaphore, #tpu.memory_space<semaphore_mem>>) attributes {dimension_semantics = [#tpu.dimension_semantics<core_parallel>, #tpu.dimension_semantics<subcore_parallel>], iteration_bounds = array<i64: 2, 16>, scalar_prefetch = 0 : i64, scratch_operands = 10 : i64, tpu.core_type = #tpu.core_type<sc_vector_subcore>, window_params = [{transform_indices = #map}, {transform_indices = #map}, {transform_indices = #map}, {transform_indices = #map1}, {transform_indices = #map}]} {
    "tpu.region"() ({
      %run_scoped3A = tpu.sem_alloc : memref<!tpu.dma_semaphore, #tpu.memory_space<semaphore_mem>>
      tpu.enqueue_dma source(%arg5 : memref<128x128xf32, #tpu.memory_space<hbm>>) target(%arg9 : memref<128x128xf32, #tpu.memory_space<vmem>>) target_semaphore(%run_scoped3A : memref<!tpu.dma_semaphore, #tpu.memory_space<semaphore_mem>>)
      tpu.wait_dma2 semaphore(%run_scoped3A : memref<!tpu.dma_semaphore, #tpu.memory_space<semaphore_mem>>) src(%arg5 : memref<128x128xf32, #tpu.memory_space<hbm>>) dst(%arg9 : memref<128x128xf32, #tpu.memory_space<vmem>>)
      tpu.yield
    }) : () -> ()
    %scan3A = arith.constant 0 : i32
    %scan3A_0 = arith.constant 5 : i32
    %scan3A_1 = arith.addi %scan3A, %scan3A_0 : i32
    %scan3A_2 = arith.constant 1 : i32
    scf.for %scan3A_45 = %scan3A to %scan3A_1 step %scan3A_2  : i32 {
      %mul3A_46 = arith.constant 1 : i32
      %mul3A_47 = arith.muli %scan3A_45, %mul3A_46 : i32
      %add3A = arith.constant 0 : i32
      %add3A_48 = arith.addi %add3A, %mul3A_47 : i32
      %mul3A_49 = arith.constant 640 : i32
      %mul3A_50 = arith.muli %arg1, %mul3A_49 : i32
      %mul3A_51 = arith.constant 128 : i32
      %mul3A_52 = arith.muli %add3A_48, %mul3A_51 : i32
      %add3A_53 = arith.addi %mul3A_50, %mul3A_52 : i32
      "tpu.region"() ({
        %run_scoped3A = tpu.sem_alloc : memref<!tpu.dma_semaphore, #tpu.memory_space<semaphore_mem>>
        %dma_start3A_54 = arith.constant 0 : i32
        %dma_start3A_55 = tpu.memref_slice %arg11[%add3A_53, %dma_start3A_54] : memref<10240x128xf32, #tpu.memory_space<vmem_shared>> -> memref<128x128xf32, #tpu.memory_space<vmem_shared>>
        %dma_start3A_56 = arith.constant 0 : i32
        %dma_start3A_57 = tpu.memref_slice %arg11[%add3A_53, %dma_start3A_56] : memref<10240x128xf32, #tpu.memory_space<vmem_shared>> -> memref<128x128xf32, #tpu.memory_space<vmem_shared>>
        tpu.enqueue_dma source(%arg9 : memref<128x128xf32, #tpu.memory_space<vmem>>) target(%dma_start3A_57 : memref<128x128xf32, #tpu.memory_space<vmem_shared>>) target_semaphore(%run_scoped3A : memref<!tpu.dma_semaphore, #tpu.memory_space<semaphore_mem>>)
        %dma_wait3A_58 = arith.constant 0 : i32
        %dma_wait3A_59 = tpu.memref_slice %arg11[%add3A_53, %dma_wait3A_58] : memref<10240x128xf32, #tpu.memory_space<vmem_shared>> -> memref<128x128xf32, #tpu.memory_space<vmem_shared>>
        %dma_wait3A_60 = arith.constant 0 : i32
        %dma_wait3A_61 = tpu.memref_slice %arg11[%add3A_53, %dma_wait3A_60] : memref<10240x128xf32, #tpu.memory_space<vmem_shared>> -> memref<128x128xf32, #tpu.memory_space<vmem_shared>>
        tpu.wait_dma2 semaphore(%run_scoped3A : memref<!tpu.dma_semaphore, #tpu.memory_space<semaphore_mem>>) src(%arg9 : memref<128x128xf32, #tpu.memory_space<vmem>>) dst(%dma_wait3A_61 : memref<128x128xf32, #tpu.memory_space<vmem_shared>>)
        tpu.yield
      }) : () -> ()
    }
    %scan3A_3 = arith.constant 5 : i32
    %barrier3A = arith.constant 0 : index
    tpu.barrier barrier_id(%barrier3A)
    "tpu.region"() ({
      %run_scoped3A = tpu.sem_alloc : memref<!tpu.dma_semaphore, #tpu.memory_space<semaphore_mem>>
      %dma_start3A_45 = arith.constant 0 : i32
      %dma_start3A_46 = arith.constant 0 : i32
      %dma_start3A_47 = tpu.memref_slice %arg7[%dma_start3A_45, %dma_start3A_46] : memref<16x125xi32, #tpu.memory_space<vmem>> -> memref<8x125xi32, #tpu.memory_space<vmem>>
      %dma_start3A_48 = arith.constant 0 : i32
      %dma_start3A_49 = arith.constant 0 : i32
      %dma_start3A_50 = tpu.memref_slice %arg3[%arg1, %dma_start3A_48, %dma_start3A_49] : memref<16x160x125xi32, #tpu.memory_space<hbm>> -> memref<1x160x125xi32, #tpu.memory_space<hbm>>
      %dma_start3A_51 = tpu.memref_squeeze %dma_start3A_50 : memref<1x160x125xi32, #tpu.memory_space<hbm>> -> memref<160x125xi32, #tpu.memory_space<hbm>>
      %dma_start3A_52 = arith.constant 0 : i32
      %dma_start3A_53 = arith.constant 0 : i32
      %dma_start3A_54 = tpu.memref_slice %dma_start3A_51[%dma_start3A_52, %dma_start3A_53] : memref<160x125xi32, #tpu.memory_space<hbm>> -> memref<8x125xi32, #tpu.memory_space<hbm>>
      %dma_start3A_55 = arith.constant 0 : i32
      %dma_start3A_56 = arith.constant 0 : i32
      %dma_start3A_57 = tpu.memref_slice %arg7[%dma_start3A_55, %dma_start3A_56] : memref<16x125xi32, #tpu.memory_space<vmem>> -> memref<8x125xi32, #tpu.memory_space<vmem>>
      %dma_start3A_58 = arith.constant 0 : i32
      %dma_start3A_59 = arith.constant 0 : i32
      %dma_start3A_60 = tpu.memref_slice %arg3[%arg1, %dma_start3A_58, %dma_start3A_59] : memref<16x160x125xi32, #tpu.memory_space<hbm>> -> memref<1x160x125xi32, #tpu.memory_space<hbm>>
      %dma_start3A_61 = tpu.memref_squeeze %dma_start3A_60 : memref<1x160x125xi32, #tpu.memory_space<hbm>> -> memref<160x125xi32, #tpu.memory_space<hbm>>
      %dma_start3A_62 = arith.constant 0 : i32
      %dma_start3A_63 = arith.constant 0 : i32
      %dma_start3A_64 = tpu.memref_slice %dma_start3A_61[%dma_start3A_62, %dma_start3A_63] : memref<160x125xi32, #tpu.memory_space<hbm>> -> memref<8x125xi32, #tpu.memory_space<hbm>>
      tpu.enqueue_dma source(%dma_start3A_64 : memref<8x125xi32, #tpu.memory_space<hbm>>) target(%dma_start3A_57 : memref<8x125xi32, #tpu.memory_space<vmem>>) target_semaphore(%run_scoped3A : memref<!tpu.dma_semaphore, #tpu.memory_space<semaphore_mem>>)
      %dma_wait3A_65 = arith.constant 0 : i32
      %dma_wait3A_66 = arith.constant 0 : i32
      %dma_wait3A_67 = tpu.memref_slice %arg7[%dma_wait3A_65, %dma_wait3A_66] : memref<16x125xi32, #tpu.memory_space<vmem>> -> memref<8x125xi32, #tpu.memory_space<vmem>>
      %dma_wait3A_68 = arith.constant 0 : i32
      %dma_wait3A_69 = arith.constant 0 : i32
      %dma_wait3A_70 = tpu.memref_slice %arg3[%arg1, %dma_wait3A_68, %dma_wait3A_69] : memref<16x160x125xi32, #tpu.memory_space<hbm>> -> memref<1x160x125xi32, #tpu.memory_space<hbm>>
      %dma_wait3A_71 = tpu.memref_squeeze %dma_wait3A_70 : memref<1x160x125xi32, #tpu.memory_space<hbm>> -> memref<160x125xi32, #tpu.memory_space<hbm>>
      %dma_wait3A_72 = arith.constant 0 : i32
      %dma_wait3A_73 = arith.constant 0 : i32
      %dma_wait3A_74 = tpu.memref_slice %dma_wait3A_71[%dma_wait3A_72, %dma_wait3A_73] : memref<160x125xi32, #tpu.memory_space<hbm>> -> memref<8x125xi32, #tpu.memory_space<hbm>>
      %dma_wait3A_75 = arith.constant 0 : i32
      %dma_wait3A_76 = arith.constant 0 : i32
      %dma_wait3A_77 = tpu.memref_slice %arg7[%dma_wait3A_75, %dma_wait3A_76] : memref<16x125xi32, #tpu.memory_space<vmem>> -> memref<8x125xi32, #tpu.memory_space<vmem>>
      %dma_wait3A_78 = arith.constant 0 : i32
      %dma_wait3A_79 = arith.constant 0 : i32
      %dma_wait3A_80 = tpu.memref_slice %arg3[%arg1, %dma_wait3A_78, %dma_wait3A_79] : memref<16x160x125xi32, #tpu.memory_space<hbm>> -> memref<1x160x125xi32, #tpu.memory_space<hbm>>
      %dma_wait3A_81 = tpu.memref_squeeze %dma_wait3A_80 : memref<1x160x125xi32, #tpu.memory_space<hbm>> -> memref<160x125xi32, #tpu.memory_space<hbm>>
      %dma_wait3A_82 = arith.constant 0 : i32
      %dma_wait3A_83 = arith.constant 0 : i32
      %dma_wait3A_84 = tpu.memref_slice %dma_wait3A_81[%dma_wait3A_82, %dma_wait3A_83] : memref<160x125xi32, #tpu.memory_space<hbm>> -> memref<8x125xi32, #tpu.memory_space<hbm>>
      tpu.wait_dma2 semaphore(%run_scoped3A : memref<!tpu.dma_semaphore, #tpu.memory_space<semaphore_mem>>) src(%dma_wait3A_84 : memref<8x125xi32, #tpu.memory_space<hbm>>) dst(%dma_wait3A_77 : memref<8x125xi32, #tpu.memory_space<vmem>>)
      tpu.yield
    }) : () -> ()
    "tpu.region"() ({
      %run_scoped3A = tpu.sem_alloc : memref<!tpu.dma_semaphore, #tpu.memory_space<semaphore_mem>>
      %dma_start3A_45 = arith.constant 0 : i32
      %dma_start3A_46 = arith.constant 0 : i32
      %dma_start3A_47 = tpu.memref_slice %arg8[%dma_start3A_45, %dma_start3A_46] : memref<24x125xi32, #tpu.memory_space<vmem>> -> memref<8x125xi32, #tpu.memory_space<vmem>>
      %dma_start3A_48 = arith.constant 0 : i32
      %dma_start3A_49 = arith.constant 0 : i32
      %dma_start3A_50 = tpu.memref_slice %arg4[%arg1, %dma_start3A_48, %dma_start3A_49] : memref<16x160x125xi32, #tpu.memory_space<hbm>> -> memref<1x160x125xi32, #tpu.memory_space<hbm>>
      %dma_start3A_51 = tpu.memref_squeeze %dma_start3A_50 : memref<1x160x125xi32, #tpu.memory_space<hbm>> -> memref<160x125xi32, #tpu.memory_space<hbm>>
      %dma_start3A_52 = arith.constant 0 : i32
      %dma_start3A_53 = arith.constant 0 : i32
      %dma_start3A_54 = tpu.memref_slice %dma_start3A_51[%dma_start3A_52, %dma_start3A_53] : memref<160x125xi32, #tpu.memory_space<hbm>> -> memref<8x125xi32, #tpu.memory_space<hbm>>
      %dma_start3A_55 = arith.constant 0 : i32
      %dma_start3A_56 = arith.constant 0 : i32
      %dma_start3A_57 = tpu.memref_slice %arg8[%dma_start3A_55, %dma_start3A_56] : memref<24x125xi32, #tpu.memory_space<vmem>> -> memref<8x125xi32, #tpu.memory_space<vmem>>
      %dma_start3A_58 = arith.constant 0 : i32
      %dma_start3A_59 = arith.constant 0 : i32
      %dma_start3A_60 = tpu.memref_slice %arg4[%arg1, %dma_start3A_58, %dma_start3A_59] : memref<16x160x125xi32, #tpu.memory_space<hbm>> -> memref<1x160x125xi32, #tpu.memory_space<hbm>>
      %dma_start3A_61 = tpu.memref_squeeze %dma_start3A_60 : memref<1x160x125xi32, #tpu.memory_space<hbm>> -> memref<160x125xi32, #tpu.memory_space<hbm>>
      %dma_start3A_62 = arith.constant 0 : i32
      %dma_start3A_63 = arith.constant 0 : i32
      %dma_start3A_64 = tpu.memref_slice %dma_start3A_61[%dma_start3A_62, %dma_start3A_63] : memref<160x125xi32, #tpu.memory_space<hbm>> -> memref<8x125xi32, #tpu.memory_space<hbm>>
      tpu.enqueue_dma source(%dma_start3A_64 : memref<8x125xi32, #tpu.memory_space<hbm>>) target(%dma_start3A_57 : memref<8x125xi32, #tpu.memory_space<vmem>>) target_semaphore(%run_scoped3A : memref<!tpu.dma_semaphore, #tpu.memory_space<semaphore_mem>>)
      %dma_wait3A_65 = arith.constant 0 : i32
      %dma_wait3A_66 = arith.constant 0 : i32
      %dma_wait3A_67 = tpu.memref_slice %arg8[%dma_wait3A_65, %dma_wait3A_66] : memref<24x125xi32, #tpu.memory_space<vmem>> -> memref<8x125xi32, #tpu.memory_space<vmem>>
      %dma_wait3A_68 = arith.constant 0 : i32
      %dma_wait3A_69 = arith.constant 0 : i32
      %dma_wait3A_70 = tpu.memref_slice %arg4[%arg1, %dma_wait3A_68, %dma_wait3A_69] : memref<16x160x125xi32, #tpu.memory_space<hbm>> -> memref<1x160x125xi32, #tpu.memory_space<hbm>>
      %dma_wait3A_71 = tpu.memref_squeeze %dma_wait3A_70 : memref<1x160x125xi32, #tpu.memory_space<hbm>> -> memref<160x125xi32, #tpu.memory_space<hbm>>
      %dma_wait3A_72 = arith.constant 0 : i32
      %dma_wait3A_73 = arith.constant 0 : i32
      %dma_wait3A_74 = tpu.memref_slice %dma_wait3A_71[%dma_wait3A_72, %dma_wait3A_73] : memref<160x125xi32, #tpu.memory_space<hbm>> -> memref<8x125xi32, #tpu.memory_space<hbm>>
      %dma_wait3A_75 = arith.constant 0 : i32
      %dma_wait3A_76 = arith.constant 0 : i32
      %dma_wait3A_77 = tpu.memref_slice %arg8[%dma_wait3A_75, %dma_wait3A_76] : memref<24x125xi32, #tpu.memory_space<vmem>> -> memref<8x125xi32, #tpu.memory_space<vmem>>
      %dma_wait3A_78 = arith.constant 0 : i32
      %dma_wait3A_79 = arith.constant 0 : i32
      %dma_wait3A_80 = tpu.memref_slice %arg4[%arg1, %dma_wait3A_78, %dma_wait3A_79] : memref<16x160x125xi32, #tpu.memory_space<hbm>> -> memref<1x160x125xi32, #tpu.memory_space<hbm>>
      %dma_wait3A_81 = tpu.memref_squeeze %dma_wait3A_80 : memref<1x160x125xi32, #tpu.memory_space<hbm>> -> memref<160x125xi32, #tpu.memory_space<hbm>>
      %dma_wait3A_82 = arith.constant 0 : i32
      %dma_wait3A_83 = arith.constant 0 : i32
      %dma_wait3A_84 = tpu.memref_slice %dma_wait3A_81[%dma_wait3A_82, %dma_wait3A_83] : memref<160x125xi32, #tpu.memory_space<hbm>> -> memref<8x125xi32, #tpu.memory_space<hbm>>
      tpu.wait_dma2 semaphore(%run_scoped3A : memref<!tpu.dma_semaphore, #tpu.memory_space<semaphore_mem>>) src(%dma_wait3A_84 : memref<8x125xi32, #tpu.memory_space<hbm>>) dst(%dma_wait3A_77 : memref<8x125xi32, #tpu.memory_space<vmem>>)
      tpu.yield
    }) : () -> ()
    %dma_start3A = arith.constant 0 : i32
    %dma_start3A_4 = arith.constant 0 : i32
    %dma_start3A_5 = arith.constant 0 : i32
    %dma_start3A_6 = tpu.memref_slice %arg9[%dma_start3A_4, %dma_start3A_5] : memref<128x128xf32, #tpu.memory_space<vmem>> -> memref<125x128xf32, #tpu.memory_space<vmem>>
    %dma_start3A_7 = arith.constant 0 : i32
    %dma_start3A_8 = tpu.memref_slice %arg7[%dma_start3A, %dma_start3A_7] : memref<16x125xi32, #tpu.memory_space<vmem>> -> memref<1x125xi32, #tpu.memory_space<vmem>>
    %dma_start3A_9 = tpu.memref_squeeze %dma_start3A_8 : memref<1x125xi32, #tpu.memory_space<vmem>> -> memref<125xi32, #tpu.memory_space<vmem>>
    %dma_start3A_10 = arith.constant 0 : i32
    %dma_start3A_11 = arith.constant 0 : i32
    %dma_start3A_12 = tpu.memref_slice %arg2[%arg0, %dma_start3A_10, %dma_start3A_11] : memref<2x10000x128xf32, #tpu.memory_space<hbm>> -> memref<1x10000x128xf32, #tpu.memory_space<hbm>>
    %dma_start3A_13 = tpu.memref_squeeze %dma_start3A_12 : memref<1x10000x128xf32, #tpu.memory_space<hbm>> -> memref<10000x128xf32, #tpu.memory_space<hbm>>
    %dma_start3A_14 = arith.constant 0 : i32
    %dma_start3A_15 = arith.constant 0 : i32
    %dma_start3A_16 = tpu.memref_slice %dma_start3A_13[%dma_start3A_14, %dma_start3A_15] : memref<10000x128xf32, #tpu.memory_space<hbm>> -> memref<10000x128xf32, #tpu.memory_space<hbm>>
    tpu.enqueue_indirect_dma source(%dma_start3A_16 : memref<10000x128xf32, #tpu.memory_space<hbm>>) target(%dma_start3A_6 : memref<125x128xf32, #tpu.memory_space<vmem>>) offsets(%dma_start3A_9 : memref<125xi32, #tpu.memory_space<vmem>>) semaphore(%arg12 : memref<!tpu.dma_semaphore, #tpu.memory_space<semaphore_mem>>)
    %scan3A_17 = arith.constant 0 : i32
    %scan3A_18 = arith.constant 20 : i32
    %scan3A_19 = arith.addi %scan3A_17, %scan3A_18 : i32
    %scan3A_20 = arith.constant 1 : i32
    scf.for %scan3A_45 = %scan3A_17 to %scan3A_19 step %scan3A_20  : i32 {
      %mul3A_46 = arith.constant 1 : i32
      %mul3A_47 = arith.muli %scan3A_45, %mul3A_46 : i32
      %add3A = arith.constant 0 : i32
      %add3A_48 = arith.addi %add3A, %mul3A_47 : i32
      %rem3A = arith.constant 2 : i32
      %rem3A_49 = arith.remsi %add3A_48, %rem3A : i32
      %mul3A_50 = arith.constant 8 : i32
      %mul3A_51 = arith.muli %rem3A_49, %mul3A_50 : i32
      %rem3A_52 = arith.constant 3 : i32
      %rem3A_53 = arith.remsi %add3A_48, %rem3A_52 : i32
      %mul3A_54 = arith.constant 8 : i32
      %mul3A_55 = arith.muli %rem3A_53, %mul3A_54 : i32
      %add3A_56 = arith.constant 1 : i32
      %add3A_57 = arith.addi %add3A_48, %add3A_56 : i32
      %lt3A = arith.constant 20 : i32
      %lt3A_58 = arith.cmpi slt, %add3A_57, %lt3A : i32
      %convert_element_type3A = arith.extui %lt3A_58 : i1 to i32
      %cond3A = arith.constant 0 : i32
      %cond3A_59 = arith.cmpi ne, %convert_element_type3A, %cond3A : i32
      scf.if %cond3A_59 {
        %add3A_443 = arith.constant 1 : i32
        %add3A_444 = arith.addi %add3A_48, %add3A_443 : i32
        %rem3A_445 = arith.constant 2 : i32
        %rem3A_446 = arith.remsi %add3A_444, %rem3A_445 : i32
        %mul3A_447 = arith.constant 8 : i32
        %mul3A_448 = arith.muli %rem3A_446, %mul3A_447 : i32
        %add3A_449 = arith.constant 1 : i32
        %add3A_450 = arith.addi %add3A_48, %add3A_449 : i32
        %rem3A_451 = arith.constant 3 : i32
        %rem3A_452 = arith.remsi %add3A_450, %rem3A_451 : i32
        %mul3A_453 = arith.constant 8 : i32
        %mul3A_454 = arith.muli %rem3A_452, %mul3A_453 : i32
        %add3A_455 = arith.constant 1 : i32
        %add3A_456 = arith.addi %add3A_48, %add3A_455 : i32
        %mul3A_457 = arith.constant 8 : i32
        %mul3A_458 = arith.muli %add3A_456, %mul3A_457 : i32
        %dma_start3A_459 = arith.constant 0 : i32
        %dma_start3A_460 = tpu.memref_slice %arg7[%mul3A_448, %dma_start3A_459] : memref<16x125xi32, #tpu.memory_space<vmem>> -> memref<8x125xi32, #tpu.memory_space<vmem>>
        %dma_start3A_461 = arith.constant 0 : i32
        %dma_start3A_462 = arith.constant 0 : i32
        %dma_start3A_463 = tpu.memref_slice %arg3[%arg1, %dma_start3A_461, %dma_start3A_462] : memref<16x160x125xi32, #tpu.memory_space<hbm>> -> memref<1x160x125xi32, #tpu.memory_space<hbm>>
        %dma_start3A_464 = tpu.memref_squeeze %dma_start3A_463 : memref<1x160x125xi32, #tpu.memory_space<hbm>> -> memref<160x125xi32, #tpu.memory_space<hbm>>
        %dma_start3A_465 = arith.constant 0 : i32
        %dma_start3A_466 = tpu.memref_slice %dma_start3A_464[%mul3A_458, %dma_start3A_465] : memref<160x125xi32, #tpu.memory_space<hbm>> -> memref<8x125xi32, #tpu.memory_space<hbm>>
        %dma_start3A_467 = arith.constant 0 : i32
        %dma_start3A_468 = tpu.memref_slice %arg7[%mul3A_448, %dma_start3A_467] : memref<16x125xi32, #tpu.memory_space<vmem>> -> memref<8x125xi32, #tpu.memory_space<vmem>>
        %dma_start3A_469 = arith.constant 0 : i32
        %dma_start3A_470 = arith.constant 0 : i32
        %dma_start3A_471 = tpu.memref_slice %arg3[%arg1, %dma_start3A_469, %dma_start3A_470] : memref<16x160x125xi32, #tpu.memory_space<hbm>> -> memref<1x160x125xi32, #tpu.memory_space<hbm>>
        %dma_start3A_472 = tpu.memref_squeeze %dma_start3A_471 : memref<1x160x125xi32, #tpu.memory_space<hbm>> -> memref<160x125xi32, #tpu.memory_space<hbm>>
        %dma_start3A_473 = arith.constant 0 : i32
        %dma_start3A_474 = tpu.memref_slice %dma_start3A_472[%mul3A_458, %dma_start3A_473] : memref<160x125xi32, #tpu.memory_space<hbm>> -> memref<8x125xi32, #tpu.memory_space<hbm>>
        tpu.enqueue_dma source(%dma_start3A_474 : memref<8x125xi32, #tpu.memory_space<hbm>>) target(%dma_start3A_468 : memref<8x125xi32, #tpu.memory_space<vmem>>) target_semaphore(%arg16 : memref<!tpu.dma_semaphore, #tpu.memory_space<semaphore_mem>>)
        %add3A_475 = arith.constant 1 : i32
        %add3A_476 = arith.addi %add3A_48, %add3A_475 : i32
        %mul3A_477 = arith.constant 8 : i32
        %mul3A_478 = arith.muli %add3A_476, %mul3A_477 : i32
        %dma_start3A_479 = arith.constant 0 : i32
        %dma_start3A_480 = tpu.memref_slice %arg8[%mul3A_454, %dma_start3A_479] : memref<24x125xi32, #tpu.memory_space<vmem>> -> memref<8x125xi32, #tpu.memory_space<vmem>>
        %dma_start3A_481 = arith.constant 0 : i32
        %dma_start3A_482 = arith.constant 0 : i32
        %dma_start3A_483 = tpu.memref_slice %arg4[%arg1, %dma_start3A_481, %dma_start3A_482] : memref<16x160x125xi32, #tpu.memory_space<hbm>> -> memref<1x160x125xi32, #tpu.memory_space<hbm>>
        %dma_start3A_484 = tpu.memref_squeeze %dma_start3A_483 : memref<1x160x125xi32, #tpu.memory_space<hbm>> -> memref<160x125xi32, #tpu.memory_space<hbm>>
        %dma_start3A_485 = arith.constant 0 : i32
        %dma_start3A_486 = tpu.memref_slice %dma_start3A_484[%mul3A_478, %dma_start3A_485] : memref<160x125xi32, #tpu.memory_space<hbm>> -> memref<8x125xi32, #tpu.memory_space<hbm>>
        %dma_start3A_487 = arith.constant 0 : i32
        %dma_start3A_488 = tpu.memref_slice %arg8[%mul3A_454, %dma_start3A_487] : memref<24x125xi32, #tpu.memory_space<vmem>> -> memref<8x125xi32, #tpu.memory_space<vmem>>
        %dma_start3A_489 = arith.constant 0 : i32
        %dma_start3A_490 = arith.constant 0 : i32
        %dma_start3A_491 = tpu.memref_slice %arg4[%arg1, %dma_start3A_489, %dma_start3A_490] : memref<16x160x125xi32, #tpu.memory_space<hbm>> -> memref<1x160x125xi32, #tpu.memory_space<hbm>>
        %dma_start3A_492 = tpu.memref_squeeze %dma_start3A_491 : memref<1x160x125xi32, #tpu.memory_space<hbm>> -> memref<160x125xi32, #tpu.memory_space<hbm>>
        %dma_start3A_493 = arith.constant 0 : i32
        %dma_start3A_494 = tpu.memref_slice %dma_start3A_492[%mul3A_478, %dma_start3A_493] : memref<160x125xi32, #tpu.memory_space<hbm>> -> memref<8x125xi32, #tpu.memory_space<hbm>>
        tpu.enqueue_dma source(%dma_start3A_494 : memref<8x125xi32, #tpu.memory_space<hbm>>) target(%dma_start3A_488 : memref<8x125xi32, #tpu.memory_space<vmem>>) target_semaphore(%arg16 : memref<!tpu.dma_semaphore, #tpu.memory_space<semaphore_mem>>)
      } else {
      }
      %gt3A = arith.constant 0 : i32
      %gt3A_60 = arith.cmpi sgt, %add3A_48, %gt3A : i32
      %convert_element_type3A_61 = arith.extui %gt3A_60 : i1 to i32
      %cond3A_62 = arith.constant 0 : i32
      %cond3A_63 = arith.cmpi ne, %convert_element_type3A_61, %cond3A_62 : i32
      scf.if %cond3A_63 {
        %dma_wait3A_443 = arith.constant 0 : i32
        %dma_wait3A_444 = arith.constant 0 : i32
        %dma_wait3A_445 = arith.constant 0 : i32
        %dma_wait3A_446 = tpu.memref_slice %arg10[%dma_wait3A_444, %dma_wait3A_445] : memref<128x128xf32, #tpu.memory_space<vmem>> -> memref<125x128xf32, #tpu.memory_space<vmem>>
        %dma_wait3A_447 = arith.constant 0 : i32
        %dma_wait3A_448 = tpu.memref_slice %arg8[%dma_wait3A_443, %dma_wait3A_447] : memref<24x125xi32, #tpu.memory_space<vmem>> -> memref<1x125xi32, #tpu.memory_space<vmem>>
        %dma_wait3A_449 = tpu.memref_squeeze %dma_wait3A_448 : memref<1x125xi32, #tpu.memory_space<vmem>> -> memref<125xi32, #tpu.memory_space<vmem>>
        %dma_wait3A_450 = arith.constant 0 : i32
        %dma_wait3A_451 = arith.constant 0 : i32
        %dma_wait3A_452 = tpu.memref_slice %arg11[%dma_wait3A_450, %dma_wait3A_451] : memref<10240x128xf32, #tpu.memory_space<vmem_shared>> -> memref<10240x128xf32, #tpu.memory_space<vmem_shared>>
        tpu.wait_indirect_dma semaphore(%arg15 : memref<!tpu.dma_semaphore, #tpu.memory_space<semaphore_mem>>) src(%dma_wait3A_446 : memref<125x128xf32, #tpu.memory_space<vmem>>) dst(%dma_wait3A_452 : memref<10240x128xf32, #tpu.memory_space<vmem_shared>>)
      } else {
      }
      %dma_start3A_64 = arith.constant 1 : i32
      %dma_start3A_65 = arith.constant 0 : i32
      %dma_start3A_66 = arith.constant 0 : i32
      %dma_start3A_67 = tpu.memref_slice %arg10[%dma_start3A_65, %dma_start3A_66] : memref<128x128xf32, #tpu.memory_space<vmem>> -> memref<125x128xf32, #tpu.memory_space<vmem>>
      %dma_start3A_68 = arith.constant 0 : i32
      %dma_start3A_69 = tpu.memref_slice %arg7[%mul3A_51, %dma_start3A_68] : memref<16x125xi32, #tpu.memory_space<vmem>> -> memref<8x125xi32, #tpu.memory_space<vmem>>
      %dma_start3A_70 = arith.constant 0 : i32
      %dma_start3A_71 = tpu.memref_slice %dma_start3A_69[%dma_start3A_64, %dma_start3A_70] : memref<8x125xi32, #tpu.memory_space<vmem>> -> memref<1x125xi32, #tpu.memory_space<vmem>>
      %dma_start3A_72 = tpu.memref_squeeze %dma_start3A_71 : memref<1x125xi32, #tpu.memory_space<vmem>> -> memref<125xi32, #tpu.memory_space<vmem>>
      %dma_start3A_73 = arith.constant 0 : i32
      %dma_start3A_74 = arith.constant 0 : i32
      %dma_start3A_75 = tpu.memref_slice %arg2[%arg0, %dma_start3A_73, %dma_start3A_74] : memref<2x10000x128xf32, #tpu.memory_space<hbm>> -> memref<1x10000x128xf32, #tpu.memory_space<hbm>>
      %dma_start3A_76 = tpu.memref_squeeze %dma_start3A_75 : memref<1x10000x128xf32, #tpu.memory_space<hbm>> -> memref<10000x128xf32, #tpu.memory_space<hbm>>
      %dma_start3A_77 = arith.constant 0 : i32
      %dma_start3A_78 = arith.constant 0 : i32
      %dma_start3A_79 = tpu.memref_slice %dma_start3A_76[%dma_start3A_77, %dma_start3A_78] : memref<10000x128xf32, #tpu.memory_space<hbm>> -> memref<10000x128xf32, #tpu.memory_space<hbm>>
      tpu.enqueue_indirect_dma source(%dma_start3A_79 : memref<10000x128xf32, #tpu.memory_space<hbm>>) target(%dma_start3A_67 : memref<125x128xf32, #tpu.memory_space<vmem>>) offsets(%dma_start3A_72 : memref<125xi32, #tpu.memory_space<vmem>>) semaphore(%arg13 : memref<!tpu.dma_semaphore, #tpu.memory_space<semaphore_mem>>)
      %dma_wait3A_80 = arith.constant 0 : i32
      %dma_wait3A_81 = arith.constant 0 : i32
      %dma_wait3A_82 = arith.constant 0 : i32
      %dma_wait3A_83 = tpu.memref_slice %arg9[%dma_wait3A_81, %dma_wait3A_82] : memref<128x128xf32, #tpu.memory_space<vmem>> -> memref<125x128xf32, #tpu.memory_space<vmem>>
      %dma_wait3A_84 = arith.constant 0 : i32
      %dma_wait3A_85 = tpu.memref_slice %arg7[%dma_wait3A_80, %dma_wait3A_84] : memref<16x125xi32, #tpu.memory_space<vmem>> -> memref<1x125xi32, #tpu.memory_space<vmem>>
      %dma_wait3A_86 = tpu.memref_squeeze %dma_wait3A_85 : memref<1x125xi32, #tpu.memory_space<vmem>> -> memref<125xi32, #tpu.memory_space<vmem>>
      %dma_wait3A_87 = arith.constant 0 : i32
      %dma_wait3A_88 = arith.constant 0 : i32
      %dma_wait3A_89 = tpu.memref_slice %arg2[%arg0, %dma_wait3A_87, %dma_wait3A_88] : memref<2x10000x128xf32, #tpu.memory_space<hbm>> -> memref<1x10000x128xf32, #tpu.memory_space<hbm>>
      %dma_wait3A_90 = tpu.memref_squeeze %dma_wait3A_89 : memref<1x10000x128xf32, #tpu.memory_space<hbm>> -> memref<10000x128xf32, #tpu.memory_space<hbm>>
      %dma_wait3A_91 = arith.constant 0 : i32
      %dma_wait3A_92 = arith.constant 0 : i32
      %dma_wait3A_93 = tpu.memref_slice %dma_wait3A_90[%dma_wait3A_91, %dma_wait3A_92] : memref<10000x128xf32, #tpu.memory_space<hbm>> -> memref<10000x128xf32, #tpu.memory_space<hbm>>
      tpu.wait_indirect_dma semaphore(%arg12 : memref<!tpu.dma_semaphore, #tpu.memory_space<semaphore_mem>>) src(%dma_wait3A_93 : memref<10000x128xf32, #tpu.memory_space<hbm>>) dst(%dma_wait3A_83 : memref<125x128xf32, #tpu.memory_space<vmem>>)
      %add3A_94 = arith.constant 0 : i32
      %add3A_95 = arith.addi %mul3A_55, %add3A_94 : i32
      %dma_start3A_96 = arith.constant 0 : i32
      %dma_start3A_97 = arith.constant 0 : i32
      %dma_start3A_98 = tpu.memref_slice %arg9[%dma_start3A_96, %dma_start3A_97] : memref<128x128xf32, #tpu.memory_space<vmem>> -> memref<125x128xf32, #tpu.memory_space<vmem>>
      %dma_start3A_99 = arith.constant 0 : i32
      %dma_start3A_100 = tpu.memref_slice %arg8[%add3A_95, %dma_start3A_99] : memref<24x125xi32, #tpu.memory_space<vmem>> -> memref<1x125xi32, #tpu.memory_space<vmem>>
      %dma_start3A_101 = tpu.memref_squeeze %dma_start3A_100 : memref<1x125xi32, #tpu.memory_space<vmem>> -> memref<125xi32, #tpu.memory_space<vmem>>
      %dma_start3A_102 = arith.constant 0 : i32
      %dma_start3A_103 = arith.constant 0 : i32
      %dma_start3A_104 = tpu.memref_slice %arg11[%dma_start3A_102, %dma_start3A_103] : memref<10240x128xf32, #tpu.memory_space<vmem_shared>> -> memref<10240x128xf32, #tpu.memory_space<vmem_shared>>
      tpu.enqueue_indirect_dma source(%dma_start3A_98 : memref<125x128xf32, #tpu.memory_space<vmem>>) target(%dma_start3A_104 : memref<10240x128xf32, #tpu.memory_space<vmem_shared>>) offsets(%dma_start3A_101 : memref<125xi32, #tpu.memory_space<vmem>>) semaphore(%arg14 : memref<!tpu.dma_semaphore, #tpu.memory_space<semaphore_mem>>) {add = true}
      %dma_wait3A_105 = arith.constant 0 : i32
      %dma_wait3A_106 = arith.constant 0 : i32
      %dma_wait3A_107 = arith.constant 0 : i32
      %dma_wait3A_108 = tpu.memref_slice %arg9[%dma_wait3A_106, %dma_wait3A_107] : memref<128x128xf32, #tpu.memory_space<vmem>> -> memref<125x128xf32, #tpu.memory_space<vmem>>
      %dma_wait3A_109 = arith.constant 0 : i32
      %dma_wait3A_110 = tpu.memref_slice %arg8[%dma_wait3A_105, %dma_wait3A_109] : memref<24x125xi32, #tpu.memory_space<vmem>> -> memref<1x125xi32, #tpu.memory_space<vmem>>
      %dma_wait3A_111 = tpu.memref_squeeze %dma_wait3A_110 : memref<1x125xi32, #tpu.memory_space<vmem>> -> memref<125xi32, #tpu.memory_space<vmem>>
      %dma_wait3A_112 = arith.constant 0 : i32
      %dma_wait3A_113 = arith.constant 0 : i32
      %dma_wait3A_114 = tpu.memref_slice %arg11[%dma_wait3A_112, %dma_wait3A_113] : memref<10240x128xf32, #tpu.memory_space<vmem_shared>> -> memref<10240x128xf32, #tpu.memory_space<vmem_shared>>
      tpu.wait_indirect_dma semaphore(%arg14 : memref<!tpu.dma_semaphore, #tpu.memory_space<semaphore_mem>>) src(%dma_wait3A_108 : memref<125x128xf32, #tpu.memory_space<vmem>>) dst(%dma_wait3A_114 : memref<10240x128xf32, #tpu.memory_space<vmem_shared>>)
      %dma_start3A_115 = arith.constant 2 : i32
      %dma_start3A_116 = arith.constant 0 : i32
      %dma_start3A_117 = arith.constant 0 : i32
      %dma_start3A_118 = tpu.memref_slice %arg9[%dma_start3A_116, %dma_start3A_117] : memref<128x128xf32, #tpu.memory_space<vmem>> -> memref<125x128xf32, #tpu.memory_space<vmem>>
      %dma_start3A_119 = arith.constant 0 : i32
      %dma_start3A_120 = tpu.memref_slice %arg7[%mul3A_51, %dma_start3A_119] : memref<16x125xi32, #tpu.memory_space<vmem>> -> memref<8x125xi32, #tpu.memory_space<vmem>>
      %dma_start3A_121 = arith.constant 0 : i32
      %dma_start3A_122 = tpu.memref_slice %dma_start3A_120[%dma_start3A_115, %dma_start3A_121] : memref<8x125xi32, #tpu.memory_space<vmem>> -> memref<1x125xi32, #tpu.memory_space<vmem>>
      %dma_start3A_123 = tpu.memref_squeeze %dma_start3A_122 : memref<1x125xi32, #tpu.memory_space<vmem>> -> memref<125xi32, #tpu.memory_space<vmem>>
      %dma_start3A_124 = arith.constant 0 : i32
      %dma_start3A_125 = arith.constant 0 : i32
      %dma_start3A_126 = tpu.memref_slice %arg2[%arg0, %dma_start3A_124, %dma_start3A_125] : memref<2x10000x128xf32, #tpu.memory_space<hbm>> -> memref<1x10000x128xf32, #tpu.memory_space<hbm>>
      %dma_start3A_127 = tpu.memref_squeeze %dma_start3A_126 : memref<1x10000x128xf32, #tpu.memory_space<hbm>> -> memref<10000x128xf32, #tpu.memory_space<hbm>>
      %dma_start3A_128 = arith.constant 0 : i32
      %dma_start3A_129 = arith.constant 0 : i32
      %dma_start3A_130 = tpu.memref_slice %dma_start3A_127[%dma_start3A_128, %dma_start3A_129] : memref<10000x128xf32, #tpu.memory_space<hbm>> -> memref<10000x128xf32, #tpu.memory_space<hbm>>
      tpu.enqueue_indirect_dma source(%dma_start3A_130 : memref<10000x128xf32, #tpu.memory_space<hbm>>) target(%dma_start3A_118 : memref<125x128xf32, #tpu.memory_space<vmem>>) offsets(%dma_start3A_123 : memref<125xi32, #tpu.memory_space<vmem>>) semaphore(%arg12 : memref<!tpu.dma_semaphore, #tpu.memory_space<semaphore_mem>>)
      %dma_wait3A_131 = arith.constant 0 : i32
      %dma_wait3A_132 = arith.constant 0 : i32
      %dma_wait3A_133 = arith.constant 0 : i32
      %dma_wait3A_134 = tpu.memref_slice %arg10[%dma_wait3A_132, %dma_wait3A_133] : memref<128x128xf32, #tpu.memory_space<vmem>> -> memref<125x128xf32, #tpu.memory_space<vmem>>
      %dma_wait3A_135 = arith.constant 0 : i32
      %dma_wait3A_136 = tpu.memref_slice %arg7[%dma_wait3A_131, %dma_wait3A_135] : memref<16x125xi32, #tpu.memory_space<vmem>> -> memref<1x125xi32, #tpu.memory_space<vmem>>
      %dma_wait3A_137 = tpu.memref_squeeze %dma_wait3A_136 : memref<1x125xi32, #tpu.memory_space<vmem>> -> memref<125xi32, #tpu.memory_space<vmem>>
      %dma_wait3A_138 = arith.constant 0 : i32
      %dma_wait3A_139 = arith.constant 0 : i32
      %dma_wait3A_140 = tpu.memref_slice %arg2[%arg0, %dma_wait3A_138, %dma_wait3A_139] : memref<2x10000x128xf32, #tpu.memory_space<hbm>> -> memref<1x10000x128xf32, #tpu.memory_space<hbm>>
      %dma_wait3A_141 = tpu.memref_squeeze %dma_wait3A_140 : memref<1x10000x128xf32, #tpu.memory_space<hbm>> -> memref<10000x128xf32, #tpu.memory_space<hbm>>
      %dma_wait3A_142 = arith.constant 0 : i32
      %dma_wait3A_143 = arith.constant 0 : i32
      %dma_wait3A_144 = tpu.memref_slice %dma_wait3A_141[%dma_wait3A_142, %dma_wait3A_143] : memref<10000x128xf32, #tpu.memory_space<hbm>> -> memref<10000x128xf32, #tpu.memory_space<hbm>>
      tpu.wait_indirect_dma semaphore(%arg13 : memref<!tpu.dma_semaphore, #tpu.memory_space<semaphore_mem>>) src(%dma_wait3A_144 : memref<10000x128xf32, #tpu.memory_space<hbm>>) dst(%dma_wait3A_134 : memref<125x128xf32, #tpu.memory_space<vmem>>)
      %add3A_145 = arith.constant 1 : i32
      %add3A_146 = arith.addi %mul3A_55, %add3A_145 : i32
      %dma_start3A_147 = arith.constant 0 : i32
      %dma_start3A_148 = arith.constant 0 : i32
      %dma_start3A_149 = tpu.memref_slice %arg10[%dma_start3A_147, %dma_start3A_148] : memref<128x128xf32, #tpu.memory_space<vmem>> -> memref<125x128xf32, #tpu.memory_space<vmem>>
      %dma_start3A_150 = arith.constant 0 : i32
      %dma_start3A_151 = tpu.memref_slice %arg8[%add3A_146, %dma_start3A_150] : memref<24x125xi32, #tpu.memory_space<vmem>> -> memref<1x125xi32, #tpu.memory_space<vmem>>
      %dma_start3A_152 = tpu.memref_squeeze %dma_start3A_151 : memref<1x125xi32, #tpu.memory_space<vmem>> -> memref<125xi32, #tpu.memory_space<vmem>>
      %dma_start3A_153 = arith.constant 0 : i32
      %dma_start3A_154 = arith.constant 0 : i32
      %dma_start3A_155 = tpu.memref_slice %arg11[%dma_start3A_153, %dma_start3A_154] : memref<10240x128xf32, #tpu.memory_space<vmem_shared>> -> memref<10240x128xf32, #tpu.memory_space<vmem_shared>>
      tpu.enqueue_indirect_dma source(%dma_start3A_149 : memref<125x128xf32, #tpu.memory_space<vmem>>) target(%dma_start3A_155 : memref<10240x128xf32, #tpu.memory_space<vmem_shared>>) offsets(%dma_start3A_152 : memref<125xi32, #tpu.memory_space<vmem>>) semaphore(%arg15 : memref<!tpu.dma_semaphore, #tpu.memory_space<semaphore_mem>>) {add = true}
      %dma_wait3A_156 = arith.constant 0 : i32
      %dma_wait3A_157 = arith.constant 0 : i32
      %dma_wait3A_158 = arith.constant 0 : i32
      %dma_wait3A_159 = tpu.memref_slice %arg10[%dma_wait3A_157, %dma_wait3A_158] : memref<128x128xf32, #tpu.memory_space<vmem>> -> memref<125x128xf32, #tpu.memory_space<vmem>>
      %dma_wait3A_160 = arith.constant 0 : i32
      %dma_wait3A_161 = tpu.memref_slice %arg8[%dma_wait3A_156, %dma_wait3A_160] : memref<24x125xi32, #tpu.memory_space<vmem>> -> memref<1x125xi32, #tpu.memory_space<vmem>>
      %dma_wait3A_162 = tpu.memref_squeeze %dma_wait3A_161 : memref<1x125xi32, #tpu.memory_space<vmem>> -> memref<125xi32, #tpu.memory_space<vmem>>
      %dma_wait3A_163 = arith.constant 0 : i32
      %dma_wait3A_164 = arith.constant 0 : i32
      %dma_wait3A_165 = tpu.memref_slice %arg11[%dma_wait3A_163, %dma_wait3A_164] : memref<10240x128xf32, #tpu.memory_space<vmem_shared>> -> memref<10240x128xf32, #tpu.memory_space<vmem_shared>>
      tpu.wait_indirect_dma semaphore(%arg15 : memref<!tpu.dma_semaphore, #tpu.memory_space<semaphore_mem>>) src(%dma_wait3A_159 : memref<125x128xf32, #tpu.memory_space<vmem>>) dst(%dma_wait3A_165 : memref<10240x128xf32, #tpu.memory_space<vmem_shared>>)
      %dma_start3A_166 = arith.constant 3 : i32
      %dma_start3A_167 = arith.constant 0 : i32
      %dma_start3A_168 = arith.constant 0 : i32
      %dma_start3A_169 = tpu.memref_slice %arg10[%dma_start3A_167, %dma_start3A_168] : memref<128x128xf32, #tpu.memory_space<vmem>> -> memref<125x128xf32, #tpu.memory_space<vmem>>
      %dma_start3A_170 = arith.constant 0 : i32
      %dma_start3A_171 = tpu.memref_slice %arg7[%mul3A_51, %dma_start3A_170] : memref<16x125xi32, #tpu.memory_space<vmem>> -> memref<8x125xi32, #tpu.memory_space<vmem>>
      %dma_start3A_172 = arith.constant 0 : i32
      %dma_start3A_173 = tpu.memref_slice %dma_start3A_171[%dma_start3A_166, %dma_start3A_172] : memref<8x125xi32, #tpu.memory_space<vmem>> -> memref<1x125xi32, #tpu.memory_space<vmem>>
      %dma_start3A_174 = tpu.memref_squeeze %dma_start3A_173 : memref<1x125xi32, #tpu.memory_space<vmem>> -> memref<125xi32, #tpu.memory_space<vmem>>
      %dma_start3A_175 = arith.constant 0 : i32
      %dma_start3A_176 = arith.constant 0 : i32
      %dma_start3A_177 = tpu.memref_slice %arg2[%arg0, %dma_start3A_175, %dma_start3A_176] : memref<2x10000x128xf32, #tpu.memory_space<hbm>> -> memref<1x10000x128xf32, #tpu.memory_space<hbm>>
      %dma_start3A_178 = tpu.memref_squeeze %dma_start3A_177 : memref<1x10000x128xf32, #tpu.memory_space<hbm>> -> memref<10000x128xf32, #tpu.memory_space<hbm>>
      %dma_start3A_179 = arith.constant 0 : i32
      %dma_start3A_180 = arith.constant 0 : i32
      %dma_start3A_181 = tpu.memref_slice %dma_start3A_178[%dma_start3A_179, %dma_start3A_180] : memref<10000x128xf32, #tpu.memory_space<hbm>> -> memref<10000x128xf32, #tpu.memory_space<hbm>>
      tpu.enqueue_indirect_dma source(%dma_start3A_181 : memref<10000x128xf32, #tpu.memory_space<hbm>>) target(%dma_start3A_169 : memref<125x128xf32, #tpu.memory_space<vmem>>) offsets(%dma_start3A_174 : memref<125xi32, #tpu.memory_space<vmem>>) semaphore(%arg13 : memref<!tpu.dma_semaphore, #tpu.memory_space<semaphore_mem>>)
      %dma_wait3A_182 = arith.constant 0 : i32
      %dma_wait3A_183 = arith.constant 0 : i32
      %dma_wait3A_184 = arith.constant 0 : i32
      %dma_wait3A_185 = tpu.memref_slice %arg9[%dma_wait3A_183, %dma_wait3A_184] : memref<128x128xf32, #tpu.memory_space<vmem>> -> memref<125x128xf32, #tpu.memory_space<vmem>>
      %dma_wait3A_186 = arith.constant 0 : i32
      %dma_wait3A_187 = tpu.memref_slice %arg7[%dma_wait3A_182, %dma_wait3A_186] : memref<16x125xi32, #tpu.memory_space<vmem>> -> memref<1x125xi32, #tpu.memory_space<vmem>>
      %dma_wait3A_188 = tpu.memref_squeeze %dma_wait3A_187 : memref<1x125xi32, #tpu.memory_space<vmem>> -> memref<125xi32, #tpu.memory_space<vmem>>
      %dma_wait3A_189 = arith.constant 0 : i32
      %dma_wait3A_190 = arith.constant 0 : i32
      %dma_wait3A_191 = tpu.memref_slice %arg2[%arg0, %dma_wait3A_189, %dma_wait3A_190] : memref<2x10000x128xf32, #tpu.memory_space<hbm>> -> memref<1x10000x128xf32, #tpu.memory_space<hbm>>
      %dma_wait3A_192 = tpu.memref_squeeze %dma_wait3A_191 : memref<1x10000x128xf32, #tpu.memory_space<hbm>> -> memref<10000x128xf32, #tpu.memory_space<hbm>>
      %dma_wait3A_193 = arith.constant 0 : i32
      %dma_wait3A_194 = arith.constant 0 : i32
      %dma_wait3A_195 = tpu.memref_slice %dma_wait3A_192[%dma_wait3A_193, %dma_wait3A_194] : memref<10000x128xf32, #tpu.memory_space<hbm>> -> memref<10000x128xf32, #tpu.memory_space<hbm>>
      tpu.wait_indirect_dma semaphore(%arg12 : memref<!tpu.dma_semaphore, #tpu.memory_space<semaphore_mem>>) src(%dma_wait3A_195 : memref<10000x128xf32, #tpu.memory_space<hbm>>) dst(%dma_wait3A_185 : memref<125x128xf32, #tpu.memory_space<vmem>>)
      %add3A_196 = arith.constant 2 : i32
      %add3A_197 = arith.addi %mul3A_55, %add3A_196 : i32
      %dma_start3A_198 = arith.constant 0 : i32
      %dma_start3A_199 = arith.constant 0 : i32
      %dma_start3A_200 = tpu.memref_slice %arg9[%dma_start3A_198, %dma_start3A_199] : memref<128x128xf32, #tpu.memory_space<vmem>> -> memref<125x128xf32, #tpu.memory_space<vmem>>
      %dma_start3A_201 = arith.constant 0 : i32
      %dma_start3A_202 = tpu.memref_slice %arg8[%add3A_197, %dma_start3A_201] : memref<24x125xi32, #tpu.memory_space<vmem>> -> memref<1x125xi32, #tpu.memory_space<vmem>>
      %dma_start3A_203 = tpu.memref_squeeze %dma_start3A_202 : memref<1x125xi32, #tpu.memory_space<vmem>> -> memref<125xi32, #tpu.memory_space<vmem>>
      %dma_start3A_204 = arith.constant 0 : i32
      %dma_start3A_205 = arith.constant 0 : i32
      %dma_start3A_206 = tpu.memref_slice %arg11[%dma_start3A_204, %dma_start3A_205] : memref<10240x128xf32, #tpu.memory_space<vmem_shared>> -> memref<10240x128xf32, #tpu.memory_space<vmem_shared>>
      tpu.enqueue_indirect_dma source(%dma_start3A_200 : memref<125x128xf32, #tpu.memory_space<vmem>>) target(%dma_start3A_206 : memref<10240x128xf32, #tpu.memory_space<vmem_shared>>) offsets(%dma_start3A_203 : memref<125xi32, #tpu.memory_space<vmem>>) semaphore(%arg14 : memref<!tpu.dma_semaphore, #tpu.memory_space<semaphore_mem>>) {add = true}
      %dma_wait3A_207 = arith.constant 0 : i32
      %dma_wait3A_208 = arith.constant 0 : i32
      %dma_wait3A_209 = arith.constant 0 : i32
      %dma_wait3A_210 = tpu.memref_slice %arg9[%dma_wait3A_208, %dma_wait3A_209] : memref<128x128xf32, #tpu.memory_space<vmem>> -> memref<125x128xf32, #tpu.memory_space<vmem>>
      %dma_wait3A_211 = arith.constant 0 : i32
      %dma_wait3A_212 = tpu.memref_slice %arg8[%dma_wait3A_207, %dma_wait3A_211] : memref<24x125xi32, #tpu.memory_space<vmem>> -> memref<1x125xi32, #tpu.memory_space<vmem>>
      %dma_wait3A_213 = tpu.memref_squeeze %dma_wait3A_212 : memref<1x125xi32, #tpu.memory_space<vmem>> -> memref<125xi32, #tpu.memory_space<vmem>>
      %dma_wait3A_214 = arith.constant 0 : i32
      %dma_wait3A_215 = arith.constant 0 : i32
      %dma_wait3A_216 = tpu.memref_slice %arg11[%dma_wait3A_214, %dma_wait3A_215] : memref<10240x128xf32, #tpu.memory_space<vmem_shared>> -> memref<10240x128xf32, #tpu.memory_space<vmem_shared>>
      tpu.wait_indirect_dma semaphore(%arg14 : memref<!tpu.dma_semaphore, #tpu.memory_space<semaphore_mem>>) src(%dma_wait3A_210 : memref<125x128xf32, #tpu.memory_space<vmem>>) dst(%dma_wait3A_216 : memref<10240x128xf32, #tpu.memory_space<vmem_shared>>)
      %dma_start3A_217 = arith.constant 4 : i32
      %dma_start3A_218 = arith.constant 0 : i32
      %dma_start3A_219 = arith.constant 0 : i32
      %dma_start3A_220 = tpu.memref_slice %arg9[%dma_start3A_218, %dma_start3A_219] : memref<128x128xf32, #tpu.memory_space<vmem>> -> memref<125x128xf32, #tpu.memory_space<vmem>>
      %dma_start3A_221 = arith.constant 0 : i32
      %dma_start3A_222 = tpu.memref_slice %arg7[%mul3A_51, %dma_start3A_221] : memref<16x125xi32, #tpu.memory_space<vmem>> -> memref<8x125xi32, #tpu.memory_space<vmem>>
      %dma_start3A_223 = arith.constant 0 : i32
      %dma_start3A_224 = tpu.memref_slice %dma_start3A_222[%dma_start3A_217, %dma_start3A_223] : memref<8x125xi32, #tpu.memory_space<vmem>> -> memref<1x125xi32, #tpu.memory_space<vmem>>
      %dma_start3A_225 = tpu.memref_squeeze %dma_start3A_224 : memref<1x125xi32, #tpu.memory_space<vmem>> -> memref<125xi32, #tpu.memory_space<vmem>>
      %dma_start3A_226 = arith.constant 0 : i32
      %dma_start3A_227 = arith.constant 0 : i32
      %dma_start3A_228 = tpu.memref_slice %arg2[%arg0, %dma_start3A_226, %dma_start3A_227] : memref<2x10000x128xf32, #tpu.memory_space<hbm>> -> memref<1x10000x128xf32, #tpu.memory_space<hbm>>
      %dma_start3A_229 = tpu.memref_squeeze %dma_start3A_228 : memref<1x10000x128xf32, #tpu.memory_space<hbm>> -> memref<10000x128xf32, #tpu.memory_space<hbm>>
      %dma_start3A_230 = arith.constant 0 : i32
      %dma_start3A_231 = arith.constant 0 : i32
      %dma_start3A_232 = tpu.memref_slice %dma_start3A_229[%dma_start3A_230, %dma_start3A_231] : memref<10000x128xf32, #tpu.memory_space<hbm>> -> memref<10000x128xf32, #tpu.memory_space<hbm>>
      tpu.enqueue_indirect_dma source(%dma_start3A_232 : memref<10000x128xf32, #tpu.memory_space<hbm>>) target(%dma_start3A_220 : memref<125x128xf32, #tpu.memory_space<vmem>>) offsets(%dma_start3A_225 : memref<125xi32, #tpu.memory_space<vmem>>) semaphore(%arg12 : memref<!tpu.dma_semaphore, #tpu.memory_space<semaphore_mem>>)
      %dma_wait3A_233 = arith.constant 0 : i32
      %dma_wait3A_234 = arith.constant 0 : i32
      %dma_wait3A_235 = arith.constant 0 : i32
      %dma_wait3A_236 = tpu.memref_slice %arg10[%dma_wait3A_234, %dma_wait3A_235] : memref<128x128xf32, #tpu.memory_space<vmem>> -> memref<125x128xf32, #tpu.memory_space<vmem>>
      %dma_wait3A_237 = arith.constant 0 : i32
      %dma_wait3A_238 = tpu.memref_slice %arg7[%dma_wait3A_233, %dma_wait3A_237] : memref<16x125xi32, #tpu.memory_space<vmem>> -> memref<1x125xi32, #tpu.memory_space<vmem>>
      %dma_wait3A_239 = tpu.memref_squeeze %dma_wait3A_238 : memref<1x125xi32, #tpu.memory_space<vmem>> -> memref<125xi32, #tpu.memory_space<vmem>>
      %dma_wait3A_240 = arith.constant 0 : i32
      %dma_wait3A_241 = arith.constant 0 : i32
      %dma_wait3A_242 = tpu.memref_slice %arg2[%arg0, %dma_wait3A_240, %dma_wait3A_241] : memref<2x10000x128xf32, #tpu.memory_space<hbm>> -> memref<1x10000x128xf32, #tpu.memory_space<hbm>>
      %dma_wait3A_243 = tpu.memref_squeeze %dma_wait3A_242 : memref<1x10000x128xf32, #tpu.memory_space<hbm>> -> memref<10000x128xf32, #tpu.memory_space<hbm>>
      %dma_wait3A_244 = arith.constant 0 : i32
      %dma_wait3A_245 = arith.constant 0 : i32
      %dma_wait3A_246 = tpu.memref_slice %dma_wait3A_243[%dma_wait3A_244, %dma_wait3A_245] : memref<10000x128xf32, #tpu.memory_space<hbm>> -> memref<10000x128xf32, #tpu.memory_space<hbm>>
      tpu.wait_indirect_dma semaphore(%arg13 : memref<!tpu.dma_semaphore, #tpu.memory_space<semaphore_mem>>) src(%dma_wait3A_246 : memref<10000x128xf32, #tpu.memory_space<hbm>>) dst(%dma_wait3A_236 : memref<125x128xf32, #tpu.memory_space<vmem>>)
      %add3A_247 = arith.constant 3 : i32
      %add3A_248 = arith.addi %mul3A_55, %add3A_247 : i32
      %dma_start3A_249 = arith.constant 0 : i32
      %dma_start3A_250 = arith.constant 0 : i32
      %dma_start3A_251 = tpu.memref_slice %arg10[%dma_start3A_249, %dma_start3A_250] : memref<128x128xf32, #tpu.memory_space<vmem>> -> memref<125x128xf32, #tpu.memory_space<vmem>>
      %dma_start3A_252 = arith.constant 0 : i32
      %dma_start3A_253 = tpu.memref_slice %arg8[%add3A_248, %dma_start3A_252] : memref<24x125xi32, #tpu.memory_space<vmem>> -> memref<1x125xi32, #tpu.memory_space<vmem>>
      %dma_start3A_254 = tpu.memref_squeeze %dma_start3A_253 : memref<1x125xi32, #tpu.memory_space<vmem>> -> memref<125xi32, #tpu.memory_space<vmem>>
      %dma_start3A_255 = arith.constant 0 : i32
      %dma_start3A_256 = arith.constant 0 : i32
      %dma_start3A_257 = tpu.memref_slice %arg11[%dma_start3A_255, %dma_start3A_256] : memref<10240x128xf32, #tpu.memory_space<vmem_shared>> -> memref<10240x128xf32, #tpu.memory_space<vmem_shared>>
      tpu.enqueue_indirect_dma source(%dma_start3A_251 : memref<125x128xf32, #tpu.memory_space<vmem>>) target(%dma_start3A_257 : memref<10240x128xf32, #tpu.memory_space<vmem_shared>>) offsets(%dma_start3A_254 : memref<125xi32, #tpu.memory_space<vmem>>) semaphore(%arg15 : memref<!tpu.dma_semaphore, #tpu.memory_space<semaphore_mem>>) {add = true}
      %dma_wait3A_258 = arith.constant 0 : i32
      %dma_wait3A_259 = arith.constant 0 : i32
      %dma_wait3A_260 = arith.constant 0 : i32
      %dma_wait3A_261 = tpu.memref_slice %arg10[%dma_wait3A_259, %dma_wait3A_260] : memref<128x128xf32, #tpu.memory_space<vmem>> -> memref<125x128xf32, #tpu.memory_space<vmem>>
      %dma_wait3A_262 = arith.constant 0 : i32
      %dma_wait3A_263 = tpu.memref_slice %arg8[%dma_wait3A_258, %dma_wait3A_262] : memref<24x125xi32, #tpu.memory_space<vmem>> -> memref<1x125xi32, #tpu.memory_space<vmem>>
      %dma_wait3A_264 = tpu.memref_squeeze %dma_wait3A_263 : memref<1x125xi32, #tpu.memory_space<vmem>> -> memref<125xi32, #tpu.memory_space<vmem>>
      %dma_wait3A_265 = arith.constant 0 : i32
      %dma_wait3A_266 = arith.constant 0 : i32
      %dma_wait3A_267 = tpu.memref_slice %arg11[%dma_wait3A_265, %dma_wait3A_266] : memref<10240x128xf32, #tpu.memory_space<vmem_shared>> -> memref<10240x128xf32, #tpu.memory_space<vmem_shared>>
      tpu.wait_indirect_dma semaphore(%arg15 : memref<!tpu.dma_semaphore, #tpu.memory_space<semaphore_mem>>) src(%dma_wait3A_261 : memref<125x128xf32, #tpu.memory_space<vmem>>) dst(%dma_wait3A_267 : memref<10240x128xf32, #tpu.memory_space<vmem_shared>>)
      %dma_start3A_268 = arith.constant 5 : i32
      %dma_start3A_269 = arith.constant 0 : i32
      %dma_start3A_270 = arith.constant 0 : i32
      %dma_start3A_271 = tpu.memref_slice %arg10[%dma_start3A_269, %dma_start3A_270] : memref<128x128xf32, #tpu.memory_space<vmem>> -> memref<125x128xf32, #tpu.memory_space<vmem>>
      %dma_start3A_272 = arith.constant 0 : i32
      %dma_start3A_273 = tpu.memref_slice %arg7[%mul3A_51, %dma_start3A_272] : memref<16x125xi32, #tpu.memory_space<vmem>> -> memref<8x125xi32, #tpu.memory_space<vmem>>
      %dma_start3A_274 = arith.constant 0 : i32
      %dma_start3A_275 = tpu.memref_slice %dma_start3A_273[%dma_start3A_268, %dma_start3A_274] : memref<8x125xi32, #tpu.memory_space<vmem>> -> memref<1x125xi32, #tpu.memory_space<vmem>>
      %dma_start3A_276 = tpu.memref_squeeze %dma_start3A_275 : memref<1x125xi32, #tpu.memory_space<vmem>> -> memref<125xi32, #tpu.memory_space<vmem>>
      %dma_start3A_277 = arith.constant 0 : i32
      %dma_start3A_278 = arith.constant 0 : i32
      %dma_start3A_279 = tpu.memref_slice %arg2[%arg0, %dma_start3A_277, %dma_start3A_278] : memref<2x10000x128xf32, #tpu.memory_space<hbm>> -> memref<1x10000x128xf32, #tpu.memory_space<hbm>>
      %dma_start3A_280 = tpu.memref_squeeze %dma_start3A_279 : memref<1x10000x128xf32, #tpu.memory_space<hbm>> -> memref<10000x128xf32, #tpu.memory_space<hbm>>
      %dma_start3A_281 = arith.constant 0 : i32
      %dma_start3A_282 = arith.constant 0 : i32
      %dma_start3A_283 = tpu.memref_slice %dma_start3A_280[%dma_start3A_281, %dma_start3A_282] : memref<10000x128xf32, #tpu.memory_space<hbm>> -> memref<10000x128xf32, #tpu.memory_space<hbm>>
      tpu.enqueue_indirect_dma source(%dma_start3A_283 : memref<10000x128xf32, #tpu.memory_space<hbm>>) target(%dma_start3A_271 : memref<125x128xf32, #tpu.memory_space<vmem>>) offsets(%dma_start3A_276 : memref<125xi32, #tpu.memory_space<vmem>>) semaphore(%arg13 : memref<!tpu.dma_semaphore, #tpu.memory_space<semaphore_mem>>)
      %dma_wait3A_284 = arith.constant 0 : i32
      %dma_wait3A_285 = arith.constant 0 : i32
      %dma_wait3A_286 = arith.constant 0 : i32
      %dma_wait3A_287 = tpu.memref_slice %arg9[%dma_wait3A_285, %dma_wait3A_286] : memref<128x128xf32, #tpu.memory_space<vmem>> -> memref<125x128xf32, #tpu.memory_space<vmem>>
      %dma_wait3A_288 = arith.constant 0 : i32
      %dma_wait3A_289 = tpu.memref_slice %arg7[%dma_wait3A_284, %dma_wait3A_288] : memref<16x125xi32, #tpu.memory_space<vmem>> -> memref<1x125xi32, #tpu.memory_space<vmem>>
      %dma_wait3A_290 = tpu.memref_squeeze %dma_wait3A_289 : memref<1x125xi32, #tpu.memory_space<vmem>> -> memref<125xi32, #tpu.memory_space<vmem>>
      %dma_wait3A_291 = arith.constant 0 : i32
      %dma_wait3A_292 = arith.constant 0 : i32
      %dma_wait3A_293 = tpu.memref_slice %arg2[%arg0, %dma_wait3A_291, %dma_wait3A_292] : memref<2x10000x128xf32, #tpu.memory_space<hbm>> -> memref<1x10000x128xf32, #tpu.memory_space<hbm>>
      %dma_wait3A_294 = tpu.memref_squeeze %dma_wait3A_293 : memref<1x10000x128xf32, #tpu.memory_space<hbm>> -> memref<10000x128xf32, #tpu.memory_space<hbm>>
      %dma_wait3A_295 = arith.constant 0 : i32
      %dma_wait3A_296 = arith.constant 0 : i32
      %dma_wait3A_297 = tpu.memref_slice %dma_wait3A_294[%dma_wait3A_295, %dma_wait3A_296] : memref<10000x128xf32, #tpu.memory_space<hbm>> -> memref<10000x128xf32, #tpu.memory_space<hbm>>
      tpu.wait_indirect_dma semaphore(%arg12 : memref<!tpu.dma_semaphore, #tpu.memory_space<semaphore_mem>>) src(%dma_wait3A_297 : memref<10000x128xf32, #tpu.memory_space<hbm>>) dst(%dma_wait3A_287 : memref<125x128xf32, #tpu.memory_space<vmem>>)
      %add3A_298 = arith.constant 4 : i32
      %add3A_299 = arith.addi %mul3A_55, %add3A_298 : i32
      %dma_start3A_300 = arith.constant 0 : i32
      %dma_start3A_301 = arith.constant 0 : i32
      %dma_start3A_302 = tpu.memref_slice %arg9[%dma_start3A_300, %dma_start3A_301] : memref<128x128xf32, #tpu.memory_space<vmem>> -> memref<125x128xf32, #tpu.memory_space<vmem>>
      %dma_start3A_303 = arith.constant 0 : i32
      %dma_start3A_304 = tpu.memref_slice %arg8[%add3A_299, %dma_start3A_303] : memref<24x125xi32, #tpu.memory_space<vmem>> -> memref<1x125xi32, #tpu.memory_space<vmem>>
      %dma_start3A_305 = tpu.memref_squeeze %dma_start3A_304 : memref<1x125xi32, #tpu.memory_space<vmem>> -> memref<125xi32, #tpu.memory_space<vmem>>
      %dma_start3A_306 = arith.constant 0 : i32
      %dma_start3A_307 = arith.constant 0 : i32
      %dma_start3A_308 = tpu.memref_slice %arg11[%dma_start3A_306, %dma_start3A_307] : memref<10240x128xf32, #tpu.memory_space<vmem_shared>> -> memref<10240x128xf32, #tpu.memory_space<vmem_shared>>
      tpu.enqueue_indirect_dma source(%dma_start3A_302 : memref<125x128xf32, #tpu.memory_space<vmem>>) target(%dma_start3A_308 : memref<10240x128xf32, #tpu.memory_space<vmem_shared>>) offsets(%dma_start3A_305 : memref<125xi32, #tpu.memory_space<vmem>>) semaphore(%arg14 : memref<!tpu.dma_semaphore, #tpu.memory_space<semaphore_mem>>) {add = true}
      %dma_wait3A_309 = arith.constant 0 : i32
      %dma_wait3A_310 = arith.constant 0 : i32
      %dma_wait3A_311 = arith.constant 0 : i32
      %dma_wait3A_312 = tpu.memref_slice %arg9[%dma_wait3A_310, %dma_wait3A_311] : memref<128x128xf32, #tpu.memory_space<vmem>> -> memref<125x128xf32, #tpu.memory_space<vmem>>
      %dma_wait3A_313 = arith.constant 0 : i32
      %dma_wait3A_314 = tpu.memref_slice %arg8[%dma_wait3A_309, %dma_wait3A_313] : memref<24x125xi32, #tpu.memory_space<vmem>> -> memref<1x125xi32, #tpu.memory_space<vmem>>
      %dma_wait3A_315 = tpu.memref_squeeze %dma_wait3A_314 : memref<1x125xi32, #tpu.memory_space<vmem>> -> memref<125xi32, #tpu.memory_space<vmem>>
      %dma_wait3A_316 = arith.constant 0 : i32
      %dma_wait3A_317 = arith.constant 0 : i32
      %dma_wait3A_318 = tpu.memref_slice %arg11[%dma_wait3A_316, %dma_wait3A_317] : memref<10240x128xf32, #tpu.memory_space<vmem_shared>> -> memref<10240x128xf32, #tpu.memory_space<vmem_shared>>
      tpu.wait_indirect_dma semaphore(%arg14 : memref<!tpu.dma_semaphore, #tpu.memory_space<semaphore_mem>>) src(%dma_wait3A_312 : memref<125x128xf32, #tpu.memory_space<vmem>>) dst(%dma_wait3A_318 : memref<10240x128xf32, #tpu.memory_space<vmem_shared>>)
      %dma_start3A_319 = arith.constant 6 : i32
      %dma_start3A_320 = arith.constant 0 : i32
      %dma_start3A_321 = arith.constant 0 : i32
      %dma_start3A_322 = tpu.memref_slice %arg9[%dma_start3A_320, %dma_start3A_321] : memref<128x128xf32, #tpu.memory_space<vmem>> -> memref<125x128xf32, #tpu.memory_space<vmem>>
      %dma_start3A_323 = arith.constant 0 : i32
      %dma_start3A_324 = tpu.memref_slice %arg7[%mul3A_51, %dma_start3A_323] : memref<16x125xi32, #tpu.memory_space<vmem>> -> memref<8x125xi32, #tpu.memory_space<vmem>>
      %dma_start3A_325 = arith.constant 0 : i32
      %dma_start3A_326 = tpu.memref_slice %dma_start3A_324[%dma_start3A_319, %dma_start3A_325] : memref<8x125xi32, #tpu.memory_space<vmem>> -> memref<1x125xi32, #tpu.memory_space<vmem>>
      %dma_start3A_327 = tpu.memref_squeeze %dma_start3A_326 : memref<1x125xi32, #tpu.memory_space<vmem>> -> memref<125xi32, #tpu.memory_space<vmem>>
      %dma_start3A_328 = arith.constant 0 : i32
      %dma_start3A_329 = arith.constant 0 : i32
      %dma_start3A_330 = tpu.memref_slice %arg2[%arg0, %dma_start3A_328, %dma_start3A_329] : memref<2x10000x128xf32, #tpu.memory_space<hbm>> -> memref<1x10000x128xf32, #tpu.memory_space<hbm>>
      %dma_start3A_331 = tpu.memref_squeeze %dma_start3A_330 : memref<1x10000x128xf32, #tpu.memory_space<hbm>> -> memref<10000x128xf32, #tpu.memory_space<hbm>>
      %dma_start3A_332 = arith.constant 0 : i32
      %dma_start3A_333 = arith.constant 0 : i32
      %dma_start3A_334 = tpu.memref_slice %dma_start3A_331[%dma_start3A_332, %dma_start3A_333] : memref<10000x128xf32, #tpu.memory_space<hbm>> -> memref<10000x128xf32, #tpu.memory_space<hbm>>
      tpu.enqueue_indirect_dma source(%dma_start3A_334 : memref<10000x128xf32, #tpu.memory_space<hbm>>) target(%dma_start3A_322 : memref<125x128xf32, #tpu.memory_space<vmem>>) offsets(%dma_start3A_327 : memref<125xi32, #tpu.memory_space<vmem>>) semaphore(%arg12 : memref<!tpu.dma_semaphore, #tpu.memory_space<semaphore_mem>>)
      %dma_wait3A_335 = arith.constant 0 : i32
      %dma_wait3A_336 = arith.constant 0 : i32
      %dma_wait3A_337 = arith.constant 0 : i32
      %dma_wait3A_338 = tpu.memref_slice %arg10[%dma_wait3A_336, %dma_wait3A_337] : memref<128x128xf32, #tpu.memory_space<vmem>> -> memref<125x128xf32, #tpu.memory_space<vmem>>
      %dma_wait3A_339 = arith.constant 0 : i32
      %dma_wait3A_340 = tpu.memref_slice %arg7[%dma_wait3A_335, %dma_wait3A_339] : memref<16x125xi32, #tpu.memory_space<vmem>> -> memref<1x125xi32, #tpu.memory_space<vmem>>
      %dma_wait3A_341 = tpu.memref_squeeze %dma_wait3A_340 : memref<1x125xi32, #tpu.memory_space<vmem>> -> memref<125xi32, #tpu.memory_space<vmem>>
      %dma_wait3A_342 = arith.constant 0 : i32
      %dma_wait3A_343 = arith.constant 0 : i32
      %dma_wait3A_344 = tpu.memref_slice %arg2[%arg0, %dma_wait3A_342, %dma_wait3A_343] : memref<2x10000x128xf32, #tpu.memory_space<hbm>> -> memref<1x10000x128xf32, #tpu.memory_space<hbm>>
      %dma_wait3A_345 = tpu.memref_squeeze %dma_wait3A_344 : memref<1x10000x128xf32, #tpu.memory_space<hbm>> -> memref<10000x128xf32, #tpu.memory_space<hbm>>
      %dma_wait3A_346 = arith.constant 0 : i32
      %dma_wait3A_347 = arith.constant 0 : i32
      %dma_wait3A_348 = tpu.memref_slice %dma_wait3A_345[%dma_wait3A_346, %dma_wait3A_347] : memref<10000x128xf32, #tpu.memory_space<hbm>> -> memref<10000x128xf32, #tpu.memory_space<hbm>>
      tpu.wait_indirect_dma semaphore(%arg13 : memref<!tpu.dma_semaphore, #tpu.memory_space<semaphore_mem>>) src(%dma_wait3A_348 : memref<10000x128xf32, #tpu.memory_space<hbm>>) dst(%dma_wait3A_338 : memref<125x128xf32, #tpu.memory_space<vmem>>)
      %add3A_349 = arith.constant 5 : i32
      %add3A_350 = arith.addi %mul3A_55, %add3A_349 : i32
      %dma_start3A_351 = arith.constant 0 : i32
      %dma_start3A_352 = arith.constant 0 : i32
      %dma_start3A_353 = tpu.memref_slice %arg10[%dma_start3A_351, %dma_start3A_352] : memref<128x128xf32, #tpu.memory_space<vmem>> -> memref<125x128xf32, #tpu.memory_space<vmem>>
      %dma_start3A_354 = arith.constant 0 : i32
      %dma_start3A_355 = tpu.memref_slice %arg8[%add3A_350, %dma_start3A_354] : memref<24x125xi32, #tpu.memory_space<vmem>> -> memref<1x125xi32, #tpu.memory_space<vmem>>
      %dma_start3A_356 = tpu.memref_squeeze %dma_start3A_355 : memref<1x125xi32, #tpu.memory_space<vmem>> -> memref<125xi32, #tpu.memory_space<vmem>>
      %dma_start3A_357 = arith.constant 0 : i32
      %dma_start3A_358 = arith.constant 0 : i32
      %dma_start3A_359 = tpu.memref_slice %arg11[%dma_start3A_357, %dma_start3A_358] : memref<10240x128xf32, #tpu.memory_space<vmem_shared>> -> memref<10240x128xf32, #tpu.memory_space<vmem_shared>>
      tpu.enqueue_indirect_dma source(%dma_start3A_353 : memref<125x128xf32, #tpu.memory_space<vmem>>) target(%dma_start3A_359 : memref<10240x128xf32, #tpu.memory_space<vmem_shared>>) offsets(%dma_start3A_356 : memref<125xi32, #tpu.memory_space<vmem>>) semaphore(%arg15 : memref<!tpu.dma_semaphore, #tpu.memory_space<semaphore_mem>>) {add = true}
      %dma_wait3A_360 = arith.constant 0 : i32
      %dma_wait3A_361 = arith.constant 0 : i32
      %dma_wait3A_362 = arith.constant 0 : i32
      %dma_wait3A_363 = tpu.memref_slice %arg10[%dma_wait3A_361, %dma_wait3A_362] : memref<128x128xf32, #tpu.memory_space<vmem>> -> memref<125x128xf32, #tpu.memory_space<vmem>>
      %dma_wait3A_364 = arith.constant 0 : i32
      %dma_wait3A_365 = tpu.memref_slice %arg8[%dma_wait3A_360, %dma_wait3A_364] : memref<24x125xi32, #tpu.memory_space<vmem>> -> memref<1x125xi32, #tpu.memory_space<vmem>>
      %dma_wait3A_366 = tpu.memref_squeeze %dma_wait3A_365 : memref<1x125xi32, #tpu.memory_space<vmem>> -> memref<125xi32, #tpu.memory_space<vmem>>
      %dma_wait3A_367 = arith.constant 0 : i32
      %dma_wait3A_368 = arith.constant 0 : i32
      %dma_wait3A_369 = tpu.memref_slice %arg11[%dma_wait3A_367, %dma_wait3A_368] : memref<10240x128xf32, #tpu.memory_space<vmem_shared>> -> memref<10240x128xf32, #tpu.memory_space<vmem_shared>>
      tpu.wait_indirect_dma semaphore(%arg15 : memref<!tpu.dma_semaphore, #tpu.memory_space<semaphore_mem>>) src(%dma_wait3A_363 : memref<125x128xf32, #tpu.memory_space<vmem>>) dst(%dma_wait3A_369 : memref<10240x128xf32, #tpu.memory_space<vmem_shared>>)
      %dma_start3A_370 = arith.constant 7 : i32
      %dma_start3A_371 = arith.constant 0 : i32
      %dma_start3A_372 = arith.constant 0 : i32
      %dma_start3A_373 = tpu.memref_slice %arg10[%dma_start3A_371, %dma_start3A_372] : memref<128x128xf32, #tpu.memory_space<vmem>> -> memref<125x128xf32, #tpu.memory_space<vmem>>
      %dma_start3A_374 = arith.constant 0 : i32
      %dma_start3A_375 = tpu.memref_slice %arg7[%mul3A_51, %dma_start3A_374] : memref<16x125xi32, #tpu.memory_space<vmem>> -> memref<8x125xi32, #tpu.memory_space<vmem>>
      %dma_start3A_376 = arith.constant 0 : i32
      %dma_start3A_377 = tpu.memref_slice %dma_start3A_375[%dma_start3A_370, %dma_start3A_376] : memref<8x125xi32, #tpu.memory_space<vmem>> -> memref<1x125xi32, #tpu.memory_space<vmem>>
      %dma_start3A_378 = tpu.memref_squeeze %dma_start3A_377 : memref<1x125xi32, #tpu.memory_space<vmem>> -> memref<125xi32, #tpu.memory_space<vmem>>
      %dma_start3A_379 = arith.constant 0 : i32
      %dma_start3A_380 = arith.constant 0 : i32
      %dma_start3A_381 = tpu.memref_slice %arg2[%arg0, %dma_start3A_379, %dma_start3A_380] : memref<2x10000x128xf32, #tpu.memory_space<hbm>> -> memref<1x10000x128xf32, #tpu.memory_space<hbm>>
      %dma_start3A_382 = tpu.memref_squeeze %dma_start3A_381 : memref<1x10000x128xf32, #tpu.memory_space<hbm>> -> memref<10000x128xf32, #tpu.memory_space<hbm>>
      %dma_start3A_383 = arith.constant 0 : i32
      %dma_start3A_384 = arith.constant 0 : i32
      %dma_start3A_385 = tpu.memref_slice %dma_start3A_382[%dma_start3A_383, %dma_start3A_384] : memref<10000x128xf32, #tpu.memory_space<hbm>> -> memref<10000x128xf32, #tpu.memory_space<hbm>>
      tpu.enqueue_indirect_dma source(%dma_start3A_385 : memref<10000x128xf32, #tpu.memory_space<hbm>>) target(%dma_start3A_373 : memref<125x128xf32, #tpu.memory_space<vmem>>) offsets(%dma_start3A_378 : memref<125xi32, #tpu.memory_space<vmem>>) semaphore(%arg13 : memref<!tpu.dma_semaphore, #tpu.memory_space<semaphore_mem>>)
      %dma_wait3A_386 = arith.constant 0 : i32
      %dma_wait3A_387 = arith.constant 0 : i32
      %dma_wait3A_388 = arith.constant 0 : i32
      %dma_wait3A_389 = tpu.memref_slice %arg9[%dma_wait3A_387, %dma_wait3A_388] : memref<128x128xf32, #tpu.memory_space<vmem>> -> memref<125x128xf32, #tpu.memory_space<vmem>>
      %dma_wait3A_390 = arith.constant 0 : i32
      %dma_wait3A_391 = tpu.memref_slice %arg7[%dma_wait3A_386, %dma_wait3A_390] : memref<16x125xi32, #tpu.memory_space<vmem>> -> memref<1x125xi32, #tpu.memory_space<vmem>>
      %dma_wait3A_392 = tpu.memref_squeeze %dma_wait3A_391 : memref<1x125xi32, #tpu.memory_space<vmem>> -> memref<125xi32, #tpu.memory_space<vmem>>
      %dma_wait3A_393 = arith.constant 0 : i32
      %dma_wait3A_394 = arith.constant 0 : i32
      %dma_wait3A_395 = tpu.memref_slice %arg2[%arg0, %dma_wait3A_393, %dma_wait3A_394] : memref<2x10000x128xf32, #tpu.memory_space<hbm>> -> memref<1x10000x128xf32, #tpu.memory_space<hbm>>
      %dma_wait3A_396 = tpu.memref_squeeze %dma_wait3A_395 : memref<1x10000x128xf32, #tpu.memory_space<hbm>> -> memref<10000x128xf32, #tpu.memory_space<hbm>>
      %dma_wait3A_397 = arith.constant 0 : i32
      %dma_wait3A_398 = arith.constant 0 : i32
      %dma_wait3A_399 = tpu.memref_slice %dma_wait3A_396[%dma_wait3A_397, %dma_wait3A_398] : memref<10000x128xf32, #tpu.memory_space<hbm>> -> memref<10000x128xf32, #tpu.memory_space<hbm>>
      tpu.wait_indirect_dma semaphore(%arg12 : memref<!tpu.dma_semaphore, #tpu.memory_space<semaphore_mem>>) src(%dma_wait3A_399 : memref<10000x128xf32, #tpu.memory_space<hbm>>) dst(%dma_wait3A_389 : memref<125x128xf32, #tpu.memory_space<vmem>>)
      %add3A_400 = arith.constant 6 : i32
      %add3A_401 = arith.addi %mul3A_55, %add3A_400 : i32
      %dma_start3A_402 = arith.constant 0 : i32
      %dma_start3A_403 = arith.constant 0 : i32
      %dma_start3A_404 = tpu.memref_slice %arg9[%dma_start3A_402, %dma_start3A_403] : memref<128x128xf32, #tpu.memory_space<vmem>> -> memref<125x128xf32, #tpu.memory_space<vmem>>
      %dma_start3A_405 = arith.constant 0 : i32
      %dma_start3A_406 = tpu.memref_slice %arg8[%add3A_401, %dma_start3A_405] : memref<24x125xi32, #tpu.memory_space<vmem>> -> memref<1x125xi32, #tpu.memory_space<vmem>>
      %dma_start3A_407 = tpu.memref_squeeze %dma_start3A_406 : memref<1x125xi32, #tpu.memory_space<vmem>> -> memref<125xi32, #tpu.memory_space<vmem>>
      %dma_start3A_408 = arith.constant 0 : i32
      %dma_start3A_409 = arith.constant 0 : i32
      %dma_start3A_410 = tpu.memref_slice %arg11[%dma_start3A_408, %dma_start3A_409] : memref<10240x128xf32, #tpu.memory_space<vmem_shared>> -> memref<10240x128xf32, #tpu.memory_space<vmem_shared>>
      tpu.enqueue_indirect_dma source(%dma_start3A_404 : memref<125x128xf32, #tpu.memory_space<vmem>>) target(%dma_start3A_410 : memref<10240x128xf32, #tpu.memory_space<vmem_shared>>) offsets(%dma_start3A_407 : memref<125xi32, #tpu.memory_space<vmem>>) semaphore(%arg14 : memref<!tpu.dma_semaphore, #tpu.memory_space<semaphore_mem>>) {add = true}
      %dma_wait3A_411 = arith.constant 0 : i32
      %dma_wait3A_412 = arith.constant 0 : i32
      %dma_wait3A_413 = arith.constant 0 : i32
      %dma_wait3A_414 = tpu.memref_slice %arg10[%dma_wait3A_412, %dma_wait3A_413] : memref<128x128xf32, #tpu.memory_space<vmem>> -> memref<125x128xf32, #tpu.memory_space<vmem>>
      %dma_wait3A_415 = arith.constant 0 : i32
      %dma_wait3A_416 = tpu.memref_slice %arg7[%dma_wait3A_411, %dma_wait3A_415] : memref<16x125xi32, #tpu.memory_space<vmem>> -> memref<1x125xi32, #tpu.memory_space<vmem>>
      %dma_wait3A_417 = tpu.memref_squeeze %dma_wait3A_416 : memref<1x125xi32, #tpu.memory_space<vmem>> -> memref<125xi32, #tpu.memory_space<vmem>>
      %dma_wait3A_418 = arith.constant 0 : i32
      %dma_wait3A_419 = arith.constant 0 : i32
      %dma_wait3A_420 = tpu.memref_slice %arg2[%arg0, %dma_wait3A_418, %dma_wait3A_419] : memref<2x10000x128xf32, #tpu.memory_space<hbm>> -> memref<1x10000x128xf32, #tpu.memory_space<hbm>>
      %dma_wait3A_421 = tpu.memref_squeeze %dma_wait3A_420 : memref<1x10000x128xf32, #tpu.memory_space<hbm>> -> memref<10000x128xf32, #tpu.memory_space<hbm>>
      %dma_wait3A_422 = arith.constant 0 : i32
      %dma_wait3A_423 = arith.constant 0 : i32
      %dma_wait3A_424 = tpu.memref_slice %dma_wait3A_421[%dma_wait3A_422, %dma_wait3A_423] : memref<10000x128xf32, #tpu.memory_space<hbm>> -> memref<10000x128xf32, #tpu.memory_space<hbm>>
      tpu.wait_indirect_dma semaphore(%arg13 : memref<!tpu.dma_semaphore, #tpu.memory_space<semaphore_mem>>) src(%dma_wait3A_424 : memref<10000x128xf32, #tpu.memory_space<hbm>>) dst(%dma_wait3A_414 : memref<125x128xf32, #tpu.memory_space<vmem>>)
      %add3A_425 = arith.constant 7 : i32
      %add3A_426 = arith.addi %mul3A_55, %add3A_425 : i32
      %dma_start3A_427 = arith.constant 0 : i32
      %dma_start3A_428 = arith.constant 0 : i32
      %dma_start3A_429 = tpu.memref_slice %arg10[%dma_start3A_427, %dma_start3A_428] : memref<128x128xf32, #tpu.memory_space<vmem>> -> memref<125x128xf32, #tpu.memory_space<vmem>>
      %dma_start3A_430 = arith.constant 0 : i32
      %dma_start3A_431 = tpu.memref_slice %arg8[%add3A_426, %dma_start3A_430] : memref<24x125xi32, #tpu.memory_space<vmem>> -> memref<1x125xi32, #tpu.memory_space<vmem>>
      %dma_start3A_432 = tpu.memref_squeeze %dma_start3A_431 : memref<1x125xi32, #tpu.memory_space<vmem>> -> memref<125xi32, #tpu.memory_space<vmem>>
      %dma_start3A_433 = arith.constant 0 : i32
      %dma_start3A_434 = arith.constant 0 : i32
      %dma_start3A_435 = tpu.memref_slice %arg11[%dma_start3A_433, %dma_start3A_434] : memref<10240x128xf32, #tpu.memory_space<vmem_shared>> -> memref<10240x128xf32, #tpu.memory_space<vmem_shared>>
      tpu.enqueue_indirect_dma source(%dma_start3A_429 : memref<125x128xf32, #tpu.memory_space<vmem>>) target(%dma_start3A_435 : memref<10240x128xf32, #tpu.memory_space<vmem_shared>>) offsets(%dma_start3A_432 : memref<125xi32, #tpu.memory_space<vmem>>) semaphore(%arg15 : memref<!tpu.dma_semaphore, #tpu.memory_space<semaphore_mem>>) {add = true}
      %add3A_436 = arith.constant 1 : i32
      %add3A_437 = arith.addi %add3A_48, %add3A_436 : i32
      %lt3A_438 = arith.constant 20 : i32
      %lt3A_439 = arith.cmpi slt, %add3A_437, %lt3A_438 : i32
      %convert_element_type3A_440 = arith.extui %lt3A_439 : i1 to i32
      %cond3A_441 = arith.constant 0 : i32
      %cond3A_442 = arith.cmpi ne, %convert_element_type3A_440, %cond3A_441 : i32
      scf.if %cond3A_442 {
        %add3A_443 = arith.constant 1 : i32
        %add3A_444 = arith.addi %add3A_48, %add3A_443 : i32
        %rem3A_445 = arith.constant 2 : i32
        %rem3A_446 = arith.remsi %add3A_444, %rem3A_445 : i32
        %mul3A_447 = arith.constant 8 : i32
        %mul3A_448 = arith.muli %rem3A_446, %mul3A_447 : i32
        %add3A_449 = arith.constant 1 : i32
        %add3A_450 = arith.addi %add3A_48, %add3A_449 : i32
        %rem3A_451 = arith.constant 3 : i32
        %rem3A_452 = arith.remsi %add3A_450, %rem3A_451 : i32
        %mul3A_453 = arith.constant 8 : i32
        %mul3A_454 = arith.muli %rem3A_452, %mul3A_453 : i32
        %add3A_455 = arith.constant 1 : i32
        %add3A_456 = arith.addi %add3A_48, %add3A_455 : i32
        %mul3A_457 = arith.constant 8 : i32
        %mul3A_458 = arith.muli %add3A_456, %mul3A_457 : i32
        %dma_wait3A_459 = arith.constant 0 : i32
        %dma_wait3A_460 = tpu.memref_slice %arg7[%mul3A_448, %dma_wait3A_459] : memref<16x125xi32, #tpu.memory_space<vmem>> -> memref<8x125xi32, #tpu.memory_space<vmem>>
        %dma_wait3A_461 = arith.constant 0 : i32
        %dma_wait3A_462 = arith.constant 0 : i32
        %dma_wait3A_463 = tpu.memref_slice %arg3[%arg1, %dma_wait3A_461, %dma_wait3A_462] : memref<16x160x125xi32, #tpu.memory_space<hbm>> -> memref<1x160x125xi32, #tpu.memory_space<hbm>>
        %dma_wait3A_464 = tpu.memref_squeeze %dma_wait3A_463 : memref<1x160x125xi32, #tpu.memory_space<hbm>> -> memref<160x125xi32, #tpu.memory_space<hbm>>
        %dma_wait3A_465 = arith.constant 0 : i32
        %dma_wait3A_466 = tpu.memref_slice %dma_wait3A_464[%mul3A_458, %dma_wait3A_465] : memref<160x125xi32, #tpu.memory_space<hbm>> -> memref<8x125xi32, #tpu.memory_space<hbm>>
        %dma_wait3A_467 = arith.constant 0 : i32
        %dma_wait3A_468 = tpu.memref_slice %arg7[%mul3A_448, %dma_wait3A_467] : memref<16x125xi32, #tpu.memory_space<vmem>> -> memref<8x125xi32, #tpu.memory_space<vmem>>
        %dma_wait3A_469 = arith.constant 0 : i32
        %dma_wait3A_470 = arith.constant 0 : i32
        %dma_wait3A_471 = tpu.memref_slice %arg3[%arg1, %dma_wait3A_469, %dma_wait3A_470] : memref<16x160x125xi32, #tpu.memory_space<hbm>> -> memref<1x160x125xi32, #tpu.memory_space<hbm>>
        %dma_wait3A_472 = tpu.memref_squeeze %dma_wait3A_471 : memref<1x160x125xi32, #tpu.memory_space<hbm>> -> memref<160x125xi32, #tpu.memory_space<hbm>>
        %dma_wait3A_473 = arith.constant 0 : i32
        %dma_wait3A_474 = tpu.memref_slice %dma_wait3A_472[%mul3A_458, %dma_wait3A_473] : memref<160x125xi32, #tpu.memory_space<hbm>> -> memref<8x125xi32, #tpu.memory_space<hbm>>
        tpu.wait_dma2 semaphore(%arg16 : memref<!tpu.dma_semaphore, #tpu.memory_space<semaphore_mem>>) src(%dma_wait3A_474 : memref<8x125xi32, #tpu.memory_space<hbm>>) dst(%dma_wait3A_468 : memref<8x125xi32, #tpu.memory_space<vmem>>)
        %add3A_475 = arith.constant 1 : i32
        %add3A_476 = arith.addi %add3A_48, %add3A_475 : i32
        %mul3A_477 = arith.constant 8 : i32
        %mul3A_478 = arith.muli %add3A_476, %mul3A_477 : i32
        %dma_wait3A_479 = arith.constant 0 : i32
        %dma_wait3A_480 = tpu.memref_slice %arg8[%mul3A_454, %dma_wait3A_479] : memref<24x125xi32, #tpu.memory_space<vmem>> -> memref<8x125xi32, #tpu.memory_space<vmem>>
        %dma_wait3A_481 = arith.constant 0 : i32
        %dma_wait3A_482 = arith.constant 0 : i32
        %dma_wait3A_483 = tpu.memref_slice %arg4[%arg1, %dma_wait3A_481, %dma_wait3A_482] : memref<16x160x125xi32, #tpu.memory_space<hbm>> -> memref<1x160x125xi32, #tpu.memory_space<hbm>>
        %dma_wait3A_484 = tpu.memref_squeeze %dma_wait3A_483 : memref<1x160x125xi32, #tpu.memory_space<hbm>> -> memref<160x125xi32, #tpu.memory_space<hbm>>
        %dma_wait3A_485 = arith.constant 0 : i32
        %dma_wait3A_486 = tpu.memref_slice %dma_wait3A_484[%mul3A_478, %dma_wait3A_485] : memref<160x125xi32, #tpu.memory_space<hbm>> -> memref<8x125xi32, #tpu.memory_space<hbm>>
        %dma_wait3A_487 = arith.constant 0 : i32
        %dma_wait3A_488 = tpu.memref_slice %arg8[%mul3A_454, %dma_wait3A_487] : memref<24x125xi32, #tpu.memory_space<vmem>> -> memref<8x125xi32, #tpu.memory_space<vmem>>
        %dma_wait3A_489 = arith.constant 0 : i32
        %dma_wait3A_490 = arith.constant 0 : i32
        %dma_wait3A_491 = tpu.memref_slice %arg4[%arg1, %dma_wait3A_489, %dma_wait3A_490] : memref<16x160x125xi32, #tpu.memory_space<hbm>> -> memref<1x160x125xi32, #tpu.memory_space<hbm>>
        %dma_wait3A_492 = tpu.memref_squeeze %dma_wait3A_491 : memref<1x160x125xi32, #tpu.memory_space<hbm>> -> memref<160x125xi32, #tpu.memory_space<hbm>>
        %dma_wait3A_493 = arith.constant 0 : i32
        %dma_wait3A_494 = tpu.memref_slice %dma_wait3A_492[%mul3A_478, %dma_wait3A_493] : memref<160x125xi32, #tpu.memory_space<hbm>> -> memref<8x125xi32, #tpu.memory_space<hbm>>
        tpu.wait_dma2 semaphore(%arg16 : memref<!tpu.dma_semaphore, #tpu.memory_space<semaphore_mem>>) src(%dma_wait3A_494 : memref<8x125xi32, #tpu.memory_space<hbm>>) dst(%dma_wait3A_488 : memref<8x125xi32, #tpu.memory_space<vmem>>)
        %dma_wait3A_495 = arith.constant 0 : i32
        %dma_wait3A_496 = arith.constant 0 : i32
        %dma_wait3A_497 = arith.constant 0 : i32
        %dma_wait3A_498 = tpu.memref_slice %arg9[%dma_wait3A_496, %dma_wait3A_497] : memref<128x128xf32, #tpu.memory_space<vmem>> -> memref<125x128xf32, #tpu.memory_space<vmem>>
        %dma_wait3A_499 = arith.constant 0 : i32
        %dma_wait3A_500 = tpu.memref_slice %arg8[%dma_wait3A_495, %dma_wait3A_499] : memref<24x125xi32, #tpu.memory_space<vmem>> -> memref<1x125xi32, #tpu.memory_space<vmem>>
        %dma_wait3A_501 = tpu.memref_squeeze %dma_wait3A_500 : memref<1x125xi32, #tpu.memory_space<vmem>> -> memref<125xi32, #tpu.memory_space<vmem>>
        %dma_wait3A_502 = arith.constant 0 : i32
        %dma_wait3A_503 = arith.constant 0 : i32
        %dma_wait3A_504 = tpu.memref_slice %arg11[%dma_wait3A_502, %dma_wait3A_503] : memref<10240x128xf32, #tpu.memory_space<vmem_shared>> -> memref<10240x128xf32, #tpu.memory_space<vmem_shared>>
        tpu.wait_indirect_dma semaphore(%arg14 : memref<!tpu.dma_semaphore, #tpu.memory_space<semaphore_mem>>) src(%dma_wait3A_498 : memref<125x128xf32, #tpu.memory_space<vmem>>) dst(%dma_wait3A_504 : memref<10240x128xf32, #tpu.memory_space<vmem_shared>>)
        %dma_start3A_505 = arith.constant 0 : i32
        %dma_start3A_506 = arith.constant 0 : i32
        %dma_start3A_507 = tpu.memref_slice %arg9[%dma_start3A_505, %dma_start3A_506] : memref<128x128xf32, #tpu.memory_space<vmem>> -> memref<125x128xf32, #tpu.memory_space<vmem>>
        %dma_start3A_508 = arith.constant 0 : i32
        %dma_start3A_509 = tpu.memref_slice %arg7[%mul3A_448, %dma_start3A_508] : memref<16x125xi32, #tpu.memory_space<vmem>> -> memref<1x125xi32, #tpu.memory_space<vmem>>
        %dma_start3A_510 = tpu.memref_squeeze %dma_start3A_509 : memref<1x125xi32, #tpu.memory_space<vmem>> -> memref<125xi32, #tpu.memory_space<vmem>>
        %dma_start3A_511 = arith.constant 0 : i32
        %dma_start3A_512 = arith.constant 0 : i32
        %dma_start3A_513 = tpu.memref_slice %arg2[%arg0, %dma_start3A_511, %dma_start3A_512] : memref<2x10000x128xf32, #tpu.memory_space<hbm>> -> memref<1x10000x128xf32, #tpu.memory_space<hbm>>
        %dma_start3A_514 = tpu.memref_squeeze %dma_start3A_513 : memref<1x10000x128xf32, #tpu.memory_space<hbm>> -> memref<10000x128xf32, #tpu.memory_space<hbm>>
        %dma_start3A_515 = arith.constant 0 : i32
        %dma_start3A_516 = arith.constant 0 : i32
        %dma_start3A_517 = tpu.memref_slice %dma_start3A_514[%dma_start3A_515, %dma_start3A_516] : memref<10000x128xf32, #tpu.memory_space<hbm>> -> memref<10000x128xf32, #tpu.memory_space<hbm>>
        tpu.enqueue_indirect_dma source(%dma_start3A_517 : memref<10000x128xf32, #tpu.memory_space<hbm>>) target(%dma_start3A_507 : memref<125x128xf32, #tpu.memory_space<vmem>>) offsets(%dma_start3A_510 : memref<125xi32, #tpu.memory_space<vmem>>) semaphore(%arg12 : memref<!tpu.dma_semaphore, #tpu.memory_space<semaphore_mem>>)
      } else {
      }
    }
    %scan3A_21 = arith.constant 20 : i32
    %dma_wait3A = arith.constant 0 : i32
    %dma_wait3A_22 = arith.constant 0 : i32
    %dma_wait3A_23 = arith.constant 0 : i32
    %dma_wait3A_24 = tpu.memref_slice %arg9[%dma_wait3A_22, %dma_wait3A_23] : memref<128x128xf32, #tpu.memory_space<vmem>> -> memref<125x128xf32, #tpu.memory_space<vmem>>
    %dma_wait3A_25 = arith.constant 0 : i32
    %dma_wait3A_26 = tpu.memref_slice %arg8[%dma_wait3A, %dma_wait3A_25] : memref<24x125xi32, #tpu.memory_space<vmem>> -> memref<1x125xi32, #tpu.memory_space<vmem>>
    %dma_wait3A_27 = tpu.memref_squeeze %dma_wait3A_26 : memref<1x125xi32, #tpu.memory_space<vmem>> -> memref<125xi32, #tpu.memory_space<vmem>>
    %dma_wait3A_28 = arith.constant 0 : i32
    %dma_wait3A_29 = arith.constant 0 : i32
    %dma_wait3A_30 = tpu.memref_slice %arg11[%dma_wait3A_28, %dma_wait3A_29] : memref<10240x128xf32, #tpu.memory_space<vmem_shared>> -> memref<10240x128xf32, #tpu.memory_space<vmem_shared>>
    tpu.wait_indirect_dma semaphore(%arg14 : memref<!tpu.dma_semaphore, #tpu.memory_space<semaphore_mem>>) src(%dma_wait3A_24 : memref<125x128xf32, #tpu.memory_space<vmem>>) dst(%dma_wait3A_30 : memref<10240x128xf32, #tpu.memory_space<vmem_shared>>)
    %dma_wait3A_31 = arith.constant 0 : i32
    %dma_wait3A_32 = arith.constant 0 : i32
    %dma_wait3A_33 = arith.constant 0 : i32
    %dma_wait3A_34 = tpu.memref_slice %arg10[%dma_wait3A_32, %dma_wait3A_33] : memref<128x128xf32, #tpu.memory_space<vmem>> -> memref<125x128xf32, #tpu.memory_space<vmem>>
    %dma_wait3A_35 = arith.constant 0 : i32
    %dma_wait3A_36 = tpu.memref_slice %arg8[%dma_wait3A_31, %dma_wait3A_35] : memref<24x125xi32, #tpu.memory_space<vmem>> -> memref<1x125xi32, #tpu.memory_space<vmem>>
    %dma_wait3A_37 = tpu.memref_squeeze %dma_wait3A_36 : memref<1x125xi32, #tpu.memory_space<vmem>> -> memref<125xi32, #tpu.memory_space<vmem>>
    %dma_wait3A_38 = arith.constant 0 : i32
    %dma_wait3A_39 = arith.constant 0 : i32
    %dma_wait3A_40 = tpu.memref_slice %arg11[%dma_wait3A_38, %dma_wait3A_39] : memref<10240x128xf32, #tpu.memory_space<vmem_shared>> -> memref<10240x128xf32, #tpu.memory_space<vmem_shared>>
    tpu.wait_indirect_dma semaphore(%arg15 : memref<!tpu.dma_semaphore, #tpu.memory_space<semaphore_mem>>) src(%dma_wait3A_34 : memref<125x128xf32, #tpu.memory_space<vmem>>) dst(%dma_wait3A_40 : memref<10240x128xf32, #tpu.memory_space<vmem_shared>>)
    %barrier3A_41 = arith.constant 0 : index
    tpu.barrier barrier_id(%barrier3A_41)
    %mul3A = arith.constant 640 : i32
    %mul3A_42 = arith.muli %arg1, %mul3A : i32
    %mul3A_43 = arith.constant 640 : i32
    %mul3A_44 = arith.muli %arg1, %mul3A_43 : i32
    "tpu.region"() ({
      %run_scoped3A = tpu.sem_alloc : memref<!tpu.dma_semaphore, #tpu.memory_space<semaphore_mem>>
      %dma_start3A_45 = arith.constant 0 : i32
      %dma_start3A_46 = arith.constant 0 : i32
      %dma_start3A_47 = tpu.memref_slice %arg6[%arg0, %dma_start3A_45, %dma_start3A_46] : memref<2x10240x128xf32, #tpu.memory_space<hbm>> -> memref<1x10240x128xf32, #tpu.memory_space<hbm>>
      %dma_start3A_48 = tpu.memref_squeeze %dma_start3A_47 : memref<1x10240x128xf32, #tpu.memory_space<hbm>> -> memref<10240x128xf32, #tpu.memory_space<hbm>>
      %dma_start3A_49 = arith.constant 0 : i32
      %dma_start3A_50 = tpu.memref_slice %dma_start3A_48[%mul3A_44, %dma_start3A_49] : memref<10240x128xf32, #tpu.memory_space<hbm>> -> memref<640x128xf32, #tpu.memory_space<hbm>>
      %dma_start3A_51 = arith.constant 0 : i32
      %dma_start3A_52 = tpu.memref_slice %arg11[%mul3A_42, %dma_start3A_51] : memref<10240x128xf32, #tpu.memory_space<vmem_shared>> -> memref<640x128xf32, #tpu.memory_space<vmem_shared>>
      tpu.enqueue_dma source(%dma_start3A_52 : memref<640x128xf32, #tpu.memory_space<vmem_shared>>) target(%dma_start3A_50 : memref<640x128xf32, #tpu.memory_space<hbm>>) target_semaphore(%run_scoped3A : memref<!tpu.dma_semaphore, #tpu.memory_space<semaphore_mem>>)
      %dma_wait3A_53 = arith.constant 0 : i32
      %dma_wait3A_54 = arith.constant 0 : i32
      %dma_wait3A_55 = tpu.memref_slice %arg6[%arg0, %dma_wait3A_53, %dma_wait3A_54] : memref<2x10240x128xf32, #tpu.memory_space<hbm>> -> memref<1x10240x128xf32, #tpu.memory_space<hbm>>
      %dma_wait3A_56 = tpu.memref_squeeze %dma_wait3A_55 : memref<1x10240x128xf32, #tpu.memory_space<hbm>> -> memref<10240x128xf32, #tpu.memory_space<hbm>>
      %dma_wait3A_57 = arith.constant 0 : i32
      %dma_wait3A_58 = tpu.memref_slice %dma_wait3A_56[%mul3A_44, %dma_wait3A_57] : memref<10240x128xf32, #tpu.memory_space<hbm>> -> memref<640x128xf32, #tpu.memory_space<hbm>>
      %dma_wait3A_59 = arith.constant 0 : i32
      %dma_wait3A_60 = tpu.memref_slice %arg11[%mul3A_42, %dma_wait3A_59] : memref<10240x128xf32, #tpu.memory_space<vmem_shared>> -> memref<640x128xf32, #tpu.memory_space<vmem_shared>>
      tpu.wait_dma2 semaphore(%run_scoped3A : memref<!tpu.dma_semaphore, #tpu.memory_space<semaphore_mem>>) src(%dma_wait3A_60 : memref<640x128xf32, #tpu.memory_space<vmem_shared>>) dst(%dma_wait3A_58 : memref<640x128xf32, #tpu.memory_space<hbm>>)
      tpu.yield
    }) : () -> ()
    return
  }
}

#map = affine_map<(d0, d1) -> (0, 0)>
#map1 = affine_map<(d0, d1) -> (0, 0, 0)>
module attributes {stable_mosaic.version = 14 : i64} {
  func.func @_agg_body(%arg0: i32, %arg1: i32, %arg2: memref<10000x128xf32, #tpu.memory_space<hbm>>, %arg3: memref<32x80x125xi32, #tpu.memory_space<hbm>>, %arg4: memref<32x80x125xi32, #tpu.memory_space<hbm>>, %arg5: memref<128x128xf32, #tpu.memory_space<hbm>>, %arg6: memref<2x10240x128xf32, #tpu.memory_space<hbm>>, %arg7: memref<16x125xi32, #tpu.memory_space<vmem>>, %arg8: memref<24x125xi32, #tpu.memory_space<vmem>>, %arg9: memref<128x128xf32, #tpu.memory_space<vmem>>, %arg10: memref<128x128xf32, #tpu.memory_space<vmem>>, %arg11: memref<10240x128xf32, #tpu.memory_space<vmem_shared>>, %arg12: memref<!tpu.dma_semaphore, #tpu.memory_space<semaphore_mem>>, %arg13: memref<!tpu.dma_semaphore, #tpu.memory_space<semaphore_mem>>, %arg14: memref<!tpu.dma_semaphore, #tpu.memory_space<semaphore_mem>>, %arg15: memref<!tpu.dma_semaphore, #tpu.memory_space<semaphore_mem>>, %arg16: memref<!tpu.dma_semaphore, #tpu.memory_space<semaphore_mem>>) attributes {dimension_semantics = [#tpu.dimension_semantics<core_parallel>, #tpu.dimension_semantics<subcore_parallel>], iteration_bounds = array<i64: 2, 16>, scalar_prefetch = 0 : i64, scratch_operands = 10 : i64, tpu.core_type = #tpu.core_type<sc_vector_subcore>, window_params = [{transform_indices = #map}, {transform_indices = #map1}, {transform_indices = #map1}, {transform_indices = #map}, {transform_indices = #map1}]} {
    "tpu.region"() ({
      %run_scoped3A = tpu.sem_alloc : memref<!tpu.dma_semaphore, #tpu.memory_space<semaphore_mem>>
      tpu.enqueue_dma source(%arg5 : memref<128x128xf32, #tpu.memory_space<hbm>>) target(%arg9 : memref<128x128xf32, #tpu.memory_space<vmem>>) target_semaphore(%run_scoped3A : memref<!tpu.dma_semaphore, #tpu.memory_space<semaphore_mem>>)
      tpu.wait_dma2 semaphore(%run_scoped3A : memref<!tpu.dma_semaphore, #tpu.memory_space<semaphore_mem>>) src(%arg5 : memref<128x128xf32, #tpu.memory_space<hbm>>) dst(%arg9 : memref<128x128xf32, #tpu.memory_space<vmem>>)
      tpu.yield
    }) : () -> ()
    %scan3A = arith.constant 0 : i32
    %scan3A_0 = arith.constant 5 : i32
    %scan3A_1 = arith.addi %scan3A, %scan3A_0 : i32
    %scan3A_2 = arith.constant 1 : i32
    scf.for %scan3A_43 = %scan3A to %scan3A_1 step %scan3A_2  : i32 {
      %mul3A_44 = arith.constant 1 : i32
      %mul3A_45 = arith.muli %scan3A_43, %mul3A_44 : i32
      %add3A_46 = arith.constant 0 : i32
      %add3A_47 = arith.addi %add3A_46, %mul3A_45 : i32
      %mul3A_48 = arith.constant 640 : i32
      %mul3A_49 = arith.muli %arg1, %mul3A_48 : i32
      %mul3A_50 = arith.constant 128 : i32
      %mul3A_51 = arith.muli %add3A_47, %mul3A_50 : i32
      %add3A_52 = arith.addi %mul3A_49, %mul3A_51 : i32
      "tpu.region"() ({
        %run_scoped3A = tpu.sem_alloc : memref<!tpu.dma_semaphore, #tpu.memory_space<semaphore_mem>>
        %dma_start3A_53 = arith.constant 0 : i32
        %dma_start3A_54 = tpu.memref_slice %arg11[%add3A_52, %dma_start3A_53] : memref<10240x128xf32, #tpu.memory_space<vmem_shared>> -> memref<128x128xf32, #tpu.memory_space<vmem_shared>>
        %dma_start3A_55 = arith.constant 0 : i32
        %dma_start3A_56 = tpu.memref_slice %arg11[%add3A_52, %dma_start3A_55] : memref<10240x128xf32, #tpu.memory_space<vmem_shared>> -> memref<128x128xf32, #tpu.memory_space<vmem_shared>>
        tpu.enqueue_dma source(%arg9 : memref<128x128xf32, #tpu.memory_space<vmem>>) target(%dma_start3A_56 : memref<128x128xf32, #tpu.memory_space<vmem_shared>>) target_semaphore(%run_scoped3A : memref<!tpu.dma_semaphore, #tpu.memory_space<semaphore_mem>>)
        %dma_wait3A_57 = arith.constant 0 : i32
        %dma_wait3A_58 = tpu.memref_slice %arg11[%add3A_52, %dma_wait3A_57] : memref<10240x128xf32, #tpu.memory_space<vmem_shared>> -> memref<128x128xf32, #tpu.memory_space<vmem_shared>>
        %dma_wait3A_59 = arith.constant 0 : i32
        %dma_wait3A_60 = tpu.memref_slice %arg11[%add3A_52, %dma_wait3A_59] : memref<10240x128xf32, #tpu.memory_space<vmem_shared>> -> memref<128x128xf32, #tpu.memory_space<vmem_shared>>
        tpu.wait_dma2 semaphore(%run_scoped3A : memref<!tpu.dma_semaphore, #tpu.memory_space<semaphore_mem>>) src(%arg9 : memref<128x128xf32, #tpu.memory_space<vmem>>) dst(%dma_wait3A_60 : memref<128x128xf32, #tpu.memory_space<vmem_shared>>)
        tpu.yield
      }) : () -> ()
    }
    %scan3A_3 = arith.constant 5 : i32
    %mul3A = arith.constant 16 : i32
    %mul3A_4 = arith.muli %arg0, %mul3A : i32
    %add3A = arith.addi %mul3A_4, %arg1 : i32
    %barrier3A = arith.constant 0 : index
    tpu.barrier barrier_id(%barrier3A)
    "tpu.region"() ({
      %run_scoped3A = tpu.sem_alloc : memref<!tpu.dma_semaphore, #tpu.memory_space<semaphore_mem>>
      %dma_start3A_43 = arith.constant 0 : i32
      %dma_start3A_44 = arith.constant 0 : i32
      %dma_start3A_45 = tpu.memref_slice %arg7[%dma_start3A_43, %dma_start3A_44] : memref<16x125xi32, #tpu.memory_space<vmem>> -> memref<8x125xi32, #tpu.memory_space<vmem>>
      %dma_start3A_46 = arith.constant 0 : i32
      %dma_start3A_47 = arith.constant 0 : i32
      %dma_start3A_48 = tpu.memref_slice %arg3[%add3A, %dma_start3A_46, %dma_start3A_47] : memref<32x80x125xi32, #tpu.memory_space<hbm>> -> memref<1x80x125xi32, #tpu.memory_space<hbm>>
      %dma_start3A_49 = tpu.memref_squeeze %dma_start3A_48 : memref<1x80x125xi32, #tpu.memory_space<hbm>> -> memref<80x125xi32, #tpu.memory_space<hbm>>
      %dma_start3A_50 = arith.constant 0 : i32
      %dma_start3A_51 = arith.constant 0 : i32
      %dma_start3A_52 = tpu.memref_slice %dma_start3A_49[%dma_start3A_50, %dma_start3A_51] : memref<80x125xi32, #tpu.memory_space<hbm>> -> memref<8x125xi32, #tpu.memory_space<hbm>>
      %dma_start3A_53 = arith.constant 0 : i32
      %dma_start3A_54 = arith.constant 0 : i32
      %dma_start3A_55 = tpu.memref_slice %arg7[%dma_start3A_53, %dma_start3A_54] : memref<16x125xi32, #tpu.memory_space<vmem>> -> memref<8x125xi32, #tpu.memory_space<vmem>>
      %dma_start3A_56 = arith.constant 0 : i32
      %dma_start3A_57 = arith.constant 0 : i32
      %dma_start3A_58 = tpu.memref_slice %arg3[%add3A, %dma_start3A_56, %dma_start3A_57] : memref<32x80x125xi32, #tpu.memory_space<hbm>> -> memref<1x80x125xi32, #tpu.memory_space<hbm>>
      %dma_start3A_59 = tpu.memref_squeeze %dma_start3A_58 : memref<1x80x125xi32, #tpu.memory_space<hbm>> -> memref<80x125xi32, #tpu.memory_space<hbm>>
      %dma_start3A_60 = arith.constant 0 : i32
      %dma_start3A_61 = arith.constant 0 : i32
      %dma_start3A_62 = tpu.memref_slice %dma_start3A_59[%dma_start3A_60, %dma_start3A_61] : memref<80x125xi32, #tpu.memory_space<hbm>> -> memref<8x125xi32, #tpu.memory_space<hbm>>
      tpu.enqueue_dma source(%dma_start3A_62 : memref<8x125xi32, #tpu.memory_space<hbm>>) target(%dma_start3A_55 : memref<8x125xi32, #tpu.memory_space<vmem>>) target_semaphore(%run_scoped3A : memref<!tpu.dma_semaphore, #tpu.memory_space<semaphore_mem>>)
      %dma_wait3A_63 = arith.constant 0 : i32
      %dma_wait3A_64 = arith.constant 0 : i32
      %dma_wait3A_65 = tpu.memref_slice %arg7[%dma_wait3A_63, %dma_wait3A_64] : memref<16x125xi32, #tpu.memory_space<vmem>> -> memref<8x125xi32, #tpu.memory_space<vmem>>
      %dma_wait3A_66 = arith.constant 0 : i32
      %dma_wait3A_67 = arith.constant 0 : i32
      %dma_wait3A_68 = tpu.memref_slice %arg3[%add3A, %dma_wait3A_66, %dma_wait3A_67] : memref<32x80x125xi32, #tpu.memory_space<hbm>> -> memref<1x80x125xi32, #tpu.memory_space<hbm>>
      %dma_wait3A_69 = tpu.memref_squeeze %dma_wait3A_68 : memref<1x80x125xi32, #tpu.memory_space<hbm>> -> memref<80x125xi32, #tpu.memory_space<hbm>>
      %dma_wait3A_70 = arith.constant 0 : i32
      %dma_wait3A_71 = arith.constant 0 : i32
      %dma_wait3A_72 = tpu.memref_slice %dma_wait3A_69[%dma_wait3A_70, %dma_wait3A_71] : memref<80x125xi32, #tpu.memory_space<hbm>> -> memref<8x125xi32, #tpu.memory_space<hbm>>
      %dma_wait3A_73 = arith.constant 0 : i32
      %dma_wait3A_74 = arith.constant 0 : i32
      %dma_wait3A_75 = tpu.memref_slice %arg7[%dma_wait3A_73, %dma_wait3A_74] : memref<16x125xi32, #tpu.memory_space<vmem>> -> memref<8x125xi32, #tpu.memory_space<vmem>>
      %dma_wait3A_76 = arith.constant 0 : i32
      %dma_wait3A_77 = arith.constant 0 : i32
      %dma_wait3A_78 = tpu.memref_slice %arg3[%add3A, %dma_wait3A_76, %dma_wait3A_77] : memref<32x80x125xi32, #tpu.memory_space<hbm>> -> memref<1x80x125xi32, #tpu.memory_space<hbm>>
      %dma_wait3A_79 = tpu.memref_squeeze %dma_wait3A_78 : memref<1x80x125xi32, #tpu.memory_space<hbm>> -> memref<80x125xi32, #tpu.memory_space<hbm>>
      %dma_wait3A_80 = arith.constant 0 : i32
      %dma_wait3A_81 = arith.constant 0 : i32
      %dma_wait3A_82 = tpu.memref_slice %dma_wait3A_79[%dma_wait3A_80, %dma_wait3A_81] : memref<80x125xi32, #tpu.memory_space<hbm>> -> memref<8x125xi32, #tpu.memory_space<hbm>>
      tpu.wait_dma2 semaphore(%run_scoped3A : memref<!tpu.dma_semaphore, #tpu.memory_space<semaphore_mem>>) src(%dma_wait3A_82 : memref<8x125xi32, #tpu.memory_space<hbm>>) dst(%dma_wait3A_75 : memref<8x125xi32, #tpu.memory_space<vmem>>)
      tpu.yield
    }) : () -> ()
    "tpu.region"() ({
      %run_scoped3A = tpu.sem_alloc : memref<!tpu.dma_semaphore, #tpu.memory_space<semaphore_mem>>
      %dma_start3A_43 = arith.constant 0 : i32
      %dma_start3A_44 = arith.constant 0 : i32
      %dma_start3A_45 = tpu.memref_slice %arg8[%dma_start3A_43, %dma_start3A_44] : memref<24x125xi32, #tpu.memory_space<vmem>> -> memref<8x125xi32, #tpu.memory_space<vmem>>
      %dma_start3A_46 = arith.constant 0 : i32
      %dma_start3A_47 = arith.constant 0 : i32
      %dma_start3A_48 = tpu.memref_slice %arg4[%add3A, %dma_start3A_46, %dma_start3A_47] : memref<32x80x125xi32, #tpu.memory_space<hbm>> -> memref<1x80x125xi32, #tpu.memory_space<hbm>>
      %dma_start3A_49 = tpu.memref_squeeze %dma_start3A_48 : memref<1x80x125xi32, #tpu.memory_space<hbm>> -> memref<80x125xi32, #tpu.memory_space<hbm>>
      %dma_start3A_50 = arith.constant 0 : i32
      %dma_start3A_51 = arith.constant 0 : i32
      %dma_start3A_52 = tpu.memref_slice %dma_start3A_49[%dma_start3A_50, %dma_start3A_51] : memref<80x125xi32, #tpu.memory_space<hbm>> -> memref<8x125xi32, #tpu.memory_space<hbm>>
      %dma_start3A_53 = arith.constant 0 : i32
      %dma_start3A_54 = arith.constant 0 : i32
      %dma_start3A_55 = tpu.memref_slice %arg8[%dma_start3A_53, %dma_start3A_54] : memref<24x125xi32, #tpu.memory_space<vmem>> -> memref<8x125xi32, #tpu.memory_space<vmem>>
      %dma_start3A_56 = arith.constant 0 : i32
      %dma_start3A_57 = arith.constant 0 : i32
      %dma_start3A_58 = tpu.memref_slice %arg4[%add3A, %dma_start3A_56, %dma_start3A_57] : memref<32x80x125xi32, #tpu.memory_space<hbm>> -> memref<1x80x125xi32, #tpu.memory_space<hbm>>
      %dma_start3A_59 = tpu.memref_squeeze %dma_start3A_58 : memref<1x80x125xi32, #tpu.memory_space<hbm>> -> memref<80x125xi32, #tpu.memory_space<hbm>>
      %dma_start3A_60 = arith.constant 0 : i32
      %dma_start3A_61 = arith.constant 0 : i32
      %dma_start3A_62 = tpu.memref_slice %dma_start3A_59[%dma_start3A_60, %dma_start3A_61] : memref<80x125xi32, #tpu.memory_space<hbm>> -> memref<8x125xi32, #tpu.memory_space<hbm>>
      tpu.enqueue_dma source(%dma_start3A_62 : memref<8x125xi32, #tpu.memory_space<hbm>>) target(%dma_start3A_55 : memref<8x125xi32, #tpu.memory_space<vmem>>) target_semaphore(%run_scoped3A : memref<!tpu.dma_semaphore, #tpu.memory_space<semaphore_mem>>)
      %dma_wait3A_63 = arith.constant 0 : i32
      %dma_wait3A_64 = arith.constant 0 : i32
      %dma_wait3A_65 = tpu.memref_slice %arg8[%dma_wait3A_63, %dma_wait3A_64] : memref<24x125xi32, #tpu.memory_space<vmem>> -> memref<8x125xi32, #tpu.memory_space<vmem>>
      %dma_wait3A_66 = arith.constant 0 : i32
      %dma_wait3A_67 = arith.constant 0 : i32
      %dma_wait3A_68 = tpu.memref_slice %arg4[%add3A, %dma_wait3A_66, %dma_wait3A_67] : memref<32x80x125xi32, #tpu.memory_space<hbm>> -> memref<1x80x125xi32, #tpu.memory_space<hbm>>
      %dma_wait3A_69 = tpu.memref_squeeze %dma_wait3A_68 : memref<1x80x125xi32, #tpu.memory_space<hbm>> -> memref<80x125xi32, #tpu.memory_space<hbm>>
      %dma_wait3A_70 = arith.constant 0 : i32
      %dma_wait3A_71 = arith.constant 0 : i32
      %dma_wait3A_72 = tpu.memref_slice %dma_wait3A_69[%dma_wait3A_70, %dma_wait3A_71] : memref<80x125xi32, #tpu.memory_space<hbm>> -> memref<8x125xi32, #tpu.memory_space<hbm>>
      %dma_wait3A_73 = arith.constant 0 : i32
      %dma_wait3A_74 = arith.constant 0 : i32
      %dma_wait3A_75 = tpu.memref_slice %arg8[%dma_wait3A_73, %dma_wait3A_74] : memref<24x125xi32, #tpu.memory_space<vmem>> -> memref<8x125xi32, #tpu.memory_space<vmem>>
      %dma_wait3A_76 = arith.constant 0 : i32
      %dma_wait3A_77 = arith.constant 0 : i32
      %dma_wait3A_78 = tpu.memref_slice %arg4[%add3A, %dma_wait3A_76, %dma_wait3A_77] : memref<32x80x125xi32, #tpu.memory_space<hbm>> -> memref<1x80x125xi32, #tpu.memory_space<hbm>>
      %dma_wait3A_79 = tpu.memref_squeeze %dma_wait3A_78 : memref<1x80x125xi32, #tpu.memory_space<hbm>> -> memref<80x125xi32, #tpu.memory_space<hbm>>
      %dma_wait3A_80 = arith.constant 0 : i32
      %dma_wait3A_81 = arith.constant 0 : i32
      %dma_wait3A_82 = tpu.memref_slice %dma_wait3A_79[%dma_wait3A_80, %dma_wait3A_81] : memref<80x125xi32, #tpu.memory_space<hbm>> -> memref<8x125xi32, #tpu.memory_space<hbm>>
      tpu.wait_dma2 semaphore(%run_scoped3A : memref<!tpu.dma_semaphore, #tpu.memory_space<semaphore_mem>>) src(%dma_wait3A_82 : memref<8x125xi32, #tpu.memory_space<hbm>>) dst(%dma_wait3A_75 : memref<8x125xi32, #tpu.memory_space<vmem>>)
      tpu.yield
    }) : () -> ()
    %dma_start3A = arith.constant 0 : i32
    %dma_start3A_5 = arith.constant 0 : i32
    %dma_start3A_6 = arith.constant 0 : i32
    %dma_start3A_7 = tpu.memref_slice %arg9[%dma_start3A_5, %dma_start3A_6] : memref<128x128xf32, #tpu.memory_space<vmem>> -> memref<125x128xf32, #tpu.memory_space<vmem>>
    %dma_start3A_8 = arith.constant 0 : i32
    %dma_start3A_9 = tpu.memref_slice %arg7[%dma_start3A, %dma_start3A_8] : memref<16x125xi32, #tpu.memory_space<vmem>> -> memref<1x125xi32, #tpu.memory_space<vmem>>
    %dma_start3A_10 = tpu.memref_squeeze %dma_start3A_9 : memref<1x125xi32, #tpu.memory_space<vmem>> -> memref<125xi32, #tpu.memory_space<vmem>>
    %dma_start3A_11 = arith.constant 0 : i32
    %dma_start3A_12 = arith.constant 0 : i32
    %dma_start3A_13 = tpu.memref_slice %arg2[%dma_start3A_11, %dma_start3A_12] : memref<10000x128xf32, #tpu.memory_space<hbm>> -> memref<10000x128xf32, #tpu.memory_space<hbm>>
    tpu.enqueue_indirect_dma source(%dma_start3A_13 : memref<10000x128xf32, #tpu.memory_space<hbm>>) target(%dma_start3A_7 : memref<125x128xf32, #tpu.memory_space<vmem>>) offsets(%dma_start3A_10 : memref<125xi32, #tpu.memory_space<vmem>>) semaphore(%arg12 : memref<!tpu.dma_semaphore, #tpu.memory_space<semaphore_mem>>)
    %scan3A_14 = arith.constant 0 : i32
    %scan3A_15 = arith.constant 10 : i32
    %scan3A_16 = arith.addi %scan3A_14, %scan3A_15 : i32
    %scan3A_17 = arith.constant 1 : i32
    scf.for %scan3A_43 = %scan3A_14 to %scan3A_16 step %scan3A_17  : i32 {
      %mul3A_44 = arith.constant 1 : i32
      %mul3A_45 = arith.muli %scan3A_43, %mul3A_44 : i32
      %add3A_46 = arith.constant 0 : i32
      %add3A_47 = arith.addi %add3A_46, %mul3A_45 : i32
      %rem3A = arith.constant 2 : i32
      %rem3A_48 = arith.remsi %add3A_47, %rem3A : i32
      %mul3A_49 = arith.constant 8 : i32
      %mul3A_50 = arith.muli %rem3A_48, %mul3A_49 : i32
      %rem3A_51 = arith.constant 3 : i32
      %rem3A_52 = arith.remsi %add3A_47, %rem3A_51 : i32
      %mul3A_53 = arith.constant 8 : i32
      %mul3A_54 = arith.muli %rem3A_52, %mul3A_53 : i32
      %add3A_55 = arith.constant 1 : i32
      %add3A_56 = arith.addi %add3A_47, %add3A_55 : i32
      %lt3A = arith.constant 10 : i32
      %lt3A_57 = arith.cmpi slt, %add3A_56, %lt3A : i32
      %convert_element_type3A = arith.extui %lt3A_57 : i1 to i32
      %cond3A = arith.constant 0 : i32
      %cond3A_58 = arith.cmpi ne, %convert_element_type3A, %cond3A : i32
      scf.if %cond3A_58 {
        %add3A_382 = arith.constant 1 : i32
        %add3A_383 = arith.addi %add3A_47, %add3A_382 : i32
        %rem3A_384 = arith.constant 2 : i32
        %rem3A_385 = arith.remsi %add3A_383, %rem3A_384 : i32
        %mul3A_386 = arith.constant 8 : i32
        %mul3A_387 = arith.muli %rem3A_385, %mul3A_386 : i32
        %add3A_388 = arith.constant 1 : i32
        %add3A_389 = arith.addi %add3A_47, %add3A_388 : i32
        %rem3A_390 = arith.constant 3 : i32
        %rem3A_391 = arith.remsi %add3A_389, %rem3A_390 : i32
        %mul3A_392 = arith.constant 8 : i32
        %mul3A_393 = arith.muli %rem3A_391, %mul3A_392 : i32
        %add3A_394 = arith.constant 1 : i32
        %add3A_395 = arith.addi %add3A_47, %add3A_394 : i32
        %mul3A_396 = arith.constant 8 : i32
        %mul3A_397 = arith.muli %add3A_395, %mul3A_396 : i32
        %dma_start3A_398 = arith.constant 0 : i32
        %dma_start3A_399 = tpu.memref_slice %arg7[%mul3A_387, %dma_start3A_398] : memref<16x125xi32, #tpu.memory_space<vmem>> -> memref<8x125xi32, #tpu.memory_space<vmem>>
        %dma_start3A_400 = arith.constant 0 : i32
        %dma_start3A_401 = arith.constant 0 : i32
        %dma_start3A_402 = tpu.memref_slice %arg3[%add3A, %dma_start3A_400, %dma_start3A_401] : memref<32x80x125xi32, #tpu.memory_space<hbm>> -> memref<1x80x125xi32, #tpu.memory_space<hbm>>
        %dma_start3A_403 = tpu.memref_squeeze %dma_start3A_402 : memref<1x80x125xi32, #tpu.memory_space<hbm>> -> memref<80x125xi32, #tpu.memory_space<hbm>>
        %dma_start3A_404 = arith.constant 0 : i32
        %dma_start3A_405 = tpu.memref_slice %dma_start3A_403[%mul3A_397, %dma_start3A_404] : memref<80x125xi32, #tpu.memory_space<hbm>> -> memref<8x125xi32, #tpu.memory_space<hbm>>
        %dma_start3A_406 = arith.constant 0 : i32
        %dma_start3A_407 = tpu.memref_slice %arg7[%mul3A_387, %dma_start3A_406] : memref<16x125xi32, #tpu.memory_space<vmem>> -> memref<8x125xi32, #tpu.memory_space<vmem>>
        %dma_start3A_408 = arith.constant 0 : i32
        %dma_start3A_409 = arith.constant 0 : i32
        %dma_start3A_410 = tpu.memref_slice %arg3[%add3A, %dma_start3A_408, %dma_start3A_409] : memref<32x80x125xi32, #tpu.memory_space<hbm>> -> memref<1x80x125xi32, #tpu.memory_space<hbm>>
        %dma_start3A_411 = tpu.memref_squeeze %dma_start3A_410 : memref<1x80x125xi32, #tpu.memory_space<hbm>> -> memref<80x125xi32, #tpu.memory_space<hbm>>
        %dma_start3A_412 = arith.constant 0 : i32
        %dma_start3A_413 = tpu.memref_slice %dma_start3A_411[%mul3A_397, %dma_start3A_412] : memref<80x125xi32, #tpu.memory_space<hbm>> -> memref<8x125xi32, #tpu.memory_space<hbm>>
        tpu.enqueue_dma source(%dma_start3A_413 : memref<8x125xi32, #tpu.memory_space<hbm>>) target(%dma_start3A_407 : memref<8x125xi32, #tpu.memory_space<vmem>>) target_semaphore(%arg16 : memref<!tpu.dma_semaphore, #tpu.memory_space<semaphore_mem>>)
        %add3A_414 = arith.constant 1 : i32
        %add3A_415 = arith.addi %add3A_47, %add3A_414 : i32
        %mul3A_416 = arith.constant 8 : i32
        %mul3A_417 = arith.muli %add3A_415, %mul3A_416 : i32
        %dma_start3A_418 = arith.constant 0 : i32
        %dma_start3A_419 = tpu.memref_slice %arg8[%mul3A_393, %dma_start3A_418] : memref<24x125xi32, #tpu.memory_space<vmem>> -> memref<8x125xi32, #tpu.memory_space<vmem>>
        %dma_start3A_420 = arith.constant 0 : i32
        %dma_start3A_421 = arith.constant 0 : i32
        %dma_start3A_422 = tpu.memref_slice %arg4[%add3A, %dma_start3A_420, %dma_start3A_421] : memref<32x80x125xi32, #tpu.memory_space<hbm>> -> memref<1x80x125xi32, #tpu.memory_space<hbm>>
        %dma_start3A_423 = tpu.memref_squeeze %dma_start3A_422 : memref<1x80x125xi32, #tpu.memory_space<hbm>> -> memref<80x125xi32, #tpu.memory_space<hbm>>
        %dma_start3A_424 = arith.constant 0 : i32
        %dma_start3A_425 = tpu.memref_slice %dma_start3A_423[%mul3A_417, %dma_start3A_424] : memref<80x125xi32, #tpu.memory_space<hbm>> -> memref<8x125xi32, #tpu.memory_space<hbm>>
        %dma_start3A_426 = arith.constant 0 : i32
        %dma_start3A_427 = tpu.memref_slice %arg8[%mul3A_393, %dma_start3A_426] : memref<24x125xi32, #tpu.memory_space<vmem>> -> memref<8x125xi32, #tpu.memory_space<vmem>>
        %dma_start3A_428 = arith.constant 0 : i32
        %dma_start3A_429 = arith.constant 0 : i32
        %dma_start3A_430 = tpu.memref_slice %arg4[%add3A, %dma_start3A_428, %dma_start3A_429] : memref<32x80x125xi32, #tpu.memory_space<hbm>> -> memref<1x80x125xi32, #tpu.memory_space<hbm>>
        %dma_start3A_431 = tpu.memref_squeeze %dma_start3A_430 : memref<1x80x125xi32, #tpu.memory_space<hbm>> -> memref<80x125xi32, #tpu.memory_space<hbm>>
        %dma_start3A_432 = arith.constant 0 : i32
        %dma_start3A_433 = tpu.memref_slice %dma_start3A_431[%mul3A_417, %dma_start3A_432] : memref<80x125xi32, #tpu.memory_space<hbm>> -> memref<8x125xi32, #tpu.memory_space<hbm>>
        tpu.enqueue_dma source(%dma_start3A_433 : memref<8x125xi32, #tpu.memory_space<hbm>>) target(%dma_start3A_427 : memref<8x125xi32, #tpu.memory_space<vmem>>) target_semaphore(%arg16 : memref<!tpu.dma_semaphore, #tpu.memory_space<semaphore_mem>>)
      } else {
      }
      %gt3A = arith.constant 0 : i32
      %gt3A_59 = arith.cmpi sgt, %add3A_47, %gt3A : i32
      %convert_element_type3A_60 = arith.extui %gt3A_59 : i1 to i32
      %cond3A_61 = arith.constant 0 : i32
      %cond3A_62 = arith.cmpi ne, %convert_element_type3A_60, %cond3A_61 : i32
      scf.if %cond3A_62 {
        %dma_wait3A_382 = arith.constant 0 : i32
        %dma_wait3A_383 = arith.constant 0 : i32
        %dma_wait3A_384 = arith.constant 0 : i32
        %dma_wait3A_385 = tpu.memref_slice %arg10[%dma_wait3A_383, %dma_wait3A_384] : memref<128x128xf32, #tpu.memory_space<vmem>> -> memref<125x128xf32, #tpu.memory_space<vmem>>
        %dma_wait3A_386 = arith.constant 0 : i32
        %dma_wait3A_387 = tpu.memref_slice %arg8[%dma_wait3A_382, %dma_wait3A_386] : memref<24x125xi32, #tpu.memory_space<vmem>> -> memref<1x125xi32, #tpu.memory_space<vmem>>
        %dma_wait3A_388 = tpu.memref_squeeze %dma_wait3A_387 : memref<1x125xi32, #tpu.memory_space<vmem>> -> memref<125xi32, #tpu.memory_space<vmem>>
        %dma_wait3A_389 = arith.constant 0 : i32
        %dma_wait3A_390 = arith.constant 0 : i32
        %dma_wait3A_391 = tpu.memref_slice %arg11[%dma_wait3A_389, %dma_wait3A_390] : memref<10240x128xf32, #tpu.memory_space<vmem_shared>> -> memref<10240x128xf32, #tpu.memory_space<vmem_shared>>
        tpu.wait_indirect_dma semaphore(%arg15 : memref<!tpu.dma_semaphore, #tpu.memory_space<semaphore_mem>>) src(%dma_wait3A_385 : memref<125x128xf32, #tpu.memory_space<vmem>>) dst(%dma_wait3A_391 : memref<10240x128xf32, #tpu.memory_space<vmem_shared>>)
      } else {
      }
      %dma_start3A_63 = arith.constant 1 : i32
      %dma_start3A_64 = arith.constant 0 : i32
      %dma_start3A_65 = arith.constant 0 : i32
      %dma_start3A_66 = tpu.memref_slice %arg10[%dma_start3A_64, %dma_start3A_65] : memref<128x128xf32, #tpu.memory_space<vmem>> -> memref<125x128xf32, #tpu.memory_space<vmem>>
      %dma_start3A_67 = arith.constant 0 : i32
      %dma_start3A_68 = tpu.memref_slice %arg7[%mul3A_50, %dma_start3A_67] : memref<16x125xi32, #tpu.memory_space<vmem>> -> memref<8x125xi32, #tpu.memory_space<vmem>>
      %dma_start3A_69 = arith.constant 0 : i32
      %dma_start3A_70 = tpu.memref_slice %dma_start3A_68[%dma_start3A_63, %dma_start3A_69] : memref<8x125xi32, #tpu.memory_space<vmem>> -> memref<1x125xi32, #tpu.memory_space<vmem>>
      %dma_start3A_71 = tpu.memref_squeeze %dma_start3A_70 : memref<1x125xi32, #tpu.memory_space<vmem>> -> memref<125xi32, #tpu.memory_space<vmem>>
      %dma_start3A_72 = arith.constant 0 : i32
      %dma_start3A_73 = arith.constant 0 : i32
      %dma_start3A_74 = tpu.memref_slice %arg2[%dma_start3A_72, %dma_start3A_73] : memref<10000x128xf32, #tpu.memory_space<hbm>> -> memref<10000x128xf32, #tpu.memory_space<hbm>>
      tpu.enqueue_indirect_dma source(%dma_start3A_74 : memref<10000x128xf32, #tpu.memory_space<hbm>>) target(%dma_start3A_66 : memref<125x128xf32, #tpu.memory_space<vmem>>) offsets(%dma_start3A_71 : memref<125xi32, #tpu.memory_space<vmem>>) semaphore(%arg13 : memref<!tpu.dma_semaphore, #tpu.memory_space<semaphore_mem>>)
      %dma_wait3A_75 = arith.constant 0 : i32
      %dma_wait3A_76 = arith.constant 0 : i32
      %dma_wait3A_77 = arith.constant 0 : i32
      %dma_wait3A_78 = tpu.memref_slice %arg9[%dma_wait3A_76, %dma_wait3A_77] : memref<128x128xf32, #tpu.memory_space<vmem>> -> memref<125x128xf32, #tpu.memory_space<vmem>>
      %dma_wait3A_79 = arith.constant 0 : i32
      %dma_wait3A_80 = tpu.memref_slice %arg7[%dma_wait3A_75, %dma_wait3A_79] : memref<16x125xi32, #tpu.memory_space<vmem>> -> memref<1x125xi32, #tpu.memory_space<vmem>>
      %dma_wait3A_81 = tpu.memref_squeeze %dma_wait3A_80 : memref<1x125xi32, #tpu.memory_space<vmem>> -> memref<125xi32, #tpu.memory_space<vmem>>
      %dma_wait3A_82 = arith.constant 0 : i32
      %dma_wait3A_83 = arith.constant 0 : i32
      %dma_wait3A_84 = tpu.memref_slice %arg2[%dma_wait3A_82, %dma_wait3A_83] : memref<10000x128xf32, #tpu.memory_space<hbm>> -> memref<10000x128xf32, #tpu.memory_space<hbm>>
      tpu.wait_indirect_dma semaphore(%arg12 : memref<!tpu.dma_semaphore, #tpu.memory_space<semaphore_mem>>) src(%dma_wait3A_84 : memref<10000x128xf32, #tpu.memory_space<hbm>>) dst(%dma_wait3A_78 : memref<125x128xf32, #tpu.memory_space<vmem>>)
      %add3A_85 = arith.constant 0 : i32
      %add3A_86 = arith.addi %mul3A_54, %add3A_85 : i32
      %dma_start3A_87 = arith.constant 0 : i32
      %dma_start3A_88 = arith.constant 0 : i32
      %dma_start3A_89 = tpu.memref_slice %arg9[%dma_start3A_87, %dma_start3A_88] : memref<128x128xf32, #tpu.memory_space<vmem>> -> memref<125x128xf32, #tpu.memory_space<vmem>>
      %dma_start3A_90 = arith.constant 0 : i32
      %dma_start3A_91 = tpu.memref_slice %arg8[%add3A_86, %dma_start3A_90] : memref<24x125xi32, #tpu.memory_space<vmem>> -> memref<1x125xi32, #tpu.memory_space<vmem>>
      %dma_start3A_92 = tpu.memref_squeeze %dma_start3A_91 : memref<1x125xi32, #tpu.memory_space<vmem>> -> memref<125xi32, #tpu.memory_space<vmem>>
      %dma_start3A_93 = arith.constant 0 : i32
      %dma_start3A_94 = arith.constant 0 : i32
      %dma_start3A_95 = tpu.memref_slice %arg11[%dma_start3A_93, %dma_start3A_94] : memref<10240x128xf32, #tpu.memory_space<vmem_shared>> -> memref<10240x128xf32, #tpu.memory_space<vmem_shared>>
      tpu.enqueue_indirect_dma source(%dma_start3A_89 : memref<125x128xf32, #tpu.memory_space<vmem>>) target(%dma_start3A_95 : memref<10240x128xf32, #tpu.memory_space<vmem_shared>>) offsets(%dma_start3A_92 : memref<125xi32, #tpu.memory_space<vmem>>) semaphore(%arg14 : memref<!tpu.dma_semaphore, #tpu.memory_space<semaphore_mem>>) {add = true}
      %dma_wait3A_96 = arith.constant 0 : i32
      %dma_wait3A_97 = arith.constant 0 : i32
      %dma_wait3A_98 = arith.constant 0 : i32
      %dma_wait3A_99 = tpu.memref_slice %arg9[%dma_wait3A_97, %dma_wait3A_98] : memref<128x128xf32, #tpu.memory_space<vmem>> -> memref<125x128xf32, #tpu.memory_space<vmem>>
      %dma_wait3A_100 = arith.constant 0 : i32
      %dma_wait3A_101 = tpu.memref_slice %arg8[%dma_wait3A_96, %dma_wait3A_100] : memref<24x125xi32, #tpu.memory_space<vmem>> -> memref<1x125xi32, #tpu.memory_space<vmem>>
      %dma_wait3A_102 = tpu.memref_squeeze %dma_wait3A_101 : memref<1x125xi32, #tpu.memory_space<vmem>> -> memref<125xi32, #tpu.memory_space<vmem>>
      %dma_wait3A_103 = arith.constant 0 : i32
      %dma_wait3A_104 = arith.constant 0 : i32
      %dma_wait3A_105 = tpu.memref_slice %arg11[%dma_wait3A_103, %dma_wait3A_104] : memref<10240x128xf32, #tpu.memory_space<vmem_shared>> -> memref<10240x128xf32, #tpu.memory_space<vmem_shared>>
      tpu.wait_indirect_dma semaphore(%arg14 : memref<!tpu.dma_semaphore, #tpu.memory_space<semaphore_mem>>) src(%dma_wait3A_99 : memref<125x128xf32, #tpu.memory_space<vmem>>) dst(%dma_wait3A_105 : memref<10240x128xf32, #tpu.memory_space<vmem_shared>>)
      %dma_start3A_106 = arith.constant 2 : i32
      %dma_start3A_107 = arith.constant 0 : i32
      %dma_start3A_108 = arith.constant 0 : i32
      %dma_start3A_109 = tpu.memref_slice %arg9[%dma_start3A_107, %dma_start3A_108] : memref<128x128xf32, #tpu.memory_space<vmem>> -> memref<125x128xf32, #tpu.memory_space<vmem>>
      %dma_start3A_110 = arith.constant 0 : i32
      %dma_start3A_111 = tpu.memref_slice %arg7[%mul3A_50, %dma_start3A_110] : memref<16x125xi32, #tpu.memory_space<vmem>> -> memref<8x125xi32, #tpu.memory_space<vmem>>
      %dma_start3A_112 = arith.constant 0 : i32
      %dma_start3A_113 = tpu.memref_slice %dma_start3A_111[%dma_start3A_106, %dma_start3A_112] : memref<8x125xi32, #tpu.memory_space<vmem>> -> memref<1x125xi32, #tpu.memory_space<vmem>>
      %dma_start3A_114 = tpu.memref_squeeze %dma_start3A_113 : memref<1x125xi32, #tpu.memory_space<vmem>> -> memref<125xi32, #tpu.memory_space<vmem>>
      %dma_start3A_115 = arith.constant 0 : i32
      %dma_start3A_116 = arith.constant 0 : i32
      %dma_start3A_117 = tpu.memref_slice %arg2[%dma_start3A_115, %dma_start3A_116] : memref<10000x128xf32, #tpu.memory_space<hbm>> -> memref<10000x128xf32, #tpu.memory_space<hbm>>
      tpu.enqueue_indirect_dma source(%dma_start3A_117 : memref<10000x128xf32, #tpu.memory_space<hbm>>) target(%dma_start3A_109 : memref<125x128xf32, #tpu.memory_space<vmem>>) offsets(%dma_start3A_114 : memref<125xi32, #tpu.memory_space<vmem>>) semaphore(%arg12 : memref<!tpu.dma_semaphore, #tpu.memory_space<semaphore_mem>>)
      %dma_wait3A_118 = arith.constant 0 : i32
      %dma_wait3A_119 = arith.constant 0 : i32
      %dma_wait3A_120 = arith.constant 0 : i32
      %dma_wait3A_121 = tpu.memref_slice %arg10[%dma_wait3A_119, %dma_wait3A_120] : memref<128x128xf32, #tpu.memory_space<vmem>> -> memref<125x128xf32, #tpu.memory_space<vmem>>
      %dma_wait3A_122 = arith.constant 0 : i32
      %dma_wait3A_123 = tpu.memref_slice %arg7[%dma_wait3A_118, %dma_wait3A_122] : memref<16x125xi32, #tpu.memory_space<vmem>> -> memref<1x125xi32, #tpu.memory_space<vmem>>
      %dma_wait3A_124 = tpu.memref_squeeze %dma_wait3A_123 : memref<1x125xi32, #tpu.memory_space<vmem>> -> memref<125xi32, #tpu.memory_space<vmem>>
      %dma_wait3A_125 = arith.constant 0 : i32
      %dma_wait3A_126 = arith.constant 0 : i32
      %dma_wait3A_127 = tpu.memref_slice %arg2[%dma_wait3A_125, %dma_wait3A_126] : memref<10000x128xf32, #tpu.memory_space<hbm>> -> memref<10000x128xf32, #tpu.memory_space<hbm>>
      tpu.wait_indirect_dma semaphore(%arg13 : memref<!tpu.dma_semaphore, #tpu.memory_space<semaphore_mem>>) src(%dma_wait3A_127 : memref<10000x128xf32, #tpu.memory_space<hbm>>) dst(%dma_wait3A_121 : memref<125x128xf32, #tpu.memory_space<vmem>>)
      %add3A_128 = arith.constant 1 : i32
      %add3A_129 = arith.addi %mul3A_54, %add3A_128 : i32
      %dma_start3A_130 = arith.constant 0 : i32
      %dma_start3A_131 = arith.constant 0 : i32
      %dma_start3A_132 = tpu.memref_slice %arg10[%dma_start3A_130, %dma_start3A_131] : memref<128x128xf32, #tpu.memory_space<vmem>> -> memref<125x128xf32, #tpu.memory_space<vmem>>
      %dma_start3A_133 = arith.constant 0 : i32
      %dma_start3A_134 = tpu.memref_slice %arg8[%add3A_129, %dma_start3A_133] : memref<24x125xi32, #tpu.memory_space<vmem>> -> memref<1x125xi32, #tpu.memory_space<vmem>>
      %dma_start3A_135 = tpu.memref_squeeze %dma_start3A_134 : memref<1x125xi32, #tpu.memory_space<vmem>> -> memref<125xi32, #tpu.memory_space<vmem>>
      %dma_start3A_136 = arith.constant 0 : i32
      %dma_start3A_137 = arith.constant 0 : i32
      %dma_start3A_138 = tpu.memref_slice %arg11[%dma_start3A_136, %dma_start3A_137] : memref<10240x128xf32, #tpu.memory_space<vmem_shared>> -> memref<10240x128xf32, #tpu.memory_space<vmem_shared>>
      tpu.enqueue_indirect_dma source(%dma_start3A_132 : memref<125x128xf32, #tpu.memory_space<vmem>>) target(%dma_start3A_138 : memref<10240x128xf32, #tpu.memory_space<vmem_shared>>) offsets(%dma_start3A_135 : memref<125xi32, #tpu.memory_space<vmem>>) semaphore(%arg15 : memref<!tpu.dma_semaphore, #tpu.memory_space<semaphore_mem>>) {add = true}
      %dma_wait3A_139 = arith.constant 0 : i32
      %dma_wait3A_140 = arith.constant 0 : i32
      %dma_wait3A_141 = arith.constant 0 : i32
      %dma_wait3A_142 = tpu.memref_slice %arg10[%dma_wait3A_140, %dma_wait3A_141] : memref<128x128xf32, #tpu.memory_space<vmem>> -> memref<125x128xf32, #tpu.memory_space<vmem>>
      %dma_wait3A_143 = arith.constant 0 : i32
      %dma_wait3A_144 = tpu.memref_slice %arg8[%dma_wait3A_139, %dma_wait3A_143] : memref<24x125xi32, #tpu.memory_space<vmem>> -> memref<1x125xi32, #tpu.memory_space<vmem>>
      %dma_wait3A_145 = tpu.memref_squeeze %dma_wait3A_144 : memref<1x125xi32, #tpu.memory_space<vmem>> -> memref<125xi32, #tpu.memory_space<vmem>>
      %dma_wait3A_146 = arith.constant 0 : i32
      %dma_wait3A_147 = arith.constant 0 : i32
      %dma_wait3A_148 = tpu.memref_slice %arg11[%dma_wait3A_146, %dma_wait3A_147] : memref<10240x128xf32, #tpu.memory_space<vmem_shared>> -> memref<10240x128xf32, #tpu.memory_space<vmem_shared>>
      tpu.wait_indirect_dma semaphore(%arg15 : memref<!tpu.dma_semaphore, #tpu.memory_space<semaphore_mem>>) src(%dma_wait3A_142 : memref<125x128xf32, #tpu.memory_space<vmem>>) dst(%dma_wait3A_148 : memref<10240x128xf32, #tpu.memory_space<vmem_shared>>)
      %dma_start3A_149 = arith.constant 3 : i32
      %dma_start3A_150 = arith.constant 0 : i32
      %dma_start3A_151 = arith.constant 0 : i32
      %dma_start3A_152 = tpu.memref_slice %arg10[%dma_start3A_150, %dma_start3A_151] : memref<128x128xf32, #tpu.memory_space<vmem>> -> memref<125x128xf32, #tpu.memory_space<vmem>>
      %dma_start3A_153 = arith.constant 0 : i32
      %dma_start3A_154 = tpu.memref_slice %arg7[%mul3A_50, %dma_start3A_153] : memref<16x125xi32, #tpu.memory_space<vmem>> -> memref<8x125xi32, #tpu.memory_space<vmem>>
      %dma_start3A_155 = arith.constant 0 : i32
      %dma_start3A_156 = tpu.memref_slice %dma_start3A_154[%dma_start3A_149, %dma_start3A_155] : memref<8x125xi32, #tpu.memory_space<vmem>> -> memref<1x125xi32, #tpu.memory_space<vmem>>
      %dma_start3A_157 = tpu.memref_squeeze %dma_start3A_156 : memref<1x125xi32, #tpu.memory_space<vmem>> -> memref<125xi32, #tpu.memory_space<vmem>>
      %dma_start3A_158 = arith.constant 0 : i32
      %dma_start3A_159 = arith.constant 0 : i32
      %dma_start3A_160 = tpu.memref_slice %arg2[%dma_start3A_158, %dma_start3A_159] : memref<10000x128xf32, #tpu.memory_space<hbm>> -> memref<10000x128xf32, #tpu.memory_space<hbm>>
      tpu.enqueue_indirect_dma source(%dma_start3A_160 : memref<10000x128xf32, #tpu.memory_space<hbm>>) target(%dma_start3A_152 : memref<125x128xf32, #tpu.memory_space<vmem>>) offsets(%dma_start3A_157 : memref<125xi32, #tpu.memory_space<vmem>>) semaphore(%arg13 : memref<!tpu.dma_semaphore, #tpu.memory_space<semaphore_mem>>)
      %dma_wait3A_161 = arith.constant 0 : i32
      %dma_wait3A_162 = arith.constant 0 : i32
      %dma_wait3A_163 = arith.constant 0 : i32
      %dma_wait3A_164 = tpu.memref_slice %arg9[%dma_wait3A_162, %dma_wait3A_163] : memref<128x128xf32, #tpu.memory_space<vmem>> -> memref<125x128xf32, #tpu.memory_space<vmem>>
      %dma_wait3A_165 = arith.constant 0 : i32
      %dma_wait3A_166 = tpu.memref_slice %arg7[%dma_wait3A_161, %dma_wait3A_165] : memref<16x125xi32, #tpu.memory_space<vmem>> -> memref<1x125xi32, #tpu.memory_space<vmem>>
      %dma_wait3A_167 = tpu.memref_squeeze %dma_wait3A_166 : memref<1x125xi32, #tpu.memory_space<vmem>> -> memref<125xi32, #tpu.memory_space<vmem>>
      %dma_wait3A_168 = arith.constant 0 : i32
      %dma_wait3A_169 = arith.constant 0 : i32
      %dma_wait3A_170 = tpu.memref_slice %arg2[%dma_wait3A_168, %dma_wait3A_169] : memref<10000x128xf32, #tpu.memory_space<hbm>> -> memref<10000x128xf32, #tpu.memory_space<hbm>>
      tpu.wait_indirect_dma semaphore(%arg12 : memref<!tpu.dma_semaphore, #tpu.memory_space<semaphore_mem>>) src(%dma_wait3A_170 : memref<10000x128xf32, #tpu.memory_space<hbm>>) dst(%dma_wait3A_164 : memref<125x128xf32, #tpu.memory_space<vmem>>)
      %add3A_171 = arith.constant 2 : i32
      %add3A_172 = arith.addi %mul3A_54, %add3A_171 : i32
      %dma_start3A_173 = arith.constant 0 : i32
      %dma_start3A_174 = arith.constant 0 : i32
      %dma_start3A_175 = tpu.memref_slice %arg9[%dma_start3A_173, %dma_start3A_174] : memref<128x128xf32, #tpu.memory_space<vmem>> -> memref<125x128xf32, #tpu.memory_space<vmem>>
      %dma_start3A_176 = arith.constant 0 : i32
      %dma_start3A_177 = tpu.memref_slice %arg8[%add3A_172, %dma_start3A_176] : memref<24x125xi32, #tpu.memory_space<vmem>> -> memref<1x125xi32, #tpu.memory_space<vmem>>
      %dma_start3A_178 = tpu.memref_squeeze %dma_start3A_177 : memref<1x125xi32, #tpu.memory_space<vmem>> -> memref<125xi32, #tpu.memory_space<vmem>>
      %dma_start3A_179 = arith.constant 0 : i32
      %dma_start3A_180 = arith.constant 0 : i32
      %dma_start3A_181 = tpu.memref_slice %arg11[%dma_start3A_179, %dma_start3A_180] : memref<10240x128xf32, #tpu.memory_space<vmem_shared>> -> memref<10240x128xf32, #tpu.memory_space<vmem_shared>>
      tpu.enqueue_indirect_dma source(%dma_start3A_175 : memref<125x128xf32, #tpu.memory_space<vmem>>) target(%dma_start3A_181 : memref<10240x128xf32, #tpu.memory_space<vmem_shared>>) offsets(%dma_start3A_178 : memref<125xi32, #tpu.memory_space<vmem>>) semaphore(%arg14 : memref<!tpu.dma_semaphore, #tpu.memory_space<semaphore_mem>>) {add = true}
      %dma_wait3A_182 = arith.constant 0 : i32
      %dma_wait3A_183 = arith.constant 0 : i32
      %dma_wait3A_184 = arith.constant 0 : i32
      %dma_wait3A_185 = tpu.memref_slice %arg9[%dma_wait3A_183, %dma_wait3A_184] : memref<128x128xf32, #tpu.memory_space<vmem>> -> memref<125x128xf32, #tpu.memory_space<vmem>>
      %dma_wait3A_186 = arith.constant 0 : i32
      %dma_wait3A_187 = tpu.memref_slice %arg8[%dma_wait3A_182, %dma_wait3A_186] : memref<24x125xi32, #tpu.memory_space<vmem>> -> memref<1x125xi32, #tpu.memory_space<vmem>>
      %dma_wait3A_188 = tpu.memref_squeeze %dma_wait3A_187 : memref<1x125xi32, #tpu.memory_space<vmem>> -> memref<125xi32, #tpu.memory_space<vmem>>
      %dma_wait3A_189 = arith.constant 0 : i32
      %dma_wait3A_190 = arith.constant 0 : i32
      %dma_wait3A_191 = tpu.memref_slice %arg11[%dma_wait3A_189, %dma_wait3A_190] : memref<10240x128xf32, #tpu.memory_space<vmem_shared>> -> memref<10240x128xf32, #tpu.memory_space<vmem_shared>>
      tpu.wait_indirect_dma semaphore(%arg14 : memref<!tpu.dma_semaphore, #tpu.memory_space<semaphore_mem>>) src(%dma_wait3A_185 : memref<125x128xf32, #tpu.memory_space<vmem>>) dst(%dma_wait3A_191 : memref<10240x128xf32, #tpu.memory_space<vmem_shared>>)
      %dma_start3A_192 = arith.constant 4 : i32
      %dma_start3A_193 = arith.constant 0 : i32
      %dma_start3A_194 = arith.constant 0 : i32
      %dma_start3A_195 = tpu.memref_slice %arg9[%dma_start3A_193, %dma_start3A_194] : memref<128x128xf32, #tpu.memory_space<vmem>> -> memref<125x128xf32, #tpu.memory_space<vmem>>
      %dma_start3A_196 = arith.constant 0 : i32
      %dma_start3A_197 = tpu.memref_slice %arg7[%mul3A_50, %dma_start3A_196] : memref<16x125xi32, #tpu.memory_space<vmem>> -> memref<8x125xi32, #tpu.memory_space<vmem>>
      %dma_start3A_198 = arith.constant 0 : i32
      %dma_start3A_199 = tpu.memref_slice %dma_start3A_197[%dma_start3A_192, %dma_start3A_198] : memref<8x125xi32, #tpu.memory_space<vmem>> -> memref<1x125xi32, #tpu.memory_space<vmem>>
      %dma_start3A_200 = tpu.memref_squeeze %dma_start3A_199 : memref<1x125xi32, #tpu.memory_space<vmem>> -> memref<125xi32, #tpu.memory_space<vmem>>
      %dma_start3A_201 = arith.constant 0 : i32
      %dma_start3A_202 = arith.constant 0 : i32
      %dma_start3A_203 = tpu.memref_slice %arg2[%dma_start3A_201, %dma_start3A_202] : memref<10000x128xf32, #tpu.memory_space<hbm>> -> memref<10000x128xf32, #tpu.memory_space<hbm>>
      tpu.enqueue_indirect_dma source(%dma_start3A_203 : memref<10000x128xf32, #tpu.memory_space<hbm>>) target(%dma_start3A_195 : memref<125x128xf32, #tpu.memory_space<vmem>>) offsets(%dma_start3A_200 : memref<125xi32, #tpu.memory_space<vmem>>) semaphore(%arg12 : memref<!tpu.dma_semaphore, #tpu.memory_space<semaphore_mem>>)
      %dma_wait3A_204 = arith.constant 0 : i32
      %dma_wait3A_205 = arith.constant 0 : i32
      %dma_wait3A_206 = arith.constant 0 : i32
      %dma_wait3A_207 = tpu.memref_slice %arg10[%dma_wait3A_205, %dma_wait3A_206] : memref<128x128xf32, #tpu.memory_space<vmem>> -> memref<125x128xf32, #tpu.memory_space<vmem>>
      %dma_wait3A_208 = arith.constant 0 : i32
      %dma_wait3A_209 = tpu.memref_slice %arg7[%dma_wait3A_204, %dma_wait3A_208] : memref<16x125xi32, #tpu.memory_space<vmem>> -> memref<1x125xi32, #tpu.memory_space<vmem>>
      %dma_wait3A_210 = tpu.memref_squeeze %dma_wait3A_209 : memref<1x125xi32, #tpu.memory_space<vmem>> -> memref<125xi32, #tpu.memory_space<vmem>>
      %dma_wait3A_211 = arith.constant 0 : i32
      %dma_wait3A_212 = arith.constant 0 : i32
      %dma_wait3A_213 = tpu.memref_slice %arg2[%dma_wait3A_211, %dma_wait3A_212] : memref<10000x128xf32, #tpu.memory_space<hbm>> -> memref<10000x128xf32, #tpu.memory_space<hbm>>
      tpu.wait_indirect_dma semaphore(%arg13 : memref<!tpu.dma_semaphore, #tpu.memory_space<semaphore_mem>>) src(%dma_wait3A_213 : memref<10000x128xf32, #tpu.memory_space<hbm>>) dst(%dma_wait3A_207 : memref<125x128xf32, #tpu.memory_space<vmem>>)
      %add3A_214 = arith.constant 3 : i32
      %add3A_215 = arith.addi %mul3A_54, %add3A_214 : i32
      %dma_start3A_216 = arith.constant 0 : i32
      %dma_start3A_217 = arith.constant 0 : i32
      %dma_start3A_218 = tpu.memref_slice %arg10[%dma_start3A_216, %dma_start3A_217] : memref<128x128xf32, #tpu.memory_space<vmem>> -> memref<125x128xf32, #tpu.memory_space<vmem>>
      %dma_start3A_219 = arith.constant 0 : i32
      %dma_start3A_220 = tpu.memref_slice %arg8[%add3A_215, %dma_start3A_219] : memref<24x125xi32, #tpu.memory_space<vmem>> -> memref<1x125xi32, #tpu.memory_space<vmem>>
      %dma_start3A_221 = tpu.memref_squeeze %dma_start3A_220 : memref<1x125xi32, #tpu.memory_space<vmem>> -> memref<125xi32, #tpu.memory_space<vmem>>
      %dma_start3A_222 = arith.constant 0 : i32
      %dma_start3A_223 = arith.constant 0 : i32
      %dma_start3A_224 = tpu.memref_slice %arg11[%dma_start3A_222, %dma_start3A_223] : memref<10240x128xf32, #tpu.memory_space<vmem_shared>> -> memref<10240x128xf32, #tpu.memory_space<vmem_shared>>
      tpu.enqueue_indirect_dma source(%dma_start3A_218 : memref<125x128xf32, #tpu.memory_space<vmem>>) target(%dma_start3A_224 : memref<10240x128xf32, #tpu.memory_space<vmem_shared>>) offsets(%dma_start3A_221 : memref<125xi32, #tpu.memory_space<vmem>>) semaphore(%arg15 : memref<!tpu.dma_semaphore, #tpu.memory_space<semaphore_mem>>) {add = true}
      %dma_wait3A_225 = arith.constant 0 : i32
      %dma_wait3A_226 = arith.constant 0 : i32
      %dma_wait3A_227 = arith.constant 0 : i32
      %dma_wait3A_228 = tpu.memref_slice %arg10[%dma_wait3A_226, %dma_wait3A_227] : memref<128x128xf32, #tpu.memory_space<vmem>> -> memref<125x128xf32, #tpu.memory_space<vmem>>
      %dma_wait3A_229 = arith.constant 0 : i32
      %dma_wait3A_230 = tpu.memref_slice %arg8[%dma_wait3A_225, %dma_wait3A_229] : memref<24x125xi32, #tpu.memory_space<vmem>> -> memref<1x125xi32, #tpu.memory_space<vmem>>
      %dma_wait3A_231 = tpu.memref_squeeze %dma_wait3A_230 : memref<1x125xi32, #tpu.memory_space<vmem>> -> memref<125xi32, #tpu.memory_space<vmem>>
      %dma_wait3A_232 = arith.constant 0 : i32
      %dma_wait3A_233 = arith.constant 0 : i32
      %dma_wait3A_234 = tpu.memref_slice %arg11[%dma_wait3A_232, %dma_wait3A_233] : memref<10240x128xf32, #tpu.memory_space<vmem_shared>> -> memref<10240x128xf32, #tpu.memory_space<vmem_shared>>
      tpu.wait_indirect_dma semaphore(%arg15 : memref<!tpu.dma_semaphore, #tpu.memory_space<semaphore_mem>>) src(%dma_wait3A_228 : memref<125x128xf32, #tpu.memory_space<vmem>>) dst(%dma_wait3A_234 : memref<10240x128xf32, #tpu.memory_space<vmem_shared>>)
      %dma_start3A_235 = arith.constant 5 : i32
      %dma_start3A_236 = arith.constant 0 : i32
      %dma_start3A_237 = arith.constant 0 : i32
      %dma_start3A_238 = tpu.memref_slice %arg10[%dma_start3A_236, %dma_start3A_237] : memref<128x128xf32, #tpu.memory_space<vmem>> -> memref<125x128xf32, #tpu.memory_space<vmem>>
      %dma_start3A_239 = arith.constant 0 : i32
      %dma_start3A_240 = tpu.memref_slice %arg7[%mul3A_50, %dma_start3A_239] : memref<16x125xi32, #tpu.memory_space<vmem>> -> memref<8x125xi32, #tpu.memory_space<vmem>>
      %dma_start3A_241 = arith.constant 0 : i32
      %dma_start3A_242 = tpu.memref_slice %dma_start3A_240[%dma_start3A_235, %dma_start3A_241] : memref<8x125xi32, #tpu.memory_space<vmem>> -> memref<1x125xi32, #tpu.memory_space<vmem>>
      %dma_start3A_243 = tpu.memref_squeeze %dma_start3A_242 : memref<1x125xi32, #tpu.memory_space<vmem>> -> memref<125xi32, #tpu.memory_space<vmem>>
      %dma_start3A_244 = arith.constant 0 : i32
      %dma_start3A_245 = arith.constant 0 : i32
      %dma_start3A_246 = tpu.memref_slice %arg2[%dma_start3A_244, %dma_start3A_245] : memref<10000x128xf32, #tpu.memory_space<hbm>> -> memref<10000x128xf32, #tpu.memory_space<hbm>>
      tpu.enqueue_indirect_dma source(%dma_start3A_246 : memref<10000x128xf32, #tpu.memory_space<hbm>>) target(%dma_start3A_238 : memref<125x128xf32, #tpu.memory_space<vmem>>) offsets(%dma_start3A_243 : memref<125xi32, #tpu.memory_space<vmem>>) semaphore(%arg13 : memref<!tpu.dma_semaphore, #tpu.memory_space<semaphore_mem>>)
      %dma_wait3A_247 = arith.constant 0 : i32
      %dma_wait3A_248 = arith.constant 0 : i32
      %dma_wait3A_249 = arith.constant 0 : i32
      %dma_wait3A_250 = tpu.memref_slice %arg9[%dma_wait3A_248, %dma_wait3A_249] : memref<128x128xf32, #tpu.memory_space<vmem>> -> memref<125x128xf32, #tpu.memory_space<vmem>>
      %dma_wait3A_251 = arith.constant 0 : i32
      %dma_wait3A_252 = tpu.memref_slice %arg7[%dma_wait3A_247, %dma_wait3A_251] : memref<16x125xi32, #tpu.memory_space<vmem>> -> memref<1x125xi32, #tpu.memory_space<vmem>>
      %dma_wait3A_253 = tpu.memref_squeeze %dma_wait3A_252 : memref<1x125xi32, #tpu.memory_space<vmem>> -> memref<125xi32, #tpu.memory_space<vmem>>
      %dma_wait3A_254 = arith.constant 0 : i32
      %dma_wait3A_255 = arith.constant 0 : i32
      %dma_wait3A_256 = tpu.memref_slice %arg2[%dma_wait3A_254, %dma_wait3A_255] : memref<10000x128xf32, #tpu.memory_space<hbm>> -> memref<10000x128xf32, #tpu.memory_space<hbm>>
      tpu.wait_indirect_dma semaphore(%arg12 : memref<!tpu.dma_semaphore, #tpu.memory_space<semaphore_mem>>) src(%dma_wait3A_256 : memref<10000x128xf32, #tpu.memory_space<hbm>>) dst(%dma_wait3A_250 : memref<125x128xf32, #tpu.memory_space<vmem>>)
      %add3A_257 = arith.constant 4 : i32
      %add3A_258 = arith.addi %mul3A_54, %add3A_257 : i32
      %dma_start3A_259 = arith.constant 0 : i32
      %dma_start3A_260 = arith.constant 0 : i32
      %dma_start3A_261 = tpu.memref_slice %arg9[%dma_start3A_259, %dma_start3A_260] : memref<128x128xf32, #tpu.memory_space<vmem>> -> memref<125x128xf32, #tpu.memory_space<vmem>>
      %dma_start3A_262 = arith.constant 0 : i32
      %dma_start3A_263 = tpu.memref_slice %arg8[%add3A_258, %dma_start3A_262] : memref<24x125xi32, #tpu.memory_space<vmem>> -> memref<1x125xi32, #tpu.memory_space<vmem>>
      %dma_start3A_264 = tpu.memref_squeeze %dma_start3A_263 : memref<1x125xi32, #tpu.memory_space<vmem>> -> memref<125xi32, #tpu.memory_space<vmem>>
      %dma_start3A_265 = arith.constant 0 : i32
      %dma_start3A_266 = arith.constant 0 : i32
      %dma_start3A_267 = tpu.memref_slice %arg11[%dma_start3A_265, %dma_start3A_266] : memref<10240x128xf32, #tpu.memory_space<vmem_shared>> -> memref<10240x128xf32, #tpu.memory_space<vmem_shared>>
      tpu.enqueue_indirect_dma source(%dma_start3A_261 : memref<125x128xf32, #tpu.memory_space<vmem>>) target(%dma_start3A_267 : memref<10240x128xf32, #tpu.memory_space<vmem_shared>>) offsets(%dma_start3A_264 : memref<125xi32, #tpu.memory_space<vmem>>) semaphore(%arg14 : memref<!tpu.dma_semaphore, #tpu.memory_space<semaphore_mem>>) {add = true}
      %dma_wait3A_268 = arith.constant 0 : i32
      %dma_wait3A_269 = arith.constant 0 : i32
      %dma_wait3A_270 = arith.constant 0 : i32
      %dma_wait3A_271 = tpu.memref_slice %arg9[%dma_wait3A_269, %dma_wait3A_270] : memref<128x128xf32, #tpu.memory_space<vmem>> -> memref<125x128xf32, #tpu.memory_space<vmem>>
      %dma_wait3A_272 = arith.constant 0 : i32
      %dma_wait3A_273 = tpu.memref_slice %arg8[%dma_wait3A_268, %dma_wait3A_272] : memref<24x125xi32, #tpu.memory_space<vmem>> -> memref<1x125xi32, #tpu.memory_space<vmem>>
      %dma_wait3A_274 = tpu.memref_squeeze %dma_wait3A_273 : memref<1x125xi32, #tpu.memory_space<vmem>> -> memref<125xi32, #tpu.memory_space<vmem>>
      %dma_wait3A_275 = arith.constant 0 : i32
      %dma_wait3A_276 = arith.constant 0 : i32
      %dma_wait3A_277 = tpu.memref_slice %arg11[%dma_wait3A_275, %dma_wait3A_276] : memref<10240x128xf32, #tpu.memory_space<vmem_shared>> -> memref<10240x128xf32, #tpu.memory_space<vmem_shared>>
      tpu.wait_indirect_dma semaphore(%arg14 : memref<!tpu.dma_semaphore, #tpu.memory_space<semaphore_mem>>) src(%dma_wait3A_271 : memref<125x128xf32, #tpu.memory_space<vmem>>) dst(%dma_wait3A_277 : memref<10240x128xf32, #tpu.memory_space<vmem_shared>>)
      %dma_start3A_278 = arith.constant 6 : i32
      %dma_start3A_279 = arith.constant 0 : i32
      %dma_start3A_280 = arith.constant 0 : i32
      %dma_start3A_281 = tpu.memref_slice %arg9[%dma_start3A_279, %dma_start3A_280] : memref<128x128xf32, #tpu.memory_space<vmem>> -> memref<125x128xf32, #tpu.memory_space<vmem>>
      %dma_start3A_282 = arith.constant 0 : i32
      %dma_start3A_283 = tpu.memref_slice %arg7[%mul3A_50, %dma_start3A_282] : memref<16x125xi32, #tpu.memory_space<vmem>> -> memref<8x125xi32, #tpu.memory_space<vmem>>
      %dma_start3A_284 = arith.constant 0 : i32
      %dma_start3A_285 = tpu.memref_slice %dma_start3A_283[%dma_start3A_278, %dma_start3A_284] : memref<8x125xi32, #tpu.memory_space<vmem>> -> memref<1x125xi32, #tpu.memory_space<vmem>>
      %dma_start3A_286 = tpu.memref_squeeze %dma_start3A_285 : memref<1x125xi32, #tpu.memory_space<vmem>> -> memref<125xi32, #tpu.memory_space<vmem>>
      %dma_start3A_287 = arith.constant 0 : i32
      %dma_start3A_288 = arith.constant 0 : i32
      %dma_start3A_289 = tpu.memref_slice %arg2[%dma_start3A_287, %dma_start3A_288] : memref<10000x128xf32, #tpu.memory_space<hbm>> -> memref<10000x128xf32, #tpu.memory_space<hbm>>
      tpu.enqueue_indirect_dma source(%dma_start3A_289 : memref<10000x128xf32, #tpu.memory_space<hbm>>) target(%dma_start3A_281 : memref<125x128xf32, #tpu.memory_space<vmem>>) offsets(%dma_start3A_286 : memref<125xi32, #tpu.memory_space<vmem>>) semaphore(%arg12 : memref<!tpu.dma_semaphore, #tpu.memory_space<semaphore_mem>>)
      %dma_wait3A_290 = arith.constant 0 : i32
      %dma_wait3A_291 = arith.constant 0 : i32
      %dma_wait3A_292 = arith.constant 0 : i32
      %dma_wait3A_293 = tpu.memref_slice %arg10[%dma_wait3A_291, %dma_wait3A_292] : memref<128x128xf32, #tpu.memory_space<vmem>> -> memref<125x128xf32, #tpu.memory_space<vmem>>
      %dma_wait3A_294 = arith.constant 0 : i32
      %dma_wait3A_295 = tpu.memref_slice %arg7[%dma_wait3A_290, %dma_wait3A_294] : memref<16x125xi32, #tpu.memory_space<vmem>> -> memref<1x125xi32, #tpu.memory_space<vmem>>
      %dma_wait3A_296 = tpu.memref_squeeze %dma_wait3A_295 : memref<1x125xi32, #tpu.memory_space<vmem>> -> memref<125xi32, #tpu.memory_space<vmem>>
      %dma_wait3A_297 = arith.constant 0 : i32
      %dma_wait3A_298 = arith.constant 0 : i32
      %dma_wait3A_299 = tpu.memref_slice %arg2[%dma_wait3A_297, %dma_wait3A_298] : memref<10000x128xf32, #tpu.memory_space<hbm>> -> memref<10000x128xf32, #tpu.memory_space<hbm>>
      tpu.wait_indirect_dma semaphore(%arg13 : memref<!tpu.dma_semaphore, #tpu.memory_space<semaphore_mem>>) src(%dma_wait3A_299 : memref<10000x128xf32, #tpu.memory_space<hbm>>) dst(%dma_wait3A_293 : memref<125x128xf32, #tpu.memory_space<vmem>>)
      %add3A_300 = arith.constant 5 : i32
      %add3A_301 = arith.addi %mul3A_54, %add3A_300 : i32
      %dma_start3A_302 = arith.constant 0 : i32
      %dma_start3A_303 = arith.constant 0 : i32
      %dma_start3A_304 = tpu.memref_slice %arg10[%dma_start3A_302, %dma_start3A_303] : memref<128x128xf32, #tpu.memory_space<vmem>> -> memref<125x128xf32, #tpu.memory_space<vmem>>
      %dma_start3A_305 = arith.constant 0 : i32
      %dma_start3A_306 = tpu.memref_slice %arg8[%add3A_301, %dma_start3A_305] : memref<24x125xi32, #tpu.memory_space<vmem>> -> memref<1x125xi32, #tpu.memory_space<vmem>>
      %dma_start3A_307 = tpu.memref_squeeze %dma_start3A_306 : memref<1x125xi32, #tpu.memory_space<vmem>> -> memref<125xi32, #tpu.memory_space<vmem>>
      %dma_start3A_308 = arith.constant 0 : i32
      %dma_start3A_309 = arith.constant 0 : i32
      %dma_start3A_310 = tpu.memref_slice %arg11[%dma_start3A_308, %dma_start3A_309] : memref<10240x128xf32, #tpu.memory_space<vmem_shared>> -> memref<10240x128xf32, #tpu.memory_space<vmem_shared>>
      tpu.enqueue_indirect_dma source(%dma_start3A_304 : memref<125x128xf32, #tpu.memory_space<vmem>>) target(%dma_start3A_310 : memref<10240x128xf32, #tpu.memory_space<vmem_shared>>) offsets(%dma_start3A_307 : memref<125xi32, #tpu.memory_space<vmem>>) semaphore(%arg15 : memref<!tpu.dma_semaphore, #tpu.memory_space<semaphore_mem>>) {add = true}
      %dma_wait3A_311 = arith.constant 0 : i32
      %dma_wait3A_312 = arith.constant 0 : i32
      %dma_wait3A_313 = arith.constant 0 : i32
      %dma_wait3A_314 = tpu.memref_slice %arg10[%dma_wait3A_312, %dma_wait3A_313] : memref<128x128xf32, #tpu.memory_space<vmem>> -> memref<125x128xf32, #tpu.memory_space<vmem>>
      %dma_wait3A_315 = arith.constant 0 : i32
      %dma_wait3A_316 = tpu.memref_slice %arg8[%dma_wait3A_311, %dma_wait3A_315] : memref<24x125xi32, #tpu.memory_space<vmem>> -> memref<1x125xi32, #tpu.memory_space<vmem>>
      %dma_wait3A_317 = tpu.memref_squeeze %dma_wait3A_316 : memref<1x125xi32, #tpu.memory_space<vmem>> -> memref<125xi32, #tpu.memory_space<vmem>>
      %dma_wait3A_318 = arith.constant 0 : i32
      %dma_wait3A_319 = arith.constant 0 : i32
      %dma_wait3A_320 = tpu.memref_slice %arg11[%dma_wait3A_318, %dma_wait3A_319] : memref<10240x128xf32, #tpu.memory_space<vmem_shared>> -> memref<10240x128xf32, #tpu.memory_space<vmem_shared>>
      tpu.wait_indirect_dma semaphore(%arg15 : memref<!tpu.dma_semaphore, #tpu.memory_space<semaphore_mem>>) src(%dma_wait3A_314 : memref<125x128xf32, #tpu.memory_space<vmem>>) dst(%dma_wait3A_320 : memref<10240x128xf32, #tpu.memory_space<vmem_shared>>)
      %dma_start3A_321 = arith.constant 7 : i32
      %dma_start3A_322 = arith.constant 0 : i32
      %dma_start3A_323 = arith.constant 0 : i32
      %dma_start3A_324 = tpu.memref_slice %arg10[%dma_start3A_322, %dma_start3A_323] : memref<128x128xf32, #tpu.memory_space<vmem>> -> memref<125x128xf32, #tpu.memory_space<vmem>>
      %dma_start3A_325 = arith.constant 0 : i32
      %dma_start3A_326 = tpu.memref_slice %arg7[%mul3A_50, %dma_start3A_325] : memref<16x125xi32, #tpu.memory_space<vmem>> -> memref<8x125xi32, #tpu.memory_space<vmem>>
      %dma_start3A_327 = arith.constant 0 : i32
      %dma_start3A_328 = tpu.memref_slice %dma_start3A_326[%dma_start3A_321, %dma_start3A_327] : memref<8x125xi32, #tpu.memory_space<vmem>> -> memref<1x125xi32, #tpu.memory_space<vmem>>
      %dma_start3A_329 = tpu.memref_squeeze %dma_start3A_328 : memref<1x125xi32, #tpu.memory_space<vmem>> -> memref<125xi32, #tpu.memory_space<vmem>>
      %dma_start3A_330 = arith.constant 0 : i32
      %dma_start3A_331 = arith.constant 0 : i32
      %dma_start3A_332 = tpu.memref_slice %arg2[%dma_start3A_330, %dma_start3A_331] : memref<10000x128xf32, #tpu.memory_space<hbm>> -> memref<10000x128xf32, #tpu.memory_space<hbm>>
      tpu.enqueue_indirect_dma source(%dma_start3A_332 : memref<10000x128xf32, #tpu.memory_space<hbm>>) target(%dma_start3A_324 : memref<125x128xf32, #tpu.memory_space<vmem>>) offsets(%dma_start3A_329 : memref<125xi32, #tpu.memory_space<vmem>>) semaphore(%arg13 : memref<!tpu.dma_semaphore, #tpu.memory_space<semaphore_mem>>)
      %dma_wait3A_333 = arith.constant 0 : i32
      %dma_wait3A_334 = arith.constant 0 : i32
      %dma_wait3A_335 = arith.constant 0 : i32
      %dma_wait3A_336 = tpu.memref_slice %arg9[%dma_wait3A_334, %dma_wait3A_335] : memref<128x128xf32, #tpu.memory_space<vmem>> -> memref<125x128xf32, #tpu.memory_space<vmem>>
      %dma_wait3A_337 = arith.constant 0 : i32
      %dma_wait3A_338 = tpu.memref_slice %arg7[%dma_wait3A_333, %dma_wait3A_337] : memref<16x125xi32, #tpu.memory_space<vmem>> -> memref<1x125xi32, #tpu.memory_space<vmem>>
      %dma_wait3A_339 = tpu.memref_squeeze %dma_wait3A_338 : memref<1x125xi32, #tpu.memory_space<vmem>> -> memref<125xi32, #tpu.memory_space<vmem>>
      %dma_wait3A_340 = arith.constant 0 : i32
      %dma_wait3A_341 = arith.constant 0 : i32
      %dma_wait3A_342 = tpu.memref_slice %arg2[%dma_wait3A_340, %dma_wait3A_341] : memref<10000x128xf32, #tpu.memory_space<hbm>> -> memref<10000x128xf32, #tpu.memory_space<hbm>>
      tpu.wait_indirect_dma semaphore(%arg12 : memref<!tpu.dma_semaphore, #tpu.memory_space<semaphore_mem>>) src(%dma_wait3A_342 : memref<10000x128xf32, #tpu.memory_space<hbm>>) dst(%dma_wait3A_336 : memref<125x128xf32, #tpu.memory_space<vmem>>)
      %add3A_343 = arith.constant 6 : i32
      %add3A_344 = arith.addi %mul3A_54, %add3A_343 : i32
      %dma_start3A_345 = arith.constant 0 : i32
      %dma_start3A_346 = arith.constant 0 : i32
      %dma_start3A_347 = tpu.memref_slice %arg9[%dma_start3A_345, %dma_start3A_346] : memref<128x128xf32, #tpu.memory_space<vmem>> -> memref<125x128xf32, #tpu.memory_space<vmem>>
      %dma_start3A_348 = arith.constant 0 : i32
      %dma_start3A_349 = tpu.memref_slice %arg8[%add3A_344, %dma_start3A_348] : memref<24x125xi32, #tpu.memory_space<vmem>> -> memref<1x125xi32, #tpu.memory_space<vmem>>
      %dma_start3A_350 = tpu.memref_squeeze %dma_start3A_349 : memref<1x125xi32, #tpu.memory_space<vmem>> -> memref<125xi32, #tpu.memory_space<vmem>>
      %dma_start3A_351 = arith.constant 0 : i32
      %dma_start3A_352 = arith.constant 0 : i32
      %dma_start3A_353 = tpu.memref_slice %arg11[%dma_start3A_351, %dma_start3A_352] : memref<10240x128xf32, #tpu.memory_space<vmem_shared>> -> memref<10240x128xf32, #tpu.memory_space<vmem_shared>>
      tpu.enqueue_indirect_dma source(%dma_start3A_347 : memref<125x128xf32, #tpu.memory_space<vmem>>) target(%dma_start3A_353 : memref<10240x128xf32, #tpu.memory_space<vmem_shared>>) offsets(%dma_start3A_350 : memref<125xi32, #tpu.memory_space<vmem>>) semaphore(%arg14 : memref<!tpu.dma_semaphore, #tpu.memory_space<semaphore_mem>>) {add = true}
      %dma_wait3A_354 = arith.constant 0 : i32
      %dma_wait3A_355 = arith.constant 0 : i32
      %dma_wait3A_356 = arith.constant 0 : i32
      %dma_wait3A_357 = tpu.memref_slice %arg10[%dma_wait3A_355, %dma_wait3A_356] : memref<128x128xf32, #tpu.memory_space<vmem>> -> memref<125x128xf32, #tpu.memory_space<vmem>>
      %dma_wait3A_358 = arith.constant 0 : i32
      %dma_wait3A_359 = tpu.memref_slice %arg7[%dma_wait3A_354, %dma_wait3A_358] : memref<16x125xi32, #tpu.memory_space<vmem>> -> memref<1x125xi32, #tpu.memory_space<vmem>>
      %dma_wait3A_360 = tpu.memref_squeeze %dma_wait3A_359 : memref<1x125xi32, #tpu.memory_space<vmem>> -> memref<125xi32, #tpu.memory_space<vmem>>
      %dma_wait3A_361 = arith.constant 0 : i32
      %dma_wait3A_362 = arith.constant 0 : i32
      %dma_wait3A_363 = tpu.memref_slice %arg2[%dma_wait3A_361, %dma_wait3A_362] : memref<10000x128xf32, #tpu.memory_space<hbm>> -> memref<10000x128xf32, #tpu.memory_space<hbm>>
      tpu.wait_indirect_dma semaphore(%arg13 : memref<!tpu.dma_semaphore, #tpu.memory_space<semaphore_mem>>) src(%dma_wait3A_363 : memref<10000x128xf32, #tpu.memory_space<hbm>>) dst(%dma_wait3A_357 : memref<125x128xf32, #tpu.memory_space<vmem>>)
      %add3A_364 = arith.constant 7 : i32
      %add3A_365 = arith.addi %mul3A_54, %add3A_364 : i32
      %dma_start3A_366 = arith.constant 0 : i32
      %dma_start3A_367 = arith.constant 0 : i32
      %dma_start3A_368 = tpu.memref_slice %arg10[%dma_start3A_366, %dma_start3A_367] : memref<128x128xf32, #tpu.memory_space<vmem>> -> memref<125x128xf32, #tpu.memory_space<vmem>>
      %dma_start3A_369 = arith.constant 0 : i32
      %dma_start3A_370 = tpu.memref_slice %arg8[%add3A_365, %dma_start3A_369] : memref<24x125xi32, #tpu.memory_space<vmem>> -> memref<1x125xi32, #tpu.memory_space<vmem>>
      %dma_start3A_371 = tpu.memref_squeeze %dma_start3A_370 : memref<1x125xi32, #tpu.memory_space<vmem>> -> memref<125xi32, #tpu.memory_space<vmem>>
      %dma_start3A_372 = arith.constant 0 : i32
      %dma_start3A_373 = arith.constant 0 : i32
      %dma_start3A_374 = tpu.memref_slice %arg11[%dma_start3A_372, %dma_start3A_373] : memref<10240x128xf32, #tpu.memory_space<vmem_shared>> -> memref<10240x128xf32, #tpu.memory_space<vmem_shared>>
      tpu.enqueue_indirect_dma source(%dma_start3A_368 : memref<125x128xf32, #tpu.memory_space<vmem>>) target(%dma_start3A_374 : memref<10240x128xf32, #tpu.memory_space<vmem_shared>>) offsets(%dma_start3A_371 : memref<125xi32, #tpu.memory_space<vmem>>) semaphore(%arg15 : memref<!tpu.dma_semaphore, #tpu.memory_space<semaphore_mem>>) {add = true}
      %add3A_375 = arith.constant 1 : i32
      %add3A_376 = arith.addi %add3A_47, %add3A_375 : i32
      %lt3A_377 = arith.constant 10 : i32
      %lt3A_378 = arith.cmpi slt, %add3A_376, %lt3A_377 : i32
      %convert_element_type3A_379 = arith.extui %lt3A_378 : i1 to i32
      %cond3A_380 = arith.constant 0 : i32
      %cond3A_381 = arith.cmpi ne, %convert_element_type3A_379, %cond3A_380 : i32
      scf.if %cond3A_381 {
        %add3A_382 = arith.constant 1 : i32
        %add3A_383 = arith.addi %add3A_47, %add3A_382 : i32
        %rem3A_384 = arith.constant 2 : i32
        %rem3A_385 = arith.remsi %add3A_383, %rem3A_384 : i32
        %mul3A_386 = arith.constant 8 : i32
        %mul3A_387 = arith.muli %rem3A_385, %mul3A_386 : i32
        %add3A_388 = arith.constant 1 : i32
        %add3A_389 = arith.addi %add3A_47, %add3A_388 : i32
        %rem3A_390 = arith.constant 3 : i32
        %rem3A_391 = arith.remsi %add3A_389, %rem3A_390 : i32
        %mul3A_392 = arith.constant 8 : i32
        %mul3A_393 = arith.muli %rem3A_391, %mul3A_392 : i32
        %add3A_394 = arith.constant 1 : i32
        %add3A_395 = arith.addi %add3A_47, %add3A_394 : i32
        %mul3A_396 = arith.constant 8 : i32
        %mul3A_397 = arith.muli %add3A_395, %mul3A_396 : i32
        %dma_wait3A_398 = arith.constant 0 : i32
        %dma_wait3A_399 = tpu.memref_slice %arg7[%mul3A_387, %dma_wait3A_398] : memref<16x125xi32, #tpu.memory_space<vmem>> -> memref<8x125xi32, #tpu.memory_space<vmem>>
        %dma_wait3A_400 = arith.constant 0 : i32
        %dma_wait3A_401 = arith.constant 0 : i32
        %dma_wait3A_402 = tpu.memref_slice %arg3[%add3A, %dma_wait3A_400, %dma_wait3A_401] : memref<32x80x125xi32, #tpu.memory_space<hbm>> -> memref<1x80x125xi32, #tpu.memory_space<hbm>>
        %dma_wait3A_403 = tpu.memref_squeeze %dma_wait3A_402 : memref<1x80x125xi32, #tpu.memory_space<hbm>> -> memref<80x125xi32, #tpu.memory_space<hbm>>
        %dma_wait3A_404 = arith.constant 0 : i32
        %dma_wait3A_405 = tpu.memref_slice %dma_wait3A_403[%mul3A_397, %dma_wait3A_404] : memref<80x125xi32, #tpu.memory_space<hbm>> -> memref<8x125xi32, #tpu.memory_space<hbm>>
        %dma_wait3A_406 = arith.constant 0 : i32
        %dma_wait3A_407 = tpu.memref_slice %arg7[%mul3A_387, %dma_wait3A_406] : memref<16x125xi32, #tpu.memory_space<vmem>> -> memref<8x125xi32, #tpu.memory_space<vmem>>
        %dma_wait3A_408 = arith.constant 0 : i32
        %dma_wait3A_409 = arith.constant 0 : i32
        %dma_wait3A_410 = tpu.memref_slice %arg3[%add3A, %dma_wait3A_408, %dma_wait3A_409] : memref<32x80x125xi32, #tpu.memory_space<hbm>> -> memref<1x80x125xi32, #tpu.memory_space<hbm>>
        %dma_wait3A_411 = tpu.memref_squeeze %dma_wait3A_410 : memref<1x80x125xi32, #tpu.memory_space<hbm>> -> memref<80x125xi32, #tpu.memory_space<hbm>>
        %dma_wait3A_412 = arith.constant 0 : i32
        %dma_wait3A_413 = tpu.memref_slice %dma_wait3A_411[%mul3A_397, %dma_wait3A_412] : memref<80x125xi32, #tpu.memory_space<hbm>> -> memref<8x125xi32, #tpu.memory_space<hbm>>
        tpu.wait_dma2 semaphore(%arg16 : memref<!tpu.dma_semaphore, #tpu.memory_space<semaphore_mem>>) src(%dma_wait3A_413 : memref<8x125xi32, #tpu.memory_space<hbm>>) dst(%dma_wait3A_407 : memref<8x125xi32, #tpu.memory_space<vmem>>)
        %add3A_414 = arith.constant 1 : i32
        %add3A_415 = arith.addi %add3A_47, %add3A_414 : i32
        %mul3A_416 = arith.constant 8 : i32
        %mul3A_417 = arith.muli %add3A_415, %mul3A_416 : i32
        %dma_wait3A_418 = arith.constant 0 : i32
        %dma_wait3A_419 = tpu.memref_slice %arg8[%mul3A_393, %dma_wait3A_418] : memref<24x125xi32, #tpu.memory_space<vmem>> -> memref<8x125xi32, #tpu.memory_space<vmem>>
        %dma_wait3A_420 = arith.constant 0 : i32
        %dma_wait3A_421 = arith.constant 0 : i32
        %dma_wait3A_422 = tpu.memref_slice %arg4[%add3A, %dma_wait3A_420, %dma_wait3A_421] : memref<32x80x125xi32, #tpu.memory_space<hbm>> -> memref<1x80x125xi32, #tpu.memory_space<hbm>>
        %dma_wait3A_423 = tpu.memref_squeeze %dma_wait3A_422 : memref<1x80x125xi32, #tpu.memory_space<hbm>> -> memref<80x125xi32, #tpu.memory_space<hbm>>
        %dma_wait3A_424 = arith.constant 0 : i32
        %dma_wait3A_425 = tpu.memref_slice %dma_wait3A_423[%mul3A_417, %dma_wait3A_424] : memref<80x125xi32, #tpu.memory_space<hbm>> -> memref<8x125xi32, #tpu.memory_space<hbm>>
        %dma_wait3A_426 = arith.constant 0 : i32
        %dma_wait3A_427 = tpu.memref_slice %arg8[%mul3A_393, %dma_wait3A_426] : memref<24x125xi32, #tpu.memory_space<vmem>> -> memref<8x125xi32, #tpu.memory_space<vmem>>
        %dma_wait3A_428 = arith.constant 0 : i32
        %dma_wait3A_429 = arith.constant 0 : i32
        %dma_wait3A_430 = tpu.memref_slice %arg4[%add3A, %dma_wait3A_428, %dma_wait3A_429] : memref<32x80x125xi32, #tpu.memory_space<hbm>> -> memref<1x80x125xi32, #tpu.memory_space<hbm>>
        %dma_wait3A_431 = tpu.memref_squeeze %dma_wait3A_430 : memref<1x80x125xi32, #tpu.memory_space<hbm>> -> memref<80x125xi32, #tpu.memory_space<hbm>>
        %dma_wait3A_432 = arith.constant 0 : i32
        %dma_wait3A_433 = tpu.memref_slice %dma_wait3A_431[%mul3A_417, %dma_wait3A_432] : memref<80x125xi32, #tpu.memory_space<hbm>> -> memref<8x125xi32, #tpu.memory_space<hbm>>
        tpu.wait_dma2 semaphore(%arg16 : memref<!tpu.dma_semaphore, #tpu.memory_space<semaphore_mem>>) src(%dma_wait3A_433 : memref<8x125xi32, #tpu.memory_space<hbm>>) dst(%dma_wait3A_427 : memref<8x125xi32, #tpu.memory_space<vmem>>)
        %dma_wait3A_434 = arith.constant 0 : i32
        %dma_wait3A_435 = arith.constant 0 : i32
        %dma_wait3A_436 = arith.constant 0 : i32
        %dma_wait3A_437 = tpu.memref_slice %arg9[%dma_wait3A_435, %dma_wait3A_436] : memref<128x128xf32, #tpu.memory_space<vmem>> -> memref<125x128xf32, #tpu.memory_space<vmem>>
        %dma_wait3A_438 = arith.constant 0 : i32
        %dma_wait3A_439 = tpu.memref_slice %arg8[%dma_wait3A_434, %dma_wait3A_438] : memref<24x125xi32, #tpu.memory_space<vmem>> -> memref<1x125xi32, #tpu.memory_space<vmem>>
        %dma_wait3A_440 = tpu.memref_squeeze %dma_wait3A_439 : memref<1x125xi32, #tpu.memory_space<vmem>> -> memref<125xi32, #tpu.memory_space<vmem>>
        %dma_wait3A_441 = arith.constant 0 : i32
        %dma_wait3A_442 = arith.constant 0 : i32
        %dma_wait3A_443 = tpu.memref_slice %arg11[%dma_wait3A_441, %dma_wait3A_442] : memref<10240x128xf32, #tpu.memory_space<vmem_shared>> -> memref<10240x128xf32, #tpu.memory_space<vmem_shared>>
        tpu.wait_indirect_dma semaphore(%arg14 : memref<!tpu.dma_semaphore, #tpu.memory_space<semaphore_mem>>) src(%dma_wait3A_437 : memref<125x128xf32, #tpu.memory_space<vmem>>) dst(%dma_wait3A_443 : memref<10240x128xf32, #tpu.memory_space<vmem_shared>>)
        %dma_start3A_444 = arith.constant 0 : i32
        %dma_start3A_445 = arith.constant 0 : i32
        %dma_start3A_446 = tpu.memref_slice %arg9[%dma_start3A_444, %dma_start3A_445] : memref<128x128xf32, #tpu.memory_space<vmem>> -> memref<125x128xf32, #tpu.memory_space<vmem>>
        %dma_start3A_447 = arith.constant 0 : i32
        %dma_start3A_448 = tpu.memref_slice %arg7[%mul3A_387, %dma_start3A_447] : memref<16x125xi32, #tpu.memory_space<vmem>> -> memref<1x125xi32, #tpu.memory_space<vmem>>
        %dma_start3A_449 = tpu.memref_squeeze %dma_start3A_448 : memref<1x125xi32, #tpu.memory_space<vmem>> -> memref<125xi32, #tpu.memory_space<vmem>>
        %dma_start3A_450 = arith.constant 0 : i32
        %dma_start3A_451 = arith.constant 0 : i32
        %dma_start3A_452 = tpu.memref_slice %arg2[%dma_start3A_450, %dma_start3A_451] : memref<10000x128xf32, #tpu.memory_space<hbm>> -> memref<10000x128xf32, #tpu.memory_space<hbm>>
        tpu.enqueue_indirect_dma source(%dma_start3A_452 : memref<10000x128xf32, #tpu.memory_space<hbm>>) target(%dma_start3A_446 : memref<125x128xf32, #tpu.memory_space<vmem>>) offsets(%dma_start3A_449 : memref<125xi32, #tpu.memory_space<vmem>>) semaphore(%arg12 : memref<!tpu.dma_semaphore, #tpu.memory_space<semaphore_mem>>)
      } else {
      }
    }
    %scan3A_18 = arith.constant 10 : i32
    %dma_wait3A = arith.constant 0 : i32
    %dma_wait3A_19 = arith.constant 0 : i32
    %dma_wait3A_20 = arith.constant 0 : i32
    %dma_wait3A_21 = tpu.memref_slice %arg9[%dma_wait3A_19, %dma_wait3A_20] : memref<128x128xf32, #tpu.memory_space<vmem>> -> memref<125x128xf32, #tpu.memory_space<vmem>>
    %dma_wait3A_22 = arith.constant 0 : i32
    %dma_wait3A_23 = tpu.memref_slice %arg8[%dma_wait3A, %dma_wait3A_22] : memref<24x125xi32, #tpu.memory_space<vmem>> -> memref<1x125xi32, #tpu.memory_space<vmem>>
    %dma_wait3A_24 = tpu.memref_squeeze %dma_wait3A_23 : memref<1x125xi32, #tpu.memory_space<vmem>> -> memref<125xi32, #tpu.memory_space<vmem>>
    %dma_wait3A_25 = arith.constant 0 : i32
    %dma_wait3A_26 = arith.constant 0 : i32
    %dma_wait3A_27 = tpu.memref_slice %arg11[%dma_wait3A_25, %dma_wait3A_26] : memref<10240x128xf32, #tpu.memory_space<vmem_shared>> -> memref<10240x128xf32, #tpu.memory_space<vmem_shared>>
    tpu.wait_indirect_dma semaphore(%arg14 : memref<!tpu.dma_semaphore, #tpu.memory_space<semaphore_mem>>) src(%dma_wait3A_21 : memref<125x128xf32, #tpu.memory_space<vmem>>) dst(%dma_wait3A_27 : memref<10240x128xf32, #tpu.memory_space<vmem_shared>>)
    %dma_wait3A_28 = arith.constant 0 : i32
    %dma_wait3A_29 = arith.constant 0 : i32
    %dma_wait3A_30 = arith.constant 0 : i32
    %dma_wait3A_31 = tpu.memref_slice %arg10[%dma_wait3A_29, %dma_wait3A_30] : memref<128x128xf32, #tpu.memory_space<vmem>> -> memref<125x128xf32, #tpu.memory_space<vmem>>
    %dma_wait3A_32 = arith.constant 0 : i32
    %dma_wait3A_33 = tpu.memref_slice %arg8[%dma_wait3A_28, %dma_wait3A_32] : memref<24x125xi32, #tpu.memory_space<vmem>> -> memref<1x125xi32, #tpu.memory_space<vmem>>
    %dma_wait3A_34 = tpu.memref_squeeze %dma_wait3A_33 : memref<1x125xi32, #tpu.memory_space<vmem>> -> memref<125xi32, #tpu.memory_space<vmem>>
    %dma_wait3A_35 = arith.constant 0 : i32
    %dma_wait3A_36 = arith.constant 0 : i32
    %dma_wait3A_37 = tpu.memref_slice %arg11[%dma_wait3A_35, %dma_wait3A_36] : memref<10240x128xf32, #tpu.memory_space<vmem_shared>> -> memref<10240x128xf32, #tpu.memory_space<vmem_shared>>
    tpu.wait_indirect_dma semaphore(%arg15 : memref<!tpu.dma_semaphore, #tpu.memory_space<semaphore_mem>>) src(%dma_wait3A_31 : memref<125x128xf32, #tpu.memory_space<vmem>>) dst(%dma_wait3A_37 : memref<10240x128xf32, #tpu.memory_space<vmem_shared>>)
    %barrier3A_38 = arith.constant 0 : index
    tpu.barrier barrier_id(%barrier3A_38)
    %mul3A_39 = arith.constant 640 : i32
    %mul3A_40 = arith.muli %arg1, %mul3A_39 : i32
    %mul3A_41 = arith.constant 640 : i32
    %mul3A_42 = arith.muli %arg1, %mul3A_41 : i32
    "tpu.region"() ({
      %run_scoped3A = tpu.sem_alloc : memref<!tpu.dma_semaphore, #tpu.memory_space<semaphore_mem>>
      %dma_start3A_43 = arith.constant 0 : i32
      %dma_start3A_44 = arith.constant 0 : i32
      %dma_start3A_45 = tpu.memref_slice %arg6[%arg0, %dma_start3A_43, %dma_start3A_44] : memref<2x10240x128xf32, #tpu.memory_space<hbm>> -> memref<1x10240x128xf32, #tpu.memory_space<hbm>>
      %dma_start3A_46 = tpu.memref_squeeze %dma_start3A_45 : memref<1x10240x128xf32, #tpu.memory_space<hbm>> -> memref<10240x128xf32, #tpu.memory_space<hbm>>
      %dma_start3A_47 = arith.constant 0 : i32
      %dma_start3A_48 = tpu.memref_slice %dma_start3A_46[%mul3A_42, %dma_start3A_47] : memref<10240x128xf32, #tpu.memory_space<hbm>> -> memref<640x128xf32, #tpu.memory_space<hbm>>
      %dma_start3A_49 = arith.constant 0 : i32
      %dma_start3A_50 = tpu.memref_slice %arg11[%mul3A_40, %dma_start3A_49] : memref<10240x128xf32, #tpu.memory_space<vmem_shared>> -> memref<640x128xf32, #tpu.memory_space<vmem_shared>>
      tpu.enqueue_dma source(%dma_start3A_50 : memref<640x128xf32, #tpu.memory_space<vmem_shared>>) target(%dma_start3A_48 : memref<640x128xf32, #tpu.memory_space<hbm>>) target_semaphore(%run_scoped3A : memref<!tpu.dma_semaphore, #tpu.memory_space<semaphore_mem>>)
      %dma_wait3A_51 = arith.constant 0 : i32
      %dma_wait3A_52 = arith.constant 0 : i32
      %dma_wait3A_53 = tpu.memref_slice %arg6[%arg0, %dma_wait3A_51, %dma_wait3A_52] : memref<2x10240x128xf32, #tpu.memory_space<hbm>> -> memref<1x10240x128xf32, #tpu.memory_space<hbm>>
      %dma_wait3A_54 = tpu.memref_squeeze %dma_wait3A_53 : memref<1x10240x128xf32, #tpu.memory_space<hbm>> -> memref<10240x128xf32, #tpu.memory_space<hbm>>
      %dma_wait3A_55 = arith.constant 0 : i32
      %dma_wait3A_56 = tpu.memref_slice %dma_wait3A_54[%mul3A_42, %dma_wait3A_55] : memref<10240x128xf32, #tpu.memory_space<hbm>> -> memref<640x128xf32, #tpu.memory_space<hbm>>
      %dma_wait3A_57 = arith.constant 0 : i32
      %dma_wait3A_58 = tpu.memref_slice %arg11[%mul3A_40, %dma_wait3A_57] : memref<10240x128xf32, #tpu.memory_space<vmem_shared>> -> memref<640x128xf32, #tpu.memory_space<vmem_shared>>
      tpu.wait_dma2 semaphore(%run_scoped3A : memref<!tpu.dma_semaphore, #tpu.memory_space<semaphore_mem>>) src(%dma_wait3A_58 : memref<640x128xf32, #tpu.memory_space<vmem_shared>>) dst(%dma_wait3A_56 : memref<640x128xf32, #tpu.memory_space<hbm>>)
      tpu.yield
    }) : () -> ()
    return
  }
}

#map = affine_map<(d0, d1) -> (0, 0)>
#map1 = affine_map<(d0, d1) -> (0, 0, 0)>
module attributes {stable_mosaic.version = 14 : i64} {
  func.func @_agg_body(%arg0: i32, %arg1: i32, %arg2: memref<10000x128xf32, #tpu.memory_space<hbm>>, %arg3: memref<32x80x125xi32, #tpu.memory_space<hbm>>, %arg4: memref<32x80x125xi32, #tpu.memory_space<hbm>>, %arg5: memref<128x128xf32, #tpu.memory_space<hbm>>, %arg6: memref<2x10240x128xf32, #tpu.memory_space<hbm>>, %arg7: memref<16x125xi32, #tpu.memory_space<vmem>>, %arg8: memref<24x125xi32, #tpu.memory_space<vmem>>, %arg9: memref<128x128xf32, #tpu.memory_space<vmem>>, %arg10: memref<128x128xf32, #tpu.memory_space<vmem>>, %arg11: memref<10240x128xf32, #tpu.memory_space<vmem_shared>>, %arg12: memref<!tpu.dma_semaphore, #tpu.memory_space<semaphore_mem>>, %arg13: memref<!tpu.dma_semaphore, #tpu.memory_space<semaphore_mem>>, %arg14: memref<!tpu.dma_semaphore, #tpu.memory_space<semaphore_mem>>, %arg15: memref<!tpu.dma_semaphore, #tpu.memory_space<semaphore_mem>>, %arg16: memref<!tpu.dma_semaphore, #tpu.memory_space<semaphore_mem>>) attributes {dimension_semantics = [#tpu.dimension_semantics<core_parallel>, #tpu.dimension_semantics<subcore_parallel>], iteration_bounds = array<i64: 2, 16>, scalar_prefetch = 0 : i64, scratch_operands = 10 : i64, tpu.core_type = #tpu.core_type<sc_vector_subcore>, window_params = [{transform_indices = #map}, {transform_indices = #map1}, {transform_indices = #map1}, {transform_indices = #map}, {transform_indices = #map1}]} {
    "tpu.region"() ({
      %run_scoped3A = tpu.sem_alloc : memref<!tpu.dma_semaphore, #tpu.memory_space<semaphore_mem>>
      tpu.enqueue_dma source(%arg5 : memref<128x128xf32, #tpu.memory_space<hbm>>) target(%arg9 : memref<128x128xf32, #tpu.memory_space<vmem>>) target_semaphore(%run_scoped3A : memref<!tpu.dma_semaphore, #tpu.memory_space<semaphore_mem>>)
      tpu.wait_dma2 semaphore(%run_scoped3A : memref<!tpu.dma_semaphore, #tpu.memory_space<semaphore_mem>>) src(%arg5 : memref<128x128xf32, #tpu.memory_space<hbm>>) dst(%arg9 : memref<128x128xf32, #tpu.memory_space<vmem>>)
      tpu.yield
    }) : () -> ()
    %scan3A = arith.constant 0 : i32
    %scan3A_0 = arith.constant 5 : i32
    %scan3A_1 = arith.addi %scan3A, %scan3A_0 : i32
    %scan3A_2 = arith.constant 1 : i32
    scf.for %scan3A_43 = %scan3A to %scan3A_1 step %scan3A_2  : i32 {
      %mul3A_44 = arith.constant 1 : i32
      %mul3A_45 = arith.muli %scan3A_43, %mul3A_44 : i32
      %add3A_46 = arith.constant 0 : i32
      %add3A_47 = arith.addi %add3A_46, %mul3A_45 : i32
      %mul3A_48 = arith.constant 640 : i32
      %mul3A_49 = arith.muli %arg1, %mul3A_48 : i32
      %mul3A_50 = arith.constant 128 : i32
      %mul3A_51 = arith.muli %add3A_47, %mul3A_50 : i32
      %add3A_52 = arith.addi %mul3A_49, %mul3A_51 : i32
      "tpu.region"() ({
        %run_scoped3A = tpu.sem_alloc : memref<!tpu.dma_semaphore, #tpu.memory_space<semaphore_mem>>
        %dma_start3A_53 = arith.constant 0 : i32
        %dma_start3A_54 = tpu.memref_slice %arg11[%add3A_52, %dma_start3A_53] : memref<10240x128xf32, #tpu.memory_space<vmem_shared>> -> memref<128x128xf32, #tpu.memory_space<vmem_shared>>
        %dma_start3A_55 = arith.constant 0 : i32
        %dma_start3A_56 = tpu.memref_slice %arg11[%add3A_52, %dma_start3A_55] : memref<10240x128xf32, #tpu.memory_space<vmem_shared>> -> memref<128x128xf32, #tpu.memory_space<vmem_shared>>
        tpu.enqueue_dma source(%arg9 : memref<128x128xf32, #tpu.memory_space<vmem>>) target(%dma_start3A_56 : memref<128x128xf32, #tpu.memory_space<vmem_shared>>) target_semaphore(%run_scoped3A : memref<!tpu.dma_semaphore, #tpu.memory_space<semaphore_mem>>)
        %dma_wait3A_57 = arith.constant 0 : i32
        %dma_wait3A_58 = tpu.memref_slice %arg11[%add3A_52, %dma_wait3A_57] : memref<10240x128xf32, #tpu.memory_space<vmem_shared>> -> memref<128x128xf32, #tpu.memory_space<vmem_shared>>
        %dma_wait3A_59 = arith.constant 0 : i32
        %dma_wait3A_60 = tpu.memref_slice %arg11[%add3A_52, %dma_wait3A_59] : memref<10240x128xf32, #tpu.memory_space<vmem_shared>> -> memref<128x128xf32, #tpu.memory_space<vmem_shared>>
        tpu.wait_dma2 semaphore(%run_scoped3A : memref<!tpu.dma_semaphore, #tpu.memory_space<semaphore_mem>>) src(%arg9 : memref<128x128xf32, #tpu.memory_space<vmem>>) dst(%dma_wait3A_60 : memref<128x128xf32, #tpu.memory_space<vmem_shared>>)
        tpu.yield
      }) : () -> ()
    }
    %scan3A_3 = arith.constant 5 : i32
    %mul3A = arith.constant 16 : i32
    %mul3A_4 = arith.muli %arg0, %mul3A : i32
    %add3A = arith.addi %mul3A_4, %arg1 : i32
    %barrier3A = arith.constant 0 : index
    tpu.barrier barrier_id(%barrier3A)
    "tpu.region"() ({
      %run_scoped3A = tpu.sem_alloc : memref<!tpu.dma_semaphore, #tpu.memory_space<semaphore_mem>>
      %dma_start3A_43 = arith.constant 0 : i32
      %dma_start3A_44 = arith.constant 0 : i32
      %dma_start3A_45 = tpu.memref_slice %arg7[%dma_start3A_43, %dma_start3A_44] : memref<16x125xi32, #tpu.memory_space<vmem>> -> memref<8x125xi32, #tpu.memory_space<vmem>>
      %dma_start3A_46 = arith.constant 0 : i32
      %dma_start3A_47 = arith.constant 0 : i32
      %dma_start3A_48 = tpu.memref_slice %arg3[%add3A, %dma_start3A_46, %dma_start3A_47] : memref<32x80x125xi32, #tpu.memory_space<hbm>> -> memref<1x80x125xi32, #tpu.memory_space<hbm>>
      %dma_start3A_49 = tpu.memref_squeeze %dma_start3A_48 : memref<1x80x125xi32, #tpu.memory_space<hbm>> -> memref<80x125xi32, #tpu.memory_space<hbm>>
      %dma_start3A_50 = arith.constant 0 : i32
      %dma_start3A_51 = arith.constant 0 : i32
      %dma_start3A_52 = tpu.memref_slice %dma_start3A_49[%dma_start3A_50, %dma_start3A_51] : memref<80x125xi32, #tpu.memory_space<hbm>> -> memref<8x125xi32, #tpu.memory_space<hbm>>
      %dma_start3A_53 = arith.constant 0 : i32
      %dma_start3A_54 = arith.constant 0 : i32
      %dma_start3A_55 = tpu.memref_slice %arg7[%dma_start3A_53, %dma_start3A_54] : memref<16x125xi32, #tpu.memory_space<vmem>> -> memref<8x125xi32, #tpu.memory_space<vmem>>
      %dma_start3A_56 = arith.constant 0 : i32
      %dma_start3A_57 = arith.constant 0 : i32
      %dma_start3A_58 = tpu.memref_slice %arg3[%add3A, %dma_start3A_56, %dma_start3A_57] : memref<32x80x125xi32, #tpu.memory_space<hbm>> -> memref<1x80x125xi32, #tpu.memory_space<hbm>>
      %dma_start3A_59 = tpu.memref_squeeze %dma_start3A_58 : memref<1x80x125xi32, #tpu.memory_space<hbm>> -> memref<80x125xi32, #tpu.memory_space<hbm>>
      %dma_start3A_60 = arith.constant 0 : i32
      %dma_start3A_61 = arith.constant 0 : i32
      %dma_start3A_62 = tpu.memref_slice %dma_start3A_59[%dma_start3A_60, %dma_start3A_61] : memref<80x125xi32, #tpu.memory_space<hbm>> -> memref<8x125xi32, #tpu.memory_space<hbm>>
      tpu.enqueue_dma source(%dma_start3A_62 : memref<8x125xi32, #tpu.memory_space<hbm>>) target(%dma_start3A_55 : memref<8x125xi32, #tpu.memory_space<vmem>>) target_semaphore(%run_scoped3A : memref<!tpu.dma_semaphore, #tpu.memory_space<semaphore_mem>>)
      %dma_wait3A_63 = arith.constant 0 : i32
      %dma_wait3A_64 = arith.constant 0 : i32
      %dma_wait3A_65 = tpu.memref_slice %arg7[%dma_wait3A_63, %dma_wait3A_64] : memref<16x125xi32, #tpu.memory_space<vmem>> -> memref<8x125xi32, #tpu.memory_space<vmem>>
      %dma_wait3A_66 = arith.constant 0 : i32
      %dma_wait3A_67 = arith.constant 0 : i32
      %dma_wait3A_68 = tpu.memref_slice %arg3[%add3A, %dma_wait3A_66, %dma_wait3A_67] : memref<32x80x125xi32, #tpu.memory_space<hbm>> -> memref<1x80x125xi32, #tpu.memory_space<hbm>>
      %dma_wait3A_69 = tpu.memref_squeeze %dma_wait3A_68 : memref<1x80x125xi32, #tpu.memory_space<hbm>> -> memref<80x125xi32, #tpu.memory_space<hbm>>
      %dma_wait3A_70 = arith.constant 0 : i32
      %dma_wait3A_71 = arith.constant 0 : i32
      %dma_wait3A_72 = tpu.memref_slice %dma_wait3A_69[%dma_wait3A_70, %dma_wait3A_71] : memref<80x125xi32, #tpu.memory_space<hbm>> -> memref<8x125xi32, #tpu.memory_space<hbm>>
      %dma_wait3A_73 = arith.constant 0 : i32
      %dma_wait3A_74 = arith.constant 0 : i32
      %dma_wait3A_75 = tpu.memref_slice %arg7[%dma_wait3A_73, %dma_wait3A_74] : memref<16x125xi32, #tpu.memory_space<vmem>> -> memref<8x125xi32, #tpu.memory_space<vmem>>
      %dma_wait3A_76 = arith.constant 0 : i32
      %dma_wait3A_77 = arith.constant 0 : i32
      %dma_wait3A_78 = tpu.memref_slice %arg3[%add3A, %dma_wait3A_76, %dma_wait3A_77] : memref<32x80x125xi32, #tpu.memory_space<hbm>> -> memref<1x80x125xi32, #tpu.memory_space<hbm>>
      %dma_wait3A_79 = tpu.memref_squeeze %dma_wait3A_78 : memref<1x80x125xi32, #tpu.memory_space<hbm>> -> memref<80x125xi32, #tpu.memory_space<hbm>>
      %dma_wait3A_80 = arith.constant 0 : i32
      %dma_wait3A_81 = arith.constant 0 : i32
      %dma_wait3A_82 = tpu.memref_slice %dma_wait3A_79[%dma_wait3A_80, %dma_wait3A_81] : memref<80x125xi32, #tpu.memory_space<hbm>> -> memref<8x125xi32, #tpu.memory_space<hbm>>
      tpu.wait_dma2 semaphore(%run_scoped3A : memref<!tpu.dma_semaphore, #tpu.memory_space<semaphore_mem>>) src(%dma_wait3A_82 : memref<8x125xi32, #tpu.memory_space<hbm>>) dst(%dma_wait3A_75 : memref<8x125xi32, #tpu.memory_space<vmem>>)
      tpu.yield
    }) : () -> ()
    "tpu.region"() ({
      %run_scoped3A = tpu.sem_alloc : memref<!tpu.dma_semaphore, #tpu.memory_space<semaphore_mem>>
      %dma_start3A_43 = arith.constant 0 : i32
      %dma_start3A_44 = arith.constant 0 : i32
      %dma_start3A_45 = tpu.memref_slice %arg8[%dma_start3A_43, %dma_start3A_44] : memref<24x125xi32, #tpu.memory_space<vmem>> -> memref<8x125xi32, #tpu.memory_space<vmem>>
      %dma_start3A_46 = arith.constant 0 : i32
      %dma_start3A_47 = arith.constant 0 : i32
      %dma_start3A_48 = tpu.memref_slice %arg4[%add3A, %dma_start3A_46, %dma_start3A_47] : memref<32x80x125xi32, #tpu.memory_space<hbm>> -> memref<1x80x125xi32, #tpu.memory_space<hbm>>
      %dma_start3A_49 = tpu.memref_squeeze %dma_start3A_48 : memref<1x80x125xi32, #tpu.memory_space<hbm>> -> memref<80x125xi32, #tpu.memory_space<hbm>>
      %dma_start3A_50 = arith.constant 0 : i32
      %dma_start3A_51 = arith.constant 0 : i32
      %dma_start3A_52 = tpu.memref_slice %dma_start3A_49[%dma_start3A_50, %dma_start3A_51] : memref<80x125xi32, #tpu.memory_space<hbm>> -> memref<8x125xi32, #tpu.memory_space<hbm>>
      %dma_start3A_53 = arith.constant 0 : i32
      %dma_start3A_54 = arith.constant 0 : i32
      %dma_start3A_55 = tpu.memref_slice %arg8[%dma_start3A_53, %dma_start3A_54] : memref<24x125xi32, #tpu.memory_space<vmem>> -> memref<8x125xi32, #tpu.memory_space<vmem>>
      %dma_start3A_56 = arith.constant 0 : i32
      %dma_start3A_57 = arith.constant 0 : i32
      %dma_start3A_58 = tpu.memref_slice %arg4[%add3A, %dma_start3A_56, %dma_start3A_57] : memref<32x80x125xi32, #tpu.memory_space<hbm>> -> memref<1x80x125xi32, #tpu.memory_space<hbm>>
      %dma_start3A_59 = tpu.memref_squeeze %dma_start3A_58 : memref<1x80x125xi32, #tpu.memory_space<hbm>> -> memref<80x125xi32, #tpu.memory_space<hbm>>
      %dma_start3A_60 = arith.constant 0 : i32
      %dma_start3A_61 = arith.constant 0 : i32
      %dma_start3A_62 = tpu.memref_slice %dma_start3A_59[%dma_start3A_60, %dma_start3A_61] : memref<80x125xi32, #tpu.memory_space<hbm>> -> memref<8x125xi32, #tpu.memory_space<hbm>>
      tpu.enqueue_dma source(%dma_start3A_62 : memref<8x125xi32, #tpu.memory_space<hbm>>) target(%dma_start3A_55 : memref<8x125xi32, #tpu.memory_space<vmem>>) target_semaphore(%run_scoped3A : memref<!tpu.dma_semaphore, #tpu.memory_space<semaphore_mem>>)
      %dma_wait3A_63 = arith.constant 0 : i32
      %dma_wait3A_64 = arith.constant 0 : i32
      %dma_wait3A_65 = tpu.memref_slice %arg8[%dma_wait3A_63, %dma_wait3A_64] : memref<24x125xi32, #tpu.memory_space<vmem>> -> memref<8x125xi32, #tpu.memory_space<vmem>>
      %dma_wait3A_66 = arith.constant 0 : i32
      %dma_wait3A_67 = arith.constant 0 : i32
      %dma_wait3A_68 = tpu.memref_slice %arg4[%add3A, %dma_wait3A_66, %dma_wait3A_67] : memref<32x80x125xi32, #tpu.memory_space<hbm>> -> memref<1x80x125xi32, #tpu.memory_space<hbm>>
      %dma_wait3A_69 = tpu.memref_squeeze %dma_wait3A_68 : memref<1x80x125xi32, #tpu.memory_space<hbm>> -> memref<80x125xi32, #tpu.memory_space<hbm>>
      %dma_wait3A_70 = arith.constant 0 : i32
      %dma_wait3A_71 = arith.constant 0 : i32
      %dma_wait3A_72 = tpu.memref_slice %dma_wait3A_69[%dma_wait3A_70, %dma_wait3A_71] : memref<80x125xi32, #tpu.memory_space<hbm>> -> memref<8x125xi32, #tpu.memory_space<hbm>>
      %dma_wait3A_73 = arith.constant 0 : i32
      %dma_wait3A_74 = arith.constant 0 : i32
      %dma_wait3A_75 = tpu.memref_slice %arg8[%dma_wait3A_73, %dma_wait3A_74] : memref<24x125xi32, #tpu.memory_space<vmem>> -> memref<8x125xi32, #tpu.memory_space<vmem>>
      %dma_wait3A_76 = arith.constant 0 : i32
      %dma_wait3A_77 = arith.constant 0 : i32
      %dma_wait3A_78 = tpu.memref_slice %arg4[%add3A, %dma_wait3A_76, %dma_wait3A_77] : memref<32x80x125xi32, #tpu.memory_space<hbm>> -> memref<1x80x125xi32, #tpu.memory_space<hbm>>
      %dma_wait3A_79 = tpu.memref_squeeze %dma_wait3A_78 : memref<1x80x125xi32, #tpu.memory_space<hbm>> -> memref<80x125xi32, #tpu.memory_space<hbm>>
      %dma_wait3A_80 = arith.constant 0 : i32
      %dma_wait3A_81 = arith.constant 0 : i32
      %dma_wait3A_82 = tpu.memref_slice %dma_wait3A_79[%dma_wait3A_80, %dma_wait3A_81] : memref<80x125xi32, #tpu.memory_space<hbm>> -> memref<8x125xi32, #tpu.memory_space<hbm>>
      tpu.wait_dma2 semaphore(%run_scoped3A : memref<!tpu.dma_semaphore, #tpu.memory_space<semaphore_mem>>) src(%dma_wait3A_82 : memref<8x125xi32, #tpu.memory_space<hbm>>) dst(%dma_wait3A_75 : memref<8x125xi32, #tpu.memory_space<vmem>>)
      tpu.yield
    }) : () -> ()
    %dma_start3A = arith.constant 0 : i32
    %dma_start3A_5 = arith.constant 0 : i32
    %dma_start3A_6 = arith.constant 0 : i32
    %dma_start3A_7 = tpu.memref_slice %arg9[%dma_start3A_5, %dma_start3A_6] : memref<128x128xf32, #tpu.memory_space<vmem>> -> memref<125x128xf32, #tpu.memory_space<vmem>>
    %dma_start3A_8 = arith.constant 0 : i32
    %dma_start3A_9 = tpu.memref_slice %arg7[%dma_start3A, %dma_start3A_8] : memref<16x125xi32, #tpu.memory_space<vmem>> -> memref<1x125xi32, #tpu.memory_space<vmem>>
    %dma_start3A_10 = tpu.memref_squeeze %dma_start3A_9 : memref<1x125xi32, #tpu.memory_space<vmem>> -> memref<125xi32, #tpu.memory_space<vmem>>
    %dma_start3A_11 = arith.constant 0 : i32
    %dma_start3A_12 = arith.constant 0 : i32
    %dma_start3A_13 = tpu.memref_slice %arg2[%dma_start3A_11, %dma_start3A_12] : memref<10000x128xf32, #tpu.memory_space<hbm>> -> memref<10000x128xf32, #tpu.memory_space<hbm>>
    tpu.enqueue_indirect_dma source(%dma_start3A_13 : memref<10000x128xf32, #tpu.memory_space<hbm>>) target(%dma_start3A_7 : memref<125x128xf32, #tpu.memory_space<vmem>>) offsets(%dma_start3A_10 : memref<125xi32, #tpu.memory_space<vmem>>) semaphore(%arg12 : memref<!tpu.dma_semaphore, #tpu.memory_space<semaphore_mem>>)
    %scan3A_14 = arith.constant 0 : i32
    %scan3A_15 = arith.constant 10 : i32
    %scan3A_16 = arith.addi %scan3A_14, %scan3A_15 : i32
    %scan3A_17 = arith.constant 1 : i32
    scf.for %scan3A_43 = %scan3A_14 to %scan3A_16 step %scan3A_17  : i32 {
      %mul3A_44 = arith.constant 1 : i32
      %mul3A_45 = arith.muli %scan3A_43, %mul3A_44 : i32
      %add3A_46 = arith.constant 0 : i32
      %add3A_47 = arith.addi %add3A_46, %mul3A_45 : i32
      %rem3A = arith.constant 2 : i32
      %rem3A_48 = arith.remsi %add3A_47, %rem3A : i32
      %mul3A_49 = arith.constant 8 : i32
      %mul3A_50 = arith.muli %rem3A_48, %mul3A_49 : i32
      %rem3A_51 = arith.constant 3 : i32
      %rem3A_52 = arith.remsi %add3A_47, %rem3A_51 : i32
      %mul3A_53 = arith.constant 8 : i32
      %mul3A_54 = arith.muli %rem3A_52, %mul3A_53 : i32
      %add3A_55 = arith.constant 1 : i32
      %add3A_56 = arith.addi %add3A_47, %add3A_55 : i32
      %lt3A = arith.constant 10 : i32
      %lt3A_57 = arith.cmpi slt, %add3A_56, %lt3A : i32
      %convert_element_type3A = arith.extui %lt3A_57 : i1 to i32
      %cond3A = arith.constant 0 : i32
      %cond3A_58 = arith.cmpi ne, %convert_element_type3A, %cond3A : i32
      scf.if %cond3A_58 {
        %add3A_382 = arith.constant 1 : i32
        %add3A_383 = arith.addi %add3A_47, %add3A_382 : i32
        %rem3A_384 = arith.constant 2 : i32
        %rem3A_385 = arith.remsi %add3A_383, %rem3A_384 : i32
        %mul3A_386 = arith.constant 8 : i32
        %mul3A_387 = arith.muli %rem3A_385, %mul3A_386 : i32
        %add3A_388 = arith.constant 1 : i32
        %add3A_389 = arith.addi %add3A_47, %add3A_388 : i32
        %rem3A_390 = arith.constant 3 : i32
        %rem3A_391 = arith.remsi %add3A_389, %rem3A_390 : i32
        %mul3A_392 = arith.constant 8 : i32
        %mul3A_393 = arith.muli %rem3A_391, %mul3A_392 : i32
        %add3A_394 = arith.constant 1 : i32
        %add3A_395 = arith.addi %add3A_47, %add3A_394 : i32
        %mul3A_396 = arith.constant 8 : i32
        %mul3A_397 = arith.muli %add3A_395, %mul3A_396 : i32
        %dma_start3A_398 = arith.constant 0 : i32
        %dma_start3A_399 = tpu.memref_slice %arg7[%mul3A_387, %dma_start3A_398] : memref<16x125xi32, #tpu.memory_space<vmem>> -> memref<8x125xi32, #tpu.memory_space<vmem>>
        %dma_start3A_400 = arith.constant 0 : i32
        %dma_start3A_401 = arith.constant 0 : i32
        %dma_start3A_402 = tpu.memref_slice %arg3[%add3A, %dma_start3A_400, %dma_start3A_401] : memref<32x80x125xi32, #tpu.memory_space<hbm>> -> memref<1x80x125xi32, #tpu.memory_space<hbm>>
        %dma_start3A_403 = tpu.memref_squeeze %dma_start3A_402 : memref<1x80x125xi32, #tpu.memory_space<hbm>> -> memref<80x125xi32, #tpu.memory_space<hbm>>
        %dma_start3A_404 = arith.constant 0 : i32
        %dma_start3A_405 = tpu.memref_slice %dma_start3A_403[%mul3A_397, %dma_start3A_404] : memref<80x125xi32, #tpu.memory_space<hbm>> -> memref<8x125xi32, #tpu.memory_space<hbm>>
        %dma_start3A_406 = arith.constant 0 : i32
        %dma_start3A_407 = tpu.memref_slice %arg7[%mul3A_387, %dma_start3A_406] : memref<16x125xi32, #tpu.memory_space<vmem>> -> memref<8x125xi32, #tpu.memory_space<vmem>>
        %dma_start3A_408 = arith.constant 0 : i32
        %dma_start3A_409 = arith.constant 0 : i32
        %dma_start3A_410 = tpu.memref_slice %arg3[%add3A, %dma_start3A_408, %dma_start3A_409] : memref<32x80x125xi32, #tpu.memory_space<hbm>> -> memref<1x80x125xi32, #tpu.memory_space<hbm>>
        %dma_start3A_411 = tpu.memref_squeeze %dma_start3A_410 : memref<1x80x125xi32, #tpu.memory_space<hbm>> -> memref<80x125xi32, #tpu.memory_space<hbm>>
        %dma_start3A_412 = arith.constant 0 : i32
        %dma_start3A_413 = tpu.memref_slice %dma_start3A_411[%mul3A_397, %dma_start3A_412] : memref<80x125xi32, #tpu.memory_space<hbm>> -> memref<8x125xi32, #tpu.memory_space<hbm>>
        tpu.enqueue_dma source(%dma_start3A_413 : memref<8x125xi32, #tpu.memory_space<hbm>>) target(%dma_start3A_407 : memref<8x125xi32, #tpu.memory_space<vmem>>) target_semaphore(%arg16 : memref<!tpu.dma_semaphore, #tpu.memory_space<semaphore_mem>>)
        %add3A_414 = arith.constant 1 : i32
        %add3A_415 = arith.addi %add3A_47, %add3A_414 : i32
        %mul3A_416 = arith.constant 8 : i32
        %mul3A_417 = arith.muli %add3A_415, %mul3A_416 : i32
        %dma_start3A_418 = arith.constant 0 : i32
        %dma_start3A_419 = tpu.memref_slice %arg8[%mul3A_393, %dma_start3A_418] : memref<24x125xi32, #tpu.memory_space<vmem>> -> memref<8x125xi32, #tpu.memory_space<vmem>>
        %dma_start3A_420 = arith.constant 0 : i32
        %dma_start3A_421 = arith.constant 0 : i32
        %dma_start3A_422 = tpu.memref_slice %arg4[%add3A, %dma_start3A_420, %dma_start3A_421] : memref<32x80x125xi32, #tpu.memory_space<hbm>> -> memref<1x80x125xi32, #tpu.memory_space<hbm>>
        %dma_start3A_423 = tpu.memref_squeeze %dma_start3A_422 : memref<1x80x125xi32, #tpu.memory_space<hbm>> -> memref<80x125xi32, #tpu.memory_space<hbm>>
        %dma_start3A_424 = arith.constant 0 : i32
        %dma_start3A_425 = tpu.memref_slice %dma_start3A_423[%mul3A_417, %dma_start3A_424] : memref<80x125xi32, #tpu.memory_space<hbm>> -> memref<8x125xi32, #tpu.memory_space<hbm>>
        %dma_start3A_426 = arith.constant 0 : i32
        %dma_start3A_427 = tpu.memref_slice %arg8[%mul3A_393, %dma_start3A_426] : memref<24x125xi32, #tpu.memory_space<vmem>> -> memref<8x125xi32, #tpu.memory_space<vmem>>
        %dma_start3A_428 = arith.constant 0 : i32
        %dma_start3A_429 = arith.constant 0 : i32
        %dma_start3A_430 = tpu.memref_slice %arg4[%add3A, %dma_start3A_428, %dma_start3A_429] : memref<32x80x125xi32, #tpu.memory_space<hbm>> -> memref<1x80x125xi32, #tpu.memory_space<hbm>>
        %dma_start3A_431 = tpu.memref_squeeze %dma_start3A_430 : memref<1x80x125xi32, #tpu.memory_space<hbm>> -> memref<80x125xi32, #tpu.memory_space<hbm>>
        %dma_start3A_432 = arith.constant 0 : i32
        %dma_start3A_433 = tpu.memref_slice %dma_start3A_431[%mul3A_417, %dma_start3A_432] : memref<80x125xi32, #tpu.memory_space<hbm>> -> memref<8x125xi32, #tpu.memory_space<hbm>>
        tpu.enqueue_dma source(%dma_start3A_433 : memref<8x125xi32, #tpu.memory_space<hbm>>) target(%dma_start3A_427 : memref<8x125xi32, #tpu.memory_space<vmem>>) target_semaphore(%arg16 : memref<!tpu.dma_semaphore, #tpu.memory_space<semaphore_mem>>)
      } else {
      }
      %gt3A = arith.constant 0 : i32
      %gt3A_59 = arith.cmpi sgt, %add3A_47, %gt3A : i32
      %convert_element_type3A_60 = arith.extui %gt3A_59 : i1 to i32
      %cond3A_61 = arith.constant 0 : i32
      %cond3A_62 = arith.cmpi ne, %convert_element_type3A_60, %cond3A_61 : i32
      scf.if %cond3A_62 {
        %dma_wait3A_382 = arith.constant 0 : i32
        %dma_wait3A_383 = arith.constant 0 : i32
        %dma_wait3A_384 = arith.constant 0 : i32
        %dma_wait3A_385 = tpu.memref_slice %arg10[%dma_wait3A_383, %dma_wait3A_384] : memref<128x128xf32, #tpu.memory_space<vmem>> -> memref<125x128xf32, #tpu.memory_space<vmem>>
        %dma_wait3A_386 = arith.constant 0 : i32
        %dma_wait3A_387 = tpu.memref_slice %arg8[%dma_wait3A_382, %dma_wait3A_386] : memref<24x125xi32, #tpu.memory_space<vmem>> -> memref<1x125xi32, #tpu.memory_space<vmem>>
        %dma_wait3A_388 = tpu.memref_squeeze %dma_wait3A_387 : memref<1x125xi32, #tpu.memory_space<vmem>> -> memref<125xi32, #tpu.memory_space<vmem>>
        %dma_wait3A_389 = arith.constant 0 : i32
        %dma_wait3A_390 = arith.constant 0 : i32
        %dma_wait3A_391 = tpu.memref_slice %arg11[%dma_wait3A_389, %dma_wait3A_390] : memref<10240x128xf32, #tpu.memory_space<vmem_shared>> -> memref<10240x128xf32, #tpu.memory_space<vmem_shared>>
        tpu.wait_indirect_dma semaphore(%arg15 : memref<!tpu.dma_semaphore, #tpu.memory_space<semaphore_mem>>) src(%dma_wait3A_385 : memref<125x128xf32, #tpu.memory_space<vmem>>) dst(%dma_wait3A_391 : memref<10240x128xf32, #tpu.memory_space<vmem_shared>>)
      } else {
      }
      %dma_start3A_63 = arith.constant 1 : i32
      %dma_start3A_64 = arith.constant 0 : i32
      %dma_start3A_65 = arith.constant 0 : i32
      %dma_start3A_66 = tpu.memref_slice %arg10[%dma_start3A_64, %dma_start3A_65] : memref<128x128xf32, #tpu.memory_space<vmem>> -> memref<125x128xf32, #tpu.memory_space<vmem>>
      %dma_start3A_67 = arith.constant 0 : i32
      %dma_start3A_68 = tpu.memref_slice %arg7[%mul3A_50, %dma_start3A_67] : memref<16x125xi32, #tpu.memory_space<vmem>> -> memref<8x125xi32, #tpu.memory_space<vmem>>
      %dma_start3A_69 = arith.constant 0 : i32
      %dma_start3A_70 = tpu.memref_slice %dma_start3A_68[%dma_start3A_63, %dma_start3A_69] : memref<8x125xi32, #tpu.memory_space<vmem>> -> memref<1x125xi32, #tpu.memory_space<vmem>>
      %dma_start3A_71 = tpu.memref_squeeze %dma_start3A_70 : memref<1x125xi32, #tpu.memory_space<vmem>> -> memref<125xi32, #tpu.memory_space<vmem>>
      %dma_start3A_72 = arith.constant 0 : i32
      %dma_start3A_73 = arith.constant 0 : i32
      %dma_start3A_74 = tpu.memref_slice %arg2[%dma_start3A_72, %dma_start3A_73] : memref<10000x128xf32, #tpu.memory_space<hbm>> -> memref<10000x128xf32, #tpu.memory_space<hbm>>
      tpu.enqueue_indirect_dma source(%dma_start3A_74 : memref<10000x128xf32, #tpu.memory_space<hbm>>) target(%dma_start3A_66 : memref<125x128xf32, #tpu.memory_space<vmem>>) offsets(%dma_start3A_71 : memref<125xi32, #tpu.memory_space<vmem>>) semaphore(%arg13 : memref<!tpu.dma_semaphore, #tpu.memory_space<semaphore_mem>>)
      %dma_wait3A_75 = arith.constant 0 : i32
      %dma_wait3A_76 = arith.constant 0 : i32
      %dma_wait3A_77 = arith.constant 0 : i32
      %dma_wait3A_78 = tpu.memref_slice %arg9[%dma_wait3A_76, %dma_wait3A_77] : memref<128x128xf32, #tpu.memory_space<vmem>> -> memref<125x128xf32, #tpu.memory_space<vmem>>
      %dma_wait3A_79 = arith.constant 0 : i32
      %dma_wait3A_80 = tpu.memref_slice %arg7[%dma_wait3A_75, %dma_wait3A_79] : memref<16x125xi32, #tpu.memory_space<vmem>> -> memref<1x125xi32, #tpu.memory_space<vmem>>
      %dma_wait3A_81 = tpu.memref_squeeze %dma_wait3A_80 : memref<1x125xi32, #tpu.memory_space<vmem>> -> memref<125xi32, #tpu.memory_space<vmem>>
      %dma_wait3A_82 = arith.constant 0 : i32
      %dma_wait3A_83 = arith.constant 0 : i32
      %dma_wait3A_84 = tpu.memref_slice %arg2[%dma_wait3A_82, %dma_wait3A_83] : memref<10000x128xf32, #tpu.memory_space<hbm>> -> memref<10000x128xf32, #tpu.memory_space<hbm>>
      tpu.wait_indirect_dma semaphore(%arg12 : memref<!tpu.dma_semaphore, #tpu.memory_space<semaphore_mem>>) src(%dma_wait3A_84 : memref<10000x128xf32, #tpu.memory_space<hbm>>) dst(%dma_wait3A_78 : memref<125x128xf32, #tpu.memory_space<vmem>>)
      %add3A_85 = arith.constant 0 : i32
      %add3A_86 = arith.addi %mul3A_54, %add3A_85 : i32
      %dma_start3A_87 = arith.constant 0 : i32
      %dma_start3A_88 = arith.constant 0 : i32
      %dma_start3A_89 = tpu.memref_slice %arg9[%dma_start3A_87, %dma_start3A_88] : memref<128x128xf32, #tpu.memory_space<vmem>> -> memref<125x128xf32, #tpu.memory_space<vmem>>
      %dma_start3A_90 = arith.constant 0 : i32
      %dma_start3A_91 = tpu.memref_slice %arg8[%add3A_86, %dma_start3A_90] : memref<24x125xi32, #tpu.memory_space<vmem>> -> memref<1x125xi32, #tpu.memory_space<vmem>>
      %dma_start3A_92 = tpu.memref_squeeze %dma_start3A_91 : memref<1x125xi32, #tpu.memory_space<vmem>> -> memref<125xi32, #tpu.memory_space<vmem>>
      %dma_start3A_93 = arith.constant 0 : i32
      %dma_start3A_94 = arith.constant 0 : i32
      %dma_start3A_95 = tpu.memref_slice %arg11[%dma_start3A_93, %dma_start3A_94] : memref<10240x128xf32, #tpu.memory_space<vmem_shared>> -> memref<10240x128xf32, #tpu.memory_space<vmem_shared>>
      tpu.enqueue_indirect_dma source(%dma_start3A_89 : memref<125x128xf32, #tpu.memory_space<vmem>>) target(%dma_start3A_95 : memref<10240x128xf32, #tpu.memory_space<vmem_shared>>) offsets(%dma_start3A_92 : memref<125xi32, #tpu.memory_space<vmem>>) semaphore(%arg14 : memref<!tpu.dma_semaphore, #tpu.memory_space<semaphore_mem>>) {add = true}
      %dma_wait3A_96 = arith.constant 0 : i32
      %dma_wait3A_97 = arith.constant 0 : i32
      %dma_wait3A_98 = arith.constant 0 : i32
      %dma_wait3A_99 = tpu.memref_slice %arg9[%dma_wait3A_97, %dma_wait3A_98] : memref<128x128xf32, #tpu.memory_space<vmem>> -> memref<125x128xf32, #tpu.memory_space<vmem>>
      %dma_wait3A_100 = arith.constant 0 : i32
      %dma_wait3A_101 = tpu.memref_slice %arg8[%dma_wait3A_96, %dma_wait3A_100] : memref<24x125xi32, #tpu.memory_space<vmem>> -> memref<1x125xi32, #tpu.memory_space<vmem>>
      %dma_wait3A_102 = tpu.memref_squeeze %dma_wait3A_101 : memref<1x125xi32, #tpu.memory_space<vmem>> -> memref<125xi32, #tpu.memory_space<vmem>>
      %dma_wait3A_103 = arith.constant 0 : i32
      %dma_wait3A_104 = arith.constant 0 : i32
      %dma_wait3A_105 = tpu.memref_slice %arg11[%dma_wait3A_103, %dma_wait3A_104] : memref<10240x128xf32, #tpu.memory_space<vmem_shared>> -> memref<10240x128xf32, #tpu.memory_space<vmem_shared>>
      tpu.wait_indirect_dma semaphore(%arg14 : memref<!tpu.dma_semaphore, #tpu.memory_space<semaphore_mem>>) src(%dma_wait3A_99 : memref<125x128xf32, #tpu.memory_space<vmem>>) dst(%dma_wait3A_105 : memref<10240x128xf32, #tpu.memory_space<vmem_shared>>)
      %dma_start3A_106 = arith.constant 2 : i32
      %dma_start3A_107 = arith.constant 0 : i32
      %dma_start3A_108 = arith.constant 0 : i32
      %dma_start3A_109 = tpu.memref_slice %arg9[%dma_start3A_107, %dma_start3A_108] : memref<128x128xf32, #tpu.memory_space<vmem>> -> memref<125x128xf32, #tpu.memory_space<vmem>>
      %dma_start3A_110 = arith.constant 0 : i32
      %dma_start3A_111 = tpu.memref_slice %arg7[%mul3A_50, %dma_start3A_110] : memref<16x125xi32, #tpu.memory_space<vmem>> -> memref<8x125xi32, #tpu.memory_space<vmem>>
      %dma_start3A_112 = arith.constant 0 : i32
      %dma_start3A_113 = tpu.memref_slice %dma_start3A_111[%dma_start3A_106, %dma_start3A_112] : memref<8x125xi32, #tpu.memory_space<vmem>> -> memref<1x125xi32, #tpu.memory_space<vmem>>
      %dma_start3A_114 = tpu.memref_squeeze %dma_start3A_113 : memref<1x125xi32, #tpu.memory_space<vmem>> -> memref<125xi32, #tpu.memory_space<vmem>>
      %dma_start3A_115 = arith.constant 0 : i32
      %dma_start3A_116 = arith.constant 0 : i32
      %dma_start3A_117 = tpu.memref_slice %arg2[%dma_start3A_115, %dma_start3A_116] : memref<10000x128xf32, #tpu.memory_space<hbm>> -> memref<10000x128xf32, #tpu.memory_space<hbm>>
      tpu.enqueue_indirect_dma source(%dma_start3A_117 : memref<10000x128xf32, #tpu.memory_space<hbm>>) target(%dma_start3A_109 : memref<125x128xf32, #tpu.memory_space<vmem>>) offsets(%dma_start3A_114 : memref<125xi32, #tpu.memory_space<vmem>>) semaphore(%arg12 : memref<!tpu.dma_semaphore, #tpu.memory_space<semaphore_mem>>)
      %dma_wait3A_118 = arith.constant 0 : i32
      %dma_wait3A_119 = arith.constant 0 : i32
      %dma_wait3A_120 = arith.constant 0 : i32
      %dma_wait3A_121 = tpu.memref_slice %arg10[%dma_wait3A_119, %dma_wait3A_120] : memref<128x128xf32, #tpu.memory_space<vmem>> -> memref<125x128xf32, #tpu.memory_space<vmem>>
      %dma_wait3A_122 = arith.constant 0 : i32
      %dma_wait3A_123 = tpu.memref_slice %arg7[%dma_wait3A_118, %dma_wait3A_122] : memref<16x125xi32, #tpu.memory_space<vmem>> -> memref<1x125xi32, #tpu.memory_space<vmem>>
      %dma_wait3A_124 = tpu.memref_squeeze %dma_wait3A_123 : memref<1x125xi32, #tpu.memory_space<vmem>> -> memref<125xi32, #tpu.memory_space<vmem>>
      %dma_wait3A_125 = arith.constant 0 : i32
      %dma_wait3A_126 = arith.constant 0 : i32
      %dma_wait3A_127 = tpu.memref_slice %arg2[%dma_wait3A_125, %dma_wait3A_126] : memref<10000x128xf32, #tpu.memory_space<hbm>> -> memref<10000x128xf32, #tpu.memory_space<hbm>>
      tpu.wait_indirect_dma semaphore(%arg13 : memref<!tpu.dma_semaphore, #tpu.memory_space<semaphore_mem>>) src(%dma_wait3A_127 : memref<10000x128xf32, #tpu.memory_space<hbm>>) dst(%dma_wait3A_121 : memref<125x128xf32, #tpu.memory_space<vmem>>)
      %add3A_128 = arith.constant 1 : i32
      %add3A_129 = arith.addi %mul3A_54, %add3A_128 : i32
      %dma_start3A_130 = arith.constant 0 : i32
      %dma_start3A_131 = arith.constant 0 : i32
      %dma_start3A_132 = tpu.memref_slice %arg10[%dma_start3A_130, %dma_start3A_131] : memref<128x128xf32, #tpu.memory_space<vmem>> -> memref<125x128xf32, #tpu.memory_space<vmem>>
      %dma_start3A_133 = arith.constant 0 : i32
      %dma_start3A_134 = tpu.memref_slice %arg8[%add3A_129, %dma_start3A_133] : memref<24x125xi32, #tpu.memory_space<vmem>> -> memref<1x125xi32, #tpu.memory_space<vmem>>
      %dma_start3A_135 = tpu.memref_squeeze %dma_start3A_134 : memref<1x125xi32, #tpu.memory_space<vmem>> -> memref<125xi32, #tpu.memory_space<vmem>>
      %dma_start3A_136 = arith.constant 0 : i32
      %dma_start3A_137 = arith.constant 0 : i32
      %dma_start3A_138 = tpu.memref_slice %arg11[%dma_start3A_136, %dma_start3A_137] : memref<10240x128xf32, #tpu.memory_space<vmem_shared>> -> memref<10240x128xf32, #tpu.memory_space<vmem_shared>>
      tpu.enqueue_indirect_dma source(%dma_start3A_132 : memref<125x128xf32, #tpu.memory_space<vmem>>) target(%dma_start3A_138 : memref<10240x128xf32, #tpu.memory_space<vmem_shared>>) offsets(%dma_start3A_135 : memref<125xi32, #tpu.memory_space<vmem>>) semaphore(%arg15 : memref<!tpu.dma_semaphore, #tpu.memory_space<semaphore_mem>>) {add = true}
      %dma_wait3A_139 = arith.constant 0 : i32
      %dma_wait3A_140 = arith.constant 0 : i32
      %dma_wait3A_141 = arith.constant 0 : i32
      %dma_wait3A_142 = tpu.memref_slice %arg10[%dma_wait3A_140, %dma_wait3A_141] : memref<128x128xf32, #tpu.memory_space<vmem>> -> memref<125x128xf32, #tpu.memory_space<vmem>>
      %dma_wait3A_143 = arith.constant 0 : i32
      %dma_wait3A_144 = tpu.memref_slice %arg8[%dma_wait3A_139, %dma_wait3A_143] : memref<24x125xi32, #tpu.memory_space<vmem>> -> memref<1x125xi32, #tpu.memory_space<vmem>>
      %dma_wait3A_145 = tpu.memref_squeeze %dma_wait3A_144 : memref<1x125xi32, #tpu.memory_space<vmem>> -> memref<125xi32, #tpu.memory_space<vmem>>
      %dma_wait3A_146 = arith.constant 0 : i32
      %dma_wait3A_147 = arith.constant 0 : i32
      %dma_wait3A_148 = tpu.memref_slice %arg11[%dma_wait3A_146, %dma_wait3A_147] : memref<10240x128xf32, #tpu.memory_space<vmem_shared>> -> memref<10240x128xf32, #tpu.memory_space<vmem_shared>>
      tpu.wait_indirect_dma semaphore(%arg15 : memref<!tpu.dma_semaphore, #tpu.memory_space<semaphore_mem>>) src(%dma_wait3A_142 : memref<125x128xf32, #tpu.memory_space<vmem>>) dst(%dma_wait3A_148 : memref<10240x128xf32, #tpu.memory_space<vmem_shared>>)
      %dma_start3A_149 = arith.constant 3 : i32
      %dma_start3A_150 = arith.constant 0 : i32
      %dma_start3A_151 = arith.constant 0 : i32
      %dma_start3A_152 = tpu.memref_slice %arg10[%dma_start3A_150, %dma_start3A_151] : memref<128x128xf32, #tpu.memory_space<vmem>> -> memref<125x128xf32, #tpu.memory_space<vmem>>
      %dma_start3A_153 = arith.constant 0 : i32
      %dma_start3A_154 = tpu.memref_slice %arg7[%mul3A_50, %dma_start3A_153] : memref<16x125xi32, #tpu.memory_space<vmem>> -> memref<8x125xi32, #tpu.memory_space<vmem>>
      %dma_start3A_155 = arith.constant 0 : i32
      %dma_start3A_156 = tpu.memref_slice %dma_start3A_154[%dma_start3A_149, %dma_start3A_155] : memref<8x125xi32, #tpu.memory_space<vmem>> -> memref<1x125xi32, #tpu.memory_space<vmem>>
      %dma_start3A_157 = tpu.memref_squeeze %dma_start3A_156 : memref<1x125xi32, #tpu.memory_space<vmem>> -> memref<125xi32, #tpu.memory_space<vmem>>
      %dma_start3A_158 = arith.constant 0 : i32
      %dma_start3A_159 = arith.constant 0 : i32
      %dma_start3A_160 = tpu.memref_slice %arg2[%dma_start3A_158, %dma_start3A_159] : memref<10000x128xf32, #tpu.memory_space<hbm>> -> memref<10000x128xf32, #tpu.memory_space<hbm>>
      tpu.enqueue_indirect_dma source(%dma_start3A_160 : memref<10000x128xf32, #tpu.memory_space<hbm>>) target(%dma_start3A_152 : memref<125x128xf32, #tpu.memory_space<vmem>>) offsets(%dma_start3A_157 : memref<125xi32, #tpu.memory_space<vmem>>) semaphore(%arg13 : memref<!tpu.dma_semaphore, #tpu.memory_space<semaphore_mem>>)
      %dma_wait3A_161 = arith.constant 0 : i32
      %dma_wait3A_162 = arith.constant 0 : i32
      %dma_wait3A_163 = arith.constant 0 : i32
      %dma_wait3A_164 = tpu.memref_slice %arg9[%dma_wait3A_162, %dma_wait3A_163] : memref<128x128xf32, #tpu.memory_space<vmem>> -> memref<125x128xf32, #tpu.memory_space<vmem>>
      %dma_wait3A_165 = arith.constant 0 : i32
      %dma_wait3A_166 = tpu.memref_slice %arg7[%dma_wait3A_161, %dma_wait3A_165] : memref<16x125xi32, #tpu.memory_space<vmem>> -> memref<1x125xi32, #tpu.memory_space<vmem>>
      %dma_wait3A_167 = tpu.memref_squeeze %dma_wait3A_166 : memref<1x125xi32, #tpu.memory_space<vmem>> -> memref<125xi32, #tpu.memory_space<vmem>>
      %dma_wait3A_168 = arith.constant 0 : i32
      %dma_wait3A_169 = arith.constant 0 : i32
      %dma_wait3A_170 = tpu.memref_slice %arg2[%dma_wait3A_168, %dma_wait3A_169] : memref<10000x128xf32, #tpu.memory_space<hbm>> -> memref<10000x128xf32, #tpu.memory_space<hbm>>
      tpu.wait_indirect_dma semaphore(%arg12 : memref<!tpu.dma_semaphore, #tpu.memory_space<semaphore_mem>>) src(%dma_wait3A_170 : memref<10000x128xf32, #tpu.memory_space<hbm>>) dst(%dma_wait3A_164 : memref<125x128xf32, #tpu.memory_space<vmem>>)
      %add3A_171 = arith.constant 2 : i32
      %add3A_172 = arith.addi %mul3A_54, %add3A_171 : i32
      %dma_start3A_173 = arith.constant 0 : i32
      %dma_start3A_174 = arith.constant 0 : i32
      %dma_start3A_175 = tpu.memref_slice %arg9[%dma_start3A_173, %dma_start3A_174] : memref<128x128xf32, #tpu.memory_space<vmem>> -> memref<125x128xf32, #tpu.memory_space<vmem>>
      %dma_start3A_176 = arith.constant 0 : i32
      %dma_start3A_177 = tpu.memref_slice %arg8[%add3A_172, %dma_start3A_176] : memref<24x125xi32, #tpu.memory_space<vmem>> -> memref<1x125xi32, #tpu.memory_space<vmem>>
      %dma_start3A_178 = tpu.memref_squeeze %dma_start3A_177 : memref<1x125xi32, #tpu.memory_space<vmem>> -> memref<125xi32, #tpu.memory_space<vmem>>
      %dma_start3A_179 = arith.constant 0 : i32
      %dma_start3A_180 = arith.constant 0 : i32
      %dma_start3A_181 = tpu.memref_slice %arg11[%dma_start3A_179, %dma_start3A_180] : memref<10240x128xf32, #tpu.memory_space<vmem_shared>> -> memref<10240x128xf32, #tpu.memory_space<vmem_shared>>
      tpu.enqueue_indirect_dma source(%dma_start3A_175 : memref<125x128xf32, #tpu.memory_space<vmem>>) target(%dma_start3A_181 : memref<10240x128xf32, #tpu.memory_space<vmem_shared>>) offsets(%dma_start3A_178 : memref<125xi32, #tpu.memory_space<vmem>>) semaphore(%arg14 : memref<!tpu.dma_semaphore, #tpu.memory_space<semaphore_mem>>) {add = true}
      %dma_wait3A_182 = arith.constant 0 : i32
      %dma_wait3A_183 = arith.constant 0 : i32
      %dma_wait3A_184 = arith.constant 0 : i32
      %dma_wait3A_185 = tpu.memref_slice %arg9[%dma_wait3A_183, %dma_wait3A_184] : memref<128x128xf32, #tpu.memory_space<vmem>> -> memref<125x128xf32, #tpu.memory_space<vmem>>
      %dma_wait3A_186 = arith.constant 0 : i32
      %dma_wait3A_187 = tpu.memref_slice %arg8[%dma_wait3A_182, %dma_wait3A_186] : memref<24x125xi32, #tpu.memory_space<vmem>> -> memref<1x125xi32, #tpu.memory_space<vmem>>
      %dma_wait3A_188 = tpu.memref_squeeze %dma_wait3A_187 : memref<1x125xi32, #tpu.memory_space<vmem>> -> memref<125xi32, #tpu.memory_space<vmem>>
      %dma_wait3A_189 = arith.constant 0 : i32
      %dma_wait3A_190 = arith.constant 0 : i32
      %dma_wait3A_191 = tpu.memref_slice %arg11[%dma_wait3A_189, %dma_wait3A_190] : memref<10240x128xf32, #tpu.memory_space<vmem_shared>> -> memref<10240x128xf32, #tpu.memory_space<vmem_shared>>
      tpu.wait_indirect_dma semaphore(%arg14 : memref<!tpu.dma_semaphore, #tpu.memory_space<semaphore_mem>>) src(%dma_wait3A_185 : memref<125x128xf32, #tpu.memory_space<vmem>>) dst(%dma_wait3A_191 : memref<10240x128xf32, #tpu.memory_space<vmem_shared>>)
      %dma_start3A_192 = arith.constant 4 : i32
      %dma_start3A_193 = arith.constant 0 : i32
      %dma_start3A_194 = arith.constant 0 : i32
      %dma_start3A_195 = tpu.memref_slice %arg9[%dma_start3A_193, %dma_start3A_194] : memref<128x128xf32, #tpu.memory_space<vmem>> -> memref<125x128xf32, #tpu.memory_space<vmem>>
      %dma_start3A_196 = arith.constant 0 : i32
      %dma_start3A_197 = tpu.memref_slice %arg7[%mul3A_50, %dma_start3A_196] : memref<16x125xi32, #tpu.memory_space<vmem>> -> memref<8x125xi32, #tpu.memory_space<vmem>>
      %dma_start3A_198 = arith.constant 0 : i32
      %dma_start3A_199 = tpu.memref_slice %dma_start3A_197[%dma_start3A_192, %dma_start3A_198] : memref<8x125xi32, #tpu.memory_space<vmem>> -> memref<1x125xi32, #tpu.memory_space<vmem>>
      %dma_start3A_200 = tpu.memref_squeeze %dma_start3A_199 : memref<1x125xi32, #tpu.memory_space<vmem>> -> memref<125xi32, #tpu.memory_space<vmem>>
      %dma_start3A_201 = arith.constant 0 : i32
      %dma_start3A_202 = arith.constant 0 : i32
      %dma_start3A_203 = tpu.memref_slice %arg2[%dma_start3A_201, %dma_start3A_202] : memref<10000x128xf32, #tpu.memory_space<hbm>> -> memref<10000x128xf32, #tpu.memory_space<hbm>>
      tpu.enqueue_indirect_dma source(%dma_start3A_203 : memref<10000x128xf32, #tpu.memory_space<hbm>>) target(%dma_start3A_195 : memref<125x128xf32, #tpu.memory_space<vmem>>) offsets(%dma_start3A_200 : memref<125xi32, #tpu.memory_space<vmem>>) semaphore(%arg12 : memref<!tpu.dma_semaphore, #tpu.memory_space<semaphore_mem>>)
      %dma_wait3A_204 = arith.constant 0 : i32
      %dma_wait3A_205 = arith.constant 0 : i32
      %dma_wait3A_206 = arith.constant 0 : i32
      %dma_wait3A_207 = tpu.memref_slice %arg10[%dma_wait3A_205, %dma_wait3A_206] : memref<128x128xf32, #tpu.memory_space<vmem>> -> memref<125x128xf32, #tpu.memory_space<vmem>>
      %dma_wait3A_208 = arith.constant 0 : i32
      %dma_wait3A_209 = tpu.memref_slice %arg7[%dma_wait3A_204, %dma_wait3A_208] : memref<16x125xi32, #tpu.memory_space<vmem>> -> memref<1x125xi32, #tpu.memory_space<vmem>>
      %dma_wait3A_210 = tpu.memref_squeeze %dma_wait3A_209 : memref<1x125xi32, #tpu.memory_space<vmem>> -> memref<125xi32, #tpu.memory_space<vmem>>
      %dma_wait3A_211 = arith.constant 0 : i32
      %dma_wait3A_212 = arith.constant 0 : i32
      %dma_wait3A_213 = tpu.memref_slice %arg2[%dma_wait3A_211, %dma_wait3A_212] : memref<10000x128xf32, #tpu.memory_space<hbm>> -> memref<10000x128xf32, #tpu.memory_space<hbm>>
      tpu.wait_indirect_dma semaphore(%arg13 : memref<!tpu.dma_semaphore, #tpu.memory_space<semaphore_mem>>) src(%dma_wait3A_213 : memref<10000x128xf32, #tpu.memory_space<hbm>>) dst(%dma_wait3A_207 : memref<125x128xf32, #tpu.memory_space<vmem>>)
      %add3A_214 = arith.constant 3 : i32
      %add3A_215 = arith.addi %mul3A_54, %add3A_214 : i32
      %dma_start3A_216 = arith.constant 0 : i32
      %dma_start3A_217 = arith.constant 0 : i32
      %dma_start3A_218 = tpu.memref_slice %arg10[%dma_start3A_216, %dma_start3A_217] : memref<128x128xf32, #tpu.memory_space<vmem>> -> memref<125x128xf32, #tpu.memory_space<vmem>>
      %dma_start3A_219 = arith.constant 0 : i32
      %dma_start3A_220 = tpu.memref_slice %arg8[%add3A_215, %dma_start3A_219] : memref<24x125xi32, #tpu.memory_space<vmem>> -> memref<1x125xi32, #tpu.memory_space<vmem>>
      %dma_start3A_221 = tpu.memref_squeeze %dma_start3A_220 : memref<1x125xi32, #tpu.memory_space<vmem>> -> memref<125xi32, #tpu.memory_space<vmem>>
      %dma_start3A_222 = arith.constant 0 : i32
      %dma_start3A_223 = arith.constant 0 : i32
      %dma_start3A_224 = tpu.memref_slice %arg11[%dma_start3A_222, %dma_start3A_223] : memref<10240x128xf32, #tpu.memory_space<vmem_shared>> -> memref<10240x128xf32, #tpu.memory_space<vmem_shared>>
      tpu.enqueue_indirect_dma source(%dma_start3A_218 : memref<125x128xf32, #tpu.memory_space<vmem>>) target(%dma_start3A_224 : memref<10240x128xf32, #tpu.memory_space<vmem_shared>>) offsets(%dma_start3A_221 : memref<125xi32, #tpu.memory_space<vmem>>) semaphore(%arg15 : memref<!tpu.dma_semaphore, #tpu.memory_space<semaphore_mem>>) {add = true}
      %dma_wait3A_225 = arith.constant 0 : i32
      %dma_wait3A_226 = arith.constant 0 : i32
      %dma_wait3A_227 = arith.constant 0 : i32
      %dma_wait3A_228 = tpu.memref_slice %arg10[%dma_wait3A_226, %dma_wait3A_227] : memref<128x128xf32, #tpu.memory_space<vmem>> -> memref<125x128xf32, #tpu.memory_space<vmem>>
      %dma_wait3A_229 = arith.constant 0 : i32
      %dma_wait3A_230 = tpu.memref_slice %arg8[%dma_wait3A_225, %dma_wait3A_229] : memref<24x125xi32, #tpu.memory_space<vmem>> -> memref<1x125xi32, #tpu.memory_space<vmem>>
      %dma_wait3A_231 = tpu.memref_squeeze %dma_wait3A_230 : memref<1x125xi32, #tpu.memory_space<vmem>> -> memref<125xi32, #tpu.memory_space<vmem>>
      %dma_wait3A_232 = arith.constant 0 : i32
      %dma_wait3A_233 = arith.constant 0 : i32
      %dma_wait3A_234 = tpu.memref_slice %arg11[%dma_wait3A_232, %dma_wait3A_233] : memref<10240x128xf32, #tpu.memory_space<vmem_shared>> -> memref<10240x128xf32, #tpu.memory_space<vmem_shared>>
      tpu.wait_indirect_dma semaphore(%arg15 : memref<!tpu.dma_semaphore, #tpu.memory_space<semaphore_mem>>) src(%dma_wait3A_228 : memref<125x128xf32, #tpu.memory_space<vmem>>) dst(%dma_wait3A_234 : memref<10240x128xf32, #tpu.memory_space<vmem_shared>>)
      %dma_start3A_235 = arith.constant 5 : i32
      %dma_start3A_236 = arith.constant 0 : i32
      %dma_start3A_237 = arith.constant 0 : i32
      %dma_start3A_238 = tpu.memref_slice %arg10[%dma_start3A_236, %dma_start3A_237] : memref<128x128xf32, #tpu.memory_space<vmem>> -> memref<125x128xf32, #tpu.memory_space<vmem>>
      %dma_start3A_239 = arith.constant 0 : i32
      %dma_start3A_240 = tpu.memref_slice %arg7[%mul3A_50, %dma_start3A_239] : memref<16x125xi32, #tpu.memory_space<vmem>> -> memref<8x125xi32, #tpu.memory_space<vmem>>
      %dma_start3A_241 = arith.constant 0 : i32
      %dma_start3A_242 = tpu.memref_slice %dma_start3A_240[%dma_start3A_235, %dma_start3A_241] : memref<8x125xi32, #tpu.memory_space<vmem>> -> memref<1x125xi32, #tpu.memory_space<vmem>>
      %dma_start3A_243 = tpu.memref_squeeze %dma_start3A_242 : memref<1x125xi32, #tpu.memory_space<vmem>> -> memref<125xi32, #tpu.memory_space<vmem>>
      %dma_start3A_244 = arith.constant 0 : i32
      %dma_start3A_245 = arith.constant 0 : i32
      %dma_start3A_246 = tpu.memref_slice %arg2[%dma_start3A_244, %dma_start3A_245] : memref<10000x128xf32, #tpu.memory_space<hbm>> -> memref<10000x128xf32, #tpu.memory_space<hbm>>
      tpu.enqueue_indirect_dma source(%dma_start3A_246 : memref<10000x128xf32, #tpu.memory_space<hbm>>) target(%dma_start3A_238 : memref<125x128xf32, #tpu.memory_space<vmem>>) offsets(%dma_start3A_243 : memref<125xi32, #tpu.memory_space<vmem>>) semaphore(%arg13 : memref<!tpu.dma_semaphore, #tpu.memory_space<semaphore_mem>>)
      %dma_wait3A_247 = arith.constant 0 : i32
      %dma_wait3A_248 = arith.constant 0 : i32
      %dma_wait3A_249 = arith.constant 0 : i32
      %dma_wait3A_250 = tpu.memref_slice %arg9[%dma_wait3A_248, %dma_wait3A_249] : memref<128x128xf32, #tpu.memory_space<vmem>> -> memref<125x128xf32, #tpu.memory_space<vmem>>
      %dma_wait3A_251 = arith.constant 0 : i32
      %dma_wait3A_252 = tpu.memref_slice %arg7[%dma_wait3A_247, %dma_wait3A_251] : memref<16x125xi32, #tpu.memory_space<vmem>> -> memref<1x125xi32, #tpu.memory_space<vmem>>
      %dma_wait3A_253 = tpu.memref_squeeze %dma_wait3A_252 : memref<1x125xi32, #tpu.memory_space<vmem>> -> memref<125xi32, #tpu.memory_space<vmem>>
      %dma_wait3A_254 = arith.constant 0 : i32
      %dma_wait3A_255 = arith.constant 0 : i32
      %dma_wait3A_256 = tpu.memref_slice %arg2[%dma_wait3A_254, %dma_wait3A_255] : memref<10000x128xf32, #tpu.memory_space<hbm>> -> memref<10000x128xf32, #tpu.memory_space<hbm>>
      tpu.wait_indirect_dma semaphore(%arg12 : memref<!tpu.dma_semaphore, #tpu.memory_space<semaphore_mem>>) src(%dma_wait3A_256 : memref<10000x128xf32, #tpu.memory_space<hbm>>) dst(%dma_wait3A_250 : memref<125x128xf32, #tpu.memory_space<vmem>>)
      %add3A_257 = arith.constant 4 : i32
      %add3A_258 = arith.addi %mul3A_54, %add3A_257 : i32
      %dma_start3A_259 = arith.constant 0 : i32
      %dma_start3A_260 = arith.constant 0 : i32
      %dma_start3A_261 = tpu.memref_slice %arg9[%dma_start3A_259, %dma_start3A_260] : memref<128x128xf32, #tpu.memory_space<vmem>> -> memref<125x128xf32, #tpu.memory_space<vmem>>
      %dma_start3A_262 = arith.constant 0 : i32
      %dma_start3A_263 = tpu.memref_slice %arg8[%add3A_258, %dma_start3A_262] : memref<24x125xi32, #tpu.memory_space<vmem>> -> memref<1x125xi32, #tpu.memory_space<vmem>>
      %dma_start3A_264 = tpu.memref_squeeze %dma_start3A_263 : memref<1x125xi32, #tpu.memory_space<vmem>> -> memref<125xi32, #tpu.memory_space<vmem>>
      %dma_start3A_265 = arith.constant 0 : i32
      %dma_start3A_266 = arith.constant 0 : i32
      %dma_start3A_267 = tpu.memref_slice %arg11[%dma_start3A_265, %dma_start3A_266] : memref<10240x128xf32, #tpu.memory_space<vmem_shared>> -> memref<10240x128xf32, #tpu.memory_space<vmem_shared>>
      tpu.enqueue_indirect_dma source(%dma_start3A_261 : memref<125x128xf32, #tpu.memory_space<vmem>>) target(%dma_start3A_267 : memref<10240x128xf32, #tpu.memory_space<vmem_shared>>) offsets(%dma_start3A_264 : memref<125xi32, #tpu.memory_space<vmem>>) semaphore(%arg14 : memref<!tpu.dma_semaphore, #tpu.memory_space<semaphore_mem>>) {add = true}
      %dma_wait3A_268 = arith.constant 0 : i32
      %dma_wait3A_269 = arith.constant 0 : i32
      %dma_wait3A_270 = arith.constant 0 : i32
      %dma_wait3A_271 = tpu.memref_slice %arg9[%dma_wait3A_269, %dma_wait3A_270] : memref<128x128xf32, #tpu.memory_space<vmem>> -> memref<125x128xf32, #tpu.memory_space<vmem>>
      %dma_wait3A_272 = arith.constant 0 : i32
      %dma_wait3A_273 = tpu.memref_slice %arg8[%dma_wait3A_268, %dma_wait3A_272] : memref<24x125xi32, #tpu.memory_space<vmem>> -> memref<1x125xi32, #tpu.memory_space<vmem>>
      %dma_wait3A_274 = tpu.memref_squeeze %dma_wait3A_273 : memref<1x125xi32, #tpu.memory_space<vmem>> -> memref<125xi32, #tpu.memory_space<vmem>>
      %dma_wait3A_275 = arith.constant 0 : i32
      %dma_wait3A_276 = arith.constant 0 : i32
      %dma_wait3A_277 = tpu.memref_slice %arg11[%dma_wait3A_275, %dma_wait3A_276] : memref<10240x128xf32, #tpu.memory_space<vmem_shared>> -> memref<10240x128xf32, #tpu.memory_space<vmem_shared>>
      tpu.wait_indirect_dma semaphore(%arg14 : memref<!tpu.dma_semaphore, #tpu.memory_space<semaphore_mem>>) src(%dma_wait3A_271 : memref<125x128xf32, #tpu.memory_space<vmem>>) dst(%dma_wait3A_277 : memref<10240x128xf32, #tpu.memory_space<vmem_shared>>)
      %dma_start3A_278 = arith.constant 6 : i32
      %dma_start3A_279 = arith.constant 0 : i32
      %dma_start3A_280 = arith.constant 0 : i32
      %dma_start3A_281 = tpu.memref_slice %arg9[%dma_start3A_279, %dma_start3A_280] : memref<128x128xf32, #tpu.memory_space<vmem>> -> memref<125x128xf32, #tpu.memory_space<vmem>>
      %dma_start3A_282 = arith.constant 0 : i32
      %dma_start3A_283 = tpu.memref_slice %arg7[%mul3A_50, %dma_start3A_282] : memref<16x125xi32, #tpu.memory_space<vmem>> -> memref<8x125xi32, #tpu.memory_space<vmem>>
      %dma_start3A_284 = arith.constant 0 : i32
      %dma_start3A_285 = tpu.memref_slice %dma_start3A_283[%dma_start3A_278, %dma_start3A_284] : memref<8x125xi32, #tpu.memory_space<vmem>> -> memref<1x125xi32, #tpu.memory_space<vmem>>
      %dma_start3A_286 = tpu.memref_squeeze %dma_start3A_285 : memref<1x125xi32, #tpu.memory_space<vmem>> -> memref<125xi32, #tpu.memory_space<vmem>>
      %dma_start3A_287 = arith.constant 0 : i32
      %dma_start3A_288 = arith.constant 0 : i32
      %dma_start3A_289 = tpu.memref_slice %arg2[%dma_start3A_287, %dma_start3A_288] : memref<10000x128xf32, #tpu.memory_space<hbm>> -> memref<10000x128xf32, #tpu.memory_space<hbm>>
      tpu.enqueue_indirect_dma source(%dma_start3A_289 : memref<10000x128xf32, #tpu.memory_space<hbm>>) target(%dma_start3A_281 : memref<125x128xf32, #tpu.memory_space<vmem>>) offsets(%dma_start3A_286 : memref<125xi32, #tpu.memory_space<vmem>>) semaphore(%arg12 : memref<!tpu.dma_semaphore, #tpu.memory_space<semaphore_mem>>)
      %dma_wait3A_290 = arith.constant 0 : i32
      %dma_wait3A_291 = arith.constant 0 : i32
      %dma_wait3A_292 = arith.constant 0 : i32
      %dma_wait3A_293 = tpu.memref_slice %arg10[%dma_wait3A_291, %dma_wait3A_292] : memref<128x128xf32, #tpu.memory_space<vmem>> -> memref<125x128xf32, #tpu.memory_space<vmem>>
      %dma_wait3A_294 = arith.constant 0 : i32
      %dma_wait3A_295 = tpu.memref_slice %arg7[%dma_wait3A_290, %dma_wait3A_294] : memref<16x125xi32, #tpu.memory_space<vmem>> -> memref<1x125xi32, #tpu.memory_space<vmem>>
      %dma_wait3A_296 = tpu.memref_squeeze %dma_wait3A_295 : memref<1x125xi32, #tpu.memory_space<vmem>> -> memref<125xi32, #tpu.memory_space<vmem>>
      %dma_wait3A_297 = arith.constant 0 : i32
      %dma_wait3A_298 = arith.constant 0 : i32
      %dma_wait3A_299 = tpu.memref_slice %arg2[%dma_wait3A_297, %dma_wait3A_298] : memref<10000x128xf32, #tpu.memory_space<hbm>> -> memref<10000x128xf32, #tpu.memory_space<hbm>>
      tpu.wait_indirect_dma semaphore(%arg13 : memref<!tpu.dma_semaphore, #tpu.memory_space<semaphore_mem>>) src(%dma_wait3A_299 : memref<10000x128xf32, #tpu.memory_space<hbm>>) dst(%dma_wait3A_293 : memref<125x128xf32, #tpu.memory_space<vmem>>)
      %add3A_300 = arith.constant 5 : i32
      %add3A_301 = arith.addi %mul3A_54, %add3A_300 : i32
      %dma_start3A_302 = arith.constant 0 : i32
      %dma_start3A_303 = arith.constant 0 : i32
      %dma_start3A_304 = tpu.memref_slice %arg10[%dma_start3A_302, %dma_start3A_303] : memref<128x128xf32, #tpu.memory_space<vmem>> -> memref<125x128xf32, #tpu.memory_space<vmem>>
      %dma_start3A_305 = arith.constant 0 : i32
      %dma_start3A_306 = tpu.memref_slice %arg8[%add3A_301, %dma_start3A_305] : memref<24x125xi32, #tpu.memory_space<vmem>> -> memref<1x125xi32, #tpu.memory_space<vmem>>
      %dma_start3A_307 = tpu.memref_squeeze %dma_start3A_306 : memref<1x125xi32, #tpu.memory_space<vmem>> -> memref<125xi32, #tpu.memory_space<vmem>>
      %dma_start3A_308 = arith.constant 0 : i32
      %dma_start3A_309 = arith.constant 0 : i32
      %dma_start3A_310 = tpu.memref_slice %arg11[%dma_start3A_308, %dma_start3A_309] : memref<10240x128xf32, #tpu.memory_space<vmem_shared>> -> memref<10240x128xf32, #tpu.memory_space<vmem_shared>>
      tpu.enqueue_indirect_dma source(%dma_start3A_304 : memref<125x128xf32, #tpu.memory_space<vmem>>) target(%dma_start3A_310 : memref<10240x128xf32, #tpu.memory_space<vmem_shared>>) offsets(%dma_start3A_307 : memref<125xi32, #tpu.memory_space<vmem>>) semaphore(%arg15 : memref<!tpu.dma_semaphore, #tpu.memory_space<semaphore_mem>>) {add = true}
      %dma_wait3A_311 = arith.constant 0 : i32
      %dma_wait3A_312 = arith.constant 0 : i32
      %dma_wait3A_313 = arith.constant 0 : i32
      %dma_wait3A_314 = tpu.memref_slice %arg10[%dma_wait3A_312, %dma_wait3A_313] : memref<128x128xf32, #tpu.memory_space<vmem>> -> memref<125x128xf32, #tpu.memory_space<vmem>>
      %dma_wait3A_315 = arith.constant 0 : i32
      %dma_wait3A_316 = tpu.memref_slice %arg8[%dma_wait3A_311, %dma_wait3A_315] : memref<24x125xi32, #tpu.memory_space<vmem>> -> memref<1x125xi32, #tpu.memory_space<vmem>>
      %dma_wait3A_317 = tpu.memref_squeeze %dma_wait3A_316 : memref<1x125xi32, #tpu.memory_space<vmem>> -> memref<125xi32, #tpu.memory_space<vmem>>
      %dma_wait3A_318 = arith.constant 0 : i32
      %dma_wait3A_319 = arith.constant 0 : i32
      %dma_wait3A_320 = tpu.memref_slice %arg11[%dma_wait3A_318, %dma_wait3A_319] : memref<10240x128xf32, #tpu.memory_space<vmem_shared>> -> memref<10240x128xf32, #tpu.memory_space<vmem_shared>>
      tpu.wait_indirect_dma semaphore(%arg15 : memref<!tpu.dma_semaphore, #tpu.memory_space<semaphore_mem>>) src(%dma_wait3A_314 : memref<125x128xf32, #tpu.memory_space<vmem>>) dst(%dma_wait3A_320 : memref<10240x128xf32, #tpu.memory_space<vmem_shared>>)
      %dma_start3A_321 = arith.constant 7 : i32
      %dma_start3A_322 = arith.constant 0 : i32
      %dma_start3A_323 = arith.constant 0 : i32
      %dma_start3A_324 = tpu.memref_slice %arg10[%dma_start3A_322, %dma_start3A_323] : memref<128x128xf32, #tpu.memory_space<vmem>> -> memref<125x128xf32, #tpu.memory_space<vmem>>
      %dma_start3A_325 = arith.constant 0 : i32
      %dma_start3A_326 = tpu.memref_slice %arg7[%mul3A_50, %dma_start3A_325] : memref<16x125xi32, #tpu.memory_space<vmem>> -> memref<8x125xi32, #tpu.memory_space<vmem>>
      %dma_start3A_327 = arith.constant 0 : i32
      %dma_start3A_328 = tpu.memref_slice %dma_start3A_326[%dma_start3A_321, %dma_start3A_327] : memref<8x125xi32, #tpu.memory_space<vmem>> -> memref<1x125xi32, #tpu.memory_space<vmem>>
      %dma_start3A_329 = tpu.memref_squeeze %dma_start3A_328 : memref<1x125xi32, #tpu.memory_space<vmem>> -> memref<125xi32, #tpu.memory_space<vmem>>
      %dma_start3A_330 = arith.constant 0 : i32
      %dma_start3A_331 = arith.constant 0 : i32
      %dma_start3A_332 = tpu.memref_slice %arg2[%dma_start3A_330, %dma_start3A_331] : memref<10000x128xf32, #tpu.memory_space<hbm>> -> memref<10000x128xf32, #tpu.memory_space<hbm>>
      tpu.enqueue_indirect_dma source(%dma_start3A_332 : memref<10000x128xf32, #tpu.memory_space<hbm>>) target(%dma_start3A_324 : memref<125x128xf32, #tpu.memory_space<vmem>>) offsets(%dma_start3A_329 : memref<125xi32, #tpu.memory_space<vmem>>) semaphore(%arg13 : memref<!tpu.dma_semaphore, #tpu.memory_space<semaphore_mem>>)
      %dma_wait3A_333 = arith.constant 0 : i32
      %dma_wait3A_334 = arith.constant 0 : i32
      %dma_wait3A_335 = arith.constant 0 : i32
      %dma_wait3A_336 = tpu.memref_slice %arg9[%dma_wait3A_334, %dma_wait3A_335] : memref<128x128xf32, #tpu.memory_space<vmem>> -> memref<125x128xf32, #tpu.memory_space<vmem>>
      %dma_wait3A_337 = arith.constant 0 : i32
      %dma_wait3A_338 = tpu.memref_slice %arg7[%dma_wait3A_333, %dma_wait3A_337] : memref<16x125xi32, #tpu.memory_space<vmem>> -> memref<1x125xi32, #tpu.memory_space<vmem>>
      %dma_wait3A_339 = tpu.memref_squeeze %dma_wait3A_338 : memref<1x125xi32, #tpu.memory_space<vmem>> -> memref<125xi32, #tpu.memory_space<vmem>>
      %dma_wait3A_340 = arith.constant 0 : i32
      %dma_wait3A_341 = arith.constant 0 : i32
      %dma_wait3A_342 = tpu.memref_slice %arg2[%dma_wait3A_340, %dma_wait3A_341] : memref<10000x128xf32, #tpu.memory_space<hbm>> -> memref<10000x128xf32, #tpu.memory_space<hbm>>
      tpu.wait_indirect_dma semaphore(%arg12 : memref<!tpu.dma_semaphore, #tpu.memory_space<semaphore_mem>>) src(%dma_wait3A_342 : memref<10000x128xf32, #tpu.memory_space<hbm>>) dst(%dma_wait3A_336 : memref<125x128xf32, #tpu.memory_space<vmem>>)
      %add3A_343 = arith.constant 6 : i32
      %add3A_344 = arith.addi %mul3A_54, %add3A_343 : i32
      %dma_start3A_345 = arith.constant 0 : i32
      %dma_start3A_346 = arith.constant 0 : i32
      %dma_start3A_347 = tpu.memref_slice %arg9[%dma_start3A_345, %dma_start3A_346] : memref<128x128xf32, #tpu.memory_space<vmem>> -> memref<125x128xf32, #tpu.memory_space<vmem>>
      %dma_start3A_348 = arith.constant 0 : i32
      %dma_start3A_349 = tpu.memref_slice %arg8[%add3A_344, %dma_start3A_348] : memref<24x125xi32, #tpu.memory_space<vmem>> -> memref<1x125xi32, #tpu.memory_space<vmem>>
      %dma_start3A_350 = tpu.memref_squeeze %dma_start3A_349 : memref<1x125xi32, #tpu.memory_space<vmem>> -> memref<125xi32, #tpu.memory_space<vmem>>
      %dma_start3A_351 = arith.constant 0 : i32
      %dma_start3A_352 = arith.constant 0 : i32
      %dma_start3A_353 = tpu.memref_slice %arg11[%dma_start3A_351, %dma_start3A_352] : memref<10240x128xf32, #tpu.memory_space<vmem_shared>> -> memref<10240x128xf32, #tpu.memory_space<vmem_shared>>
      tpu.enqueue_indirect_dma source(%dma_start3A_347 : memref<125x128xf32, #tpu.memory_space<vmem>>) target(%dma_start3A_353 : memref<10240x128xf32, #tpu.memory_space<vmem_shared>>) offsets(%dma_start3A_350 : memref<125xi32, #tpu.memory_space<vmem>>) semaphore(%arg14 : memref<!tpu.dma_semaphore, #tpu.memory_space<semaphore_mem>>) {add = true}
      %dma_wait3A_354 = arith.constant 0 : i32
      %dma_wait3A_355 = arith.constant 0 : i32
      %dma_wait3A_356 = arith.constant 0 : i32
      %dma_wait3A_357 = tpu.memref_slice %arg10[%dma_wait3A_355, %dma_wait3A_356] : memref<128x128xf32, #tpu.memory_space<vmem>> -> memref<125x128xf32, #tpu.memory_space<vmem>>
      %dma_wait3A_358 = arith.constant 0 : i32
      %dma_wait3A_359 = tpu.memref_slice %arg7[%dma_wait3A_354, %dma_wait3A_358] : memref<16x125xi32, #tpu.memory_space<vmem>> -> memref<1x125xi32, #tpu.memory_space<vmem>>
      %dma_wait3A_360 = tpu.memref_squeeze %dma_wait3A_359 : memref<1x125xi32, #tpu.memory_space<vmem>> -> memref<125xi32, #tpu.memory_space<vmem>>
      %dma_wait3A_361 = arith.constant 0 : i32
      %dma_wait3A_362 = arith.constant 0 : i32
      %dma_wait3A_363 = tpu.memref_slice %arg2[%dma_wait3A_361, %dma_wait3A_362] : memref<10000x128xf32, #tpu.memory_space<hbm>> -> memref<10000x128xf32, #tpu.memory_space<hbm>>
      tpu.wait_indirect_dma semaphore(%arg13 : memref<!tpu.dma_semaphore, #tpu.memory_space<semaphore_mem>>) src(%dma_wait3A_363 : memref<10000x128xf32, #tpu.memory_space<hbm>>) dst(%dma_wait3A_357 : memref<125x128xf32, #tpu.memory_space<vmem>>)
      %add3A_364 = arith.constant 7 : i32
      %add3A_365 = arith.addi %mul3A_54, %add3A_364 : i32
      %dma_start3A_366 = arith.constant 0 : i32
      %dma_start3A_367 = arith.constant 0 : i32
      %dma_start3A_368 = tpu.memref_slice %arg10[%dma_start3A_366, %dma_start3A_367] : memref<128x128xf32, #tpu.memory_space<vmem>> -> memref<125x128xf32, #tpu.memory_space<vmem>>
      %dma_start3A_369 = arith.constant 0 : i32
      %dma_start3A_370 = tpu.memref_slice %arg8[%add3A_365, %dma_start3A_369] : memref<24x125xi32, #tpu.memory_space<vmem>> -> memref<1x125xi32, #tpu.memory_space<vmem>>
      %dma_start3A_371 = tpu.memref_squeeze %dma_start3A_370 : memref<1x125xi32, #tpu.memory_space<vmem>> -> memref<125xi32, #tpu.memory_space<vmem>>
      %dma_start3A_372 = arith.constant 0 : i32
      %dma_start3A_373 = arith.constant 0 : i32
      %dma_start3A_374 = tpu.memref_slice %arg11[%dma_start3A_372, %dma_start3A_373] : memref<10240x128xf32, #tpu.memory_space<vmem_shared>> -> memref<10240x128xf32, #tpu.memory_space<vmem_shared>>
      tpu.enqueue_indirect_dma source(%dma_start3A_368 : memref<125x128xf32, #tpu.memory_space<vmem>>) target(%dma_start3A_374 : memref<10240x128xf32, #tpu.memory_space<vmem_shared>>) offsets(%dma_start3A_371 : memref<125xi32, #tpu.memory_space<vmem>>) semaphore(%arg15 : memref<!tpu.dma_semaphore, #tpu.memory_space<semaphore_mem>>) {add = true}
      %add3A_375 = arith.constant 1 : i32
      %add3A_376 = arith.addi %add3A_47, %add3A_375 : i32
      %lt3A_377 = arith.constant 10 : i32
      %lt3A_378 = arith.cmpi slt, %add3A_376, %lt3A_377 : i32
      %convert_element_type3A_379 = arith.extui %lt3A_378 : i1 to i32
      %cond3A_380 = arith.constant 0 : i32
      %cond3A_381 = arith.cmpi ne, %convert_element_type3A_379, %cond3A_380 : i32
      scf.if %cond3A_381 {
        %add3A_382 = arith.constant 1 : i32
        %add3A_383 = arith.addi %add3A_47, %add3A_382 : i32
        %rem3A_384 = arith.constant 2 : i32
        %rem3A_385 = arith.remsi %add3A_383, %rem3A_384 : i32
        %mul3A_386 = arith.constant 8 : i32
        %mul3A_387 = arith.muli %rem3A_385, %mul3A_386 : i32
        %add3A_388 = arith.constant 1 : i32
        %add3A_389 = arith.addi %add3A_47, %add3A_388 : i32
        %rem3A_390 = arith.constant 3 : i32
        %rem3A_391 = arith.remsi %add3A_389, %rem3A_390 : i32
        %mul3A_392 = arith.constant 8 : i32
        %mul3A_393 = arith.muli %rem3A_391, %mul3A_392 : i32
        %add3A_394 = arith.constant 1 : i32
        %add3A_395 = arith.addi %add3A_47, %add3A_394 : i32
        %mul3A_396 = arith.constant 8 : i32
        %mul3A_397 = arith.muli %add3A_395, %mul3A_396 : i32
        %dma_wait3A_398 = arith.constant 0 : i32
        %dma_wait3A_399 = tpu.memref_slice %arg7[%mul3A_387, %dma_wait3A_398] : memref<16x125xi32, #tpu.memory_space<vmem>> -> memref<8x125xi32, #tpu.memory_space<vmem>>
        %dma_wait3A_400 = arith.constant 0 : i32
        %dma_wait3A_401 = arith.constant 0 : i32
        %dma_wait3A_402 = tpu.memref_slice %arg3[%add3A, %dma_wait3A_400, %dma_wait3A_401] : memref<32x80x125xi32, #tpu.memory_space<hbm>> -> memref<1x80x125xi32, #tpu.memory_space<hbm>>
        %dma_wait3A_403 = tpu.memref_squeeze %dma_wait3A_402 : memref<1x80x125xi32, #tpu.memory_space<hbm>> -> memref<80x125xi32, #tpu.memory_space<hbm>>
        %dma_wait3A_404 = arith.constant 0 : i32
        %dma_wait3A_405 = tpu.memref_slice %dma_wait3A_403[%mul3A_397, %dma_wait3A_404] : memref<80x125xi32, #tpu.memory_space<hbm>> -> memref<8x125xi32, #tpu.memory_space<hbm>>
        %dma_wait3A_406 = arith.constant 0 : i32
        %dma_wait3A_407 = tpu.memref_slice %arg7[%mul3A_387, %dma_wait3A_406] : memref<16x125xi32, #tpu.memory_space<vmem>> -> memref<8x125xi32, #tpu.memory_space<vmem>>
        %dma_wait3A_408 = arith.constant 0 : i32
        %dma_wait3A_409 = arith.constant 0 : i32
        %dma_wait3A_410 = tpu.memref_slice %arg3[%add3A, %dma_wait3A_408, %dma_wait3A_409] : memref<32x80x125xi32, #tpu.memory_space<hbm>> -> memref<1x80x125xi32, #tpu.memory_space<hbm>>
        %dma_wait3A_411 = tpu.memref_squeeze %dma_wait3A_410 : memref<1x80x125xi32, #tpu.memory_space<hbm>> -> memref<80x125xi32, #tpu.memory_space<hbm>>
        %dma_wait3A_412 = arith.constant 0 : i32
        %dma_wait3A_413 = tpu.memref_slice %dma_wait3A_411[%mul3A_397, %dma_wait3A_412] : memref<80x125xi32, #tpu.memory_space<hbm>> -> memref<8x125xi32, #tpu.memory_space<hbm>>
        tpu.wait_dma2 semaphore(%arg16 : memref<!tpu.dma_semaphore, #tpu.memory_space<semaphore_mem>>) src(%dma_wait3A_413 : memref<8x125xi32, #tpu.memory_space<hbm>>) dst(%dma_wait3A_407 : memref<8x125xi32, #tpu.memory_space<vmem>>)
        %add3A_414 = arith.constant 1 : i32
        %add3A_415 = arith.addi %add3A_47, %add3A_414 : i32
        %mul3A_416 = arith.constant 8 : i32
        %mul3A_417 = arith.muli %add3A_415, %mul3A_416 : i32
        %dma_wait3A_418 = arith.constant 0 : i32
        %dma_wait3A_419 = tpu.memref_slice %arg8[%mul3A_393, %dma_wait3A_418] : memref<24x125xi32, #tpu.memory_space<vmem>> -> memref<8x125xi32, #tpu.memory_space<vmem>>
        %dma_wait3A_420 = arith.constant 0 : i32
        %dma_wait3A_421 = arith.constant 0 : i32
        %dma_wait3A_422 = tpu.memref_slice %arg4[%add3A, %dma_wait3A_420, %dma_wait3A_421] : memref<32x80x125xi32, #tpu.memory_space<hbm>> -> memref<1x80x125xi32, #tpu.memory_space<hbm>>
        %dma_wait3A_423 = tpu.memref_squeeze %dma_wait3A_422 : memref<1x80x125xi32, #tpu.memory_space<hbm>> -> memref<80x125xi32, #tpu.memory_space<hbm>>
        %dma_wait3A_424 = arith.constant 0 : i32
        %dma_wait3A_425 = tpu.memref_slice %dma_wait3A_423[%mul3A_417, %dma_wait3A_424] : memref<80x125xi32, #tpu.memory_space<hbm>> -> memref<8x125xi32, #tpu.memory_space<hbm>>
        %dma_wait3A_426 = arith.constant 0 : i32
        %dma_wait3A_427 = tpu.memref_slice %arg8[%mul3A_393, %dma_wait3A_426] : memref<24x125xi32, #tpu.memory_space<vmem>> -> memref<8x125xi32, #tpu.memory_space<vmem>>
        %dma_wait3A_428 = arith.constant 0 : i32
        %dma_wait3A_429 = arith.constant 0 : i32
        %dma_wait3A_430 = tpu.memref_slice %arg4[%add3A, %dma_wait3A_428, %dma_wait3A_429] : memref<32x80x125xi32, #tpu.memory_space<hbm>> -> memref<1x80x125xi32, #tpu.memory_space<hbm>>
        %dma_wait3A_431 = tpu.memref_squeeze %dma_wait3A_430 : memref<1x80x125xi32, #tpu.memory_space<hbm>> -> memref<80x125xi32, #tpu.memory_space<hbm>>
        %dma_wait3A_432 = arith.constant 0 : i32
        %dma_wait3A_433 = tpu.memref_slice %dma_wait3A_431[%mul3A_417, %dma_wait3A_432] : memref<80x125xi32, #tpu.memory_space<hbm>> -> memref<8x125xi32, #tpu.memory_space<hbm>>
        tpu.wait_dma2 semaphore(%arg16 : memref<!tpu.dma_semaphore, #tpu.memory_space<semaphore_mem>>) src(%dma_wait3A_433 : memref<8x125xi32, #tpu.memory_space<hbm>>) dst(%dma_wait3A_427 : memref<8x125xi32, #tpu.memory_space<vmem>>)
        %dma_wait3A_434 = arith.constant 0 : i32
        %dma_wait3A_435 = arith.constant 0 : i32
        %dma_wait3A_436 = arith.constant 0 : i32
        %dma_wait3A_437 = tpu.memref_slice %arg9[%dma_wait3A_435, %dma_wait3A_436] : memref<128x128xf32, #tpu.memory_space<vmem>> -> memref<125x128xf32, #tpu.memory_space<vmem>>
        %dma_wait3A_438 = arith.constant 0 : i32
        %dma_wait3A_439 = tpu.memref_slice %arg8[%dma_wait3A_434, %dma_wait3A_438] : memref<24x125xi32, #tpu.memory_space<vmem>> -> memref<1x125xi32, #tpu.memory_space<vmem>>
        %dma_wait3A_440 = tpu.memref_squeeze %dma_wait3A_439 : memref<1x125xi32, #tpu.memory_space<vmem>> -> memref<125xi32, #tpu.memory_space<vmem>>
        %dma_wait3A_441 = arith.constant 0 : i32
        %dma_wait3A_442 = arith.constant 0 : i32
        %dma_wait3A_443 = tpu.memref_slice %arg11[%dma_wait3A_441, %dma_wait3A_442] : memref<10240x128xf32, #tpu.memory_space<vmem_shared>> -> memref<10240x128xf32, #tpu.memory_space<vmem_shared>>
        tpu.wait_indirect_dma semaphore(%arg14 : memref<!tpu.dma_semaphore, #tpu.memory_space<semaphore_mem>>) src(%dma_wait3A_437 : memref<125x128xf32, #tpu.memory_space<vmem>>) dst(%dma_wait3A_443 : memref<10240x128xf32, #tpu.memory_space<vmem_shared>>)
        %dma_start3A_444 = arith.constant 0 : i32
        %dma_start3A_445 = arith.constant 0 : i32
        %dma_start3A_446 = tpu.memref_slice %arg9[%dma_start3A_444, %dma_start3A_445] : memref<128x128xf32, #tpu.memory_space<vmem>> -> memref<125x128xf32, #tpu.memory_space<vmem>>
        %dma_start3A_447 = arith.constant 0 : i32
        %dma_start3A_448 = tpu.memref_slice %arg7[%mul3A_387, %dma_start3A_447] : memref<16x125xi32, #tpu.memory_space<vmem>> -> memref<1x125xi32, #tpu.memory_space<vmem>>
        %dma_start3A_449 = tpu.memref_squeeze %dma_start3A_448 : memref<1x125xi32, #tpu.memory_space<vmem>> -> memref<125xi32, #tpu.memory_space<vmem>>
        %dma_start3A_450 = arith.constant 0 : i32
        %dma_start3A_451 = arith.constant 0 : i32
        %dma_start3A_452 = tpu.memref_slice %arg2[%dma_start3A_450, %dma_start3A_451] : memref<10000x128xf32, #tpu.memory_space<hbm>> -> memref<10000x128xf32, #tpu.memory_space<hbm>>
        tpu.enqueue_indirect_dma source(%dma_start3A_452 : memref<10000x128xf32, #tpu.memory_space<hbm>>) target(%dma_start3A_446 : memref<125x128xf32, #tpu.memory_space<vmem>>) offsets(%dma_start3A_449 : memref<125xi32, #tpu.memory_space<vmem>>) semaphore(%arg12 : memref<!tpu.dma_semaphore, #tpu.memory_space<semaphore_mem>>)
      } else {
      }
    }
    %scan3A_18 = arith.constant 10 : i32
    %dma_wait3A = arith.constant 0 : i32
    %dma_wait3A_19 = arith.constant 0 : i32
    %dma_wait3A_20 = arith.constant 0 : i32
    %dma_wait3A_21 = tpu.memref_slice %arg9[%dma_wait3A_19, %dma_wait3A_20] : memref<128x128xf32, #tpu.memory_space<vmem>> -> memref<125x128xf32, #tpu.memory_space<vmem>>
    %dma_wait3A_22 = arith.constant 0 : i32
    %dma_wait3A_23 = tpu.memref_slice %arg8[%dma_wait3A, %dma_wait3A_22] : memref<24x125xi32, #tpu.memory_space<vmem>> -> memref<1x125xi32, #tpu.memory_space<vmem>>
    %dma_wait3A_24 = tpu.memref_squeeze %dma_wait3A_23 : memref<1x125xi32, #tpu.memory_space<vmem>> -> memref<125xi32, #tpu.memory_space<vmem>>
    %dma_wait3A_25 = arith.constant 0 : i32
    %dma_wait3A_26 = arith.constant 0 : i32
    %dma_wait3A_27 = tpu.memref_slice %arg11[%dma_wait3A_25, %dma_wait3A_26] : memref<10240x128xf32, #tpu.memory_space<vmem_shared>> -> memref<10240x128xf32, #tpu.memory_space<vmem_shared>>
    tpu.wait_indirect_dma semaphore(%arg14 : memref<!tpu.dma_semaphore, #tpu.memory_space<semaphore_mem>>) src(%dma_wait3A_21 : memref<125x128xf32, #tpu.memory_space<vmem>>) dst(%dma_wait3A_27 : memref<10240x128xf32, #tpu.memory_space<vmem_shared>>)
    %dma_wait3A_28 = arith.constant 0 : i32
    %dma_wait3A_29 = arith.constant 0 : i32
    %dma_wait3A_30 = arith.constant 0 : i32
    %dma_wait3A_31 = tpu.memref_slice %arg10[%dma_wait3A_29, %dma_wait3A_30] : memref<128x128xf32, #tpu.memory_space<vmem>> -> memref<125x128xf32, #tpu.memory_space<vmem>>
    %dma_wait3A_32 = arith.constant 0 : i32
    %dma_wait3A_33 = tpu.memref_slice %arg8[%dma_wait3A_28, %dma_wait3A_32] : memref<24x125xi32, #tpu.memory_space<vmem>> -> memref<1x125xi32, #tpu.memory_space<vmem>>
    %dma_wait3A_34 = tpu.memref_squeeze %dma_wait3A_33 : memref<1x125xi32, #tpu.memory_space<vmem>> -> memref<125xi32, #tpu.memory_space<vmem>>
    %dma_wait3A_35 = arith.constant 0 : i32
    %dma_wait3A_36 = arith.constant 0 : i32
    %dma_wait3A_37 = tpu.memref_slice %arg11[%dma_wait3A_35, %dma_wait3A_36] : memref<10240x128xf32, #tpu.memory_space<vmem_shared>> -> memref<10240x128xf32, #tpu.memory_space<vmem_shared>>
    tpu.wait_indirect_dma semaphore(%arg15 : memref<!tpu.dma_semaphore, #tpu.memory_space<semaphore_mem>>) src(%dma_wait3A_31 : memref<125x128xf32, #tpu.memory_space<vmem>>) dst(%dma_wait3A_37 : memref<10240x128xf32, #tpu.memory_space<vmem_shared>>)
    %barrier3A_38 = arith.constant 0 : index
    tpu.barrier barrier_id(%barrier3A_38)
    %mul3A_39 = arith.constant 640 : i32
    %mul3A_40 = arith.muli %arg1, %mul3A_39 : i32
    %mul3A_41 = arith.constant 640 : i32
    %mul3A_42 = arith.muli %arg1, %mul3A_41 : i32
    "tpu.region"() ({
      %run_scoped3A = tpu.sem_alloc : memref<!tpu.dma_semaphore, #tpu.memory_space<semaphore_mem>>
      %dma_start3A_43 = arith.constant 0 : i32
      %dma_start3A_44 = arith.constant 0 : i32
      %dma_start3A_45 = tpu.memref_slice %arg6[%arg0, %dma_start3A_43, %dma_start3A_44] : memref<2x10240x128xf32, #tpu.memory_space<hbm>> -> memref<1x10240x128xf32, #tpu.memory_space<hbm>>
      %dma_start3A_46 = tpu.memref_squeeze %dma_start3A_45 : memref<1x10240x128xf32, #tpu.memory_space<hbm>> -> memref<10240x128xf32, #tpu.memory_space<hbm>>
      %dma_start3A_47 = arith.constant 0 : i32
      %dma_start3A_48 = tpu.memref_slice %dma_start3A_46[%mul3A_42, %dma_start3A_47] : memref<10240x128xf32, #tpu.memory_space<hbm>> -> memref<640x128xf32, #tpu.memory_space<hbm>>
      %dma_start3A_49 = arith.constant 0 : i32
      %dma_start3A_50 = tpu.memref_slice %arg11[%mul3A_40, %dma_start3A_49] : memref<10240x128xf32, #tpu.memory_space<vmem_shared>> -> memref<640x128xf32, #tpu.memory_space<vmem_shared>>
      tpu.enqueue_dma source(%dma_start3A_50 : memref<640x128xf32, #tpu.memory_space<vmem_shared>>) target(%dma_start3A_48 : memref<640x128xf32, #tpu.memory_space<hbm>>) target_semaphore(%run_scoped3A : memref<!tpu.dma_semaphore, #tpu.memory_space<semaphore_mem>>)
      %dma_wait3A_51 = arith.constant 0 : i32
      %dma_wait3A_52 = arith.constant 0 : i32
      %dma_wait3A_53 = tpu.memref_slice %arg6[%arg0, %dma_wait3A_51, %dma_wait3A_52] : memref<2x10240x128xf32, #tpu.memory_space<hbm>> -> memref<1x10240x128xf32, #tpu.memory_space<hbm>>
      %dma_wait3A_54 = tpu.memref_squeeze %dma_wait3A_53 : memref<1x10240x128xf32, #tpu.memory_space<hbm>> -> memref<10240x128xf32, #tpu.memory_space<hbm>>
      %dma_wait3A_55 = arith.constant 0 : i32
      %dma_wait3A_56 = tpu.memref_slice %dma_wait3A_54[%mul3A_42, %dma_wait3A_55] : memref<10240x128xf32, #tpu.memory_space<hbm>> -> memref<640x128xf32, #tpu.memory_space<hbm>>
      %dma_wait3A_57 = arith.constant 0 : i32
      %dma_wait3A_58 = tpu.memref_slice %arg11[%mul3A_40, %dma_wait3A_57] : memref<10240x128xf32, #tpu.memory_space<vmem_shared>> -> memref<640x128xf32, #tpu.memory_space<vmem_shared>>
      tpu.wait_dma2 semaphore(%run_scoped3A : memref<!tpu.dma_semaphore, #tpu.memory_space<semaphore_mem>>) src(%dma_wait3A_58 : memref<640x128xf32, #tpu.memory_space<vmem_shared>>) dst(%dma_wait3A_56 : memref<640x128xf32, #tpu.memory_space<hbm>>)
      tpu.yield
    }) : () -> ()
    return
  }
}

module attributes {stable_mosaic.version = 14 : i64} {
  func.func @_tc_pre_body(%arg0: i32, %arg1: memref<2000x128xf32, #tpu.memory_space<vmem>>, %arg2: memref<1x2000x128xf32, #tpu.memory_space<vmem>>, %arg3: memref<2000x128xf32, #tpu.memory_space<vmem>>) attributes {dimension_semantics = [#tpu.dimension_semantics<arbitrary>], iteration_bounds = array<i64: 5>, scalar_prefetch = 0 : i64, scratch_operands = 0 : i64, tpu.core_type = #tpu.core_type<tc>, window_params = [{transform_indices = @transform_0, window_bounds = array<i64: 2000, 128>}, {transform_indices = @transform_1, window_bounds = array<i64: 1, 2000, 128>}, {transform_indices = @transform_2, window_bounds = array<i64: 2000, 128>}]} {
    %get3A = arith.constant 0 : index
    %get3A_0 = arith.constant 0 : index
    %get3A_1 = vector.load %arg1[%get3A, %get3A_0] : memref<2000x128xf32, #tpu.memory_space<vmem>>, vector<2000x128xf32>
    %get3A_2 = arith.constant 0 : index
    %get3A_3 = arith.constant 0 : index
    %get3A_4 = arith.constant 0 : index
    %get3A_5 = vector.load %arg2[%get3A_2, %get3A_3, %get3A_4] : memref<1x2000x128xf32, #tpu.memory_space<vmem>>, vector<1x2000x1xf32>
    %get3A_6 = vector.shape_cast %get3A_5 : vector<1x2000x1xf32> to vector<2000x1xf32>
    %max3A = arith.constant 1.000000e+00 : f32
    %max3A_7 = vector.broadcast %max3A : f32 to vector<2000x1xf32>
    %max3A_8 = arith.maximumf %get3A_6, %max3A_7 : vector<2000x1xf32>
    %rsqrt3A = math.rsqrt %max3A_8 : vector<2000x1xf32>
    %mul3A = vector.broadcast %rsqrt3A : vector<2000x1xf32> to vector<2000x128xf32>
    %mul3A_9 = arith.mulf %get3A_1, %mul3A : vector<2000x128xf32>
    %swap3A = arith.constant 0 : index
    %swap3A_10 = arith.constant 0 : index
    %swap3A_11 = vector.load %arg3[%swap3A, %swap3A_10] : memref<2000x128xf32, #tpu.memory_space<vmem>>, vector<2000x128xf32>
    tpu.vector_store %arg3[%swap3A, %swap3A_10], %mul3A_9 {strides = array<i32>} : memref<2000x128xf32, #tpu.memory_space<vmem>>, vector<2000x128xf32>,
    return
  }
  func.func @transform_0(%arg0: i32) -> (i32, i32) {
    %c0_i32 = arith.constant 0 : i32
    %c0_i32_0 = arith.constant 0 : i32
    return %arg0, %c0_i32 : i32, i32
  }
  func.func @transform_1(%arg0: i32) -> (i32, i32, i32) {
    %c0_i32 = arith.constant 0 : i32
    %c0_i32_0 = arith.constant 0 : i32
    %c0_i32_1 = arith.constant 0 : i32
    return %c0_i32, %arg0, %c0_i32_0 : i32, i32, i32
  }
  func.func @transform_2(%arg0: i32) -> (i32, i32) {
    %c0_i32 = arith.constant 0 : i32
    %c0_i32_0 = arith.constant 0 : i32
    return %arg0, %c0_i32 : i32, i32
  }
}

module attributes {stable_mosaic.version = 14 : i64} {
  func.func @_tc_mm0_body(%arg0: i32, %arg1: memref<2x2000x128xf32, #tpu.memory_space<vmem>>, %arg2: memref<1x2000x128xf32, #tpu.memory_space<vmem>>, %arg3: memref<1x2000x128xf32, #tpu.memory_space<vmem>>, %arg4: memref<128x256xf32, #tpu.memory_space<vmem>>, %arg5: memref<1x256xf32, #tpu.memory_space<vmem>>, %arg6: memref<2x2000x128xf32, #tpu.memory_space<vmem>>) attributes {dimension_semantics = [#tpu.dimension_semantics<arbitrary>], iteration_bounds = array<i64: 5>, scalar_prefetch = 0 : i64, scratch_operands = 0 : i64, tpu.core_type = #tpu.core_type<tc>, window_params = [{transform_indices = @transform_0, window_bounds = array<i64: 2, 2000, 128>}, {transform_indices = @transform_1, window_bounds = array<i64: 1, 2000, 128>}, {transform_indices = @transform_2, window_bounds = array<i64: 1, 2000, 128>}, {pipeline_mode = #tpu.pipeline_mode<synchronous>, transform_indices = @transform_3, window_bounds = array<i64: 128, 256>}, {pipeline_mode = #tpu.pipeline_mode<synchronous>, transform_indices = @transform_4, window_bounds = array<i64: 1, 256>}, {transform_indices = @transform_5, window_bounds = array<i64: 2, 2000, 128>}]} {
    %get3A = arith.constant 0 : index
    %get3A_0 = arith.constant 0 : index
    %get3A_1 = arith.constant 0 : index
    %get3A_2 = vector.load %arg1[%get3A, %get3A_0, %get3A_1] : memref<2x2000x128xf32, #tpu.memory_space<vmem>>, vector<1x2000x128xf32>
    %get3A_3 = vector.shape_cast %get3A_2 : vector<1x2000x128xf32> to vector<2000x128xf32>
    %get3A_4 = arith.constant 1 : index
    %get3A_5 = arith.constant 0 : index
    %get3A_6 = arith.constant 0 : index
    %get3A_7 = vector.load %arg1[%get3A_4, %get3A_5, %get3A_6] : memref<2x2000x128xf32, #tpu.memory_space<vmem>>, vector<1x2000x128xf32>
    %get3A_8 = vector.shape_cast %get3A_7 : vector<1x2000x128xf32> to vector<2000x128xf32>
    %add3A = arith.addf %get3A_3, %get3A_8 : vector<2000x128xf32>
    %get3A_9 = arith.constant 0 : index
    %get3A_10 = arith.constant 0 : index
    %get3A_11 = vector.load %arg4[%get3A_9, %get3A_10] : memref<128x256xf32, #tpu.memory_space<vmem>>, vector<128x256xf32>
    %dot_general3A = arith.constant dense<0.000000e+00> : vector<2000x256xf32>
    %dot_general3A_12 = tpu.matmul %add3A, %get3A_11, %dot_general3A {dimension_numbers = #tpu.dot_dimension_numbers<[1], [0], [0], [1], [0, 0, 1, 1], [], []>, transpose_lhs_hint = false} : vector<2000x128xf32>, vector<128x256xf32>, vector<2000x256xf32> -> vector<2000x256xf32>
    %get3A_13 = arith.constant 0 : index
    %get3A_14 = arith.constant 0 : index
    %get3A_15 = arith.constant 0 : index
    %get3A_16 = vector.load %arg3[%get3A_13, %get3A_14, %get3A_15] : memref<1x2000x128xf32, #tpu.memory_space<vmem>>, vector<1x2000x1xf32>
    %get3A_17 = vector.shape_cast %get3A_16 : vector<1x2000x1xf32> to vector<2000x1xf32>
    %max3A = arith.constant 1.000000e+00 : f32
    %max3A_18 = vector.broadcast %max3A : f32 to vector<2000x1xf32>
    %max3A_19 = arith.maximumf %get3A_17, %max3A_18 : vector<2000x1xf32>
    %rsqrt3A = math.rsqrt %max3A_19 : vector<2000x1xf32>
    %mul3A = vector.broadcast %rsqrt3A : vector<2000x1xf32> to vector<2000x256xf32>
    %mul3A_20 = arith.mulf %dot_general3A_12, %mul3A : vector<2000x256xf32>
    %get3A_21 = arith.constant 0 : index
    %get3A_22 = arith.constant 0 : index
    %get3A_23 = vector.load %arg5[%get3A_21, %get3A_22] : memref<1x256xf32, #tpu.memory_space<vmem>>, vector<1x256xf32>
    %add3A_24 = vector.broadcast %get3A_23 : vector<1x256xf32> to vector<2000x256xf32>
    %add3A_25 = arith.addf %mul3A_20, %add3A_24 : vector<2000x256xf32>
    %max3A_26 = arith.constant 0.000000e+00 : f32
    %max3A_27 = vector.broadcast %max3A_26 : f32 to vector<2000x256xf32>
    %max3A_28 = arith.maximumf %add3A_25, %max3A_27 : vector<2000x256xf32>
    %get3A_29 = arith.constant 0 : index
    %get3A_30 = arith.constant 0 : index
    %get3A_31 = arith.constant 0 : index
    %get3A_32 = vector.load %arg2[%get3A_29, %get3A_30, %get3A_31] : memref<1x2000x128xf32, #tpu.memory_space<vmem>>, vector<1x2000x1xf32>
    %get3A_33 = vector.shape_cast %get3A_32 : vector<1x2000x1xf32> to vector<2000x1xf32>
    %max3A_34 = arith.constant 1.000000e+00 : f32
    %max3A_35 = vector.broadcast %max3A_34 : f32 to vector<2000x1xf32>
    %max3A_36 = arith.maximumf %get3A_33, %max3A_35 : vector<2000x1xf32>
    %rsqrt3A_37 = math.rsqrt %max3A_36 : vector<2000x1xf32>
    %mul3A_38 = vector.broadcast %rsqrt3A_37 : vector<2000x1xf32> to vector<2000x256xf32>
    %mul3A_39 = arith.mulf %max3A_28, %mul3A_38 : vector<2000x256xf32>
    %slice3A = vector.extract_strided_slice %mul3A_39 {offsets = [0, 0], sizes = [2000, 128], strides = [1, 1]} : vector<2000x256xf32> to vector<2000x128xf32>
    %swap3A = arith.constant 0 : index
    %swap3A_40 = arith.constant 0 : index
    %swap3A_41 = arith.constant 0 : index
    %swap3A_42 = vector.load %arg6[%swap3A, %swap3A_40, %swap3A_41] : memref<2x2000x128xf32, #tpu.memory_space<vmem>>, vector<1x2000x128xf32>
    %swap3A_43 = vector.shape_cast %swap3A_42 : vector<1x2000x128xf32> to vector<2000x128xf32>
    %swap3A_44 = vector.shape_cast %slice3A : vector<2000x128xf32> to vector<1x2000x128xf32>
    tpu.vector_store %arg6[%swap3A, %swap3A_40, %swap3A_41], %swap3A_44 {strides = array<i32>} : memref<2x2000x128xf32, #tpu.memory_space<vmem>>, vector<1x2000x128xf32>,
    %slice3A_45 = vector.extract_strided_slice %mul3A_39 {offsets = [0, 128], sizes = [2000, 128], strides = [1, 1]} : vector<2000x256xf32> to vector<2000x128xf32>
    %swap3A_46 = arith.constant 1 : index
    %swap3A_47 = arith.constant 0 : index
    %swap3A_48 = arith.constant 0 : index
    %swap3A_49 = vector.load %arg6[%swap3A_46, %swap3A_47, %swap3A_48] : memref<2x2000x128xf32, #tpu.memory_space<vmem>>, vector<1x2000x128xf32>
    %swap3A_50 = vector.shape_cast %swap3A_49 : vector<1x2000x128xf32> to vector<2000x128xf32>
    %swap3A_51 = vector.shape_cast %slice3A_45 : vector<2000x128xf32> to vector<1x2000x128xf32>
    tpu.vector_store %arg6[%swap3A_46, %swap3A_47, %swap3A_48], %swap3A_51 {strides = array<i32>} : memref<2x2000x128xf32, #tpu.memory_space<vmem>>, vector<1x2000x128xf32>,
    return
  }
  func.func @transform_0(%arg0: i32) -> (i32, i32, i32) {
    %c0_i32 = arith.constant 0 : i32
    %c0_i32_0 = arith.constant 0 : i32
    %c0_i32_1 = arith.constant 0 : i32
    return %c0_i32, %arg0, %c0_i32_0 : i32, i32, i32
  }
  func.func @transform_1(%arg0: i32) -> (i32, i32, i32) {
    %c0_i32 = arith.constant 0 : i32
    %c0_i32_0 = arith.constant 0 : i32
    %c0_i32_1 = arith.constant 0 : i32
    return %c0_i32, %arg0, %c0_i32_0 : i32, i32, i32
  }
  func.func @transform_2(%arg0: i32) -> (i32, i32, i32) {
    %c1_i32 = arith.constant 1 : i32
    %c0_i32 = arith.constant 0 : i32
    %c0_i32_0 = arith.constant 0 : i32
    return %c1_i32, %arg0, %c0_i32 : i32, i32, i32
  }
  func.func @transform_3(%arg0: i32) -> (i32, i32) {
    %c0_i32 = arith.constant 0 : i32
    %c0_i32_0 = arith.constant 0 : i32
    %c0_i32_1 = arith.constant 0 : i32
    return %c0_i32, %c0_i32_0 : i32, i32
  }
  func.func @transform_4(%arg0: i32) -> (i32, i32) {
    %c0_i32 = arith.constant 0 : i32
    %c0_i32_0 = arith.constant 0 : i32
    %c0_i32_1 = arith.constant 0 : i32
    return %c0_i32, %c0_i32_0 : i32, i32
  }
  func.func @transform_5(%arg0: i32) -> (i32, i32, i32) {
    %c0_i32 = arith.constant 0 : i32
    %c0_i32_0 = arith.constant 0 : i32
    %c0_i32_1 = arith.constant 0 : i32
    return %c0_i32, %arg0, %c0_i32_0 : i32, i32, i32
  }
}

module attributes {stable_mosaic.version = 14 : i64} {
  func.func @_tc_mm1_body(%arg0: i32, %arg1: memref<2x2000x128xf32, #tpu.memory_space<vmem>>, %arg2: memref<1x2000x128xf32, #tpu.memory_space<vmem>>, %arg3: memref<1x2000x128xf32, #tpu.memory_space<vmem>>, %arg4: memref<256x256xf32, #tpu.memory_space<vmem>>, %arg5: memref<1x256xf32, #tpu.memory_space<vmem>>, %arg6: memref<256x64xf32, #tpu.memory_space<vmem>>, %arg7: memref<2000x128xf32, #tpu.memory_space<vmem>>) attributes {dimension_semantics = [#tpu.dimension_semantics<arbitrary>], iteration_bounds = array<i64: 5>, scalar_prefetch = 0 : i64, scratch_operands = 0 : i64, tpu.core_type = #tpu.core_type<tc>, window_params = [{transform_indices = @transform_0, window_bounds = array<i64: 2, 2000, 128>}, {transform_indices = @transform_1, window_bounds = array<i64: 1, 2000, 128>}, {transform_indices = @transform_2, window_bounds = array<i64: 1, 2000, 128>}, {pipeline_mode = #tpu.pipeline_mode<synchronous>, transform_indices = @transform_3, window_bounds = array<i64: 256, 256>}, {pipeline_mode = #tpu.pipeline_mode<synchronous>, transform_indices = @transform_4, window_bounds = array<i64: 1, 256>}, {pipeline_mode = #tpu.pipeline_mode<synchronous>, transform_indices = @transform_5, window_bounds = array<i64: 256, 64>}, {transform_indices = @transform_6, window_bounds = array<i64: 2000, 128>}]} {
    %get3A = arith.constant 0 : index
    %get3A_0 = arith.constant 0 : index
    %get3A_1 = arith.constant 0 : index
    %get3A_2 = vector.load %arg1[%get3A, %get3A_0, %get3A_1] : memref<2x2000x128xf32, #tpu.memory_space<vmem>>, vector<1x2000x128xf32>
    %get3A_3 = vector.shape_cast %get3A_2 : vector<1x2000x128xf32> to vector<2000x128xf32>
    %get3A_4 = arith.constant 1 : index
    %get3A_5 = arith.constant 0 : index
    %get3A_6 = arith.constant 0 : index
    %get3A_7 = vector.load %arg1[%get3A_4, %get3A_5, %get3A_6] : memref<2x2000x128xf32, #tpu.memory_space<vmem>>, vector<1x2000x128xf32>
    %get3A_8 = vector.shape_cast %get3A_7 : vector<1x2000x128xf32> to vector<2000x128xf32>
    %concatenate3A = tpu.concatenate %get3A_3, %get3A_8 in 1 : vector<2000x128xf32>, vector<2000x128xf32> -> vector<2000x256xf32>
    %get3A_9 = arith.constant 0 : index
    %get3A_10 = arith.constant 0 : index
    %get3A_11 = vector.load %arg4[%get3A_9, %get3A_10] : memref<256x256xf32, #tpu.memory_space<vmem>>, vector<256x256xf32>
    %dot_general3A = arith.constant dense<0.000000e+00> : vector<2000x256xf32>
    %dot_general3A_12 = tpu.matmul %concatenate3A, %get3A_11, %dot_general3A {dimension_numbers = #tpu.dot_dimension_numbers<[1], [0], [0], [1], [0, 0, 1, 1], [], []>, transpose_lhs_hint = false} : vector<2000x256xf32>, vector<256x256xf32>, vector<2000x256xf32> -> vector<2000x256xf32>
    %get3A_13 = arith.constant 0 : index
    %get3A_14 = arith.constant 0 : index
    %get3A_15 = arith.constant 0 : index
    %get3A_16 = vector.load %arg3[%get3A_13, %get3A_14, %get3A_15] : memref<1x2000x128xf32, #tpu.memory_space<vmem>>, vector<1x2000x1xf32>
    %get3A_17 = vector.shape_cast %get3A_16 : vector<1x2000x1xf32> to vector<2000x1xf32>
    %max3A = arith.constant 1.000000e+00 : f32
    %max3A_18 = vector.broadcast %max3A : f32 to vector<2000x1xf32>
    %max3A_19 = arith.maximumf %get3A_17, %max3A_18 : vector<2000x1xf32>
    %rsqrt3A = math.rsqrt %max3A_19 : vector<2000x1xf32>
    %mul3A = vector.broadcast %rsqrt3A : vector<2000x1xf32> to vector<2000x256xf32>
    %mul3A_20 = arith.mulf %dot_general3A_12, %mul3A : vector<2000x256xf32>
    %get3A_21 = arith.constant 0 : index
    %get3A_22 = arith.constant 0 : index
    %get3A_23 = vector.load %arg5[%get3A_21, %get3A_22] : memref<1x256xf32, #tpu.memory_space<vmem>>, vector<1x256xf32>
    %add3A = vector.broadcast %get3A_23 : vector<1x256xf32> to vector<2000x256xf32>
    %add3A_24 = arith.addf %mul3A_20, %add3A : vector<2000x256xf32>
    %max3A_25 = arith.constant 0.000000e+00 : f32
    %max3A_26 = vector.broadcast %max3A_25 : f32 to vector<2000x256xf32>
    %max3A_27 = arith.maximumf %add3A_24, %max3A_26 : vector<2000x256xf32>
    %get3A_28 = arith.constant 0 : index
    %get3A_29 = arith.constant 0 : index
    %get3A_30 = arith.constant 0 : index
    %get3A_31 = vector.load %arg2[%get3A_28, %get3A_29, %get3A_30] : memref<1x2000x128xf32, #tpu.memory_space<vmem>>, vector<1x2000x1xf32>
    %get3A_32 = vector.shape_cast %get3A_31 : vector<1x2000x1xf32> to vector<2000x1xf32>
    %max3A_33 = arith.constant 1.000000e+00 : f32
    %max3A_34 = vector.broadcast %max3A_33 : f32 to vector<2000x1xf32>
    %max3A_35 = arith.maximumf %get3A_32, %max3A_34 : vector<2000x1xf32>
    %rsqrt3A_36 = math.rsqrt %max3A_35 : vector<2000x1xf32>
    %mul3A_37 = vector.broadcast %rsqrt3A_36 : vector<2000x1xf32> to vector<2000x256xf32>
    %mul3A_38 = arith.mulf %max3A_27, %mul3A_37 : vector<2000x256xf32>
    %get3A_39 = arith.constant 0 : index
    %get3A_40 = arith.constant 0 : index
    %get3A_41 = vector.load %arg6[%get3A_39, %get3A_40] : memref<256x64xf32, #tpu.memory_space<vmem>>, vector<256x64xf32>
    %dot_general3A_42 = arith.constant dense<0.000000e+00> : vector<2000x64xf32>
    %dot_general3A_43 = tpu.matmul %mul3A_38, %get3A_41, %dot_general3A_42 {dimension_numbers = #tpu.dot_dimension_numbers<[1], [0], [0], [1], [0, 0, 1, 1], [], []>, transpose_lhs_hint = false} : vector<2000x256xf32>, vector<256x64xf32>, vector<2000x64xf32> -> vector<2000x64xf32>
    %broadcast_in_dim3A = arith.constant 0.000000e+00 : f32
    %broadcast_in_dim3A_44 = vector.broadcast %broadcast_in_dim3A : f32 to vector<2000x64xf32>
    %concatenate3A_45 = tpu.concatenate %dot_general3A_43, %broadcast_in_dim3A_44 in 1 : vector<2000x64xf32>, vector<2000x64xf32> -> vector<2000x128xf32>
    %swap3A = arith.constant 0 : index
    %swap3A_46 = arith.constant 0 : index
    %swap3A_47 = vector.load %arg7[%swap3A, %swap3A_46] : memref<2000x128xf32, #tpu.memory_space<vmem>>, vector<2000x128xf32>
    tpu.vector_store %arg7[%swap3A, %swap3A_46], %concatenate3A_45 {strides = array<i32>} : memref<2000x128xf32, #tpu.memory_space<vmem>>, vector<2000x128xf32>,
    return
  }
  func.func @transform_0(%arg0: i32) -> (i32, i32, i32) {
    %c0_i32 = arith.constant 0 : i32
    %c0_i32_0 = arith.constant 0 : i32
    %c0_i32_1 = arith.constant 0 : i32
    return %c0_i32, %arg0, %c0_i32_0 : i32, i32, i32
  }
  func.func @transform_1(%arg0: i32) -> (i32, i32, i32) {
    %c0_i32 = arith.constant 0 : i32
    %c0_i32_0 = arith.constant 0 : i32
    %c0_i32_1 = arith.constant 0 : i32
    return %c0_i32, %arg0, %c0_i32_0 : i32, i32, i32
  }
  func.func @transform_2(%arg0: i32) -> (i32, i32, i32) {
    %c1_i32 = arith.constant 1 : i32
    %c0_i32 = arith.constant 0 : i32
    %c0_i32_0 = arith.constant 0 : i32
    return %c1_i32, %arg0, %c0_i32 : i32, i32, i32
  }
  func.func @transform_3(%arg0: i32) -> (i32, i32) {
    %c0_i32 = arith.constant 0 : i32
    %c0_i32_0 = arith.constant 0 : i32
    %c0_i32_1 = arith.constant 0 : i32
    return %c0_i32, %c0_i32_0 : i32, i32
  }
  func.func @transform_4(%arg0: i32) -> (i32, i32) {
    %c0_i32 = arith.constant 0 : i32
    %c0_i32_0 = arith.constant 0 : i32
    %c0_i32_1 = arith.constant 0 : i32
    return %c0_i32, %c0_i32_0 : i32, i32
  }
  func.func @transform_5(%arg0: i32) -> (i32, i32) {
    %c0_i32 = arith.constant 0 : i32
    %c0_i32_0 = arith.constant 0 : i32
    %c0_i32_1 = arith.constant 0 : i32
    return %c0_i32, %c0_i32_0 : i32, i32
  }
  func.func @transform_6(%arg0: i32) -> (i32, i32) {
    %c0_i32 = arith.constant 0 : i32
    %c0_i32_0 = arith.constant 0 : i32
    return %arg0, %c0_i32 : i32, i32
  }
}

module attributes {stable_mosaic.version = 14 : i64} {
  func.func @_tc_post_body(%arg0: i32, %arg1: memref<2x2000x128xf32, #tpu.memory_space<vmem>>, %arg2: memref<1x2000x128xf32, #tpu.memory_space<vmem>>, %arg3: memref<1x64xf32, #tpu.memory_space<vmem>>, %arg4: memref<2000x64xf32, #tpu.memory_space<vmem>>) attributes {dimension_semantics = [#tpu.dimension_semantics<arbitrary>], iteration_bounds = array<i64: 5>, scalar_prefetch = 0 : i64, scratch_operands = 0 : i64, tpu.core_type = #tpu.core_type<tc>, window_params = [{transform_indices = @transform_0, window_bounds = array<i64: 2, 2000, 128>}, {transform_indices = @transform_1, window_bounds = array<i64: 1, 2000, 128>}, {pipeline_mode = #tpu.pipeline_mode<synchronous>, transform_indices = @transform_2, window_bounds = array<i64: 1, 64>}, {transform_indices = @transform_3, window_bounds = array<i64: 2000, 64>}]} {
    %get3A = arith.constant 0 : index
    %get3A_0 = arith.constant 0 : index
    %get3A_1 = arith.constant 0 : index
    %get3A_2 = vector.load %arg1[%get3A, %get3A_0, %get3A_1] : memref<2x2000x128xf32, #tpu.memory_space<vmem>>, vector<1x2000x64xf32>
    %get3A_3 = vector.shape_cast %get3A_2 : vector<1x2000x64xf32> to vector<2000x64xf32>
    %get3A_4 = arith.constant 1 : index
    %get3A_5 = arith.constant 0 : index
    %get3A_6 = arith.constant 0 : index
    %get3A_7 = vector.load %arg1[%get3A_4, %get3A_5, %get3A_6] : memref<2x2000x128xf32, #tpu.memory_space<vmem>>, vector<1x2000x64xf32>
    %get3A_8 = vector.shape_cast %get3A_7 : vector<1x2000x64xf32> to vector<2000x64xf32>
    %add3A = arith.addf %get3A_3, %get3A_8 : vector<2000x64xf32>
    %get3A_9 = arith.constant 0 : index
    %get3A_10 = arith.constant 0 : index
    %get3A_11 = arith.constant 0 : index
    %get3A_12 = vector.load %arg2[%get3A_9, %get3A_10, %get3A_11] : memref<1x2000x128xf32, #tpu.memory_space<vmem>>, vector<1x2000x1xf32>
    %get3A_13 = vector.shape_cast %get3A_12 : vector<1x2000x1xf32> to vector<2000x1xf32>
    %max3A = arith.constant 1.000000e+00 : f32
    %max3A_14 = vector.broadcast %max3A : f32 to vector<2000x1xf32>
    %max3A_15 = arith.maximumf %get3A_13, %max3A_14 : vector<2000x1xf32>
    %rsqrt3A = math.rsqrt %max3A_15 : vector<2000x1xf32>
    %mul3A = vector.broadcast %rsqrt3A : vector<2000x1xf32> to vector<2000x64xf32>
    %mul3A_16 = arith.mulf %add3A, %mul3A : vector<2000x64xf32>
    %get3A_17 = arith.constant 0 : index
    %get3A_18 = arith.constant 0 : index
    %get3A_19 = vector.load %arg3[%get3A_17, %get3A_18] : memref<1x64xf32, #tpu.memory_space<vmem>>, vector<1x64xf32>
    %add3A_20 = vector.broadcast %get3A_19 : vector<1x64xf32> to vector<2000x64xf32>
    %add3A_21 = arith.addf %mul3A_16, %add3A_20 : vector<2000x64xf32>
    %swap3A = arith.constant 0 : index
    %swap3A_22 = arith.constant 0 : index
    %swap3A_23 = vector.load %arg4[%swap3A, %swap3A_22] : memref<2000x64xf32, #tpu.memory_space<vmem>>, vector<2000x64xf32>
    tpu.vector_store %arg4[%swap3A, %swap3A_22], %add3A_21 {strides = array<i32>} : memref<2000x64xf32, #tpu.memory_space<vmem>>, vector<2000x64xf32>,
    return
  }
  func.func @transform_0(%arg0: i32) -> (i32, i32, i32) {
    %c0_i32 = arith.constant 0 : i32
    %c0_i32_0 = arith.constant 0 : i32
    %c0_i32_1 = arith.constant 0 : i32
    return %c0_i32, %arg0, %c0_i32_0 : i32, i32, i32
  }
  func.func @transform_1(%arg0: i32) -> (i32, i32, i32) {
    %c1_i32 = arith.constant 1 : i32
    %c0_i32 = arith.constant 0 : i32
    %c0_i32_0 = arith.constant 0 : i32
    return %c1_i32, %arg0, %c0_i32 : i32, i32, i32
  }
  func.func @transform_2(%arg0: i32) -> (i32, i32) {
    %c0_i32 = arith.constant 0 : i32
    %c0_i32_0 = arith.constant 0 : i32
    %c0_i32_1 = arith.constant 0 : i32
    return %c0_i32, %c0_i32_0 : i32, i32
  }
  func.func @transform_3(%arg0: i32) -> (i32, i32) {
    %c0_i32 = arith.constant 0 : i32
    %c0_i32_0 = arith.constant 0 : i32
    return %arg0, %c0_i32 : i32, i32
  }
}

</mosaic_0001>

<sc_bundles>
// kernel: kernel.10.cloned.1.call-start
scs
__scs_entry_jumppad:
0x0: {  	(pc) =	sbr.rel $0x88, $3  }
0x1: {  	(tag) =	ssettag $0x0;
	lr =	simm.s32 $0x1  }
0x2: {  	[smem:$0x3F99] =	sst lr;
	_ =	strace $0xD0000000  }
0x3: {  	_ = 	snop  }
0x4: {  	_ = 	snop  }
0x5: {  	_ = 	snop  }
0x6: {  	_ = 	snop  }
0x7: {  	_ = 	snop  }
__scs_overlays_trampoline_lowered:
0x8: {  	[smem:$0x3FA8] =	sst s0  }
0x9: {  	[smem:$0x3FA9] =	sst s1  }
0xa: {  	[smem:$0x3FAA] =	sst s2  }
0xb: {  	[smem:$0x3FAB] =	sst s3  }
0xc: {  	[smem:$0x3FAC] =	sst s4  }
0xd: {  	[smem:$0x3FAD] =	sst s5  }
0xe: {  	[smem:$0x3FAE] =	sst s6  }
0xf: {  	[smem:$0x3FAF] =	sst s7  }
0x10: {  	[smem:$0x3FB0] =	sst s8  }
0x11: {  	[smem:$0x3FB1] =	sst s9;
	s0 =	simm.s32 @!p0 $0x0  }
0x12: {  	s1 =	sld [smem:$0x3F97];
	s0 =	simm.s32 @p0 $0x1  }
0x13: {  	[smem:$0x3FB2] =	sst s0;
	s0 =	simm.s32 @!p1 $0x0  }
0x14: {  	s2 =	sld [smem:$0x3F96];
	s0 =	simm.s32 @p1 $0x1  }
0x15: {  	[smem:$0x3FB3] =	sst s0;
	s0 =	simm.s32 @!p2 $0x0  }
0x16: {  	s3 =	sld [smem:$0x3FDB];
	s0 =	simm.s32 @p2 $0x1  }
0x17: {  	s4 =	simm.s32 $0x1BF5;
	[smem:$0x3FB5] =	sst s0  }
0x18: {  	s0 =	sld [smem:$0x3F98];
	_ =	swait.ge [sflag:s4], $0x0  }
0x19: {  	s7 =	sld [smem:$0x3F99]  }
0x1a: {  	s8 =	sadd.s32 $0xFFFFE003, lr  }
0x1b: {  	s9 =	sadd.s32 $0xFFFFFEF7, lr;
	s5 =	simm.s32 $0xFFFFFFFF;
	p2 =	slt.u32 s8, $0xFFFFF086  }
0x1c: {  	p1 =	slt.u32 s9, $0xF7A;
	s5 =	simm.s32 @!p2 $0x0  }
0x1d: {  	s5 =	simm.s32 @p1 $0x1;
	p0 =	seq.s32 s7, s2  }
0x1e: {  	s7 =	smul.u32 @!p0 $0xF7A, s2;
	p2 =	seq.s32 @!p0 s5, $0x0  }
0x1f: {  	s9 =	smul.u32 $0xF7A, s1;
	s8 =	simm.s32 @!p0 $0x1BF5;
	p2 =	por !p2, p0  }
0x20: {  	[sflag:s8] =	ssyncset.s32 @!p0 $0xFFFFF086;
	s6 =	sadd.s32 @!p0 s3, s7;
	s7 =	simm.s32 @!p0 $0x108  }
0x21: {  	s3 =	sadd.s32 s3, s9;
	s6 =	sadd.s32 @!p0 $0x88, s6;
	s7 =	simm.s32 @p2 $0x1082  }
0x22: {  	[simem:s7], [sflag:s8] =	dma.local @!p0 [hbm:s6], $0xF7A  }
0x23: {  	s9 =	sor.u32 $0xD0000000, s2;
	s6 =	simm.s32 $0x108;
	_ =	swait.ge @!p0 [sflag:s8], $0x0  }
0x24: {  	s3 =	sadd.s32 $0x88, s3;
	s6 =	simm.s32 @!p1 $0x1082;
	[sflag:s4] =	ssyncset.s32 $0xFFFFF086  }
0x25: {  	[simem:s6], [sflag:s4] =	dma.local [hbm:s3], $0xF7A  }
0x26: {  	[smem:$0x3F99] =	sst s1;
	(tag) =	ssettag s2;
	_ =	strace s9  }
0x27: {  	s1 =	sld [smem:$0x3FA9]  }
0x28: {  	s2 =	sld [smem:$0x3FAA]  }
0x29: {  	s4 =	sld [smem:$0x3FAC]  }
0x2a: {  	p0 =	seq.s32 s5, $0x0;
	s5 =	sld [smem:$0x3FAD]  }
0x2b: {  	s6 =	sld [smem:$0x3FAE]  }
0x2c: {  	s7 =	sld [smem:$0x3FAF]  }
0x2d: {  	s3 =	simm.s32 $0x108;
	s8 =	sld [smem:$0x3FB0]  }
0x2e: {  	s3 =	simm.s32 @!p0 $0x1082;
	s9 =	sld [smem:$0x3FB1]  }
0x2f: {  	lr =	sadd.s32 s0, s3;
	s0 =	sld [smem:$0x3FA8]  }
0x30: {  	s3 =	sld [smem:$0x3FAB]  }
0x31: {  	[smem:$0x3FB4] =	sst s10  }
0x32: {  	s10 =	sld [smem:$0x3FB2];
	_ =	sdelay $0x3  }
0x33: {  	p0 =	seq.s32 s10, $0x1;
	s10 =	sld [smem:$0x3FB4];
	_ =	sdelay $0x3  }
0x34: {  	[smem:$0x3FB4] =	sst s10  }
0x35: {  	s10 =	sld [smem:$0x3FB3];
	_ =	sdelay $0x3  }
0x36: {  	p1 =	seq.s32 s10, $0x1;
	s10 =	sld [smem:$0x3FB4];
	_ =	sdelay $0x3  }
0x37: {  	[smem:$0x3FB4] =	sst s10  }
0x38: {  	s10 =	sld [smem:$0x3FB5]  }
0x39: {  	_ = 	snop;
	(pc) =	sbr.ind lr, $3  }
0x3a: {  	_ = 	snop  }
0x3b: {  	_ = 	snop  }
0x3c: {  	p2 =	seq.s32 s10, $0x1;
	s10 =	sld [smem:$0x3FB4]  }
0x3d: {  	_ =	shalt  }
0x3e: {  	_ =	shalt  }
0x3f: {  	_ =	shalt  }
0x40: {  	_ =	shalt  }
0x41: {  	_ =	shalt  }
0x42: {  	_ =	shalt  }
0x43: {  	_ =	shalt  }
0x44: {  	_ =	shalt  }
0x45: {  	_ =	shalt  }
0x46: {  	_ =	shalt  }
0x47: {  	_ =	shalt  }
0x48: {  	_ =	shalt  }
0x49: {  	_ =	shalt  }
0x4a: {  	_ =	shalt  }
0x4b: {  	_ =	shalt  }
0x4c: {  	_ =	shalt  }
0x4d: {  	_ =	shalt  }
0x4e: {  	_ =	shalt  }
0x4f: {  	_ =	shalt  }
0x50: {  	_ =	shalt  }
0x51: {  	_ =	shalt  }
0x52: {  	_ =	shalt  }
0x53: {  	_ =	shalt  }
0x54: {  	_ =	shalt  }
0x55: {  	_ =	shalt  }
0x56: {  	_ =	shalt  }
0x57: {  	_ =	shalt  }
0x58: {  	_ =	shalt  }
0x59: {  	_ =	shalt  }
0x5a: {  	_ =	shalt  }
0x5b: {  	_ =	shalt  }
0x5c: {  	_ =	shalt  }
0x5d: {  	_ =	shalt  }
0x5e: {  	_ =	shalt  }
0x5f: {  	_ =	shalt  }
0x60: {  	_ =	shalt  }
0x61: {  	_ =	shalt  }
0x62: {  	_ =	shalt  }
0x63: {  	_ =	shalt  }
0x64: {  	_ =	shalt  }
0x65: {  	_ =	shalt  }
0x66: {  	_ =	shalt  }
0x67: {  	_ =	shalt  }
0x68: {  	_ =	shalt  }
0x69: {  	_ =	shalt  }
0x6a: {  	_ =	shalt  }
0x6b: {  	_ =	shalt  }
0x6c: {  	_ =	shalt  }
0x6d: {  	_ =	shalt  }
0x6e: {  	_ =	shalt  }
0x6f: {  	_ =	shalt  }
0x70: {  	_ =	shalt  }
0x71: {  	_ =	shalt  }
0x72: {  	_ =	shalt  }
0x73: {  	_ =	shalt  }
0x74: {  	_ =	shalt  }
0x75: {  	_ =	shalt  }
0x76: {  	_ =	shalt  }
0x77: {  	_ =	shalt  }
0x78: {  	_ =	shalt  }
0x79: {  	_ =	shalt  }
0x7a: {  	_ =	shalt  }
0x7b: {  	_ =	shalt  }
0x7c: {  	_ =	shalt  }
0x7d: {  	_ =	shalt  }
0x7e: {  	_ =	shalt  }
0x7f: {  	_ =	shalt  }
0x80: {  	_ =	shalt  }
0x81: {  	_ =	shalt  }
0x82: {  	_ =	shalt  }
0x83: {  	_ =	shalt  }
0x84: {  	_ =	shalt  }
0x85: {  	_ =	shalt  }
0x86: {  	_ =	shalt  }
0x87: {  	_ =	shalt  }
.Lfunc_end0:
.L_simem_size_0:
called_computation_lowered:
.L_overlay_start_0:
0x88: {  	s2 =	sld [smem:$0x3FD9]  }
0x89: {  	s3 =	sld [smem:$0x3FFE];
	_ =	sdelay $0x1  }
0x8a: {  	s1 =	srdreg.scid  }
0x8b: {  	s0 =	sand.u32 $0x1, s1  }
0x8c: {  	s16 =	sshll.u32 s0, $0xA;
	s2 =	sadd.s32 s3, s2  }
0x8d: {  	s2 =	sadd.s32 s2, s16  }
0x8e: {  	[smem:$0x3FC0] =	sst s2  }
0x8f: {  	_ = 	snop  }
0x90: {  	(tm) =	ssettm $0x1  }
0x91: {  	s17 =	sld [smem:$0x3FFB];
	_ =	sdelay $0x3  }
0x92: {  	_ =	strace s17  }
0x93: {  	s2 =	sld [smem:$0x3FFC];
	_ =	sdelay $0x3  }
0x94: {  	_ =	strace s2  }
0x95: {  	s2 =	sld [smem:$0x3FFD];
	_ =	sdelay $0x3  }
0x96: {  	_ =	strace s2  }
0x97: {  	_ =	strace $0x8FFFFFFF  }
0x98: {  	s18 =	sld [smem:$0x3FDB];
	_ =	sdelay $0x1  }
0x99: {  	s19 =	simm.s32 $_scs_section_size  }
0x9a: {  	s4 =	simm.s32 $_size__tile_overlayer_lowered;
	s5 =	simm.s32 $_tile_overlayer_lowered  }
0x9b: {  	s22 =	simm.s32 $0x1BFF;
	s21 =	sshll.u32 s5, $0x1;
	s2 =	sadd.s32 s19, s18  }
0x9c: {  	s6 =	simm.s32 $0x0;
	s20 =	sshll.u32 s4, $0x1;
	s4 =	sadd.s32 s21, s2  }
0x9d: {  	[timem:s6], [sflag:s22] =	dma.local [hbm:s4], s20  }
0x9e: {  	_ =	swait.ge [sflag:s22], s20  }
0x9f: {  	s3 =	ssub.s32 $0x0, s20;
	[sflag:s22] =	ssyncset.done $0x0  }
0xa0: {  	[sflag:s22] =	ssyncadd.s32 s3;
	_ =	sdelay $0x1  }
0xa1: {  	s23 =	simm.s32 $0x1B8B  }
0xa2: {  	_ =	swait.ge [sflag:s23], $0x1  }
0xa3: {  	[sflag:s23] =	ssyncset.done $0x0  }
0xa4: {  	s25 =	simm.s32 $0x1B8E;
	s24 =	sld [smem:$0x3FFE];
	[sflag:s23] =	ssyncadd.s32 $0xFFFFFFFF  }
0xa5: {  	s26 =	simm.s32 $execute0_lowered;
	[smem:$0x3FD2] =	sst s25  }
0xa6: {  	s4 =	sshll.u32 s26, $0x1;
	_ =	strace $0x80000046;
	[dreg:$0x1] =	wrdreg $0xFFFFFFFF  }
0xa7: {  	s28 =	simm.s32 $_size_execute0_lowered;
	s2 =	sadd.s32 s2, s4;
	[dreg:$0x0] =	wrdreg $0x0  }
0xa8: {  	s4 =	sshll.u32 s28, $0x1;
	[dreg:$0x2] =	wrdreg s2  }
0xa9: {  	[dreg:$0x3] =	wrdreg s4  }
0xaa: {  	[dreg:$0x4] =	wrdreg $0xC0  }
0xab: {  	_ =	task [dreg:s6], $0x5FFFF  }
0xac: {  	[dreg:$0x1] =	wrdreg $0xFFFFFFFF  }
0xad: {  	[dreg:$0x0] =	wrdreg $0x60  }
0xae: {  	[dreg:$0x2] =	wrdreg s24  }
0xaf: {  	[dreg:$0x3] =	wrdreg $0x48000  }
0xb0: {  	[dreg:$0x4] =	wrdreg $0x9  }
0xb1: {  	_ =	task.clear_ibuf [dreg:s6], $0x5FFFF;
	_ =	strace $0x90000046  }
0xb2: {  	s29 =	simm.s32 $0x9;
	_ =	strace $0x80000048  }
0xb3: {  	_ =	swait.ge [sflag:s29], $0x1  }
0xb4: {  	[sflag:s29] =	ssyncadd.s32 $0xFFFFFFFF  }
0xb5: {  	_ =	strace $0x90000048  }
0xb6: {  	_ =	sfence  }
0xb7: {  	s30 =	sld [smem:$0x0];
	_ =	sdelay $0x2  }
0xb8: {  	s31 =	sshll.u32 s1, $0xD;
	s1 =	sshrl.u32 s1, $0x2  }
0xb9: {  	s3 =	sand.u32 $0x4000, s31;
	s1 =	sadd.s32 s1, s30  }
0xba: {  	s0 =	sor.u32 s3, s0;
	s1 =	sshll.u32 s1, $0x11  }
0xbb: {  	s0 =	sor.u32 s1, s0  }
0xbc: {  	s0 =	sadd.s32 $0x8F2B, s0  }
0xbd: {  	[sflag:s0] =	ssyncadd.remote.s32 $0x1  }
0xbe: {  	_ =	sfence.sel $0xFFFF  }
0xbf: {  	[dreg:$0x0] =	wrdreg $0xFFFFFFFF;
	(pc) =	sbr.abs _section_cstart, $3  }
0xc0: {  	[dreg:$0x1] =	wrdreg $0xFFFFFFFF  }
0xc1: {  	_ =	task.clear_ibuf [dreg:s6], $0x2FFFF;
	_ =	strace $0x9FFFFFFF  }
0xc2: {  	(tm) =	ssettm $0x7FFFFFFF  }
0xc3: {  	_ =	shalt  }
tec
execute0_lowered:
.L_overlay_start_1:
0x0: {  	(tag) =	ssettag $0x1  }
0x1: {  	s0 =	rddreg [dreg:$0x0]  }
0x2: {  	s2 =	srdreg.scid;
	s1 =	rddreg [dreg:$0x1]  }
0x3: {  	s3 =	simm.s32 $0x0;
	s17 =	stileid.u32;
	s12 =	simm.s32 $0x800  }
0x4: {  	s13 =	simm.s32 $0x2;
	s18 =	simm.s32 $0x180;
	s19 =	simm.s32 $0x200  }
0x5: {  	s20 =	simm.s32 $0x280;
	s21 =	simm.s32 $0x300;
	s6 =	smul.u32 $0x50000, s17  }
0x6: {  	s22 =	simm.s32 $0x380;
	s26 =	simm.s32 $0x1;
	s15 =	smul.u32 $0xA00, s17  }
0x7: {  	s29 =	simm.s32 $0x0;
	s2 =	sand.u32 $0x1, s2;
	s16 =	smul.u32 $0x2800, s17  }
0x8: {  	[smem:$0x7FF] =	sst s3;
	s5 =	sadd.s32 $0x17400, s0;
	s4 =	smul.u32 $0xA000, s2  }
0x9: {  	s31 =	sshll.u32 s17, $0x6;
	s8 =	smul.u32 $0x28000, s2;
	s2 =	ssub.s32 $0x2, s2  }
0xa: {  	_ =	strace $0x80000047;
	s25 =	sor.u32 $0x1C02, s31;
	s9 =	sshrl.u32 s2, $0x1  }
0xb: {  	s6 =	sshrl.u32 s6, $0x2;
	s7 =	sadd.s32 s4, s0;
	s4 =	sadd.s32 $0x16C00, s0  }
0xc: {  	s0 =	sadd.s32 s8, s0;
	s2 =	ssub.s32 s2, s9;
	s6 =	sadd.s32 s6, s1  }
0xd: {  	s14 =	sadd.s32 $0x2C00, s7;
	s0 =	sadd.s32 $0x17C00, s0;
	s7 =	smax.u32 s2, $0x1  }
0xe: {  	s8 =	sadd.s32 $0x4000, s6;
	s9 =	sadd.s32 $0x8000, s6;
	s10 =	sadd.s32 $0xC000, s6  }
0xf: {  	s11 =	sadd.s32 $0x10000, s6;
	s28 =	sshrl.u32 s6, $0x3;
	s14 =	sadd.s32 s15, s14  }
0x10: {  	s15 =	simm.s32 $0x7D;
	s23 =	sadd.s32 s16, s0;
	s24 =	sadd.s32 $0x80, s14  }
.LBB2_1:
0x11: {  	[tilespmem:s12], [sflag:$0x2] =	stream.linear.gather [hbm4b:s4+s3], $0x4000, $0x38;
	[tilespmem:$0x18800] =	vst v63  }
0x12: {  	_ =	swait.ge [sflag:s13], $0x4000  }
0x13: {  	[sflag:s13] =	ssyncset.done $0x0  }
0x14: {  	[sflag:s13] =	ssyncadd.s32 $0xFFFFC000  }
0x15: {  	[spmem:s6] =	stream.linear.scatter [tilespmem:s12], [sflag:$0x2], $0x4000, $0x38;
	[tilespmem:$0x18800] =	vst v63  }
0x16: {  	_ =	swait.ge [sflag:s13], $0x4000  }
0x17: {  	[sflag:s13] =	ssyncset.done $0x0  }
0x18: {  	[sflag:s13] =	ssyncadd.s32 $0xFFFFC000  }
0x19: {  	[spmem:s8] =	stream.linear.scatter [tilespmem:s12], [sflag:$0x2], $0x4000, $0x38;
	[tilespmem:$0x18800] =	vst v63  }
0x1a: {  	_ =	swait.ge [sflag:s13], $0x4000  }
0x1b: {  	[sflag:s13] =	ssyncset.done $0x0  }
0x1c: {  	[sflag:s13] =	ssyncadd.s32 $0xFFFFC000  }
0x1d: {  	[spmem:s9] =	stream.linear.scatter [tilespmem:s12], [sflag:$0x2], $0x4000, $0x38;
	[tilespmem:$0x18800] =	vst v63  }
0x1e: {  	_ =	swait.ge [sflag:s13], $0x4000  }
0x1f: {  	[sflag:s13] =	ssyncset.done $0x0  }
0x20: {  	[sflag:s13] =	ssyncadd.s32 $0xFFFFC000  }
0x21: {  	[spmem:s10] =	stream.linear.scatter [tilespmem:s12], [sflag:$0x2], $0x4000, $0x38;
	[tilespmem:$0x18800] =	vst v63  }
0x22: {  	_ =	swait.ge [sflag:s13], $0x4000  }
0x23: {  	[sflag:s13] =	ssyncset.done $0x0  }
0x24: {  	[sflag:s13] =	ssyncadd.s32 $0xFFFFC000  }
0x25: {  	[spmem:s11] =	stream.linear.scatter [tilespmem:s12], [sflag:$0x2], $0x4000, $0x38;
	[tilespmem:$0x18800] =	vst v63  }
0x26: {  	_ =	swait.ge [sflag:s13], $0x4000  }
0x27: {  	[sflag:s13] =	ssyncset.done $0x0  }
0x28: {  	[sflag:s13] =	ssyncadd.s32 $0xFFFFC000  }
0x29: {  	[tilespmem:s12], [sflag:$0x2] =	stream.linear.gather [hbm4b:s5+s3], $0x4000, $0x38;
	[tilespmem:$0x18800] =	vst v63  }
0x2a: {  	_ =	swait.ge [sflag:s13], $0x4000  }
0x2b: {  	[sflag:s13] =	ssyncset.done $0x0  }
0x2c: {  	[sflag:s13] =	ssyncadd.s32 $0xFFFFC000  }
0x2d: {  	[bflag:$0x0] =	sbarrier.arrive $0xFFFF  }
0x2e: {  	[tilespmem:s3], [sflag:$0x2] =	stream.linear.gather [hbm4b:s14+s3], $0x400, $0x38;
	[tilespmem:$0x18800] =	vst v63  }
0x2f: {  	_ =	swait.ge [sflag:s13], $0x400  }
0x30: {  	[sflag:s13] =	ssyncset.done $0x0  }
0x31: {  	[sflag:s13] =	ssyncadd.s32 $0xFFFFFC00  }
0x32: {  	[spmem:s1] =	stream.indirect.scatter.add.f32 [tilespmem:s12], [sflag:$0x1], $0x80, s3, s15, $0xb8;
	[tilespmem:$0x18800] =	vst v63  }
0x33: {  	s0 =	simm.s32 $0x80  }
0x34: {  	[spmem:s1] =	stream.indirect.scatter.add.f32 [tilespmem:s12], [sflag:$0x1], $0x80, s0, s15, $0xb8;
	[tilespmem:$0x18800] =	vst v63  }
0x35: {  	s2 =	simm.s32 $0x100  }
0x36: {  	[spmem:s1] =	stream.indirect.scatter.add.f32 [tilespmem:s12], [sflag:$0x1], $0x80, s2, s15, $0xb8;
	[tilespmem:$0x18800] =	vst v63  }
0x37: {  	_ = 	snop  }
0x38: {  	[spmem:s1] =	stream.indirect.scatter.add.f32 [tilespmem:s12], [sflag:$0x1], $0x80, s18, s15, $0xb8;
	[tilespmem:$0x18800] =	vst v63  }
0x39: {  	_ = 	snop  }
0x3a: {  	[spmem:s1] =	stream.indirect.scatter.add.f32 [tilespmem:s12], [sflag:$0x1], $0x80, s19, s15, $0xb8;
	[tilespmem:$0x18800] =	vst v63  }
0x3b: {  	_ = 	snop  }
0x3c: {  	[spmem:s1] =	stream.indirect.scatter.add.f32 [tilespmem:s12], [sflag:$0x1], $0x80, s20, s15, $0xb8;
	[tilespmem:$0x18800] =	vst v63  }
0x3d: {  	_ = 	snop  }
0x3e: {  	[spmem:s1] =	stream.indirect.scatter.add.f32 [tilespmem:s12], [sflag:$0x1], $0x80, s21, s15, $0xb8;
	[tilespmem:$0x18800] =	vst v63  }
0x3f: {  	s16 =	simm.s32 $0x400  }
0x40: {  	[spmem:s1] =	stream.indirect.scatter.add.f32 [tilespmem:s12], [sflag:$0x1], $0x80, s22, s15, $0xb8;
	[tilespmem:$0x18800] =	vst v63  }
0x41: {  	s2 =	sand.u32 $0x400, s16  }
0x42: {  	[tilespmem:s2], [sflag:$0x2] =	stream.linear.gather [hbm4b:s24+s3], $0x400, $0x38;
	[tilespmem:$0x18800] =	vst v63  }
0x43: {  	_ =	swait.ge [sflag:s13], $0x400  }
0x44: {  	[sflag:s13] =	ssyncset.done $0x0  }
0x45: {  	[sflag:s13] =	ssyncadd.s32 $0xFFFFFC00  }
0x46: {  	_ =	swait.ge [sflag:s26], $0x3E80  }
0x47: {  	[sflag:s26] =	ssyncset.done $0x0  }
0x48: {  	[sflag:s26] =	ssyncadd.s32 $0xFFFFC180  }
0x49: {  	_ =	swait.ge [sflag:s26], $0x3E80  }
0x4a: {  	[sflag:s26] =	ssyncset.done $0x0  }
0x4b: {  	[sflag:s26] =	ssyncadd.s32 $0xFFFFC180  }
0x4c: {  	_ =	swait.ge [sflag:s26], $0x3E80  }
0x4d: {  	[sflag:s26] =	ssyncset.done $0x0  }
0x4e: {  	[sflag:s26] =	ssyncadd.s32 $0xFFFFC180  }
0x4f: {  	_ =	swait.ge [sflag:s26], $0x3E80  }
0x50: {  	[sflag:s26] =	ssyncset.done $0x0  }
0x51: {  	[sflag:s26] =	ssyncadd.s32 $0xFFFFC180  }
0x52: {  	_ =	swait.ge [sflag:s26], $0x3E80  }
0x53: {  	[sflag:s26] =	ssyncset.done $0x0  }
0x54: {  	[sflag:s26] =	ssyncadd.s32 $0xFFFFC180  }
0x55: {  	_ =	swait.ge [sflag:s26], $0x3E80  }
0x56: {  	[sflag:s26] =	ssyncset.done $0x0  }
0x57: {  	[sflag:s26] =	ssyncadd.s32 $0xFFFFC180  }
0x58: {  	_ =	swait.ge [sflag:s26], $0x3E80  }
0x59: {  	[sflag:s26] =	ssyncset.done $0x0  }
0x5a: {  	[sflag:s26] =	ssyncadd.s32 $0xFFFFC180  }
0x5b: {  	_ =	swait.ge [sflag:s26], $0x3E80  }
0x5c: {  	[sflag:s26] =	ssyncset.done $0x0  }
0x5d: {  	[sflag:s26] =	ssyncadd.s32 $0xFFFFC180  }
0x5e: {  	[spmem:s1] =	stream.indirect.scatter.add.f32 [tilespmem:s12], [sflag:$0x1], $0x80, s2, s15, $0xb8;
	[tilespmem:$0x18800] =	vst v63  }
0x5f: {  	s0 =	sor.u32 $0x80, s2  }
0x60: {  	[spmem:s1] =	stream.indirect.scatter.add.f32 [tilespmem:s12], [sflag:$0x1], $0x80, s0, s15, $0xb8;
	[tilespmem:$0x18800] =	vst v63  }
0x61: {  	s17 =	sor.u32 $0x100, s2  }
0x62: {  	[spmem:s1] =	stream.indirect.scatter.add.f32 [tilespmem:s12], [sflag:$0x1], $0x80, s17, s15, $0xb8;
	[tilespmem:$0x18800] =	vst v63  }
0x63: {  	s16 =	sor.u32 $0x180, s2  }
0x64: {  	[spmem:s1] =	stream.indirect.scatter.add.f32 [tilespmem:s12], [sflag:$0x1], $0x80, s16, s15, $0xb8;
	[tilespmem:$0x18800] =	vst v63  }
0x65: {  	s17 =	sor.u32 $0x200, s2  }
0x66: {  	[spmem:s1] =	stream.indirect.scatter.add.f32 [tilespmem:s12], [sflag:$0x1], $0x80, s17, s15, $0xb8;
	[tilespmem:$0x18800] =	vst v63  }
0x67: {  	s30 =	simm.s32 $0x800;
	s31 =	sadd.s32 $0x80, s24;
	s16 =	sor.u32 $0x280, s2  }
0x68: {  	[spmem:s1] =	stream.indirect.scatter.add.f32 [tilespmem:s12], [sflag:$0x1], $0x80, s16, s15, $0xb8;
	[tilespmem:$0x18800] =	vst v63  }
0x69: {  	s0 =	simm.s32 $0x3000;
	s17 =	sor.u32 $0x300, s2;
	s2 =	sor.u32 $0x380, s2  }
0x6a: {  	[spmem:s1] =	stream.indirect.scatter.add.f32 [tilespmem:s12], [sflag:$0x1], $0x80, s17, s15, $0xb8;
	[tilespmem:$0x18800] =	vst v63  }
.LBB2_2:
0x6b: {  	[spmem:s1] =	stream.indirect.scatter.add.f32 [tilespmem:s12], [sflag:$0x1], $0x80, s2, s15, $0xb8;
	[tilespmem:$0x18800] =	vst v63  }
0x6c: {  	s17 =	smov.u32 s0  }
0x6d: {  	s16 =	sadd.s32 $0x1000, s0;
	s2 =	sand.u32 $0x400, s30;
	s30 =	sshrl.u32 s17, $0x2  }
0x6e: {  	[tilespmem:s2], [sflag:$0x2] =	stream.linear.gather [hbm4b:s31+s3], $0x400, $0x38;
	[tilespmem:$0x18800] =	vst v63  }
0x6f: {  	p0 =	sne.s32 s0, $0x13000;
	_ =	swait.ge [sflag:s13], $0x400  }
0x70: {  	[sflag:s13] =	ssyncset.done $0x0  }
0x71: {  	[sflag:s13] =	ssyncadd.s32 $0xFFFFFC00  }
0x72: {  	_ =	swait.ge [sflag:s26], $0x3E80  }
0x73: {  	[sflag:s26] =	ssyncset.done $0x0  }
0x74: {  	[sflag:s26] =	ssyncadd.s32 $0xFFFFC180  }
0x75: {  	_ =	swait.ge [sflag:s26], $0x3E80  }
0x76: {  	[sflag:s26] =	ssyncset.done $0x0  }
0x77: {  	[sflag:s26] =	ssyncadd.s32 $0xFFFFC180  }
0x78: {  	_ =	swait.ge [sflag:s26], $0x3E80  }
0x79: {  	[sflag:s26] =	ssyncset.done $0x0  }
0x7a: {  	[sflag:s26] =	ssyncadd.s32 $0xFFFFC180  }
0x7b: {  	_ =	swait.ge [sflag:s26], $0x3E80  }
0x7c: {  	[sflag:s26] =	ssyncset.done $0x0  }
0x7d: {  	[sflag:s26] =	ssyncadd.s32 $0xFFFFC180  }
0x7e: {  	_ =	swait.ge [sflag:s26], $0x3E80  }
0x7f: {  	[sflag:s26] =	ssyncset.done $0x0  }
0x80: {  	[sflag:s26] =	ssyncadd.s32 $0xFFFFC180  }
0x81: {  	_ =	swait.ge [sflag:s26], $0x3E80  }
0x82: {  	[sflag:s26] =	ssyncset.done $0x0  }
0x83: {  	[sflag:s26] =	ssyncadd.s32 $0xFFFFC180  }
0x84: {  	_ =	swait.ge [sflag:s26], $0x3E80  }
0x85: {  	[sflag:s26] =	ssyncset.done $0x0  }
0x86: {  	[sflag:s26] =	ssyncadd.s32 $0xFFFFC180  }
0x87: {  	_ =	swait.ge [sflag:s26], $0x3E80  }
0x88: {  	[sflag:s26] =	ssyncset.done $0x0  }
0x89: {  	[sflag:s26] =	ssyncadd.s32 $0xFFFFC180  }
0x8a: {  	[spmem:s1] =	stream.indirect.scatter.add.f32 [tilespmem:s12], [sflag:$0x1], $0x80, s2, s15, $0xb8;
	[tilespmem:$0x18800] =	vst v63  }
0x8b: {  	s0 =	sor.u32 $0x80, s2  }
0x8c: {  	[spmem:s1] =	stream.indirect.scatter.add.f32 [tilespmem:s12], [sflag:$0x1], $0x80, s0, s15, $0xb8;
	[tilespmem:$0x18800] =	vst v63  }
0x8d: {  	s0 =	sor.u32 $0x100, s2  }
0x8e: {  	[spmem:s1] =	stream.indirect.scatter.add.f32 [tilespmem:s12], [sflag:$0x1], $0x80, s0, s15, $0xb8;
	[tilespmem:$0x18800] =	vst v63  }
0x8f: {  	s0 =	sor.u32 $0x180, s2  }
0x90: {  	[spmem:s1] =	stream.indirect.scatter.add.f32 [tilespmem:s12], [sflag:$0x1], $0x80, s0, s15, $0xb8;
	[tilespmem:$0x18800] =	vst v63  }
0x91: {  	s0 =	sor.u32 $0x200, s2  }
0x92: {  	[spmem:s1] =	stream.indirect.scatter.add.f32 [tilespmem:s12], [sflag:$0x1], $0x80, s0, s15, $0xb8;
	[tilespmem:$0x18800] =	vst v63  }
.Ltmp0:
0x93: {  	s0 =	sor.u32 $0x280, s2;
	(pc) =	sbr.rel @p0 .LBB2_2-.Ltmp0, $4  }
0x94: {  	[spmem:s1] =	stream.indirect.scatter.add.f32 [tilespmem:s12], [sflag:$0x1], $0x80, s0, s15, $0xb8;
	[tilespmem:$0x18800] =	vst v63  }
0x95: {  	s0 =	sor.u32 $0x300, s2  }
0x96: {  	[spmem:s1] =	stream.indirect.scatter.add.f32 [tilespmem:s12], [sflag:$0x1], $0x80, s0, s15, $0xb8;
	[tilespmem:$0x18800] =	vst v63  }
0x97: {  	s31 =	sadd.s32 $0x80, s31;
	s2 =	sor.u32 $0x380, s2;
	s0 =	smov.u32 s16  }
0x98: {  	[spmem:s1] =	stream.indirect.scatter.add.f32 [tilespmem:s12], [sflag:$0x1], $0x80, s2, s15, $0xb8;
	[tilespmem:$0x18800] =	vst v63  }
0x99: {  	s0 =	sand.u32 $0x400, s30  }
0x9a: {  	[tilespmem:s0], [sflag:$0x2] =	stream.linear.gather [hbm4b:s31+s3], $0x400, $0x38;
	[tilespmem:$0x18800] =	vst v63  }
0x9b: {  	_ =	swait.ge [sflag:s13], $0x400  }
0x9c: {  	[sflag:s13] =	ssyncset.done $0x0  }
0x9d: {  	[sflag:s13] =	ssyncadd.s32 $0xFFFFFC00  }
0x9e: {  	_ =	swait.ge [sflag:s26], $0x3E80  }
0x9f: {  	[sflag:s26] =	ssyncset.done $0x0  }
0xa0: {  	[sflag:s26] =	ssyncadd.s32 $0xFFFFC180  }
0xa1: {  	_ =	swait.ge [sflag:s26], $0x3E80  }
0xa2: {  	[sflag:s26] =	ssyncset.done $0x0  }
0xa3: {  	[sflag:s26] =	ssyncadd.s32 $0xFFFFC180  }
0xa4: {  	_ =	swait.ge [sflag:s26], $0x3E80  }
0xa5: {  	[sflag:s26] =	ssyncset.done $0x0  }
0xa6: {  	[sflag:s26] =	ssyncadd.s32 $0xFFFFC180  }
0xa7: {  	_ =	swait.ge [sflag:s26], $0x3E80  }
0xa8: {  	[sflag:s26] =	ssyncset.done $0x0  }
0xa9: {  	[sflag:s26] =	ssyncadd.s32 $0xFFFFC180  }
0xaa: {  	_ =	swait.ge [sflag:s26], $0x3E80  }
0xab: {  	[sflag:s26] =	ssyncset.done $0x0  }
0xac: {  	[sflag:s26] =	ssyncadd.s32 $0xFFFFC180  }
0xad: {  	_ =	swait.ge [sflag:s26], $0x3E80  }
0xae: {  	[sflag:s26] =	ssyncset.done $0x0  }
0xaf: {  	[sflag:s26] =	ssyncadd.s32 $0xFFFFC180  }
0xb0: {  	_ =	swait.ge [sflag:s26], $0x3E80  }
0xb1: {  	[sflag:s26] =	ssyncset.done $0x0  }
0xb2: {  	[sflag:s26] =	ssyncadd.s32 $0xFFFFC180  }
0xb3: {  	_ =	swait.ge [sflag:s26], $0x3E80  }
0xb4: {  	[sflag:s26] =	ssyncset.done $0x0  }
0xb5: {  	[sflag:s26] =	ssyncadd.s32 $0xFFFFC180  }
0xb6: {  	[spmem:s1] =	stream.indirect.scatter.add.f32 [tilespmem:s12], [sflag:$0x1], $0x80, s0, s15, $0xb8;
	[tilespmem:$0x18800] =	vst v63  }
0xb7: {  	s30 =	sor.u32 $0x80, s0  }
0xb8: {  	[spmem:s1] =	stream.indirect.scatter.add.f32 [tilespmem:s12], [sflag:$0x1], $0x80, s30, s15, $0xb8;
	[tilespmem:$0x18800] =	vst v63  }
0xb9: {  	s31 =	sor.u32 $0x100, s0  }
0xba: {  	[spmem:s1] =	stream.indirect.scatter.add.f32 [tilespmem:s12], [sflag:$0x1], $0x80, s31, s15, $0xb8;
	[tilespmem:$0x18800] =	vst v63  }
0xbb: {  	s16 =	sor.u32 $0x180, s0  }
0xbc: {  	[spmem:s1] =	stream.indirect.scatter.add.f32 [tilespmem:s12], [sflag:$0x1], $0x80, s16, s15, $0xb8;
	[tilespmem:$0x18800] =	vst v63  }
0xbd: {  	s17 =	sor.u32 $0x200, s0  }
0xbe: {  	[spmem:s1] =	stream.indirect.scatter.add.f32 [tilespmem:s12], [sflag:$0x1], $0x80, s17, s15, $0xb8;
	[tilespmem:$0x18800] =	vst v63  }
0xbf: {  	s30 =	sor.u32 $0x280, s0  }
0xc0: {  	[spmem:s1] =	stream.indirect.scatter.add.f32 [tilespmem:s12], [sflag:$0x1], $0x80, s30, s15, $0xb8;
	[tilespmem:$0x18800] =	vst v63  }
0xc1: {  	s31 =	sor.u32 $0x300, s0  }
0xc2: {  	[spmem:s1] =	stream.indirect.scatter.add.f32 [tilespmem:s12], [sflag:$0x1], $0x80, s31, s15, $0xb8;
	[tilespmem:$0x18800] =	vst v63  }
0xc3: {  	s0 =	sor.u32 $0x380, s0  }
0xc4: {  	[spmem:s1] =	stream.indirect.scatter.add.f32 [tilespmem:s12], [sflag:$0x1], $0x80, s0, s15, $0xb8;
	[tilespmem:$0x18800] =	vst v63  }
0xc5: {  	_ =	swait.ge [sflag:s26], $0x3E80  }
0xc6: {  	[sflag:s26] =	ssyncset.done $0x0  }
0xc7: {  	[sflag:s26] =	ssyncadd.s32 $0xFFFFC180  }
0xc8: {  	_ =	swait.ge [sflag:s26], $0x3E80  }
0xc9: {  	[sflag:s26] =	ssyncset.done $0x0  }
0xca: {  	[sflag:s26] =	ssyncadd.s32 $0xFFFFC180  }
0xcb: {  	_ =	swait.ge [sflag:s26], $0x3E80  }
0xcc: {  	[sflag:s26] =	ssyncset.done $0x0  }
0xcd: {  	[sflag:s26] =	ssyncadd.s32 $0xFFFFC180  }
0xce: {  	_ =	swait.ge [sflag:s26], $0x3E80  }
0xcf: {  	[sflag:s26] =	ssyncset.done $0x0  }
0xd0: {  	[sflag:s26] =	ssyncadd.s32 $0xFFFFC180  }
0xd1: {  	_ =	swait.ge [sflag:s26], $0x3E80  }
0xd2: {  	[sflag:s26] =	ssyncset.done $0x0  }
0xd3: {  	[sflag:s26] =	ssyncadd.s32 $0xFFFFC180  }
0xd4: {  	_ =	swait.ge [sflag:s26], $0x3E80  }
0xd5: {  	[sflag:s26] =	ssyncset.done $0x0  }
0xd6: {  	[sflag:s26] =	ssyncadd.s32 $0xFFFFC180  }
0xd7: {  	_ =	swait.ge [sflag:s26], $0x3E80  }
0xd8: {  	[sflag:s26] =	ssyncset.done $0x0  }
0xd9: {  	[sflag:s26] =	ssyncadd.s32 $0xFFFFC180  }
0xda: {  	_ =	swait.ge [sflag:s26], $0x3E80  }
0xdb: {  	s29 =	sadd.s32 $0x1, s29;
	[sflag:s26] =	ssyncset.done $0x0  }
0xdc: {  	p0 =	sne.s32 s29, s7;
	[sflag:s26] =	ssyncadd.s32 $0xFFFFC180  }
.Ltmp1:
0xdd: {  	[bflag:$0x0] =	sbarrier.arrive $0xFFFF;
	(pc) =	sbr.rel @p0 .LBB2_1-.Ltmp1, $4  }
0xde: {  	[hbm:s23], [sflag:s25] =	dma.local [spmem:s28], $0x2800  }
0xdf: {  	_ =	swait.ge [sflag:s13], $0x2800  }
0xe0: {  	[sflag:s13] =	ssyncset.done $0x0  }
0xe1: {  	[sflag:s13] =	ssyncadd.s32 $0xFFFFD800  }
0xe2: {  	_ =	sfence.sel $0x180000  }
0xe3: {  	[bflag:$0x0] =	sbarrier.arrive $0xFFFF  }
0xe4: {  	_ =	strace $0x90000047  }
0xe5: {  	s0 =	stileid.u32;
	[bflag:$0x2] =	sbarrier.arrive $0xFFFF  }
0xe6: {  	p0 =	sne.s32 s0, $0x0;
	s0 =	rddreg [dreg:$0x2]  }
0xe7: {  	s0 =	sadd.s32 @!p0 $0x100000, s0  }
0xe8: {  	[sflag:s0] =	ssyncadd.tile.s32 @!p0 $0x1;
	_ =	shalt  }
.Lfunc_end2:
_tile_overlayer_lowered:
.L_overlay_start_2:
0xe9: {  	(tag) =	ssettag $0x2  }
0xea: {  	s0 =	rddreg [dreg:$0x0];
	s2 =	stileid.u32  }
0xeb: {  	s1 =	rddreg [dreg:$0x1];
	p0 =	sne.s32 s2, $0x0  }
0xec: {  	s3 =	rddreg [dreg:$0x2];
	[bflag:$0x3] =	sbarrier.arrive $0xFFFF;
	s2 =	simm.s32 @!p0 $0x1C02  }
0xed: {  	[timem:s3], [sflag:s2] =	dma.local @!p0 [hbm:s0], s1  }
0xee: {  	s0 =	simm.s32 @!p0 $0x2  }
0xef: {  	_ =	swait.ge @!p0 [sflag:s0], s1  }
0xf0: {  	s1 =	ssub.s32 @!p0 $0x0, s1;
	[sflag:s0] =	ssyncset.done @!p0 $0x0  }
0xf1: {  	[sflag:s0] =	ssyncadd.s32 @!p0 s1  }
0xf2: {  	[bflag:$0x3] =	sbarrier.arrive $0xFFFF  }
0xf3: {  	_ =	shalt  }

// kernel: kernel.13.cloned.1.call-start
scs
__scs_entry_jumppad:
0x0: {  	(pc) =	sbr.rel $0x88, $3  }
0x1: {  	(tag) =	ssettag $0x0;
	lr =	simm.s32 $0x1  }
0x2: {  	[smem:$0x3F99] =	sst lr;
	_ =	strace $0xD0000000  }
0x3: {  	_ = 	snop  }
0x4: {  	_ = 	snop  }
0x5: {  	_ = 	snop  }
0x6: {  	_ = 	snop  }
0x7: {  	_ = 	snop  }
__scs_overlays_trampoline_lowered:
0x8: {  	[smem:$0x3FA8] =	sst s0  }
0x9: {  	[smem:$0x3FA9] =	sst s1  }
0xa: {  	[smem:$0x3FAA] =	sst s2  }
0xb: {  	[smem:$0x3FAB] =	sst s3  }
0xc: {  	[smem:$0x3FAC] =	sst s4  }
0xd: {  	[smem:$0x3FAD] =	sst s5  }
0xe: {  	[smem:$0x3FAE] =	sst s6  }
0xf: {  	[smem:$0x3FAF] =	sst s7  }
0x10: {  	[smem:$0x3FB0] =	sst s8  }
0x11: {  	[smem:$0x3FB1] =	sst s9;
	s0 =	simm.s32 @!p0 $0x0  }
0x12: {  	s1 =	sld [smem:$0x3F97];
	s0 =	simm.s32 @p0 $0x1  }
0x13: {  	[smem:$0x3FB2] =	sst s0;
	s0 =	simm.s32 @!p1 $0x0  }
0x14: {  	s2 =	sld [smem:$0x3F96];
	s0 =	simm.s32 @p1 $0x1  }
0x15: {  	[smem:$0x3FB3] =	sst s0;
	s0 =	simm.s32 @!p2 $0x0  }
0x16: {  	s3 =	sld [smem:$0x3FDB];
	s0 =	simm.s32 @p2 $0x1  }
0x17: {  	s4 =	simm.s32 $0x1BF5;
	[smem:$0x3FB5] =	sst s0  }
0x18: {  	s0 =	sld [smem:$0x3F98];
	_ =	swait.ge [sflag:s4], $0x0  }
0x19: {  	s7 =	sld [smem:$0x3F99]  }
0x1a: {  	s8 =	sadd.s32 $0xFFFFE003, lr  }
0x1b: {  	s9 =	sadd.s32 $0xFFFFFEF7, lr;
	s5 =	simm.s32 $0xFFFFFFFF;
	p2 =	slt.u32 s8, $0xFFFFF086  }
0x1c: {  	p1 =	slt.u32 s9, $0xF7A;
	s5 =	simm.s32 @!p2 $0x0  }
0x1d: {  	s5 =	simm.s32 @p1 $0x1;
	p0 =	seq.s32 s7, s2  }
0x1e: {  	s7 =	smul.u32 @!p0 $0xF7A, s2;
	p2 =	seq.s32 @!p0 s5, $0x0  }
0x1f: {  	s9 =	smul.u32 $0xF7A, s1;
	s8 =	simm.s32 @!p0 $0x1BF5;
	p2 =	por !p2, p0  }
0x20: {  	[sflag:s8] =	ssyncset.s32 @!p0 $0xFFFFF086;
	s6 =	sadd.s32 @!p0 s3, s7;
	s7 =	simm.s32 @!p0 $0x108  }
0x21: {  	s3 =	sadd.s32 s3, s9;
	s6 =	sadd.s32 @!p0 $0x88, s6;
	s7 =	simm.s32 @p2 $0x1082  }
0x22: {  	[simem:s7], [sflag:s8] =	dma.local @!p0 [hbm:s6], $0xF7A  }
0x23: {  	s9 =	sor.u32 $0xD0000000, s2;
	s6 =	simm.s32 $0x108;
	_ =	swait.ge @!p0 [sflag:s8], $0x0  }
0x24: {  	s3 =	sadd.s32 $0x88, s3;
	s6 =	simm.s32 @!p1 $0x1082;
	[sflag:s4] =	ssyncset.s32 $0xFFFFF086  }
0x25: {  	[simem:s6], [sflag:s4] =	dma.local [hbm:s3], $0xF7A  }
0x26: {  	[smem:$0x3F99] =	sst s1;
	(tag) =	ssettag s2;
	_ =	strace s9  }
0x27: {  	s1 =	sld [smem:$0x3FA9]  }
0x28: {  	s2 =	sld [smem:$0x3FAA]  }
0x29: {  	s4 =	sld [smem:$0x3FAC]  }
0x2a: {  	p0 =	seq.s32 s5, $0x0;
	s5 =	sld [smem:$0x3FAD]  }
0x2b: {  	s6 =	sld [smem:$0x3FAE]  }
0x2c: {  	s7 =	sld [smem:$0x3FAF]  }
0x2d: {  	s3 =	simm.s32 $0x108;
	s8 =	sld [smem:$0x3FB0]  }
0x2e: {  	s3 =	simm.s32 @!p0 $0x1082;
	s9 =	sld [smem:$0x3FB1]  }
0x2f: {  	lr =	sadd.s32 s0, s3;
	s0 =	sld [smem:$0x3FA8]  }
0x30: {  	s3 =	sld [smem:$0x3FAB]  }
0x31: {  	[smem:$0x3FB4] =	sst s10  }
0x32: {  	s10 =	sld [smem:$0x3FB2];
	_ =	sdelay $0x3  }
0x33: {  	p0 =	seq.s32 s10, $0x1;
	s10 =	sld [smem:$0x3FB4];
	_ =	sdelay $0x3  }
0x34: {  	[smem:$0x3FB4] =	sst s10  }
0x35: {  	s10 =	sld [smem:$0x3FB3];
	_ =	sdelay $0x3  }
0x36: {  	p1 =	seq.s32 s10, $0x1;
	s10 =	sld [smem:$0x3FB4];
	_ =	sdelay $0x3  }
0x37: {  	[smem:$0x3FB4] =	sst s10  }
0x38: {  	s10 =	sld [smem:$0x3FB5]  }
0x39: {  	_ = 	snop;
	(pc) =	sbr.ind lr, $3  }
0x3a: {  	_ = 	snop  }
0x3b: {  	_ = 	snop  }
0x3c: {  	p2 =	seq.s32 s10, $0x1;
	s10 =	sld [smem:$0x3FB4]  }
0x3d: {  	_ =	shalt  }
0x3e: {  	_ =	shalt  }
0x3f: {  	_ =	shalt  }
0x40: {  	_ =	shalt  }
0x41: {  	_ =	shalt  }
0x42: {  	_ =	shalt  }
0x43: {  	_ =	shalt  }
0x44: {  	_ =	shalt  }
0x45: {  	_ =	shalt  }
0x46: {  	_ =	shalt  }
0x47: {  	_ =	shalt  }
0x48: {  	_ =	shalt  }
0x49: {  	_ =	shalt  }
0x4a: {  	_ =	shalt  }
0x4b: {  	_ =	shalt  }
0x4c: {  	_ =	shalt  }
0x4d: {  	_ =	shalt  }
0x4e: {  	_ =	shalt  }
0x4f: {  	_ =	shalt  }
0x50: {  	_ =	shalt  }
0x51: {  	_ =	shalt  }
0x52: {  	_ =	shalt  }
0x53: {  	_ =	shalt  }
0x54: {  	_ =	shalt  }
0x55: {  	_ =	shalt  }
0x56: {  	_ =	shalt  }
0x57: {  	_ =	shalt  }
0x58: {  	_ =	shalt  }
0x59: {  	_ =	shalt  }
0x5a: {  	_ =	shalt  }
0x5b: {  	_ =	shalt  }
0x5c: {  	_ =	shalt  }
0x5d: {  	_ =	shalt  }
0x5e: {  	_ =	shalt  }
0x5f: {  	_ =	shalt  }
0x60: {  	_ =	shalt  }
0x61: {  	_ =	shalt  }
0x62: {  	_ =	shalt  }
0x63: {  	_ =	shalt  }
0x64: {  	_ =	shalt  }
0x65: {  	_ =	shalt  }
0x66: {  	_ =	shalt  }
0x67: {  	_ =	shalt  }
0x68: {  	_ =	shalt  }
0x69: {  	_ =	shalt  }
0x6a: {  	_ =	shalt  }
0x6b: {  	_ =	shalt  }
0x6c: {  	_ =	shalt  }
0x6d: {  	_ =	shalt  }
0x6e: {  	_ =	shalt  }
0x6f: {  	_ =	shalt  }
0x70: {  	_ =	shalt  }
0x71: {  	_ =	shalt  }
0x72: {  	_ =	shalt  }
0x73: {  	_ =	shalt  }
0x74: {  	_ =	shalt  }
0x75: {  	_ =	shalt  }
0x76: {  	_ =	shalt  }
0x77: {  	_ =	shalt  }
0x78: {  	_ =	shalt  }
0x79: {  	_ =	shalt  }
0x7a: {  	_ =	shalt  }
0x7b: {  	_ =	shalt  }
0x7c: {  	_ =	shalt  }
0x7d: {  	_ =	shalt  }
0x7e: {  	_ =	shalt  }
0x7f: {  	_ =	shalt  }
0x80: {  	_ =	shalt  }
0x81: {  	_ =	shalt  }
0x82: {  	_ =	shalt  }
0x83: {  	_ =	shalt  }
0x84: {  	_ =	shalt  }
0x85: {  	_ =	shalt  }
0x86: {  	_ =	shalt  }
0x87: {  	_ =	shalt  }
.Lfunc_end0:
.L_simem_size_0:
called_computation.1_lowered:
.L_overlay_start_0:
0x88: {  	s2 =	sld [smem:$0x3FD9]  }
0x89: {  	s3 =	sld [smem:$0x3FFE];
	_ =	sdelay $0x1  }
0x8a: {  	s1 =	srdreg.scid  }
0x8b: {  	s0 =	sand.u32 $0x1, s1  }
0x8c: {  	s17 =	sshll.u32 s0, $0xA;
	s2 =	sadd.s32 s3, s2  }
0x8d: {  	s2 =	sadd.s32 s2, s17  }
0x8e: {  	[smem:$0x3FC0] =	sst s2  }
0x8f: {  	_ = 	snop  }
0x90: {  	s2 =	sld [smem:$0x3FD0];
	(tm) =	ssettm $0x1  }
0x91: {  	s18 =	sld [smem:$0x3FFB];
	_ =	sdelay $0x3  }
0x92: {  	_ =	strace s18  }
0x93: {  	s3 =	sld [smem:$0x3FFC];
	_ =	sdelay $0x3  }
0x94: {  	_ =	strace s3  }
0x95: {  	s3 =	sld [smem:$0x3FFD];
	_ =	sdelay $0x3  }
0x96: {  	_ =	strace s3  }
0x97: {  	_ =	strace $0x8FFFFFFF  }
0x98: {  	s19 =	sld [smem:$0x3FDB];
	_ =	sdelay $0x1  }
0x99: {  	s4 =	simm.s32 $_scs_section_size  }
0x9a: {  	s5 =	simm.s32 $_size__tile_overlayer_lowered;
	s6 =	simm.s32 $_tile_overlayer_lowered  }
0x9b: {  	s22 =	simm.s32 $0x1BFF;
	s21 =	sshll.u32 s6, $0x1;
	s3 =	sadd.s32 s4, s19  }
0x9c: {  	s7 =	simm.s32 $0x0;
	s20 =	sshll.u32 s5, $0x1;
	s5 =	sadd.s32 s21, s3  }
0x9d: {  	[timem:s7], [sflag:s22] =	dma.local [hbm:s5], s20  }
0x9e: {  	_ =	swait.ge [sflag:s22], s20  }
0x9f: {  	s4 =	ssub.s32 $0x0, s20;
	[sflag:s22] =	ssyncset.done $0x0  }
0xa0: {  	[sflag:s22] =	ssyncadd.s32 s4;
	_ =	sdelay $0x1  }
0xa1: {  	s23 =	simm.s32 $0x1B8B  }
0xa2: {  	_ =	swait.ge [sflag:s23], $0x1  }
0xa3: {  	[sflag:s23] =	ssyncset.done $0x0  }
0xa4: {  	s25 =	simm.s32 $0x1B8E;
	s24 =	sld [smem:$0x3FFE];
	[sflag:s23] =	ssyncadd.s32 $0xFFFFFFFF  }
0xa5: {  	s26 =	simm.s32 $execute0_lowered;
	[smem:$0x3FD2] =	sst s25  }
0xa6: {  	s5 =	sshll.u32 s26, $0x1;
	_ =	strace $0x80000049;
	[dreg:$0x1] =	wrdreg $0xFFFFFFFF  }
0xa7: {  	s28 =	simm.s32 $_size_execute0_lowered;
	s3 =	sadd.s32 s3, s5;
	[dreg:$0x0] =	wrdreg $0x0  }
0xa8: {  	s5 =	sshll.u32 s28, $0x1;
	[dreg:$0x2] =	wrdreg s3  }
0xa9: {  	[dreg:$0x3] =	wrdreg s5  }
0xaa: {  	[dreg:$0x4] =	wrdreg $0xC0  }
0xab: {  	_ =	task [dreg:s7], $0x5FFFF  }
0xac: {  	[dreg:$0x1] =	wrdreg $0xFFFFFFFF  }
0xad: {  	[dreg:$0x0] =	wrdreg $0x60  }
0xae: {  	[dreg:$0x2] =	wrdreg s24  }
0xaf: {  	[dreg:$0x3] =	wrdreg s2  }
0xb0: {  	[dreg:$0x4] =	wrdreg $0x94000  }
0xb1: {  	[dreg:$0x5] =	wrdreg $0x9  }
0xb2: {  	_ =	task.clear_ibuf [dreg:s7], $0x6FFFF;
	_ =	strace $0x90000049  }
0xb3: {  	s29 =	simm.s32 $0x9;
	_ =	strace $0x8000004B  }
0xb4: {  	_ =	swait.ge [sflag:s29], $0x1  }
0xb5: {  	[sflag:s29] =	ssyncadd.s32 $0xFFFFFFFF  }
0xb6: {  	_ =	strace $0x9000004B  }
0xb7: {  	_ =	sfence  }
0xb8: {  	s30 =	sld [smem:$0x0];
	_ =	sdelay $0x2  }
0xb9: {  	s31 =	sshll.u32 s1, $0xD;
	s1 =	sshrl.u32 s1, $0x2  }
0xba: {  	s3 =	sand.u32 $0x4000, s31;
	s1 =	sadd.s32 s1, s30  }
0xbb: {  	s0 =	sor.u32 s3, s0;
	s1 =	sshll.u32 s1, $0x11  }
0xbc: {  	s0 =	sor.u32 s1, s0  }
0xbd: {  	s0 =	sadd.s32 $0x8F2B, s0  }
0xbe: {  	[sflag:s0] =	ssyncadd.remote.s32 $0x1  }
0xbf: {  	_ =	sfence.sel $0xFFFF  }
0xc0: {  	[dreg:$0x0] =	wrdreg $0xFFFFFFFF;
	(pc) =	sbr.abs _section_cstart, $3  }
0xc1: {  	[dreg:$0x1] =	wrdreg $0xFFFFFFFF  }
0xc2: {  	_ =	task.clear_ibuf [dreg:s7], $0x2FFFF;
	_ =	strace $0x9FFFFFFF  }
0xc3: {  	(tm) =	ssettm $0x7FFFFFFF  }
tec
execute0_lowered:
.L_overlay_start_1:
0x0: {  	(tag) =	ssettag $0x1  }
0x1: {  	s0 =	srdreg.scid;
	s1 =	rddreg [dreg:$0x0]  }
0x2: {  	s7 =	rddreg [dreg:$0x1];
	s5 =	stileid.u32  }
0x3: {  	s2 =	rddreg [dreg:$0x2];
	s14 =	simm.s32 $0x1400;
	s15 =	simm.s32 $0x6  }
0x4: {  	s17 =	simm.s32 $0x7D;
	s20 =	simm.s32 $0x5400;
	s21 =	simm.s32 $0x1  }
0x5: {  	s22 =	simm.s32 $0x3;
	s23 =	simm.s32 $0x2;
	s25 =	simm.s32 $0x4  }
0x6: {  	s26 =	simm.s32 $0x0;
	s0 =	sand.u32 $0x1, s0;
	s9 =	smul.u32 $0x50000, s5  }
0x7: {  	s11 =	sadd.s32 $0x16C00, s1;
	s16 =	smul.u32 $0x2800, s5;
	s3 =	sshll.u32 s0, $0x4  }
0x8: {  	s6 =	smul.u32 $0x28000, s0;
	s0 =	ssub.s32 $0x2, s0;
	s4 =	sor.u32 s5, s3  }
0x9: {  	s3 =	simm.s32 $0x0;
	s31 =	sshrl.u32 s0, $0x1;
	s9 =	sshrl.u32 s9, $0x2  }
0xa: {  	s8 =	smul.u32 $0x500, s4;
	[smem:$0x7FF] =	sst s3;
	s4 =	sadd.s32 $0x71C00, s1  }
0xb: {  	s0 =	ssub.s32 s0, s31;
	_ =	strace $0x8000004A;
	[dreg:$0x4] =	wrdreg s11  }
0xc: {  	s0 =	smax.u32 s0, $0x1;
	s10 =	sadd.s32 s8, s1;
	s1 =	sadd.s32 s6, s1  }
0xd: {  	s6 =	sadd.s32 s9, s2;
	s7 =	sadd.s32 s7, s8;
	[dreg:$0x5] =	wrdreg s0  }
0xe: {  	s8 =	sadd.s32 $0x67C00, s10;
	s1 =	sadd.s32 $0x98E00, s1;
	s10 =	sadd.s32 $0x4000, s6  }
0xf: {  	s11 =	sadd.s32 $0x8000, s6;
	s12 =	sadd.s32 $0xC000, s6;
	s13 =	sadd.s32 $0x10000, s6  }
0x10: {  	s19 =	sadd.s32 $0x80, s7;
	s18 =	sadd.s32 $0x80, s8;
	s24 =	sadd.s32 s16, s1  }
.LBB2_1:
0x11: {  	s0 =	rddreg [dreg:$0x4]  }
0x12: {  	[tilespmem:s14], [sflag:$0x6] =	stream.linear.gather [hbm4b:s0+s3], $0x4000, $0x38;
	[tilespmem:$0x1D400] =	vst v63  }
0x13: {  	_ =	swait.ge [sflag:s15], $0x4000  }
0x14: {  	[sflag:s15] =	ssyncset.done $0x0  }
0x15: {  	[sflag:s15] =	ssyncadd.s32 $0xFFFFC000  }
0x16: {  	[spmem:s6] =	stream.linear.scatter [tilespmem:s14], [sflag:$0x6], $0x4000, $0x38;
	[tilespmem:$0x1D400] =	vst v63  }
0x17: {  	_ =	swait.ge [sflag:s15], $0x4000  }
0x18: {  	[sflag:s15] =	ssyncset.done $0x0  }
0x19: {  	[sflag:s15] =	ssyncadd.s32 $0xFFFFC000  }
0x1a: {  	[spmem:s10] =	stream.linear.scatter [tilespmem:s14], [sflag:$0x6], $0x4000, $0x38;
	[tilespmem:$0x1D400] =	vst v63  }
0x1b: {  	_ =	swait.ge [sflag:s15], $0x4000  }
0x1c: {  	[sflag:s15] =	ssyncset.done $0x0  }
0x1d: {  	[sflag:s15] =	ssyncadd.s32 $0xFFFFC000  }
0x1e: {  	[spmem:s11] =	stream.linear.scatter [tilespmem:s14], [sflag:$0x6], $0x4000, $0x38;
	[tilespmem:$0x1D400] =	vst v63  }
0x1f: {  	_ =	swait.ge [sflag:s15], $0x4000  }
0x20: {  	[sflag:s15] =	ssyncset.done $0x0  }
0x21: {  	[sflag:s15] =	ssyncadd.s32 $0xFFFFC000  }
0x22: {  	[spmem:s12] =	stream.linear.scatter [tilespmem:s14], [sflag:$0x6], $0x4000, $0x38;
	[tilespmem:$0x1D400] =	vst v63  }
0x23: {  	_ =	swait.ge [sflag:s15], $0x4000  }
0x24: {  	[sflag:s15] =	ssyncset.done $0x0  }
0x25: {  	[sflag:s15] =	ssyncadd.s32 $0xFFFFC000  }
0x26: {  	[spmem:s13] =	stream.linear.scatter [tilespmem:s14], [sflag:$0x6], $0x4000, $0x38;
	[tilespmem:$0x1D400] =	vst v63  }
0x27: {  	_ =	swait.ge [sflag:s15], $0x4000  }
0x28: {  	[sflag:s15] =	ssyncset.done $0x0  }
0x29: {  	[sflag:s15] =	ssyncadd.s32 $0xFFFFC000  }
0x2a: {  	[bflag:$0x0] =	sbarrier.arrive $0xFFFF  }
0x2b: {  	[tilespmem:s3], [sflag:$0x6] =	stream.linear.gather [hbm4b:s7+s3], $0x400, $0x38;
	[tilespmem:$0x1D400] =	vst v63  }
0x2c: {  	_ =	swait.ge [sflag:s15], $0x400  }
0x2d: {  	[sflag:s15] =	ssyncset.done $0x0  }
0x2e: {  	s16 =	simm.s32 $0x800;
	[sflag:s15] =	ssyncadd.s32 $0xFFFFFC00  }
0x2f: {  	[tilespmem:s16], [sflag:$0x6] =	stream.linear.gather [hbm4b:s8+s3], $0x400, $0x38;
	[tilespmem:$0x1D400] =	vst v63  }
0x30: {  	_ =	swait.ge [sflag:s15], $0x400  }
0x31: {  	s28 =	simm.s32 $0x1000;
	s29 =	smov.u32 s19;
	[sflag:s15] =	ssyncset.done $0x0  }
0x32: {  	s30 =	smov.u32 s18;
	s31 =	simm.s32 $0x1;
	[sflag:s15] =	ssyncadd.s32 $0xFFFFFC00  }
0x33: {  	[tilespmem:s14], [sflag:$0x1] =	stream.indirect.gather [hbm4b:s4+s17], $0x80, s3, s17, $0xb8;
	[tilespmem:$0x1D400] =	vst v63  }
.LBB2_2:
0x34: {  	p0 =	seq.s32 s28, $0xA000  }
0x35: {  	s0 =	smul.u32 @!p0 $0xAB, s31;
	_ =	sdelay $0x1  }
0x36: {  	s0 =	sshrl.u32 @!p0 s0, $0x9  }
0x37: {  	s1 =	sand.u32 @!p0 $0x1000, s28;
	s0 =	sand.u32 @!p0 $0x7F, s0  }
0x38: {  	s16 =	simm.s32 @!p0 $0x0;
	s1 =	sshrl.u32 @!p0 s1, $0x2;
	s0 =	smul.u32 @!p0 $0x3, s0  }
0x39: {  	[tilespmem:s1], [sflag:$0x5] =	stream.linear.gather @!p0 [hbm4b:s29+s16], $0x400, $0x38;
	[tilespmem:$0x1D400] =	vst v63  }
0x3a: {  	s0 =	ssub.s32 @!p0 s31, s0  }
0x3b: {  	s0 =	sand.u32 @!p0 $0xFF, s0  }
0x3c: {  	s0 =	sshll.u32 @!p0 s0, $0xA  }
0x3d: {  	s0 =	sadd.s32 @!p0 $0x800, s0  }
0x3e: {  	[tilespmem:s0], [sflag:$0x5] =	stream.linear.gather @!p0 [hbm4b:s30+s16], $0x400, $0x38;
	[tilespmem:$0x1D400] =	vst v63  }
0x3f: {  	s0 =	sadd.s32 $0xFFFFFFFF, s31  }
0x40: {  	s5 =	smul.u32 $0xAB, s0;
	_ =	sdelay $0x1  }
0x41: {  	p1 =	seq.s32 @!p0 s28, $0x1000;
	s16 =	sshrl.u32 s5, $0x9  }
0x42: {  	p1 =	por p0, !p1;
	s5 =	sadd.s32 $0xFFFFF000, s28;
	s16 =	sand.u32 $0x7F, s16  }
0x43: {  	_ =	swait.ge @p1 [sflag:s25], $0x3E80;
	s5 =	sand.u32 $0x1000, s5;
	s9 =	smul.u32 $0x3, s16  }
0x44: {  	[sflag:s25] =	ssyncset.done @p1 $0x0;
	s16 =	sshrl.u32 s5, $0x2  }
0x45: {  	[sflag:s25] =	ssyncadd.s32 @p1 $0xFFFFC180;
	s5 =	sor.u32 $0x80, s16;
	s0 =	ssub.s32 s0, s9  }
0x46: {  	[tilespmem:s20], [sflag:$0x2] =	stream.indirect.gather [hbm4b:s4+s17], $0x80, s5, s17, $0xb8;
	[tilespmem:$0x1D400] =	vst v63  }
0x47: {  	s0 =	sand.u32 $0xFF, s0;
	_ =	swait.ge [sflag:s21], $0x3E80  }
0x48: {  	[sflag:s21] =	ssyncset.done $0x0;
	s0 =	sshll.u32 s0, $0xA  }
0x49: {  	[sflag:s21] =	ssyncadd.s32 $0xFFFFC180;
	s9 =	sadd.s32 $0x800, s0  }
0x4a: {  	[spmem:s2] =	stream.indirect.scatter.add.f32 [tilespmem:s14], [sflag:$0x3], $0x80, s9, s17, $0xb8;
	[tilespmem:$0x1D400] =	vst v63  }
0x4b: {  	_ =	swait.ge [sflag:s22], $0x3E80  }
0x4c: {  	[sflag:s22] =	ssyncset.done $0x0  }
0x4d: {  	s9 =	sor.u32 $0x100, s16;
	[sflag:s22] =	ssyncadd.s32 $0xFFFFC180  }
0x4e: {  	[tilespmem:s14], [sflag:$0x1] =	stream.indirect.gather [hbm4b:s4+s17], $0x80, s9, s17, $0xb8;
	[tilespmem:$0x1D400] =	vst v63  }
0x4f: {  	_ =	swait.ge [sflag:s23], $0x3E80  }
0x50: {  	[sflag:s23] =	ssyncset.done $0x0  }
0x51: {  	s9 =	sadd.s32 $0x880, s0;
	[sflag:s23] =	ssyncadd.s32 $0xFFFFC180  }
0x52: {  	[spmem:s2] =	stream.indirect.scatter.add.f32 [tilespmem:s20], [sflag:$0x4], $0x80, s9, s17, $0xb8;
	[tilespmem:$0x1D400] =	vst v63  }
0x53: {  	_ =	swait.ge [sflag:s25], $0x3E80  }
0x54: {  	[sflag:s25] =	ssyncset.done $0x0  }
0x55: {  	s9 =	sor.u32 $0x180, s16;
	[sflag:s25] =	ssyncadd.s32 $0xFFFFC180  }
0x56: {  	[tilespmem:s20], [sflag:$0x2] =	stream.indirect.gather [hbm4b:s4+s17], $0x80, s9, s17, $0xb8;
	[tilespmem:$0x1D400] =	vst v63  }
0x57: {  	_ =	swait.ge [sflag:s21], $0x3E80  }
0x58: {  	[sflag:s21] =	ssyncset.done $0x0  }
0x59: {  	s9 =	sadd.s32 $0x900, s0;
	[sflag:s21] =	ssyncadd.s32 $0xFFFFC180  }
0x5a: {  	[spmem:s2] =	stream.indirect.scatter.add.f32 [tilespmem:s14], [sflag:$0x3], $0x80, s9, s17, $0xb8;
	[tilespmem:$0x1D400] =	vst v63  }
0x5b: {  	_ =	swait.ge [sflag:s22], $0x3E80  }
0x5c: {  	[sflag:s22] =	ssyncset.done $0x0  }
0x5d: {  	s9 =	sor.u32 $0x200, s16;
	[sflag:s22] =	ssyncadd.s32 $0xFFFFC180  }
0x5e: {  	[tilespmem:s14], [sflag:$0x1] =	stream.indirect.gather [hbm4b:s4+s17], $0x80, s9, s17, $0xb8;
	[tilespmem:$0x1D400] =	vst v63  }
0x5f: {  	_ =	swait.ge [sflag:s23], $0x3E80  }
0x60: {  	[sflag:s23] =	ssyncset.done $0x0  }
0x61: {  	s9 =	sadd.s32 $0x980, s0;
	[sflag:s23] =	ssyncadd.s32 $0xFFFFC180  }
0x62: {  	[spmem:s2] =	stream.indirect.scatter.add.f32 [tilespmem:s20], [sflag:$0x4], $0x80, s9, s17, $0xb8;
	[tilespmem:$0x1D400] =	vst v63  }
0x63: {  	_ =	swait.ge [sflag:s25], $0x3E80  }
0x64: {  	[sflag:s25] =	ssyncset.done $0x0  }
0x65: {  	s9 =	sor.u32 $0x280, s16;
	[sflag:s25] =	ssyncadd.s32 $0xFFFFC180  }
0x66: {  	[tilespmem:s20], [sflag:$0x2] =	stream.indirect.gather [hbm4b:s4+s17], $0x80, s9, s17, $0xb8;
	[tilespmem:$0x1D400] =	vst v63  }
0x67: {  	_ =	swait.ge [sflag:s21], $0x3E80  }
0x68: {  	[sflag:s21] =	ssyncset.done $0x0  }
0x69: {  	s9 =	sadd.s32 $0xA00, s0;
	[sflag:s21] =	ssyncadd.s32 $0xFFFFC180  }
0x6a: {  	[spmem:s2] =	stream.indirect.scatter.add.f32 [tilespmem:s14], [sflag:$0x3], $0x80, s9, s17, $0xb8;
	[tilespmem:$0x1D400] =	vst v63  }
0x6b: {  	_ =	swait.ge [sflag:s22], $0x3E80  }
0x6c: {  	[sflag:s22] =	ssyncset.done $0x0  }
0x6d: {  	s9 =	sor.u32 $0x300, s16;
	[sflag:s22] =	ssyncadd.s32 $0xFFFFC180  }
0x6e: {  	[tilespmem:s14], [sflag:$0x1] =	stream.indirect.gather [hbm4b:s4+s17], $0x80, s9, s17, $0xb8;
	[tilespmem:$0x1D400] =	vst v63  }
0x6f: {  	_ =	swait.ge [sflag:s23], $0x3E80  }
0x70: {  	[sflag:s23] =	ssyncset.done $0x0  }
0x71: {  	s9 =	sadd.s32 $0xA80, s0;
	[sflag:s23] =	ssyncadd.s32 $0xFFFFC180  }
0x72: {  	[spmem:s2] =	stream.indirect.scatter.add.f32 [tilespmem:s20], [sflag:$0x4], $0x80, s9, s17, $0xb8;
	[tilespmem:$0x1D400] =	vst v63  }
0x73: {  	_ =	swait.ge [sflag:s25], $0x3E80  }
0x74: {  	[sflag:s25] =	ssyncset.done $0x0  }
0x75: {  	s9 =	sor.u32 $0x380, s16;
	[sflag:s25] =	ssyncadd.s32 $0xFFFFC180  }
0x76: {  	[tilespmem:s20], [sflag:$0x2] =	stream.indirect.gather [hbm4b:s4+s17], $0x80, s9, s17, $0xb8;
	[tilespmem:$0x1D400] =	vst v63  }
0x77: {  	_ =	swait.ge [sflag:s21], $0x3E80  }
0x78: {  	[sflag:s21] =	ssyncset.done $0x0  }
0x79: {  	s16 =	sadd.s32 $0xB00, s0;
	[sflag:s21] =	ssyncadd.s32 $0xFFFFC180  }
0x7a: {  	[spmem:s2] =	stream.indirect.scatter.add.f32 [tilespmem:s14], [sflag:$0x3], $0x80, s16, s17, $0xb8;
	[tilespmem:$0x1D400] =	vst v63  }
0x7b: {  	_ =	swait.ge [sflag:s23], $0x3E80  }
0x7c: {  	[sflag:s23] =	ssyncset.done $0x0  }
0x7d: {  	s0 =	sadd.s32 $0xB80, s0;
	[sflag:s23] =	ssyncadd.s32 $0xFFFFC180  }
0x7e: {  	[spmem:s2] =	stream.indirect.scatter.add.f32 [tilespmem:s20], [sflag:$0x4], $0x80, s0, s17, $0xb8;
	[tilespmem:$0x1D400] =	vst v63  }
0x7f: {  	s0 =	simm.s32 @!p0 $0x5  }
0x80: {  	_ =	swait.ge @!p0 [sflag:s0], $0x400  }
0x81: {  	[sflag:s0] =	ssyncset.done @!p0 $0x0  }
0x82: {  	s28 =	sadd.s32 @!p0 $0x1000, s28;
	[sflag:s0] =	ssyncadd.s32 @!p0 $0xFFFFFC00  }
0x83: {  	p1 =	sne.s32 @!p0 s28, $0xB000;
	_ =	swait.ge @!p0 [sflag:s0], $0x400  }
0x84: {  	p1 =	por p0, !p1;
	[sflag:s0] =	ssyncset.done @!p0 $0x0  }
.Ltmp0:
0x85: {  	[sflag:s0] =	ssyncadd.s32 @!p0 $0xFFFFFC00;
	s0 =	simm.s32 @!p0 $0x3;
	(pc) =	sbr.rel @!p1 .LBB2_2-.Ltmp0, $4  }
0x86: {  	s29 =	sadd.s32 @!p0 $0x80, s29;
	_ =	swait.ge @!p0 [sflag:s0], $0x3E80  }
0x87: {  	s31 =	sadd.s32 @!p0 $0x1, s31;
	s30 =	sadd.s32 @!p0 $0x80, s30;
	[sflag:s0] =	ssyncset.done @!p0 $0x0  }
0x88: {  	s5 =	simm.s32 @!p0 $0x1400;
	[sflag:s0] =	ssyncadd.s32 @!p0 $0xFFFFC180;
	s0 =	simm.s32 @!p0 $0x7D  }
0x89: {  	[tilespmem:s5], [sflag:$0x1] =	stream.indirect.gather @!p0 [hbm4b:s4+s0], $0x80, s1, s0, $0xb8;
	[tilespmem:$0x1D400] =	vst v63  }
0x8a: {  	_ =	swait.ge [sflag:s22], $0x3E80  }
0x8b: {  	[sflag:s22] =	ssyncset.done $0x0  }
0x8c: {  	[sflag:s22] =	ssyncadd.s32 $0xFFFFC180  }
0x8d: {  	_ =	swait.ge [sflag:s25], $0x3E80  }
0x8e: {  	s0 =	stileid.u32;
	[sflag:s25] =	ssyncset.done $0x0  }
0x8f: {  	s0 =	sshll.u32 s0, $0x6;
	[sflag:s25] =	ssyncadd.s32 $0xFFFFC180  }
0x90: {  	s1 =	sshrl.u32 s6, $0x3;
	s0 =	sor.u32 $0x1C06, s0;
	[bflag:$0x0] =	sbarrier.arrive $0xFFFF  }
0x91: {  	[hbm:s24], [sflag:s0] =	dma.local [spmem:s1], $0x2800  }
0x92: {  	_ =	swait.ge [sflag:s15], $0x2800  }
0x93: {  	s26 =	sadd.s32 $0x1, s26;
	s31 =	rddreg [dreg:$0x5]  }
0x94: {  	p0 =	sne.s32 s26, s31  }
.Ltmp1:
0x95: {  	_ = 	snop;
	(pc) =	sbr.rel @p0 .LBB2_1-.Ltmp1, $3  }
0x96: {  	_ =	sdelay $0x1  }
0x97: {  	[sflag:s15] =	ssyncset.done $0x0  }
0x98: {  	[sflag:s15] =	ssyncadd.s32 $0xFFFFD800  }
0x99: {  	_ =	sfence.sel $0x180000  }
0x9a: {  	[bflag:$0x0] =	sbarrier.arrive $0xFFFF  }
0x9b: {  	_ =	strace $0x9000004A  }
0x9c: {  	s0 =	stileid.u32;
	[bflag:$0x2] =	sbarrier.arrive $0xFFFF  }
0x9d: {  	p0 =	sne.s32 s0, $0x0;
	s0 =	rddreg [dreg:$0x3]  }
0x9e: {  	s0 =	sadd.s32 @!p0 $0x100000, s0  }
0x9f: {  	[sflag:s0] =	ssyncadd.tile.s32 @!p0 $0x1;
	_ =	shalt  }
.Lfunc_end2:
_tile_overlayer_lowered:
.L_overlay_start_2:
0xa0: {  	(tag) =	ssettag $0x2  }
0xa1: {  	s0 =	rddreg [dreg:$0x0];
	s2 =	stileid.u32  }
0xa2: {  	s1 =	rddreg [dreg:$0x1];
	p0 =	sne.s32 s2, $0x0  }
0xa3: {  	s3 =	rddreg [dreg:$0x2];
	[bflag:$0x3] =	sbarrier.arrive $0xFFFF;
	s2 =	simm.s32 @!p0 $0x1C06  }
0xa4: {  	[timem:s3], [sflag:s2] =	dma.local @!p0 [hbm:s0], s1  }
0xa5: {  	s0 =	simm.s32 @!p0 $0x6  }
0xa6: {  	_ =	swait.ge @!p0 [sflag:s0], s1  }
0xa7: {  	s1 =	ssub.s32 @!p0 $0x0, s1;
	[sflag:s0] =	ssyncset.done @!p0 $0x0  }
0xa8: {  	[sflag:s0] =	ssyncadd.s32 @!p0 s1  }
0xa9: {  	[bflag:$0x3] =	sbarrier.arrive $0xFFFF  }
0xaa: {  	_ =	shalt  }

// kernel: kernel.16.cloned.1.call-start
scs
__scs_entry_jumppad:
0x0: {  	(pc) =	sbr.rel $0x88, $3  }
0x1: {  	(tag) =	ssettag $0x0;
	lr =	simm.s32 $0x1  }
0x2: {  	[smem:$0x3F99] =	sst lr;
	_ =	strace $0xD0000000  }
0x3: {  	_ = 	snop  }
0x4: {  	_ = 	snop  }
0x5: {  	_ = 	snop  }
0x6: {  	_ = 	snop  }
0x7: {  	_ = 	snop  }
__scs_overlays_trampoline_lowered:
0x8: {  	[smem:$0x3FA8] =	sst s0  }
0x9: {  	[smem:$0x3FA9] =	sst s1  }
0xa: {  	[smem:$0x3FAA] =	sst s2  }
0xb: {  	[smem:$0x3FAB] =	sst s3  }
0xc: {  	[smem:$0x3FAC] =	sst s4  }
0xd: {  	[smem:$0x3FAD] =	sst s5  }
0xe: {  	[smem:$0x3FAE] =	sst s6  }
0xf: {  	[smem:$0x3FAF] =	sst s7  }
0x10: {  	[smem:$0x3FB0] =	sst s8  }
0x11: {  	[smem:$0x3FB1] =	sst s9;
	s0 =	simm.s32 @!p0 $0x0  }
0x12: {  	s1 =	sld [smem:$0x3F97];
	s0 =	simm.s32 @p0 $0x1  }
0x13: {  	[smem:$0x3FB2] =	sst s0;
	s0 =	simm.s32 @!p1 $0x0  }
0x14: {  	s2 =	sld [smem:$0x3F96];
	s0 =	simm.s32 @p1 $0x1  }
0x15: {  	[smem:$0x3FB3] =	sst s0;
	s0 =	simm.s32 @!p2 $0x0  }
0x16: {  	s3 =	sld [smem:$0x3FDB];
	s0 =	simm.s32 @p2 $0x1  }
0x17: {  	s4 =	simm.s32 $0x1BF5;
	[smem:$0x3FB5] =	sst s0  }
0x18: {  	s0 =	sld [smem:$0x3F98];
	_ =	swait.ge [sflag:s4], $0x0  }
0x19: {  	s7 =	sld [smem:$0x3F99]  }
0x1a: {  	s8 =	sadd.s32 $0xFFFFE003, lr  }
0x1b: {  	s9 =	sadd.s32 $0xFFFFFEF7, lr;
	s5 =	simm.s32 $0xFFFFFFFF;
	p2 =	slt.u32 s8, $0xFFFFF086  }
0x1c: {  	p1 =	slt.u32 s9, $0xF7A;
	s5 =	simm.s32 @!p2 $0x0  }
0x1d: {  	s5 =	simm.s32 @p1 $0x1;
	p0 =	seq.s32 s7, s2  }
0x1e: {  	s7 =	smul.u32 @!p0 $0xF7A, s2;
	p2 =	seq.s32 @!p0 s5, $0x0  }
0x1f: {  	s9 =	smul.u32 $0xF7A, s1;
	s8 =	simm.s32 @!p0 $0x1BF5;
	p2 =	por !p2, p0  }
0x20: {  	[sflag:s8] =	ssyncset.s32 @!p0 $0xFFFFF086;
	s6 =	sadd.s32 @!p0 s3, s7;
	s7 =	simm.s32 @!p0 $0x108  }
0x21: {  	s3 =	sadd.s32 s3, s9;
	s6 =	sadd.s32 @!p0 $0x88, s6;
	s7 =	simm.s32 @p2 $0x1082  }
0x22: {  	[simem:s7], [sflag:s8] =	dma.local @!p0 [hbm:s6], $0xF7A  }
0x23: {  	s9 =	sor.u32 $0xD0000000, s2;
	s6 =	simm.s32 $0x108;
	_ =	swait.ge @!p0 [sflag:s8], $0x0  }
0x24: {  	s3 =	sadd.s32 $0x88, s3;
	s6 =	simm.s32 @!p1 $0x1082;
	[sflag:s4] =	ssyncset.s32 $0xFFFFF086  }
0x25: {  	[simem:s6], [sflag:s4] =	dma.local [hbm:s3], $0xF7A  }
0x26: {  	[smem:$0x3F99] =	sst s1;
	(tag) =	ssettag s2;
	_ =	strace s9  }
0x27: {  	s1 =	sld [smem:$0x3FA9]  }
0x28: {  	s2 =	sld [smem:$0x3FAA]  }
0x29: {  	s4 =	sld [smem:$0x3FAC]  }
0x2a: {  	p0 =	seq.s32 s5, $0x0;
	s5 =	sld [smem:$0x3FAD]  }
0x2b: {  	s6 =	sld [smem:$0x3FAE]  }
0x2c: {  	s7 =	sld [smem:$0x3FAF]  }
0x2d: {  	s3 =	simm.s32 $0x108;
	s8 =	sld [smem:$0x3FB0]  }
0x2e: {  	s3 =	simm.s32 @!p0 $0x1082;
	s9 =	sld [smem:$0x3FB1]  }
0x2f: {  	lr =	sadd.s32 s0, s3;
	s0 =	sld [smem:$0x3FA8]  }
0x30: {  	s3 =	sld [smem:$0x3FAB]  }
0x31: {  	[smem:$0x3FB4] =	sst s10  }
0x32: {  	s10 =	sld [smem:$0x3FB2];
	_ =	sdelay $0x3  }
0x33: {  	p0 =	seq.s32 s10, $0x1;
	s10 =	sld [smem:$0x3FB4];
	_ =	sdelay $0x3  }
0x34: {  	[smem:$0x3FB4] =	sst s10  }
0x35: {  	s10 =	sld [smem:$0x3FB3];
	_ =	sdelay $0x3  }
0x36: {  	p1 =	seq.s32 s10, $0x1;
	s10 =	sld [smem:$0x3FB4];
	_ =	sdelay $0x3  }
0x37: {  	[smem:$0x3FB4] =	sst s10  }
0x38: {  	s10 =	sld [smem:$0x3FB5]  }
0x39: {  	_ = 	snop;
	(pc) =	sbr.ind lr, $3  }
0x3a: {  	_ = 	snop  }
0x3b: {  	_ = 	snop  }
0x3c: {  	p2 =	seq.s32 s10, $0x1;
	s10 =	sld [smem:$0x3FB4]  }
0x3d: {  	_ =	shalt  }
0x3e: {  	_ =	shalt  }
0x3f: {  	_ =	shalt  }
0x40: {  	_ =	shalt  }
0x41: {  	_ =	shalt  }
0x42: {  	_ =	shalt  }
0x43: {  	_ =	shalt  }
0x44: {  	_ =	shalt  }
0x45: {  	_ =	shalt  }
0x46: {  	_ =	shalt  }
0x47: {  	_ =	shalt  }
0x48: {  	_ =	shalt  }
0x49: {  	_ =	shalt  }
0x4a: {  	_ =	shalt  }
0x4b: {  	_ =	shalt  }
0x4c: {  	_ =	shalt  }
0x4d: {  	_ =	shalt  }
0x4e: {  	_ =	shalt  }
0x4f: {  	_ =	shalt  }
0x50: {  	_ =	shalt  }
0x51: {  	_ =	shalt  }
0x52: {  	_ =	shalt  }
0x53: {  	_ =	shalt  }
0x54: {  	_ =	shalt  }
0x55: {  	_ =	shalt  }
0x56: {  	_ =	shalt  }
0x57: {  	_ =	shalt  }
0x58: {  	_ =	shalt  }
0x59: {  	_ =	shalt  }
0x5a: {  	_ =	shalt  }
0x5b: {  	_ =	shalt  }
0x5c: {  	_ =	shalt  }
0x5d: {  	_ =	shalt  }
0x5e: {  	_ =	shalt  }
0x5f: {  	_ =	shalt  }
0x60: {  	_ =	shalt  }
0x61: {  	_ =	shalt  }
0x62: {  	_ =	shalt  }
0x63: {  	_ =	shalt  }
0x64: {  	_ =	shalt  }
0x65: {  	_ =	shalt  }
0x66: {  	_ =	shalt  }
0x67: {  	_ =	shalt  }
0x68: {  	_ =	shalt  }
0x69: {  	_ =	shalt  }
0x6a: {  	_ =	shalt  }
0x6b: {  	_ =	shalt  }
0x6c: {  	_ =	shalt  }
0x6d: {  	_ =	shalt  }
0x6e: {  	_ =	shalt  }
0x6f: {  	_ =	shalt  }
0x70: {  	_ =	shalt  }
0x71: {  	_ =	shalt  }
0x72: {  	_ =	shalt  }
0x73: {  	_ =	shalt  }
0x74: {  	_ =	shalt  }
0x75: {  	_ =	shalt  }
0x76: {  	_ =	shalt  }
0x77: {  	_ =	shalt  }
0x78: {  	_ =	shalt  }
0x79: {  	_ =	shalt  }
0x7a: {  	_ =	shalt  }
0x7b: {  	_ =	shalt  }
0x7c: {  	_ =	shalt  }
0x7d: {  	_ =	shalt  }
0x7e: {  	_ =	shalt  }
0x7f: {  	_ =	shalt  }
0x80: {  	_ =	shalt  }
0x81: {  	_ =	shalt  }
0x82: {  	_ =	shalt  }
0x83: {  	_ =	shalt  }
0x84: {  	_ =	shalt  }
0x85: {  	_ =	shalt  }
0x86: {  	_ =	shalt  }
0x87: {  	_ =	shalt  }
.Lfunc_end0:
.L_simem_size_0:
called_computation.2_lowered:
.L_overlay_start_0:
0x88: {  	s2 =	sld [smem:$0x3FD9]  }
0x89: {  	s3 =	sld [smem:$0x3FFE];
	_ =	sdelay $0x1  }
0x8a: {  	s1 =	srdreg.scid  }
0x8b: {  	s0 =	sand.u32 $0x1, s1  }
0x8c: {  	s16 =	sshll.u32 s0, $0xA;
	s2 =	sadd.s32 s3, s2  }
0x8d: {  	s2 =	sadd.s32 s2, s16  }
0x8e: {  	[smem:$0x3FC0] =	sst s2  }
0x8f: {  	_ = 	snop  }
0x90: {  	(tm) =	ssettm $0x1  }
0x91: {  	s17 =	sld [smem:$0x3FFB];
	_ =	sdelay $0x3  }
0x92: {  	_ =	strace s17  }
0x93: {  	s2 =	sld [smem:$0x3FFC];
	_ =	sdelay $0x3  }
0x94: {  	_ =	strace s2  }
0x95: {  	s2 =	sld [smem:$0x3FFD];
	_ =	sdelay $0x3  }
0x96: {  	_ =	strace s2  }
0x97: {  	_ =	strace $0x8FFFFFFF  }
0x98: {  	s18 =	sld [smem:$0x3FDB];
	_ =	sdelay $0x1  }
0x99: {  	s19 =	simm.s32 $_scs_section_size  }
0x9a: {  	s4 =	simm.s32 $_size__tile_overlayer_lowered;
	s5 =	simm.s32 $_tile_overlayer_lowered  }
0x9b: {  	s22 =	simm.s32 $0x1BFF;
	s21 =	sshll.u32 s5, $0x1;
	s2 =	sadd.s32 s19, s18  }
0x9c: {  	s6 =	simm.s32 $0x0;
	s20 =	sshll.u32 s4, $0x1;
	s4 =	sadd.s32 s21, s2  }
0x9d: {  	[timem:s6], [sflag:s22] =	dma.local [hbm:s4], s20  }
0x9e: {  	_ =	swait.ge [sflag:s22], s20  }
0x9f: {  	s3 =	ssub.s32 $0x0, s20;
	[sflag:s22] =	ssyncset.done $0x0  }
0xa0: {  	[sflag:s22] =	ssyncadd.s32 s3;
	_ =	sdelay $0x1  }
0xa1: {  	s23 =	simm.s32 $0x1B8B  }
0xa2: {  	_ =	swait.ge [sflag:s23], $0x1  }
0xa3: {  	[sflag:s23] =	ssyncset.done $0x0  }
0xa4: {  	s25 =	simm.s32 $0x1B8E;
	s24 =	sld [smem:$0x3FFE];
	[sflag:s23] =	ssyncadd.s32 $0xFFFFFFFF  }
0xa5: {  	s26 =	simm.s32 $execute0_lowered;
	[smem:$0x3FD2] =	sst s25  }
0xa6: {  	s4 =	sshll.u32 s26, $0x1;
	_ =	strace $0x8000004C;
	[dreg:$0x1] =	wrdreg $0xFFFFFFFF  }
0xa7: {  	s28 =	simm.s32 $_size_execute0_lowered;
	s2 =	sadd.s32 s2, s4;
	[dreg:$0x0] =	wrdreg $0x0  }
0xa8: {  	s4 =	sshll.u32 s28, $0x1;
	[dreg:$0x2] =	wrdreg s2  }
0xa9: {  	[dreg:$0x3] =	wrdreg s4  }
0xaa: {  	[dreg:$0x4] =	wrdreg $0xC0  }
0xab: {  	_ =	task [dreg:s6], $0x5FFFF  }
0xac: {  	[dreg:$0x1] =	wrdreg $0xFFFFFFFF  }
0xad: {  	[dreg:$0x0] =	wrdreg $0x60  }
0xae: {  	[dreg:$0x2] =	wrdreg s24  }
0xaf: {  	[dreg:$0x3] =	wrdreg $0x94000  }
0xb0: {  	[dreg:$0x4] =	wrdreg $0x9  }
0xb1: {  	_ =	task.clear_ibuf [dreg:s6], $0x5FFFF;
	_ =	strace $0x9000004C  }
0xb2: {  	s29 =	simm.s32 $0x9;
	_ =	strace $0x8000004E  }
0xb3: {  	_ =	swait.ge [sflag:s29], $0x1  }
0xb4: {  	[sflag:s29] =	ssyncadd.s32 $0xFFFFFFFF  }
0xb5: {  	_ =	strace $0x9000004E  }
0xb6: {  	_ =	sfence  }
0xb7: {  	s30 =	sld [smem:$0x0];
	_ =	sdelay $0x2  }
0xb8: {  	s31 =	sshll.u32 s1, $0xD;
	s1 =	sshrl.u32 s1, $0x2  }
0xb9: {  	s3 =	sand.u32 $0x4000, s31;
	s1 =	sadd.s32 s1, s30  }
0xba: {  	s0 =	sor.u32 s3, s0;
	s1 =	sshll.u32 s1, $0x11  }
0xbb: {  	s0 =	sor.u32 s1, s0  }
0xbc: {  	s0 =	sadd.s32 $0x8F2B, s0  }
0xbd: {  	[sflag:s0] =	ssyncadd.remote.s32 $0x1  }
0xbe: {  	_ =	sfence.sel $0xFFFF  }
0xbf: {  	[dreg:$0x0] =	wrdreg $0xFFFFFFFF;
	(pc) =	sbr.abs _section_cstart, $3  }
0xc0: {  	[dreg:$0x1] =	wrdreg $0xFFFFFFFF  }
0xc1: {  	_ =	task.clear_ibuf [dreg:s6], $0x2FFFF;
	_ =	strace $0x9FFFFFFF  }
0xc2: {  	(tm) =	ssettm $0x7FFFFFFF  }
0xc3: {  	_ =	shalt  }
tec
execute0_lowered:
.L_overlay_start_1:
0x0: {  	(tag) =	ssettag $0x1  }
0x1: {  	s0 =	rddreg [dreg:$0x0]  }
0x2: {  	s1 =	rddreg [dreg:$0x1];
	s2 =	srdreg.scid  }
0x3: {  	s3 =	simm.s32 $0x0;
	s10 =	stileid.u32;
	s14 =	simm.s32 $0x1400  }
0x4: {  	s15 =	simm.s32 $0x6;
	s17 =	simm.s32 $0x7D;
	s20 =	simm.s32 $0x5400  }
0x5: {  	s21 =	simm.s32 $0x1;
	s22 =	simm.s32 $0x3;
	s5 =	smul.u32 $0xA00, s10  }
0x6: {  	s23 =	simm.s32 $0x2;
	s25 =	simm.s32 $0x4;
	s7 =	smul.u32 $0x50000, s10  }
0x7: {  	s26 =	simm.s32 $0x0;
	s2 =	sand.u32 $0x1, s2;
	s16 =	smul.u32 $0x2800, s10  }
0x8: {  	[smem:$0x7FF] =	sst s3;
	s29 =	sadd.s32 $0x16C00, s0;
	s4 =	smul.u32 $0x27100, s2  }
0x9: {  	_ =	strace $0x8000004D;
	s6 =	smul.u32 $0x28000, s2;
	s2 =	ssub.s32 $0x2, s2  }
0xa: {  	[dreg:$0x3] =	wrdreg s29;
	s9 =	sadd.s32 s5, s0;
	s30 =	sshrl.u32 s2, $0x1  }
0xb: {  	s31 =	sshrl.u32 s7, $0x2;
	s8 =	sadd.s32 s4, s0;
	s0 =	sadd.s32 s6, s0  }
0xc: {  	s2 =	ssub.s32 s2, s30;
	s5 =	sadd.s32 s31, s1;
	s6 =	sadd.s32 $0x2C00, s9  }
0xd: {  	s7 =	sadd.s32 $0xCC00, s9;
	s8 =	sadd.s32 $0x71C00, s8;
	s0 =	sadd.s32 $0xBFE00, s0  }
0xe: {  	s2 =	smax.u32 s2, $0x1;
	s10 =	sadd.s32 $0x4000, s5;
	s11 =	sadd.s32 $0x8000, s5  }
0xf: {  	s12 =	sadd.s32 $0xC000, s5;
	s13 =	sadd.s32 $0x10000, s5;
	s18 =	sadd.s32 $0x80, s7  }
0x10: {  	s19 =	sadd.s32 $0x80, s6;
	[dreg:$0x4] =	wrdreg s2;
	s24 =	sadd.s32 s16, s0  }
.LBB2_1:
0x11: {  	s0 =	rddreg [dreg:$0x3]  }
0x12: {  	[tilespmem:s14], [sflag:$0x6] =	stream.linear.gather [hbm4b:s0+s3], $0x4000, $0x38;
	[tilespmem:$0x1D400] =	vst v63  }
0x13: {  	_ =	swait.ge [sflag:s15], $0x4000  }
0x14: {  	[sflag:s15] =	ssyncset.done $0x0  }
0x15: {  	[sflag:s15] =	ssyncadd.s32 $0xFFFFC000  }
0x16: {  	[spmem:s5] =	stream.linear.scatter [tilespmem:s14], [sflag:$0x6], $0x4000, $0x38;
	[tilespmem:$0x1D400] =	vst v63  }
0x17: {  	_ =	swait.ge [sflag:s15], $0x4000  }
0x18: {  	[sflag:s15] =	ssyncset.done $0x0  }
0x19: {  	[sflag:s15] =	ssyncadd.s32 $0xFFFFC000  }
0x1a: {  	[spmem:s10] =	stream.linear.scatter [tilespmem:s14], [sflag:$0x6], $0x4000, $0x38;
	[tilespmem:$0x1D400] =	vst v63  }
0x1b: {  	_ =	swait.ge [sflag:s15], $0x4000  }
0x1c: {  	[sflag:s15] =	ssyncset.done $0x0  }
0x1d: {  	[sflag:s15] =	ssyncadd.s32 $0xFFFFC000  }
0x1e: {  	[spmem:s11] =	stream.linear.scatter [tilespmem:s14], [sflag:$0x6], $0x4000, $0x38;
	[tilespmem:$0x1D400] =	vst v63  }
0x1f: {  	_ =	swait.ge [sflag:s15], $0x4000  }
0x20: {  	[sflag:s15] =	ssyncset.done $0x0  }
0x21: {  	[sflag:s15] =	ssyncadd.s32 $0xFFFFC000  }
0x22: {  	[spmem:s12] =	stream.linear.scatter [tilespmem:s14], [sflag:$0x6], $0x4000, $0x38;
	[tilespmem:$0x1D400] =	vst v63  }
0x23: {  	_ =	swait.ge [sflag:s15], $0x4000  }
0x24: {  	[sflag:s15] =	ssyncset.done $0x0  }
0x25: {  	[sflag:s15] =	ssyncadd.s32 $0xFFFFC000  }
0x26: {  	[spmem:s13] =	stream.linear.scatter [tilespmem:s14], [sflag:$0x6], $0x4000, $0x38;
	[tilespmem:$0x1D400] =	vst v63  }
0x27: {  	_ =	swait.ge [sflag:s15], $0x4000  }
0x28: {  	[sflag:s15] =	ssyncset.done $0x0  }
0x29: {  	[sflag:s15] =	ssyncadd.s32 $0xFFFFC000  }
0x2a: {  	[bflag:$0x0] =	sbarrier.arrive $0xFFFF  }
0x2b: {  	[tilespmem:s3], [sflag:$0x6] =	stream.linear.gather [hbm4b:s6+s3], $0x400, $0x38;
	[tilespmem:$0x1D400] =	vst v63  }
0x2c: {  	_ =	swait.ge [sflag:s15], $0x400  }
0x2d: {  	[sflag:s15] =	ssyncset.done $0x0  }
0x2e: {  	s16 =	simm.s32 $0x800;
	[sflag:s15] =	ssyncadd.s32 $0xFFFFFC00  }
0x2f: {  	[tilespmem:s16], [sflag:$0x6] =	stream.linear.gather [hbm4b:s7+s3], $0x400, $0x38;
	[tilespmem:$0x1D400] =	vst v63  }
0x30: {  	_ =	swait.ge [sflag:s15], $0x400  }
0x31: {  	s28 =	simm.s32 $0x1000;
	s29 =	smov.u32 s19;
	[sflag:s15] =	ssyncset.done $0x0  }
0x32: {  	s30 =	smov.u32 s18;
	s31 =	simm.s32 $0x1;
	[sflag:s15] =	ssyncadd.s32 $0xFFFFFC00  }
0x33: {  	[tilespmem:s14], [sflag:$0x1] =	stream.indirect.gather [hbm4b:s8+s17], $0x80, s3, s17, $0xb8;
	[tilespmem:$0x1D400] =	vst v63  }
.LBB2_2:
0x34: {  	p0 =	seq.s32 s28, $0x14000  }
0x35: {  	s0 =	smul.u32 @!p0 $0xAB, s31;
	_ =	sdelay $0x1  }
0x36: {  	s0 =	sshrl.u32 @!p0 s0, $0x9  }
0x37: {  	s0 =	sand.u32 @!p0 $0x7F, s0  }
0x38: {  	s0 =	smul.u32 @!p0 $0x3, s0;
	_ =	sdelay $0x1  }
0x39: {  	s2 =	sand.u32 @!p0 $0x1000, s28;
	s0 =	ssub.s32 @!p0 s31, s0  }
0x3a: {  	s16 =	sand.u32 @!p0 $0xFF, s0;
	s0 =	sshrl.u32 @!p0 s2, $0x2;
	s2 =	simm.s32 @!p0 $0x0  }
0x3b: {  	[tilespmem:s0], [sflag:$0x5] =	stream.linear.gather @!p0 [hbm4b:s29+s2], $0x400, $0x38;
	[tilespmem:$0x1D400] =	vst v63  }
0x3c: {  	s16 =	sshll.u32 @!p0 s16, $0xA  }
0x3d: {  	s16 =	sadd.s32 @!p0 $0x800, s16  }
0x3e: {  	[tilespmem:s16], [sflag:$0x5] =	stream.linear.gather @!p0 [hbm4b:s30+s2], $0x400, $0x38;
	[tilespmem:$0x1D400] =	vst v63  }
0x3f: {  	s2 =	sadd.s32 $0xFFFFFFFF, s31  }
0x40: {  	s4 =	smul.u32 $0xAB, s2;
	_ =	sdelay $0x1  }
0x41: {  	p1 =	seq.s32 @!p0 s28, $0x1000;
	s16 =	sshrl.u32 s4, $0x9  }
0x42: {  	p1 =	por p0, !p1;
	s4 =	sadd.s32 $0xFFFFF000, s28;
	s16 =	sand.u32 $0x7F, s16  }
0x43: {  	_ =	swait.ge @p1 [sflag:s25], $0x3E80;
	s4 =	sand.u32 $0x1000, s4;
	s9 =	smul.u32 $0x3, s16  }
0x44: {  	[sflag:s25] =	ssyncset.done @p1 $0x0;
	s16 =	sshrl.u32 s4, $0x2  }
0x45: {  	[sflag:s25] =	ssyncadd.s32 @p1 $0xFFFFC180;
	s4 =	sor.u32 $0x80, s16;
	s2 =	ssub.s32 s2, s9  }
0x46: {  	[tilespmem:s20], [sflag:$0x2] =	stream.indirect.gather [hbm4b:s8+s17], $0x80, s4, s17, $0xb8;
	[tilespmem:$0x1D400] =	vst v63  }
0x47: {  	s2 =	sand.u32 $0xFF, s2;
	_ =	swait.ge [sflag:s21], $0x3E80  }
0x48: {  	[sflag:s21] =	ssyncset.done $0x0;
	s2 =	sshll.u32 s2, $0xA  }
0x49: {  	[sflag:s21] =	ssyncadd.s32 $0xFFFFC180;
	s9 =	sadd.s32 $0x800, s2  }
0x4a: {  	[spmem:s1] =	stream.indirect.scatter.add.f32 [tilespmem:s14], [sflag:$0x3], $0x80, s9, s17, $0xb8;
	[tilespmem:$0x1D400] =	vst v63  }
0x4b: {  	_ =	swait.ge [sflag:s22], $0x3E80  }
0x4c: {  	[sflag:s22] =	ssyncset.done $0x0  }
0x4d: {  	s9 =	sor.u32 $0x100, s16;
	[sflag:s22] =	ssyncadd.s32 $0xFFFFC180  }
0x4e: {  	[tilespmem:s14], [sflag:$0x1] =	stream.indirect.gather [hbm4b:s8+s17], $0x80, s9, s17, $0xb8;
	[tilespmem:$0x1D400] =	vst v63  }
0x4f: {  	_ =	swait.ge [sflag:s23], $0x3E80  }
0x50: {  	[sflag:s23] =	ssyncset.done $0x0  }
0x51: {  	s9 =	sadd.s32 $0x880, s2;
	[sflag:s23] =	ssyncadd.s32 $0xFFFFC180  }
0x52: {  	[spmem:s1] =	stream.indirect.scatter.add.f32 [tilespmem:s20], [sflag:$0x4], $0x80, s9, s17, $0xb8;
	[tilespmem:$0x1D400] =	vst v63  }
0x53: {  	_ =	swait.ge [sflag:s25], $0x3E80  }
0x54: {  	[sflag:s25] =	ssyncset.done $0x0  }
0x55: {  	s9 =	sor.u32 $0x180, s16;
	[sflag:s25] =	ssyncadd.s32 $0xFFFFC180  }
0x56: {  	[tilespmem:s20], [sflag:$0x2] =	stream.indirect.gather [hbm4b:s8+s17], $0x80, s9, s17, $0xb8;
	[tilespmem:$0x1D400] =	vst v63  }
0x57: {  	_ =	swait.ge [sflag:s21], $0x3E80  }
0x58: {  	[sflag:s21] =	ssyncset.done $0x0  }
0x59: {  	s9 =	sadd.s32 $0x900, s2;
	[sflag:s21] =	ssyncadd.s32 $0xFFFFC180  }
0x5a: {  	[spmem:s1] =	stream.indirect.scatter.add.f32 [tilespmem:s14], [sflag:$0x3], $0x80, s9, s17, $0xb8;
	[tilespmem:$0x1D400] =	vst v63  }
0x5b: {  	_ =	swait.ge [sflag:s22], $0x3E80  }
0x5c: {  	[sflag:s22] =	ssyncset.done $0x0  }
0x5d: {  	s9 =	sor.u32 $0x200, s16;
	[sflag:s22] =	ssyncadd.s32 $0xFFFFC180  }
0x5e: {  	[tilespmem:s14], [sflag:$0x1] =	stream.indirect.gather [hbm4b:s8+s17], $0x80, s9, s17, $0xb8;
	[tilespmem:$0x1D400] =	vst v63  }
0x5f: {  	_ =	swait.ge [sflag:s23], $0x3E80  }
0x60: {  	[sflag:s23] =	ssyncset.done $0x0  }
0x61: {  	s9 =	sadd.s32 $0x980, s2;
	[sflag:s23] =	ssyncadd.s32 $0xFFFFC180  }
0x62: {  	[spmem:s1] =	stream.indirect.scatter.add.f32 [tilespmem:s20], [sflag:$0x4], $0x80, s9, s17, $0xb8;
	[tilespmem:$0x1D400] =	vst v63  }
0x63: {  	_ =	swait.ge [sflag:s25], $0x3E80  }
0x64: {  	[sflag:s25] =	ssyncset.done $0x0  }
0x65: {  	s9 =	sor.u32 $0x280, s16;
	[sflag:s25] =	ssyncadd.s32 $0xFFFFC180  }
0x66: {  	[tilespmem:s20], [sflag:$0x2] =	stream.indirect.gather [hbm4b:s8+s17], $0x80, s9, s17, $0xb8;
	[tilespmem:$0x1D400] =	vst v63  }
0x67: {  	_ =	swait.ge [sflag:s21], $0x3E80  }
0x68: {  	[sflag:s21] =	ssyncset.done $0x0  }
0x69: {  	s9 =	sadd.s32 $0xA00, s2;
	[sflag:s21] =	ssyncadd.s32 $0xFFFFC180  }
0x6a: {  	[spmem:s1] =	stream.indirect.scatter.add.f32 [tilespmem:s14], [sflag:$0x3], $0x80, s9, s17, $0xb8;
	[tilespmem:$0x1D400] =	vst v63  }
0x6b: {  	_ =	swait.ge [sflag:s22], $0x3E80  }
0x6c: {  	[sflag:s22] =	ssyncset.done $0x0  }
0x6d: {  	s9 =	sor.u32 $0x300, s16;
	[sflag:s22] =	ssyncadd.s32 $0xFFFFC180  }
0x6e: {  	[tilespmem:s14], [sflag:$0x1] =	stream.indirect.gather [hbm4b:s8+s17], $0x80, s9, s17, $0xb8;
	[tilespmem:$0x1D400] =	vst v63  }
0x6f: {  	_ =	swait.ge [sflag:s23], $0x3E80  }
0x70: {  	[sflag:s23] =	ssyncset.done $0x0  }
0x71: {  	s9 =	sadd.s32 $0xA80, s2;
	[sflag:s23] =	ssyncadd.s32 $0xFFFFC180  }
0x72: {  	[spmem:s1] =	stream.indirect.scatter.add.f32 [tilespmem:s20], [sflag:$0x4], $0x80, s9, s17, $0xb8;
	[tilespmem:$0x1D400] =	vst v63  }
0x73: {  	_ =	swait.ge [sflag:s25], $0x3E80  }
0x74: {  	[sflag:s25] =	ssyncset.done $0x0  }
0x75: {  	s9 =	sor.u32 $0x380, s16;
	[sflag:s25] =	ssyncadd.s32 $0xFFFFC180  }
0x76: {  	[tilespmem:s20], [sflag:$0x2] =	stream.indirect.gather [hbm4b:s8+s17], $0x80, s9, s17, $0xb8;
	[tilespmem:$0x1D400] =	vst v63  }
0x77: {  	_ =	swait.ge [sflag:s21], $0x3E80  }
0x78: {  	[sflag:s21] =	ssyncset.done $0x0  }
0x79: {  	s16 =	sadd.s32 $0xB00, s2;
	[sflag:s21] =	ssyncadd.s32 $0xFFFFC180  }
0x7a: {  	[spmem:s1] =	stream.indirect.scatter.add.f32 [tilespmem:s14], [sflag:$0x3], $0x80, s16, s17, $0xb8;
	[tilespmem:$0x1D400] =	vst v63  }
0x7b: {  	_ =	swait.ge [sflag:s23], $0x3E80  }
0x7c: {  	[sflag:s23] =	ssyncset.done $0x0  }
0x7d: {  	s2 =	sadd.s32 $0xB80, s2;
	[sflag:s23] =	ssyncadd.s32 $0xFFFFC180  }
0x7e: {  	[spmem:s1] =	stream.indirect.scatter.add.f32 [tilespmem:s20], [sflag:$0x4], $0x80, s2, s17, $0xb8;
	[tilespmem:$0x1D400] =	vst v63  }
0x7f: {  	s2 =	simm.s32 @!p0 $0x5  }
0x80: {  	_ =	swait.ge @!p0 [sflag:s2], $0x400  }
0x81: {  	[sflag:s2] =	ssyncset.done @!p0 $0x0  }
0x82: {  	s28 =	sadd.s32 @!p0 $0x1000, s28;
	[sflag:s2] =	ssyncadd.s32 @!p0 $0xFFFFFC00  }
0x83: {  	p1 =	sne.s32 @!p0 s28, $0x15000;
	_ =	swait.ge @!p0 [sflag:s2], $0x400  }
0x84: {  	p1 =	por p0, !p1;
	[sflag:s2] =	ssyncset.done @!p0 $0x0  }
.Ltmp0:
0x85: {  	[sflag:s2] =	ssyncadd.s32 @!p0 $0xFFFFFC00;
	s2 =	simm.s32 @!p0 $0x3;
	(pc) =	sbr.rel @!p1 .LBB2_2-.Ltmp0, $4  }
0x86: {  	s29 =	sadd.s32 @!p0 $0x80, s29;
	_ =	swait.ge @!p0 [sflag:s2], $0x3E80  }
0x87: {  	s31 =	sadd.s32 @!p0 $0x1, s31;
	s30 =	sadd.s32 @!p0 $0x80, s30;
	[sflag:s2] =	ssyncset.done @!p0 $0x0  }
0x88: {  	s4 =	simm.s32 @!p0 $0x1400;
	[sflag:s2] =	ssyncadd.s32 @!p0 $0xFFFFC180;
	s2 =	simm.s32 @!p0 $0x7D  }
0x89: {  	[tilespmem:s4], [sflag:$0x1] =	stream.indirect.gather @!p0 [hbm4b:s8+s2], $0x80, s0, s2, $0xb8;
	[tilespmem:$0x1D400] =	vst v63  }
0x8a: {  	_ =	swait.ge [sflag:s22], $0x3E80  }
0x8b: {  	[sflag:s22] =	ssyncset.done $0x0  }
0x8c: {  	[sflag:s22] =	ssyncadd.s32 $0xFFFFC180  }
0x8d: {  	_ =	swait.ge [sflag:s25], $0x3E80  }
0x8e: {  	s0 =	stileid.u32;
	[sflag:s25] =	ssyncset.done $0x0  }
0x8f: {  	s0 =	sshll.u32 s0, $0x6;
	[sflag:s25] =	ssyncadd.s32 $0xFFFFC180  }
0x90: {  	s2 =	sshrl.u32 s5, $0x3;
	s0 =	sor.u32 $0x1C06, s0;
	[bflag:$0x0] =	sbarrier.arrive $0xFFFF  }
0x91: {  	[hbm:s24], [sflag:s0] =	dma.local [spmem:s2], $0x2800  }
0x92: {  	_ =	swait.ge [sflag:s15], $0x2800  }
0x93: {  	s26 =	sadd.s32 $0x1, s26;
	s31 =	rddreg [dreg:$0x4]  }
0x94: {  	p0 =	sne.s32 s26, s31  }
.Ltmp1:
0x95: {  	_ = 	snop;
	(pc) =	sbr.rel @p0 .LBB2_1-.Ltmp1, $3  }
0x96: {  	_ =	sdelay $0x1  }
0x97: {  	[sflag:s15] =	ssyncset.done $0x0  }
0x98: {  	[sflag:s15] =	ssyncadd.s32 $0xFFFFD800  }
0x99: {  	_ =	sfence.sel $0x180000  }
0x9a: {  	[bflag:$0x0] =	sbarrier.arrive $0xFFFF  }
0x9b: {  	_ =	strace $0x9000004D  }
0x9c: {  	s0 =	stileid.u32;
	[bflag:$0x2] =	sbarrier.arrive $0xFFFF  }
0x9d: {  	p0 =	sne.s32 s0, $0x0;
	s0 =	rddreg [dreg:$0x2]  }
0x9e: {  	s0 =	sadd.s32 @!p0 $0x100000, s0  }
0x9f: {  	[sflag:s0] =	ssyncadd.tile.s32 @!p0 $0x1;
	_ =	shalt  }
.Lfunc_end2:
_tile_overlayer_lowered:
.L_overlay_start_2:
0xa0: {  	(tag) =	ssettag $0x2  }
0xa1: {  	s0 =	rddreg [dreg:$0x0];
	s2 =	stileid.u32  }
0xa2: {  	s1 =	rddreg [dreg:$0x1];
	p0 =	sne.s32 s2, $0x0  }
0xa3: {  	s3 =	rddreg [dreg:$0x2];
	[bflag:$0x3] =	sbarrier.arrive $0xFFFF;
	s2 =	simm.s32 @!p0 $0x1C06  }
0xa4: {  	[timem:s3], [sflag:s2] =	dma.local @!p0 [hbm:s0], s1  }
0xa5: {  	s0 =	simm.s32 @!p0 $0x6  }
0xa6: {  	_ =	swait.ge @!p0 [sflag:s0], s1  }
0xa7: {  	s1 =	ssub.s32 @!p0 $0x0, s1;
	[sflag:s0] =	ssyncset.done @!p0 $0x0  }
0xa8: {  	[sflag:s0] =	ssyncadd.s32 @!p0 s1  }
0xa9: {  	[bflag:$0x3] =	sbarrier.arrive $0xFFFF  }
0xaa: {  	_ =	shalt  }

// kernel: kernel.19.cloned.1.call-start
scs
__scs_entry_jumppad:
0x0: {  	(pc) =	sbr.rel $0x88, $3  }
0x1: {  	(tag) =	ssettag $0x0;
	lr =	simm.s32 $0x1  }
0x2: {  	[smem:$0x3F99] =	sst lr;
	_ =	strace $0xD0000000  }
0x3: {  	_ = 	snop  }
0x4: {  	_ = 	snop  }
0x5: {  	_ = 	snop  }
0x6: {  	_ = 	snop  }
0x7: {  	_ = 	snop  }
__scs_overlays_trampoline_lowered:
0x8: {  	[smem:$0x3FA8] =	sst s0  }
0x9: {  	[smem:$0x3FA9] =	sst s1  }
0xa: {  	[smem:$0x3FAA] =	sst s2  }
0xb: {  	[smem:$0x3FAB] =	sst s3  }
0xc: {  	[smem:$0x3FAC] =	sst s4  }
0xd: {  	[smem:$0x3FAD] =	sst s5  }
0xe: {  	[smem:$0x3FAE] =	sst s6  }
0xf: {  	[smem:$0x3FAF] =	sst s7  }
0x10: {  	[smem:$0x3FB0] =	sst s8  }
0x11: {  	[smem:$0x3FB1] =	sst s9;
	s0 =	simm.s32 @!p0 $0x0  }
0x12: {  	s1 =	sld [smem:$0x3F97];
	s0 =	simm.s32 @p0 $0x1  }
0x13: {  	[smem:$0x3FB2] =	sst s0;
	s0 =	simm.s32 @!p1 $0x0  }
0x14: {  	s2 =	sld [smem:$0x3F96];
	s0 =	simm.s32 @p1 $0x1  }
0x15: {  	[smem:$0x3FB3] =	sst s0;
	s0 =	simm.s32 @!p2 $0x0  }
0x16: {  	s3 =	sld [smem:$0x3FDB];
	s0 =	simm.s32 @p2 $0x1  }
0x17: {  	s4 =	simm.s32 $0x1BF5;
	[smem:$0x3FB5] =	sst s0  }
0x18: {  	s0 =	sld [smem:$0x3F98];
	_ =	swait.ge [sflag:s4], $0x0  }
0x19: {  	s7 =	sld [smem:$0x3F99]  }
0x1a: {  	s8 =	sadd.s32 $0xFFFFE003, lr  }
0x1b: {  	s9 =	sadd.s32 $0xFFFFFEF7, lr;
	s5 =	simm.s32 $0xFFFFFFFF;
	p2 =	slt.u32 s8, $0xFFFFF086  }
0x1c: {  	p1 =	slt.u32 s9, $0xF7A;
	s5 =	simm.s32 @!p2 $0x0  }
0x1d: {  	s5 =	simm.s32 @p1 $0x1;
	p0 =	seq.s32 s7, s2  }
0x1e: {  	s7 =	smul.u32 @!p0 $0xF7A, s2;
	p2 =	seq.s32 @!p0 s5, $0x0  }
0x1f: {  	s9 =	smul.u32 $0xF7A, s1;
	s8 =	simm.s32 @!p0 $0x1BF5;
	p2 =	por !p2, p0  }
0x20: {  	[sflag:s8] =	ssyncset.s32 @!p0 $0xFFFFF086;
	s6 =	sadd.s32 @!p0 s3, s7;
	s7 =	simm.s32 @!p0 $0x108  }
0x21: {  	s3 =	sadd.s32 s3, s9;
	s6 =	sadd.s32 @!p0 $0x88, s6;
	s7 =	simm.s32 @p2 $0x1082  }
0x22: {  	[simem:s7], [sflag:s8] =	dma.local @!p0 [hbm:s6], $0xF7A  }
0x23: {  	s9 =	sor.u32 $0xD0000000, s2;
	s6 =	simm.s32 $0x108;
	_ =	swait.ge @!p0 [sflag:s8], $0x0  }
0x24: {  	s3 =	sadd.s32 $0x88, s3;
	s6 =	simm.s32 @!p1 $0x1082;
	[sflag:s4] =	ssyncset.s32 $0xFFFFF086  }
0x25: {  	[simem:s6], [sflag:s4] =	dma.local [hbm:s3], $0xF7A  }
0x26: {  	[smem:$0x3F99] =	sst s1;
	(tag) =	ssettag s2;
	_ =	strace s9  }
0x27: {  	s1 =	sld [smem:$0x3FA9]  }
0x28: {  	s2 =	sld [smem:$0x3FAA]  }
0x29: {  	s4 =	sld [smem:$0x3FAC]  }
0x2a: {  	p0 =	seq.s32 s5, $0x0;
	s5 =	sld [smem:$0x3FAD]  }
0x2b: {  	s6 =	sld [smem:$0x3FAE]  }
0x2c: {  	s7 =	sld [smem:$0x3FAF]  }
0x2d: {  	s3 =	simm.s32 $0x108;
	s8 =	sld [smem:$0x3FB0]  }
0x2e: {  	s3 =	simm.s32 @!p0 $0x1082;
	s9 =	sld [smem:$0x3FB1]  }
0x2f: {  	lr =	sadd.s32 s0, s3;
	s0 =	sld [smem:$0x3FA8]  }
0x30: {  	s3 =	sld [smem:$0x3FAB]  }
0x31: {  	[smem:$0x3FB4] =	sst s10  }
0x32: {  	s10 =	sld [smem:$0x3FB2];
	_ =	sdelay $0x3  }
0x33: {  	p0 =	seq.s32 s10, $0x1;
	s10 =	sld [smem:$0x3FB4];
	_ =	sdelay $0x3  }
0x34: {  	[smem:$0x3FB4] =	sst s10  }
0x35: {  	s10 =	sld [smem:$0x3FB3];
	_ =	sdelay $0x3  }
0x36: {  	p1 =	seq.s32 s10, $0x1;
	s10 =	sld [smem:$0x3FB4];
	_ =	sdelay $0x3  }
0x37: {  	[smem:$0x3FB4] =	sst s10  }
0x38: {  	s10 =	sld [smem:$0x3FB5]  }
0x39: {  	_ = 	snop;
	(pc) =	sbr.ind lr, $3  }
0x3a: {  	_ = 	snop  }
0x3b: {  	_ = 	snop  }
0x3c: {  	p2 =	seq.s32 s10, $0x1;
	s10 =	sld [smem:$0x3FB4]  }
0x3d: {  	_ =	shalt  }
0x3e: {  	_ =	shalt  }
0x3f: {  	_ =	shalt  }
0x40: {  	_ =	shalt  }
0x41: {  	_ =	shalt  }
0x42: {  	_ =	shalt  }
0x43: {  	_ =	shalt  }
0x44: {  	_ =	shalt  }
0x45: {  	_ =	shalt  }
0x46: {  	_ =	shalt  }
0x47: {  	_ =	shalt  }
0x48: {  	_ =	shalt  }
0x49: {  	_ =	shalt  }
0x4a: {  	_ =	shalt  }
0x4b: {  	_ =	shalt  }
0x4c: {  	_ =	shalt  }
0x4d: {  	_ =	shalt  }
0x4e: {  	_ =	shalt  }
0x4f: {  	_ =	shalt  }
0x50: {  	_ =	shalt  }
0x51: {  	_ =	shalt  }
0x52: {  	_ =	shalt  }
0x53: {  	_ =	shalt  }
0x54: {  	_ =	shalt  }
0x55: {  	_ =	shalt  }
0x56: {  	_ =	shalt  }
0x57: {  	_ =	shalt  }
0x58: {  	_ =	shalt  }
0x59: {  	_ =	shalt  }
0x5a: {  	_ =	shalt  }
0x5b: {  	_ =	shalt  }
0x5c: {  	_ =	shalt  }
0x5d: {  	_ =	shalt  }
0x5e: {  	_ =	shalt  }
0x5f: {  	_ =	shalt  }
0x60: {  	_ =	shalt  }
0x61: {  	_ =	shalt  }
0x62: {  	_ =	shalt  }
0x63: {  	_ =	shalt  }
0x64: {  	_ =	shalt  }
0x65: {  	_ =	shalt  }
0x66: {  	_ =	shalt  }
0x67: {  	_ =	shalt  }
0x68: {  	_ =	shalt  }
0x69: {  	_ =	shalt  }
0x6a: {  	_ =	shalt  }
0x6b: {  	_ =	shalt  }
0x6c: {  	_ =	shalt  }
0x6d: {  	_ =	shalt  }
0x6e: {  	_ =	shalt  }
0x6f: {  	_ =	shalt  }
0x70: {  	_ =	shalt  }
0x71: {  	_ =	shalt  }
0x72: {  	_ =	shalt  }
0x73: {  	_ =	shalt  }
0x74: {  	_ =	shalt  }
0x75: {  	_ =	shalt  }
0x76: {  	_ =	shalt  }
0x77: {  	_ =	shalt  }
0x78: {  	_ =	shalt  }
0x79: {  	_ =	shalt  }
0x7a: {  	_ =	shalt  }
0x7b: {  	_ =	shalt  }
0x7c: {  	_ =	shalt  }
0x7d: {  	_ =	shalt  }
0x7e: {  	_ =	shalt  }
0x7f: {  	_ =	shalt  }
0x80: {  	_ =	shalt  }
0x81: {  	_ =	shalt  }
0x82: {  	_ =	shalt  }
0x83: {  	_ =	shalt  }
0x84: {  	_ =	shalt  }
0x85: {  	_ =	shalt  }
0x86: {  	_ =	shalt  }
0x87: {  	_ =	shalt  }
.Lfunc_end0:
.L_simem_size_0:
called_computation.3_lowered:
.L_overlay_start_0:
0x88: {  	s2 =	sld [smem:$0x3FD9]  }
0x89: {  	s3 =	sld [smem:$0x3FFE];
	_ =	sdelay $0x1  }
0x8a: {  	s1 =	srdreg.scid  }
0x8b: {  	s0 =	sand.u32 $0x1, s1  }
0x8c: {  	s17 =	sshll.u32 s0, $0xA;
	s2 =	sadd.s32 s3, s2  }
0x8d: {  	s2 =	sadd.s32 s2, s17  }
0x8e: {  	[smem:$0x3FC0] =	sst s2  }
0x8f: {  	_ = 	snop  }
0x90: {  	s2 =	sld [smem:$0x3FD0];
	(tm) =	ssettm $0x1  }
0x91: {  	s18 =	sld [smem:$0x3FFB];
	_ =	sdelay $0x3  }
0x92: {  	_ =	strace s18  }
0x93: {  	s3 =	sld [smem:$0x3FFC];
	_ =	sdelay $0x3  }
0x94: {  	_ =	strace s3  }
0x95: {  	s3 =	sld [smem:$0x3FFD];
	_ =	sdelay $0x3  }
0x96: {  	_ =	strace s3  }
0x97: {  	_ =	strace $0x8FFFFFFF  }
0x98: {  	s19 =	sld [smem:$0x3FDB];
	_ =	sdelay $0x1  }
0x99: {  	s4 =	simm.s32 $_scs_section_size  }
0x9a: {  	s5 =	simm.s32 $_size__tile_overlayer_lowered;
	s6 =	simm.s32 $_tile_overlayer_lowered  }
0x9b: {  	s22 =	simm.s32 $0x1BFF;
	s21 =	sshll.u32 s6, $0x1;
	s3 =	sadd.s32 s4, s19  }
0x9c: {  	s7 =	simm.s32 $0x0;
	s20 =	sshll.u32 s5, $0x1;
	s5 =	sadd.s32 s21, s3  }
0x9d: {  	[timem:s7], [sflag:s22] =	dma.local [hbm:s5], s20  }
0x9e: {  	_ =	swait.ge [sflag:s22], s20  }
0x9f: {  	s4 =	ssub.s32 $0x0, s20;
	[sflag:s22] =	ssyncset.done $0x0  }
0xa0: {  	[sflag:s22] =	ssyncadd.s32 s4;
	_ =	sdelay $0x1  }
0xa1: {  	s23 =	simm.s32 $0x1B8B  }
0xa2: {  	_ =	swait.ge [sflag:s23], $0x1  }
0xa3: {  	[sflag:s23] =	ssyncset.done $0x0  }
0xa4: {  	s25 =	simm.s32 $0x1B8E;
	s24 =	sld [smem:$0x3FFE];
	[sflag:s23] =	ssyncadd.s32 $0xFFFFFFFF  }
0xa5: {  	s26 =	simm.s32 $execute0_lowered;
	[smem:$0x3FD2] =	sst s25  }
0xa6: {  	s5 =	sshll.u32 s26, $0x1;
	_ =	strace $0x8000004F;
	[dreg:$0x1] =	wrdreg $0xFFFFFFFF  }
0xa7: {  	s28 =	simm.s32 $_size_execute0_lowered;
	s3 =	sadd.s32 s3, s5;
	[dreg:$0x0] =	wrdreg $0x0  }
0xa8: {  	s5 =	sshll.u32 s28, $0x1;
	[dreg:$0x2] =	wrdreg s3  }
0xa9: {  	[dreg:$0x3] =	wrdreg s5  }
0xaa: {  	[dreg:$0x4] =	wrdreg $0xC0  }
0xab: {  	_ =	task [dreg:s7], $0x5FFFF  }
0xac: {  	[dreg:$0x1] =	wrdreg $0xFFFFFFFF  }
0xad: {  	[dreg:$0x0] =	wrdreg $0x60  }
0xae: {  	[dreg:$0x2] =	wrdreg s24  }
0xaf: {  	[dreg:$0x3] =	wrdreg s2  }
0xb0: {  	[dreg:$0x4] =	wrdreg $0x94000  }
0xb1: {  	[dreg:$0x5] =	wrdreg $0x9  }
0xb2: {  	_ =	task.clear_ibuf [dreg:s7], $0x6FFFF;
	_ =	strace $0x9000004F  }
0xb3: {  	s29 =	simm.s32 $0x9;
	_ =	strace $0x80000051  }
0xb4: {  	_ =	swait.ge [sflag:s29], $0x1  }
0xb5: {  	[sflag:s29] =	ssyncadd.s32 $0xFFFFFFFF  }
0xb6: {  	_ =	strace $0x90000051  }
0xb7: {  	_ =	sfence  }
0xb8: {  	s30 =	sld [smem:$0x0];
	_ =	sdelay $0x2  }
0xb9: {  	s31 =	sshll.u32 s1, $0xD;
	s1 =	sshrl.u32 s1, $0x2  }
0xba: {  	s3 =	sand.u32 $0x4000, s31;
	s1 =	sadd.s32 s1, s30  }
0xbb: {  	s0 =	sor.u32 s3, s0;
	s1 =	sshll.u32 s1, $0x11  }
0xbc: {  	s0 =	sor.u32 s1, s0  }
0xbd: {  	s0 =	sadd.s32 $0x8F2B, s0  }
0xbe: {  	[sflag:s0] =	ssyncadd.remote.s32 $0x1  }
0xbf: {  	_ =	sfence.sel $0xFFFF  }
0xc0: {  	[dreg:$0x0] =	wrdreg $0xFFFFFFFF;
	(pc) =	sbr.abs _section_cstart, $3  }
0xc1: {  	[dreg:$0x1] =	wrdreg $0xFFFFFFFF  }
0xc2: {  	_ =	task.clear_ibuf [dreg:s7], $0x2FFFF;
	_ =	strace $0x9FFFFFFF  }
0xc3: {  	(tm) =	ssettm $0x7FFFFFFF  }
tec
execute0_lowered:
.L_overlay_start_1:
0x0: {  	(tag) =	ssettag $0x1  }
0x1: {  	s0 =	srdreg.scid;
	s1 =	rddreg [dreg:$0x0]  }
0x2: {  	s7 =	rddreg [dreg:$0x1];
	s5 =	stileid.u32  }
0x3: {  	s2 =	rddreg [dreg:$0x2];
	s14 =	simm.s32 $0x1400;
	s15 =	simm.s32 $0x6  }
0x4: {  	s17 =	simm.s32 $0x7D;
	s20 =	simm.s32 $0x5400;
	s21 =	simm.s32 $0x1  }
0x5: {  	s22 =	simm.s32 $0x3;
	s23 =	simm.s32 $0x2;
	s25 =	simm.s32 $0x4  }
0x6: {  	s26 =	simm.s32 $0x0;
	s0 =	sand.u32 $0x1, s0;
	s9 =	smul.u32 $0x50000, s5  }
0x7: {  	s11 =	sadd.s32 $0x16C00, s1;
	s16 =	smul.u32 $0x2800, s5;
	s3 =	sshll.u32 s0, $0x4  }
0x8: {  	s6 =	smul.u32 $0x28000, s0;
	s0 =	ssub.s32 $0x2, s0;
	s4 =	sor.u32 s5, s3  }
0x9: {  	s3 =	simm.s32 $0x0;
	s31 =	sshrl.u32 s0, $0x1;
	s9 =	sshrl.u32 s9, $0x2  }
0xa: {  	s8 =	smul.u32 $0x500, s4;
	[smem:$0x7FF] =	sst s3;
	s4 =	sadd.s32 $0x71C00, s1  }
0xb: {  	s0 =	ssub.s32 s0, s31;
	_ =	strace $0x80000050;
	[dreg:$0x4] =	wrdreg s11  }
0xc: {  	s0 =	smax.u32 s0, $0x1;
	s10 =	sadd.s32 s8, s1;
	s1 =	sadd.s32 s6, s1  }
0xd: {  	s6 =	sadd.s32 s9, s2;
	s7 =	sadd.s32 s7, s8;
	[dreg:$0x5] =	wrdreg s0  }
0xe: {  	s8 =	sadd.s32 $0x67C00, s10;
	s1 =	sadd.s32 $0x98E00, s1;
	s10 =	sadd.s32 $0x4000, s6  }
0xf: {  	s11 =	sadd.s32 $0x8000, s6;
	s12 =	sadd.s32 $0xC000, s6;
	s13 =	sadd.s32 $0x10000, s6  }
0x10: {  	s19 =	sadd.s32 $0x80, s7;
	s18 =	sadd.s32 $0x80, s8;
	s24 =	sadd.s32 s16, s1  }
.LBB2_1:
0x11: {  	s0 =	rddreg [dreg:$0x4]  }
0x12: {  	[tilespmem:s14], [sflag:$0x6] =	stream.linear.gather [hbm4b:s0+s3], $0x4000, $0x38;
	[tilespmem:$0x1D400] =	vst v63  }
0x13: {  	_ =	swait.ge [sflag:s15], $0x4000  }
0x14: {  	[sflag:s15] =	ssyncset.done $0x0  }
0x15: {  	[sflag:s15] =	ssyncadd.s32 $0xFFFFC000  }
0x16: {  	[spmem:s6] =	stream.linear.scatter [tilespmem:s14], [sflag:$0x6], $0x4000, $0x38;
	[tilespmem:$0x1D400] =	vst v63  }
0x17: {  	_ =	swait.ge [sflag:s15], $0x4000  }
0x18: {  	[sflag:s15] =	ssyncset.done $0x0  }
0x19: {  	[sflag:s15] =	ssyncadd.s32 $0xFFFFC000  }
0x1a: {  	[spmem:s10] =	stream.linear.scatter [tilespmem:s14], [sflag:$0x6], $0x4000, $0x38;
	[tilespmem:$0x1D400] =	vst v63  }
0x1b: {  	_ =	swait.ge [sflag:s15], $0x4000  }
0x1c: {  	[sflag:s15] =	ssyncset.done $0x0  }
0x1d: {  	[sflag:s15] =	ssyncadd.s32 $0xFFFFC000  }
0x1e: {  	[spmem:s11] =	stream.linear.scatter [tilespmem:s14], [sflag:$0x6], $0x4000, $0x38;
	[tilespmem:$0x1D400] =	vst v63  }
0x1f: {  	_ =	swait.ge [sflag:s15], $0x4000  }
0x20: {  	[sflag:s15] =	ssyncset.done $0x0  }
0x21: {  	[sflag:s15] =	ssyncadd.s32 $0xFFFFC000  }
0x22: {  	[spmem:s12] =	stream.linear.scatter [tilespmem:s14], [sflag:$0x6], $0x4000, $0x38;
	[tilespmem:$0x1D400] =	vst v63  }
0x23: {  	_ =	swait.ge [sflag:s15], $0x4000  }
0x24: {  	[sflag:s15] =	ssyncset.done $0x0  }
0x25: {  	[sflag:s15] =	ssyncadd.s32 $0xFFFFC000  }
0x26: {  	[spmem:s13] =	stream.linear.scatter [tilespmem:s14], [sflag:$0x6], $0x4000, $0x38;
	[tilespmem:$0x1D400] =	vst v63  }
0x27: {  	_ =	swait.ge [sflag:s15], $0x4000  }
0x28: {  	[sflag:s15] =	ssyncset.done $0x0  }
0x29: {  	[sflag:s15] =	ssyncadd.s32 $0xFFFFC000  }
0x2a: {  	[bflag:$0x0] =	sbarrier.arrive $0xFFFF  }
0x2b: {  	[tilespmem:s3], [sflag:$0x6] =	stream.linear.gather [hbm4b:s7+s3], $0x400, $0x38;
	[tilespmem:$0x1D400] =	vst v63  }
0x2c: {  	_ =	swait.ge [sflag:s15], $0x400  }
0x2d: {  	[sflag:s15] =	ssyncset.done $0x0  }
0x2e: {  	s16 =	simm.s32 $0x800;
	[sflag:s15] =	ssyncadd.s32 $0xFFFFFC00  }
0x2f: {  	[tilespmem:s16], [sflag:$0x6] =	stream.linear.gather [hbm4b:s8+s3], $0x400, $0x38;
	[tilespmem:$0x1D400] =	vst v63  }
0x30: {  	_ =	swait.ge [sflag:s15], $0x400  }
0x31: {  	s28 =	simm.s32 $0x1000;
	s29 =	smov.u32 s19;
	[sflag:s15] =	ssyncset.done $0x0  }
0x32: {  	s30 =	smov.u32 s18;
	s31 =	simm.s32 $0x1;
	[sflag:s15] =	ssyncadd.s32 $0xFFFFFC00  }
0x33: {  	[tilespmem:s14], [sflag:$0x1] =	stream.indirect.gather [hbm4b:s4+s17], $0x80, s3, s17, $0xb8;
	[tilespmem:$0x1D400] =	vst v63  }
.LBB2_2:
0x34: {  	p0 =	seq.s32 s28, $0xA000  }
0x35: {  	s0 =	smul.u32 @!p0 $0xAB, s31;
	_ =	sdelay $0x1  }
0x36: {  	s0 =	sshrl.u32 @!p0 s0, $0x9  }
0x37: {  	s1 =	sand.u32 @!p0 $0x1000, s28;
	s0 =	sand.u32 @!p0 $0x7F, s0  }
0x38: {  	s16 =	simm.s32 @!p0 $0x0;
	s1 =	sshrl.u32 @!p0 s1, $0x2;
	s0 =	smul.u32 @!p0 $0x3, s0  }
0x39: {  	[tilespmem:s1], [sflag:$0x5] =	stream.linear.gather @!p0 [hbm4b:s29+s16], $0x400, $0x38;
	[tilespmem:$0x1D400] =	vst v63  }
0x3a: {  	s0 =	ssub.s32 @!p0 s31, s0  }
0x3b: {  	s0 =	sand.u32 @!p0 $0xFF, s0  }
0x3c: {  	s0 =	sshll.u32 @!p0 s0, $0xA  }
0x3d: {  	s0 =	sadd.s32 @!p0 $0x800, s0  }
0x3e: {  	[tilespmem:s0], [sflag:$0x5] =	stream.linear.gather @!p0 [hbm4b:s30+s16], $0x400, $0x38;
	[tilespmem:$0x1D400] =	vst v63  }
0x3f: {  	s0 =	sadd.s32 $0xFFFFFFFF, s31  }
0x40: {  	s5 =	smul.u32 $0xAB, s0;
	_ =	sdelay $0x1  }
0x41: {  	p1 =	seq.s32 @!p0 s28, $0x1000;
	s16 =	sshrl.u32 s5, $0x9  }
0x42: {  	p1 =	por p0, !p1;
	s5 =	sadd.s32 $0xFFFFF000, s28;
	s16 =	sand.u32 $0x7F, s16  }
0x43: {  	_ =	swait.ge @p1 [sflag:s25], $0x3E80;
	s5 =	sand.u32 $0x1000, s5;
	s9 =	smul.u32 $0x3, s16  }
0x44: {  	[sflag:s25] =	ssyncset.done @p1 $0x0;
	s16 =	sshrl.u32 s5, $0x2  }
0x45: {  	[sflag:s25] =	ssyncadd.s32 @p1 $0xFFFFC180;
	s5 =	sor.u32 $0x80, s16;
	s0 =	ssub.s32 s0, s9  }
0x46: {  	[tilespmem:s20], [sflag:$0x2] =	stream.indirect.gather [hbm4b:s4+s17], $0x80, s5, s17, $0xb8;
	[tilespmem:$0x1D400] =	vst v63  }
0x47: {  	s0 =	sand.u32 $0xFF, s0;
	_ =	swait.ge [sflag:s21], $0x3E80  }
0x48: {  	[sflag:s21] =	ssyncset.done $0x0;
	s0 =	sshll.u32 s0, $0xA  }
0x49: {  	[sflag:s21] =	ssyncadd.s32 $0xFFFFC180;
	s9 =	sadd.s32 $0x800, s0  }
0x4a: {  	[spmem:s2] =	stream.indirect.scatter.add.f32 [tilespmem:s14], [sflag:$0x3], $0x80, s9, s17, $0xb8;
	[tilespmem:$0x1D400] =	vst v63  }
0x4b: {  	_ =	swait.ge [sflag:s22], $0x3E80  }
0x4c: {  	[sflag:s22] =	ssyncset.done $0x0  }
0x4d: {  	s9 =	sor.u32 $0x100, s16;
	[sflag:s22] =	ssyncadd.s32 $0xFFFFC180  }
0x4e: {  	[tilespmem:s14], [sflag:$0x1] =	stream.indirect.gather [hbm4b:s4+s17], $0x80, s9, s17, $0xb8;
	[tilespmem:$0x1D400] =	vst v63  }
0x4f: {  	_ =	swait.ge [sflag:s23], $0x3E80  }
0x50: {  	[sflag:s23] =	ssyncset.done $0x0  }
0x51: {  	s9 =	sadd.s32 $0x880, s0;
	[sflag:s23] =	ssyncadd.s32 $0xFFFFC180  }
0x52: {  	[spmem:s2] =	stream.indirect.scatter.add.f32 [tilespmem:s20], [sflag:$0x4], $0x80, s9, s17, $0xb8;
	[tilespmem:$0x1D400] =	vst v63  }
0x53: {  	_ =	swait.ge [sflag:s25], $0x3E80  }
0x54: {  	[sflag:s25] =	ssyncset.done $0x0  }
0x55: {  	s9 =	sor.u32 $0x180, s16;
	[sflag:s25] =	ssyncadd.s32 $0xFFFFC180  }
0x56: {  	[tilespmem:s20], [sflag:$0x2] =	stream.indirect.gather [hbm4b:s4+s17], $0x80, s9, s17, $0xb8;
	[tilespmem:$0x1D400] =	vst v63  }
0x57: {  	_ =	swait.ge [sflag:s21], $0x3E80  }
0x58: {  	[sflag:s21] =	ssyncset.done $0x0  }
0x59: {  	s9 =	sadd.s32 $0x900, s0;
	[sflag:s21] =	ssyncadd.s32 $0xFFFFC180  }
0x5a: {  	[spmem:s2] =	stream.indirect.scatter.add.f32 [tilespmem:s14], [sflag:$0x3], $0x80, s9, s17, $0xb8;
	[tilespmem:$0x1D400] =	vst v63  }
0x5b: {  	_ =	swait.ge [sflag:s22], $0x3E80  }
0x5c: {  	[sflag:s22] =	ssyncset.done $0x0  }
0x5d: {  	s9 =	sor.u32 $0x200, s16;
	[sflag:s22] =	ssyncadd.s32 $0xFFFFC180  }
0x5e: {  	[tilespmem:s14], [sflag:$0x1] =	stream.indirect.gather [hbm4b:s4+s17], $0x80, s9, s17, $0xb8;
	[tilespmem:$0x1D400] =	vst v63  }
0x5f: {  	_ =	swait.ge [sflag:s23], $0x3E80  }
0x60: {  	[sflag:s23] =	ssyncset.done $0x0  }
0x61: {  	s9 =	sadd.s32 $0x980, s0;
	[sflag:s23] =	ssyncadd.s32 $0xFFFFC180  }
0x62: {  	[spmem:s2] =	stream.indirect.scatter.add.f32 [tilespmem:s20], [sflag:$0x4], $0x80, s9, s17, $0xb8;
	[tilespmem:$0x1D400] =	vst v63  }
0x63: {  	_ =	swait.ge [sflag:s25], $0x3E80  }
0x64: {  	[sflag:s25] =	ssyncset.done $0x0  }
0x65: {  	s9 =	sor.u32 $0x280, s16;
	[sflag:s25] =	ssyncadd.s32 $0xFFFFC180  }
0x66: {  	[tilespmem:s20], [sflag:$0x2] =	stream.indirect.gather [hbm4b:s4+s17], $0x80, s9, s17, $0xb8;
	[tilespmem:$0x1D400] =	vst v63  }
0x67: {  	_ =	swait.ge [sflag:s21], $0x3E80  }
0x68: {  	[sflag:s21] =	ssyncset.done $0x0  }
0x69: {  	s9 =	sadd.s32 $0xA00, s0;
	[sflag:s21] =	ssyncadd.s32 $0xFFFFC180  }
0x6a: {  	[spmem:s2] =	stream.indirect.scatter.add.f32 [tilespmem:s14], [sflag:$0x3], $0x80, s9, s17, $0xb8;
	[tilespmem:$0x1D400] =	vst v63  }
0x6b: {  	_ =	swait.ge [sflag:s22], $0x3E80  }
0x6c: {  	[sflag:s22] =	ssyncset.done $0x0  }
0x6d: {  	s9 =	sor.u32 $0x300, s16;
	[sflag:s22] =	ssyncadd.s32 $0xFFFFC180  }
0x6e: {  	[tilespmem:s14], [sflag:$0x1] =	stream.indirect.gather [hbm4b:s4+s17], $0x80, s9, s17, $0xb8;
	[tilespmem:$0x1D400] =	vst v63  }
0x6f: {  	_ =	swait.ge [sflag:s23], $0x3E80  }
0x70: {  	[sflag:s23] =	ssyncset.done $0x0  }
0x71: {  	s9 =	sadd.s32 $0xA80, s0;
	[sflag:s23] =	ssyncadd.s32 $0xFFFFC180  }
0x72: {  	[spmem:s2] =	stream.indirect.scatter.add.f32 [tilespmem:s20], [sflag:$0x4], $0x80, s9, s17, $0xb8;
	[tilespmem:$0x1D400] =	vst v63  }
0x73: {  	_ =	swait.ge [sflag:s25], $0x3E80  }
0x74: {  	[sflag:s25] =	ssyncset.done $0x0  }
0x75: {  	s9 =	sor.u32 $0x380, s16;
	[sflag:s25] =	ssyncadd.s32 $0xFFFFC180  }
0x76: {  	[tilespmem:s20], [sflag:$0x2] =	stream.indirect.gather [hbm4b:s4+s17], $0x80, s9, s17, $0xb8;
	[tilespmem:$0x1D400] =	vst v63  }
0x77: {  	_ =	swait.ge [sflag:s21], $0x3E80  }
0x78: {  	[sflag:s21] =	ssyncset.done $0x0  }
0x79: {  	s16 =	sadd.s32 $0xB00, s0;
	[sflag:s21] =	ssyncadd.s32 $0xFFFFC180  }
0x7a: {  	[spmem:s2] =	stream.indirect.scatter.add.f32 [tilespmem:s14], [sflag:$0x3], $0x80, s16, s17, $0xb8;
	[tilespmem:$0x1D400] =	vst v63  }
0x7b: {  	_ =	swait.ge [sflag:s23], $0x3E80  }
0x7c: {  	[sflag:s23] =	ssyncset.done $0x0  }
0x7d: {  	s0 =	sadd.s32 $0xB80, s0;
	[sflag:s23] =	ssyncadd.s32 $0xFFFFC180  }
0x7e: {  	[spmem:s2] =	stream.indirect.scatter.add.f32 [tilespmem:s20], [sflag:$0x4], $0x80, s0, s17, $0xb8;
	[tilespmem:$0x1D400] =	vst v63  }
0x7f: {  	s0 =	simm.s32 @!p0 $0x5  }
0x80: {  	_ =	swait.ge @!p0 [sflag:s0], $0x400  }
0x81: {  	[sflag:s0] =	ssyncset.done @!p0 $0x0  }
0x82: {  	s28 =	sadd.s32 @!p0 $0x1000, s28;
	[sflag:s0] =	ssyncadd.s32 @!p0 $0xFFFFFC00  }
0x83: {  	p1 =	sne.s32 @!p0 s28, $0xB000;
	_ =	swait.ge @!p0 [sflag:s0], $0x400  }
0x84: {  	p1 =	por p0, !p1;
	[sflag:s0] =	ssyncset.done @!p0 $0x0  }
.Ltmp0:
0x85: {  	[sflag:s0] =	ssyncadd.s32 @!p0 $0xFFFFFC00;
	s0 =	simm.s32 @!p0 $0x3;
	(pc) =	sbr.rel @!p1 .LBB2_2-.Ltmp0, $4  }
0x86: {  	s29 =	sadd.s32 @!p0 $0x80, s29;
	_ =	swait.ge @!p0 [sflag:s0], $0x3E80  }
0x87: {  	s31 =	sadd.s32 @!p0 $0x1, s31;
	s30 =	sadd.s32 @!p0 $0x80, s30;
	[sflag:s0] =	ssyncset.done @!p0 $0x0  }
0x88: {  	s5 =	simm.s32 @!p0 $0x1400;
	[sflag:s0] =	ssyncadd.s32 @!p0 $0xFFFFC180;
	s0 =	simm.s32 @!p0 $0x7D  }
0x89: {  	[tilespmem:s5], [sflag:$0x1] =	stream.indirect.gather @!p0 [hbm4b:s4+s0], $0x80, s1, s0, $0xb8;
	[tilespmem:$0x1D400] =	vst v63  }
0x8a: {  	_ =	swait.ge [sflag:s22], $0x3E80  }
0x8b: {  	[sflag:s22] =	ssyncset.done $0x0  }
0x8c: {  	[sflag:s22] =	ssyncadd.s32 $0xFFFFC180  }
0x8d: {  	_ =	swait.ge [sflag:s25], $0x3E80  }
0x8e: {  	s0 =	stileid.u32;
	[sflag:s25] =	ssyncset.done $0x0  }
0x8f: {  	s0 =	sshll.u32 s0, $0x6;
	[sflag:s25] =	ssyncadd.s32 $0xFFFFC180  }
0x90: {  	s1 =	sshrl.u32 s6, $0x3;
	s0 =	sor.u32 $0x1C06, s0;
	[bflag:$0x0] =	sbarrier.arrive $0xFFFF  }
0x91: {  	[hbm:s24], [sflag:s0] =	dma.local [spmem:s1], $0x2800  }
0x92: {  	_ =	swait.ge [sflag:s15], $0x2800  }
0x93: {  	s26 =	sadd.s32 $0x1, s26;
	s31 =	rddreg [dreg:$0x5]  }
0x94: {  	p0 =	sne.s32 s26, s31  }
.Ltmp1:
0x95: {  	_ = 	snop;
	(pc) =	sbr.rel @p0 .LBB2_1-.Ltmp1, $3  }
0x96: {  	_ =	sdelay $0x1  }
0x97: {  	[sflag:s15] =	ssyncset.done $0x0  }
0x98: {  	[sflag:s15] =	ssyncadd.s32 $0xFFFFD800  }
0x99: {  	_ =	sfence.sel $0x180000  }
0x9a: {  	[bflag:$0x0] =	sbarrier.arrive $0xFFFF  }
0x9b: {  	_ =	strace $0x90000050  }
0x9c: {  	s0 =	stileid.u32;
	[bflag:$0x2] =	sbarrier.arrive $0xFFFF  }
0x9d: {  	p0 =	sne.s32 s0, $0x0;
	s0 =	rddreg [dreg:$0x3]  }
0x9e: {  	s0 =	sadd.s32 @!p0 $0x100000, s0  }
0x9f: {  	[sflag:s0] =	ssyncadd.tile.s32 @!p0 $0x1;
	_ =	shalt  }
.Lfunc_end2:
_tile_overlayer_lowered:
.L_overlay_start_2:
0xa0: {  	(tag) =	ssettag $0x2  }
0xa1: {  	s0 =	rddreg [dreg:$0x0];
	s2 =	stileid.u32  }
0xa2: {  	s1 =	rddreg [dreg:$0x1];
	p0 =	sne.s32 s2, $0x0  }
0xa3: {  	s3 =	rddreg [dreg:$0x2];
	[bflag:$0x3] =	sbarrier.arrive $0xFFFF;
	s2 =	simm.s32 @!p0 $0x1C06  }
0xa4: {  	[timem:s3], [sflag:s2] =	dma.local @!p0 [hbm:s0], s1  }
0xa5: {  	s0 =	simm.s32 @!p0 $0x6  }
0xa6: {  	_ =	swait.ge @!p0 [sflag:s0], s1  }
0xa7: {  	s1 =	ssub.s32 @!p0 $0x0, s1;
	[sflag:s0] =	ssyncset.done @!p0 $0x0  }
0xa8: {  	[sflag:s0] =	ssyncadd.s32 @!p0 s1  }
0xa9: {  	[bflag:$0x3] =	sbarrier.arrive $0xFFFF  }
0xaa: {  	_ =	shalt  }

</sc_bundles>
